<compile_context>
chip_gen: v7x
topology: tpu7x:2x2x1
jax: 0.10.2.dev20260603
libtpu: 0.0.44.dev20260713+nightly
codegen_flags: <defaults>
</compile_context>

<pallas_src>
import functools

import jax
import jax.numpy as jnp
from jax import lax
from jax.experimental import pallas as pl
from jax.experimental.pallas import tpu as pltpu
from jax.experimental.pallas import tpu_sc as plsc

_N = 8192
_D = 256
_E = 8192
_DEPTH = 4
_T = 512
_C = 2048
_H = 4096
_CHUNK = 128
_BIG = 2**30


def _csq_body(cb_ref, csq_ref):
    ones = jnp.ones((8, _D), jnp.float32)
    csq_ref[...] = lax.dot_general(ones, cb_ref[...] * cb_ref[...],
                                   (((1,), (1,)), ((), ())),
                                   preferred_element_type=jnp.float32,
                                   precision=lax.Precision.HIGHEST)


def _csq_row(cb):
    return pl.pallas_call(
        _csq_body,
        grid=(_E // _C,),
        in_specs=[pl.BlockSpec((_C, _D), lambda j: (j, 0))],
        out_specs=pl.BlockSpec((8, _C), lambda j: (0, j)),
        out_shape=jax.ShapeDtypeStruct((8, _E), jnp.float32),
        compiler_params=pltpu.CompilerParams(
            dimension_semantics=("arbitrary",)),
    )(cb)


def _dist_argmin_body(r_ref, cb_ref, csq_ref, idx_ref,
                      rsq_ref, bva_ref, bia_ref, *, exact_merge):
    j = pl.program_id(1)
    r = r_ref[...]

    @pl.when(j == 0)
    def _():
        rsq_ref[...] = jnp.sum(r * r, axis=1, keepdims=True)

    prod = lax.dot_general(r.astype(jnp.bfloat16),
                           cb_ref[...].astype(jnp.bfloat16),
                           (((1,), (1,)), ((), ())),
                           preferred_element_type=jnp.float32)
    scores = (rsq_ref[...] + csq_ref[0:1, :]) - 2.0 * prod
    lmin = jnp.min(scores, axis=1, keepdims=True)
    cols = lax.broadcasted_iota(jnp.int32, scores.shape, 1) + j * _H
    larg = jnp.min(jnp.where(scores == lmin, cols, _BIG),
                   axis=1, keepdims=True)

    @pl.when(j == 0)
    def _():
        bva_ref[...] = lmin
        bia_ref[...] = larg

    @pl.when(j == 1)
    def _():
        thr = bva_ref[...]
        if not exact_merge:
            thr = thr.astype(jnp.bfloat16).astype(jnp.float32)
        idx_ref[...] = jnp.where(lmin < thr, larg, bia_ref[...])


def _nearest_idx(resid, cb, exact_merge):
    csq = _csq_row(cb)
    return pl.pallas_call(
        functools.partial(_dist_argmin_body, exact_merge=exact_merge),
        grid=(_N // _T, _E // _H),
        in_specs=[
            pl.BlockSpec((_T, _D), lambda i, j: (i, 0)),
            pl.BlockSpec((_H, _D), lambda i, j: (j, 0)),
            pl.BlockSpec((8, _H), lambda i, j: (0, j)),
        ],
        out_specs=pl.BlockSpec((_T, 1), lambda i, j: (i, 0)),
        out_shape=jax.ShapeDtypeStruct((_N, 1), jnp.int32),
        scratch_shapes=[
            pltpu.VMEM((_T, 1), jnp.float32),
            pltpu.VMEM((_T, 1), jnp.float32),
            pltpu.VMEM((_T, 1), jnp.int32),
        ],
        compiler_params=pltpu.CompilerParams(
            dimension_semantics=("arbitrary", "arbitrary")),
    )(resid, cb, csq)


@functools.cache
def _make_sc_update(with_quants: bool):
    info = plsc.get_sparse_core_info()
    nc, ns, nl = info.num_cores, info.num_subcores, info.num_lanes
    nw = nc * ns
    per_w = _N // nw
    n_chunks = per_w // _CHUNK
    mesh = plsc.VectorSubcoreMesh(core_axis_name="c", subcore_axis_name="s")

    out_type = [jax.ShapeDtypeStruct((_N, _D), jnp.float32),
                jax.ShapeDtypeStruct((nw, nl), jnp.float32)]
    scratch = [pltpu.VMEM((_CHUNK,), jnp.int32),
               pltpu.VMEM((_CHUNK, _D), jnp.float32),
               pltpu.VMEM((_CHUNK, _D), jnp.float32)]
    if with_quants:
        scratch.append(pltpu.VMEM((_CHUNK, _D), jnp.float32))
    scratch += [pltpu.VMEM((nl,), jnp.float32),
                pltpu.SemaphoreType.DMA]

    @functools.partial(pl.kernel, mesh=mesh, out_type=out_type,
                       scratch_types=scratch)
    def sc_update(*refs):
        if with_quants:
            (cb_hbm, idx_hbm, r_hbm, x_hbm, out_hbm, loss_hbm,
             idx_v, q_v, r_v, x_v, loss_v, sem) = refs
        else:
            (cb_hbm, idx_hbm, r_hbm, out_hbm, loss_hbm,
             idx_v, q_v, r_v, loss_v, sem) = refs
        wid = lax.axis_index("s") * nc + lax.axis_index("c")
        acc = jnp.zeros((nl,), jnp.float32)
        for k in range(n_chunks):
            base = wid * per_w + k * _CHUNK
            pltpu.sync_copy(idx_hbm.at[pl.ds(base, _CHUNK)], idx_v)
            pltpu.async_copy(cb_hbm.at[idx_v], q_v, sem).wait()
            pltpu.sync_copy(r_hbm.at[pl.ds(base, _CHUNK), :], r_v)
            if with_quants:
                pltpu.sync_copy(x_hbm.at[pl.ds(base, _CHUNK), :], x_v)

            def tok_body(t, a):
                for c in range(_D // nl):
                    sl = pl.ds(c * nl, nl)
                    newv = r_v[t, sl] - q_v[t, sl]
                    a = a + newv * newv
                    if with_quants:
                        r_v[t, sl] = x_v[t, sl] - newv
                    else:
                        r_v[t, sl] = newv
                return a

            acc = lax.fori_loop(0, _CHUNK, tok_body, acc)
            pltpu.sync_copy(r_v, out_hbm.at[pl.ds(base, _CHUNK), :])
        loss_v[...] = acc
        pltpu.sync_copy(loss_v, loss_hbm.at[wid])

    return sc_update


def kernel(x, codebooks):
    b, h, w, d = x.shape
    x_flat = x.reshape(-1, d)
    resid = x_flat
    idxs = []
    loss_parts = []
    sc_mid = _make_sc_update(False)
    sc_last = _make_sc_update(True)
    quants_flat = None
    for lvl in range(_DEPTH):
        cb = codebooks[lvl]
        idx2d = _nearest_idx(resid, cb, exact_merge=(lvl == 0))
        idx = idx2d.reshape(-1)
        idxs.append(idx2d)
        if lvl < _DEPTH - 1:
            resid, lp = sc_mid(cb, idx, resid)
        else:
            quants_flat, lp = sc_last(cb, idx, resid, x_flat)
        loss_parts.append(jnp.sum(lp) / jnp.float32(_N * _D))
    commitment_loss = jnp.mean(jnp.stack(loss_parts))
    quants = quants_flat.reshape(x.shape)
    codes = jnp.concatenate(idxs, axis=1).reshape(b, h, w, _DEPTH)
    return quants, commitment_loss, codes

# --- scband reference (transcript-rebuilt; emitter-appended) ---
"""Pipeline reference for scband-rqbottleneck-27032524161608 (READ-ONLY COPY).

The authoritative reference and input builder live on the scoring server;
editing this copy changes nothing except your own understanding.
"""

import jax, jax.numpy as jnp
import numpy as np

B, H, W, D = 32, 16, 16, 256
DEPTH = 4
N_EMBED = 8192

def setup_inputs(seed: int = 0) -> dict:
    key = jax.random.key(seed)
    k1, k2 = jax.random.split(key)
    x = jax.random.normal(k1, (B, H, W, D), dtype=jnp.float32)
    codebooks = jax.random.normal(k2, (DEPTH, N_EMBED, D), dtype=jnp.float32) * (1.0 / np.sqrt(D))
    return {"x": x, "codebooks": codebooks}

def _nearest(residual, cb):
    # L2 distance: ||r||^2 + ||c||^2 - 2 r.c  (torch.addmm equivalent)
    r_sq = jnp.sum(residual * residual, axis=-1, keepdims=True)
    c_sq = jnp.sum(cb * cb, axis=-1)[None, :]
    dist = r_sq + c_sq - 2.0 * (residual @ cb.T)
    idx = jnp.argmin(dist, axis=-1)
    return idx

def reference(x, codebooks):
    # Residual quantization (eval path: argmin nearest-neighbor, no sinkhorn/EMA)
    b, h, w, d = x.shape
    x_flat = x.reshape(-1, d)
    residual = x_flat
    quant_sum = jnp.zeros_like(x_flat)
    codes = []
    losses = []
    for lvl in range(DEPTH):
        cb = codebooks[lvl]
        idx = _nearest(residual, cb)
        q = jnp.take(cb, idx, axis=0)
        residual = residual - q
        quant_sum = quant_sum + q
        codes.append(idx)
        # commitment loss on partial cumulative quantization (detached target)
        losses.append(jnp.mean((x_flat - jax.lax.stop_gradient(quant_sum)) ** 2))
    commitment_loss = jnp.mean(jnp.stack(losses))
    # straight-through estimator
    quants = x + jax.lax.stop_gradient(quant_sum.reshape(x.shape) - x)
    codes = jnp.stack(codes, axis=-1).reshape(b, h, w, DEPTH)
    return quants, commitment_loss, codes

if __name__ == "__main__":
    import jax
    _d = setup_inputs()
    print(jax.jit(kernel)(*tuple(_d.values())))

</pallas_src>

<mosaic_0001>
#map = affine_map<(d0, d1) -> (0, 0)>
#map1 = affine_map<(d0, d1) -> (0)>
module attributes {stable_mosaic.version = 14 : i64} {
  func.func @sc_update(%arg0: i32, %arg1: i32, %arg2: memref<8192x256xf32, #tpu.memory_space<hbm>>, %arg3: memref<8192xi32, #tpu.memory_space<hbm>>, %arg4: memref<8192x256xf32, #tpu.memory_space<hbm>>, %arg5: memref<8192x256xf32, #tpu.memory_space<hbm>>, %arg6: memref<8192x256xf32, #tpu.memory_space<hbm>>, %arg7: memref<32x16xf32, #tpu.memory_space<hbm>>, %arg8: memref<128xi32, #tpu.memory_space<vmem>>, %arg9: memref<128x256xf32, #tpu.memory_space<vmem>>, %arg10: memref<128x256xf32, #tpu.memory_space<vmem>>, %arg11: memref<128x256xf32, #tpu.memory_space<vmem>>, %arg12: memref<16xf32, #tpu.memory_space<vmem>>, %arg13: memref<!tpu.dma_semaphore, #tpu.memory_space<semaphore_mem>>) attributes {dimension_semantics = [#tpu.dimension_semantics<core_parallel>, #tpu.dimension_semantics<subcore_parallel>], iteration_bounds = array<i64: 2, 16>, scalar_prefetch = 0 : i64, scratch_operands = 6 : i64, tpu.core_type = #tpu.core_type<sc_vector_subcore>, window_params = [{transform_indices = #map}, {transform_indices = #map1}, {transform_indices = #map}, {transform_indices = #map}, {transform_indices = #map}, {transform_indices = #map}]} {
    %mul3A = arith.constant 2 : i32
    %mul3A_0 = arith.muli %arg1, %mul3A : i32
    %add3A = arith.addi %mul3A_0, %arg0 : i32
    %broadcast_in_dim3A = arith.constant 0.000000e+00 : f32
    %broadcast_in_dim3A_1 = vector.broadcast %broadcast_in_dim3A : f32 to vector<16xf32>
    %mul3A_2 = arith.constant 256 : i32
    %mul3A_3 = arith.muli %add3A, %mul3A_2 : i32
    %add3A_4 = arith.constant 0 : i32
    %add3A_5 = arith.addi %mul3A_3, %add3A_4 : i32
    "tpu.region"() ({
      %run_scoped3A = tpu.sem_alloc : memref<!tpu.dma_semaphore, #tpu.memory_space<semaphore_mem>>
      %dma_start3A_34 = tpu.memref_slice %arg3[%add3A_5] : memref<8192xi32, #tpu.memory_space<hbm>> -> memref<128xi32, #tpu.memory_space<hbm>>
      %dma_start3A_35 = tpu.memref_slice %arg3[%add3A_5] : memref<8192xi32, #tpu.memory_space<hbm>> -> memref<128xi32, #tpu.memory_space<hbm>>
      tpu.enqueue_dma source(%dma_start3A_35 : memref<128xi32, #tpu.memory_space<hbm>>) target(%arg8 : memref<128xi32, #tpu.memory_space<vmem>>) target_semaphore(%run_scoped3A : memref<!tpu.dma_semaphore, #tpu.memory_space<semaphore_mem>>)
      %dma_wait3A_36 = tpu.memref_slice %arg3[%add3A_5] : memref<8192xi32, #tpu.memory_space<hbm>> -> memref<128xi32, #tpu.memory_space<hbm>>
      %dma_wait3A_37 = tpu.memref_slice %arg3[%add3A_5] : memref<8192xi32, #tpu.memory_space<hbm>> -> memref<128xi32, #tpu.memory_space<hbm>>
      tpu.wait_dma2 semaphore(%run_scoped3A : memref<!tpu.dma_semaphore, #tpu.memory_space<semaphore_mem>>) src(%dma_wait3A_37 : memref<128xi32, #tpu.memory_space<hbm>>) dst(%arg8 : memref<128xi32, #tpu.memory_space<vmem>>)
      tpu.yield
    }) : () -> ()
    %dma_start3A = arith.constant 0 : i32
    %dma_start3A_6 = arith.constant 0 : i32
    %dma_start3A_7 = tpu.memref_slice %arg2[%dma_start3A, %dma_start3A_6] : memref<8192x256xf32, #tpu.memory_space<hbm>> -> memref<8192x256xf32, #tpu.memory_space<hbm>>
    tpu.enqueue_indirect_dma source(%dma_start3A_7 : memref<8192x256xf32, #tpu.memory_space<hbm>>) target(%arg9 : memref<128x256xf32, #tpu.memory_space<vmem>>) offsets(%arg8 : memref<128xi32, #tpu.memory_space<vmem>>) semaphore(%arg13 : memref<!tpu.dma_semaphore, #tpu.memory_space<semaphore_mem>>)
    %dma_wait3A = arith.constant 0 : i32
    %dma_wait3A_8 = arith.constant 0 : i32
    %dma_wait3A_9 = tpu.memref_slice %arg2[%dma_wait3A, %dma_wait3A_8] : memref<8192x256xf32, #tpu.memory_space<hbm>> -> memref<8192x256xf32, #tpu.memory_space<hbm>>
    tpu.wait_indirect_dma semaphore(%arg13 : memref<!tpu.dma_semaphore, #tpu.memory_space<semaphore_mem>>) src(%dma_wait3A_9 : memref<8192x256xf32, #tpu.memory_space<hbm>>) dst(%arg9 : memref<128x256xf32, #tpu.memory_space<vmem>>)
    "tpu.region"() ({
      %run_scoped3A = tpu.sem_alloc : memref<!tpu.dma_semaphore, #tpu.memory_space<semaphore_mem>>
      %dma_start3A_34 = arith.constant 0 : i32
      %dma_start3A_35 = tpu.memref_slice %arg4[%add3A_5, %dma_start3A_34] : memref<8192x256xf32, #tpu.memory_space<hbm>> -> memref<128x256xf32, #tpu.memory_space<hbm>>
      %dma_start3A_36 = arith.constant 0 : i32
      %dma_start3A_37 = tpu.memref_slice %arg4[%add3A_5, %dma_start3A_36] : memref<8192x256xf32, #tpu.memory_space<hbm>> -> memref<128x256xf32, #tpu.memory_space<hbm>>
      tpu.enqueue_dma source(%dma_start3A_37 : memref<128x256xf32, #tpu.memory_space<hbm>>) target(%arg10 : memref<128x256xf32, #tpu.memory_space<vmem>>) target_semaphore(%run_scoped3A : memref<!tpu.dma_semaphore, #tpu.memory_space<semaphore_mem>>)
      %dma_wait3A_38 = arith.constant 0 : i32
      %dma_wait3A_39 = tpu.memref_slice %arg4[%add3A_5, %dma_wait3A_38] : memref<8192x256xf32, #tpu.memory_space<hbm>> -> memref<128x256xf32, #tpu.memory_space<hbm>>
      %dma_wait3A_40 = arith.constant 0 : i32
      %dma_wait3A_41 = tpu.memref_slice %arg4[%add3A_5, %dma_wait3A_40] : memref<8192x256xf32, #tpu.memory_space<hbm>> -> memref<128x256xf32, #tpu.memory_space<hbm>>
      tpu.wait_dma2 semaphore(%run_scoped3A : memref<!tpu.dma_semaphore, #tpu.memory_space<semaphore_mem>>) src(%dma_wait3A_41 : memref<128x256xf32, #tpu.memory_space<hbm>>) dst(%arg10 : memref<128x256xf32, #tpu.memory_space<vmem>>)
      tpu.yield
    }) : () -> ()
    "tpu.region"() ({
      %run_scoped3A = tpu.sem_alloc : memref<!tpu.dma_semaphore, #tpu.memory_space<semaphore_mem>>
      %dma_start3A_34 = arith.constant 0 : i32
      %dma_start3A_35 = tpu.memref_slice %arg5[%add3A_5, %dma_start3A_34] : memref<8192x256xf32, #tpu.memory_space<hbm>> -> memref<128x256xf32, #tpu.memory_space<hbm>>
      %dma_start3A_36 = arith.constant 0 : i32
      %dma_start3A_37 = tpu.memref_slice %arg5[%add3A_5, %dma_start3A_36] : memref<8192x256xf32, #tpu.memory_space<hbm>> -> memref<128x256xf32, #tpu.memory_space<hbm>>
      tpu.enqueue_dma source(%dma_start3A_37 : memref<128x256xf32, #tpu.memory_space<hbm>>) target(%arg11 : memref<128x256xf32, #tpu.memory_space<vmem>>) target_semaphore(%run_scoped3A : memref<!tpu.dma_semaphore, #tpu.memory_space<semaphore_mem>>)
      %dma_wait3A_38 = arith.constant 0 : i32
      %dma_wait3A_39 = tpu.memref_slice %arg5[%add3A_5, %dma_wait3A_38] : memref<8192x256xf32, #tpu.memory_space<hbm>> -> memref<128x256xf32, #tpu.memory_space<hbm>>
      %dma_wait3A_40 = arith.constant 0 : i32
      %dma_wait3A_41 = tpu.memref_slice %arg5[%add3A_5, %dma_wait3A_40] : memref<8192x256xf32, #tpu.memory_space<hbm>> -> memref<128x256xf32, #tpu.memory_space<hbm>>
      tpu.wait_dma2 semaphore(%run_scoped3A : memref<!tpu.dma_semaphore, #tpu.memory_space<semaphore_mem>>) src(%dma_wait3A_41 : memref<128x256xf32, #tpu.memory_space<hbm>>) dst(%arg11 : memref<128x256xf32, #tpu.memory_space<vmem>>)
      tpu.yield
    }) : () -> ()
    %scan3A = arith.constant 0 : i32
    %scan3A_10 = arith.constant 128 : i32
    %scan3A_11 = arith.addi %scan3A, %scan3A_10 : i32
    %scan3A_12 = arith.constant 1 : i32
    %scan3A_13 = scf.for %scan3A_34 = %scan3A to %scan3A_11 step %scan3A_12 iter_args(%scan3A_35 = %broadcast_in_dim3A_1) -> (vector<16xf32>)  : i32 {
      %get3A = arith.index_cast %scan3A_34 : i32 to index
      %get3A_36 = arith.constant 0 : index
      %get3A_37 = tpu.vector_load %arg10[%get3A, %get3A_36] {strides = array<i32>} : memref<128x256xf32, #tpu.memory_space<vmem>>, vector<1x16xf32>,
      %get3A_38 = vector.shape_cast %get3A_37 : vector<1x16xf32> to vector<16xf32>
      %get3A_39 = arith.index_cast %scan3A_34 : i32 to index
      %get3A_40 = arith.constant 0 : index
      %get3A_41 = tpu.vector_load %arg9[%get3A_39, %get3A_40] {strides = array<i32>} : memref<128x256xf32, #tpu.memory_space<vmem>>, vector<1x16xf32>,
      %get3A_42 = vector.shape_cast %get3A_41 : vector<1x16xf32> to vector<16xf32>
      %sub3A = arith.subf %get3A_38, %get3A_42 : vector<16xf32>
      %mul3A_43 = arith.mulf %sub3A, %sub3A : vector<16xf32>
      %add3A_44 = arith.addf %scan3A_35, %mul3A_43 : vector<16xf32>
      %get3A_45 = arith.index_cast %scan3A_34 : i32 to index
      %get3A_46 = arith.constant 0 : index
      %get3A_47 = tpu.vector_load %arg11[%get3A_45, %get3A_46] {strides = array<i32>} : memref<128x256xf32, #tpu.memory_space<vmem>>, vector<1x16xf32>,
      %get3A_48 = vector.shape_cast %get3A_47 : vector<1x16xf32> to vector<16xf32>
      %sub3A_49 = arith.subf %get3A_48, %sub3A : vector<16xf32>
      %swap3A_50 = arith.index_cast %scan3A_34 : i32 to index
      %swap3A_51 = arith.constant 0 : index
      %swap3A_52 = tpu.vector_load %arg10[%swap3A_50, %swap3A_51] {strides = array<i32>} : memref<128x256xf32, #tpu.memory_space<vmem>>, vector<1x16xf32>,
      %swap3A_53 = vector.shape_cast %swap3A_52 : vector<1x16xf32> to vector<16xf32>
      %swap3A_54 = vector.shape_cast %sub3A_49 : vector<16xf32> to vector<1x16xf32>
      tpu.vector_store %arg10[%swap3A_50, %swap3A_51], %swap3A_54 {strides = array<i32>} : memref<128x256xf32, #tpu.memory_space<vmem>>, vector<1x16xf32>,
      %get3A_55 = arith.index_cast %scan3A_34 : i32 to index
      %get3A_56 = arith.constant 16 : index
      %get3A_57 = tpu.vector_load %arg10[%get3A_55, %get3A_56] {strides = array<i32>} : memref<128x256xf32, #tpu.memory_space<vmem>>, vector<1x16xf32>,
      %get3A_58 = vector.shape_cast %get3A_57 : vector<1x16xf32> to vector<16xf32>
      %get3A_59 = arith.index_cast %scan3A_34 : i32 to index
      %get3A_60 = arith.constant 16 : index
      %get3A_61 = tpu.vector_load %arg9[%get3A_59, %get3A_60] {strides = array<i32>} : memref<128x256xf32, #tpu.memory_space<vmem>>, vector<1x16xf32>,
      %get3A_62 = vector.shape_cast %get3A_61 : vector<1x16xf32> to vector<16xf32>
      %sub3A_63 = arith.subf %get3A_58, %get3A_62 : vector<16xf32>
      %mul3A_64 = arith.mulf %sub3A_63, %sub3A_63 : vector<16xf32>
      %add3A_65 = arith.addf %add3A_44, %mul3A_64 : vector<16xf32>
      %get3A_66 = arith.index_cast %scan3A_34 : i32 to index
      %get3A_67 = arith.constant 16 : index
      %get3A_68 = tpu.vector_load %arg11[%get3A_66, %get3A_67] {strides = array<i32>} : memref<128x256xf32, #tpu.memory_space<vmem>>, vector<1x16xf32>,
      %get3A_69 = vector.shape_cast %get3A_68 : vector<1x16xf32> to vector<16xf32>
      %sub3A_70 = arith.subf %get3A_69, %sub3A_63 : vector<16xf32>
      %swap3A_71 = arith.index_cast %scan3A_34 : i32 to index
      %swap3A_72 = arith.constant 16 : index
      %swap3A_73 = tpu.vector_load %arg10[%swap3A_71, %swap3A_72] {strides = array<i32>} : memref<128x256xf32, #tpu.memory_space<vmem>>, vector<1x16xf32>,
      %swap3A_74 = vector.shape_cast %swap3A_73 : vector<1x16xf32> to vector<16xf32>
      %swap3A_75 = vector.shape_cast %sub3A_70 : vector<16xf32> to vector<1x16xf32>
      tpu.vector_store %arg10[%swap3A_71, %swap3A_72], %swap3A_75 {strides = array<i32>} : memref<128x256xf32, #tpu.memory_space<vmem>>, vector<1x16xf32>,
      %get3A_76 = arith.index_cast %scan3A_34 : i32 to index
      %get3A_77 = arith.constant 32 : index
      %get3A_78 = tpu.vector_load %arg10[%get3A_76, %get3A_77] {strides = array<i32>} : memref<128x256xf32, #tpu.memory_space<vmem>>, vector<1x16xf32>,
      %get3A_79 = vector.shape_cast %get3A_78 : vector<1x16xf32> to vector<16xf32>
      %get3A_80 = arith.index_cast %scan3A_34 : i32 to index
      %get3A_81 = arith.constant 32 : index
      %get3A_82 = tpu.vector_load %arg9[%get3A_80, %get3A_81] {strides = array<i32>} : memref<128x256xf32, #tpu.memory_space<vmem>>, vector<1x16xf32>,
      %get3A_83 = vector.shape_cast %get3A_82 : vector<1x16xf32> to vector<16xf32>
      %sub3A_84 = arith.subf %get3A_79, %get3A_83 : vector<16xf32>
      %mul3A_85 = arith.mulf %sub3A_84, %sub3A_84 : vector<16xf32>
      %add3A_86 = arith.addf %add3A_65, %mul3A_85 : vector<16xf32>
      %get3A_87 = arith.index_cast %scan3A_34 : i32 to index
      %get3A_88 = arith.constant 32 : index
      %get3A_89 = tpu.vector_load %arg11[%get3A_87, %get3A_88] {strides = array<i32>} : memref<128x256xf32, #tpu.memory_space<vmem>>, vector<1x16xf32>,
      %get3A_90 = vector.shape_cast %get3A_89 : vector<1x16xf32> to vector<16xf32>
      %sub3A_91 = arith.subf %get3A_90, %sub3A_84 : vector<16xf32>
      %swap3A_92 = arith.index_cast %scan3A_34 : i32 to index
      %swap3A_93 = arith.constant 32 : index
      %swap3A_94 = tpu.vector_load %arg10[%swap3A_92, %swap3A_93] {strides = array<i32>} : memref<128x256xf32, #tpu.memory_space<vmem>>, vector<1x16xf32>,
      %swap3A_95 = vector.shape_cast %swap3A_94 : vector<1x16xf32> to vector<16xf32>
      %swap3A_96 = vector.shape_cast %sub3A_91 : vector<16xf32> to vector<1x16xf32>
      tpu.vector_store %arg10[%swap3A_92, %swap3A_93], %swap3A_96 {strides = array<i32>} : memref<128x256xf32, #tpu.memory_space<vmem>>, vector<1x16xf32>,
      %get3A_97 = arith.index_cast %scan3A_34 : i32 to index
      %get3A_98 = arith.constant 48 : index
      %get3A_99 = tpu.vector_load %arg10[%get3A_97, %get3A_98] {strides = array<i32>} : memref<128x256xf32, #tpu.memory_space<vmem>>, vector<1x16xf32>,
      %get3A_100 = vector.shape_cast %get3A_99 : vector<1x16xf32> to vector<16xf32>
      %get3A_101 = arith.index_cast %scan3A_34 : i32 to index
      %get3A_102 = arith.constant 48 : index
      %get3A_103 = tpu.vector_load %arg9[%get3A_101, %get3A_102] {strides = array<i32>} : memref<128x256xf32, #tpu.memory_space<vmem>>, vector<1x16xf32>,
      %get3A_104 = vector.shape_cast %get3A_103 : vector<1x16xf32> to vector<16xf32>
      %sub3A_105 = arith.subf %get3A_100, %get3A_104 : vector<16xf32>
      %mul3A_106 = arith.mulf %sub3A_105, %sub3A_105 : vector<16xf32>
      %add3A_107 = arith.addf %add3A_86, %mul3A_106 : vector<16xf32>
      %get3A_108 = arith.index_cast %scan3A_34 : i32 to index
      %get3A_109 = arith.constant 48 : index
      %get3A_110 = tpu.vector_load %arg11[%get3A_108, %get3A_109] {strides = array<i32>} : memref<128x256xf32, #tpu.memory_space<vmem>>, vector<1x16xf32>,
      %get3A_111 = vector.shape_cast %get3A_110 : vector<1x16xf32> to vector<16xf32>
      %sub3A_112 = arith.subf %get3A_111, %sub3A_105 : vector<16xf32>
      %swap3A_113 = arith.index_cast %scan3A_34 : i32 to index
      %swap3A_114 = arith.constant 48 : index
      %swap3A_115 = tpu.vector_load %arg10[%swap3A_113, %swap3A_114] {strides = array<i32>} : memref<128x256xf32, #tpu.memory_space<vmem>>, vector<1x16xf32>,
      %swap3A_116 = vector.shape_cast %swap3A_115 : vector<1x16xf32> to vector<16xf32>
      %swap3A_117 = vector.shape_cast %sub3A_112 : vector<16xf32> to vector<1x16xf32>
      tpu.vector_store %arg10[%swap3A_113, %swap3A_114], %swap3A_117 {strides = array<i32>} : memref<128x256xf32, #tpu.memory_space<vmem>>, vector<1x16xf32>,
      %get3A_118 = arith.index_cast %scan3A_34 : i32 to index
      %get3A_119 = arith.constant 64 : index
      %get3A_120 = tpu.vector_load %arg10[%get3A_118, %get3A_119] {strides = array<i32>} : memref<128x256xf32, #tpu.memory_space<vmem>>, vector<1x16xf32>,
      %get3A_121 = vector.shape_cast %get3A_120 : vector<1x16xf32> to vector<16xf32>
      %get3A_122 = arith.index_cast %scan3A_34 : i32 to index
      %get3A_123 = arith.constant 64 : index
      %get3A_124 = tpu.vector_load %arg9[%get3A_122, %get3A_123] {strides = array<i32>} : memref<128x256xf32, #tpu.memory_space<vmem>>, vector<1x16xf32>,
      %get3A_125 = vector.shape_cast %get3A_124 : vector<1x16xf32> to vector<16xf32>
      %sub3A_126 = arith.subf %get3A_121, %get3A_125 : vector<16xf32>
      %mul3A_127 = arith.mulf %sub3A_126, %sub3A_126 : vector<16xf32>
      %add3A_128 = arith.addf %add3A_107, %mul3A_127 : vector<16xf32>
      %get3A_129 = arith.index_cast %scan3A_34 : i32 to index
      %get3A_130 = arith.constant 64 : index
      %get3A_131 = tpu.vector_load %arg11[%get3A_129, %get3A_130] {strides = array<i32>} : memref<128x256xf32, #tpu.memory_space<vmem>>, vector<1x16xf32>,
      %get3A_132 = vector.shape_cast %get3A_131 : vector<1x16xf32> to vector<16xf32>
      %sub3A_133 = arith.subf %get3A_132, %sub3A_126 : vector<16xf32>
      %swap3A_134 = arith.index_cast %scan3A_34 : i32 to index
      %swap3A_135 = arith.constant 64 : index
      %swap3A_136 = tpu.vector_load %arg10[%swap3A_134, %swap3A_135] {strides = array<i32>} : memref<128x256xf32, #tpu.memory_space<vmem>>, vector<1x16xf32>,
      %swap3A_137 = vector.shape_cast %swap3A_136 : vector<1x16xf32> to vector<16xf32>
      %swap3A_138 = vector.shape_cast %sub3A_133 : vector<16xf32> to vector<1x16xf32>
      tpu.vector_store %arg10[%swap3A_134, %swap3A_135], %swap3A_138 {strides = array<i32>} : memref<128x256xf32, #tpu.memory_space<vmem>>, vector<1x16xf32>,
      %get3A_139 = arith.index_cast %scan3A_34 : i32 to index
      %get3A_140 = arith.constant 80 : index
      %get3A_141 = tpu.vector_load %arg10[%get3A_139, %get3A_140] {strides = array<i32>} : memref<128x256xf32, #tpu.memory_space<vmem>>, vector<1x16xf32>,
      %get3A_142 = vector.shape_cast %get3A_141 : vector<1x16xf32> to vector<16xf32>
      %get3A_143 = arith.index_cast %scan3A_34 : i32 to index
      %get3A_144 = arith.constant 80 : index
      %get3A_145 = tpu.vector_load %arg9[%get3A_143, %get3A_144] {strides = array<i32>} : memref<128x256xf32, #tpu.memory_space<vmem>>, vector<1x16xf32>,
      %get3A_146 = vector.shape_cast %get3A_145 : vector<1x16xf32> to vector<16xf32>
      %sub3A_147 = arith.subf %get3A_142, %get3A_146 : vector<16xf32>
      %mul3A_148 = arith.mulf %sub3A_147, %sub3A_147 : vector<16xf32>
      %add3A_149 = arith.addf %add3A_128, %mul3A_148 : vector<16xf32>
      %get3A_150 = arith.index_cast %scan3A_34 : i32 to index
      %get3A_151 = arith.constant 80 : index
      %get3A_152 = tpu.vector_load %arg11[%get3A_150, %get3A_151] {strides = array<i32>} : memref<128x256xf32, #tpu.memory_space<vmem>>, vector<1x16xf32>,
      %get3A_153 = vector.shape_cast %get3A_152 : vector<1x16xf32> to vector<16xf32>
      %sub3A_154 = arith.subf %get3A_153, %sub3A_147 : vector<16xf32>
      %swap3A_155 = arith.index_cast %scan3A_34 : i32 to index
      %swap3A_156 = arith.constant 80 : index
      %swap3A_157 = tpu.vector_load %arg10[%swap3A_155, %swap3A_156] {strides = array<i32>} : memref<128x256xf32, #tpu.memory_space<vmem>>, vector<1x16xf32>,
      %swap3A_158 = vector.shape_cast %swap3A_157 : vector<1x16xf32> to vector<16xf32>
      %swap3A_159 = vector.shape_cast %sub3A_154 : vector<16xf32> to vector<1x16xf32>
      tpu.vector_store %arg10[%swap3A_155, %swap3A_156], %swap3A_159 {strides = array<i32>} : memref<128x256xf32, #tpu.memory_space<vmem>>, vector<1x16xf32>,
      %get3A_160 = arith.index_cast %scan3A_34 : i32 to index
      %get3A_161 = arith.constant 96 : index
      %get3A_162 = tpu.vector_load %arg10[%get3A_160, %get3A_161] {strides = array<i32>} : memref<128x256xf32, #tpu.memory_space<vmem>>, vector<1x16xf32>,
      %get3A_163 = vector.shape_cast %get3A_162 : vector<1x16xf32> to vector<16xf32>
      %get3A_164 = arith.index_cast %scan3A_34 : i32 to index
      %get3A_165 = arith.constant 96 : index
      %get3A_166 = tpu.vector_load %arg9[%get3A_164, %get3A_165] {strides = array<i32>} : memref<128x256xf32, #tpu.memory_space<vmem>>, vector<1x16xf32>,
      %get3A_167 = vector.shape_cast %get3A_166 : vector<1x16xf32> to vector<16xf32>
      %sub3A_168 = arith.subf %get3A_163, %get3A_167 : vector<16xf32>
      %mul3A_169 = arith.mulf %sub3A_168, %sub3A_168 : vector<16xf32>
      %add3A_170 = arith.addf %add3A_149, %mul3A_169 : vector<16xf32>
      %get3A_171 = arith.index_cast %scan3A_34 : i32 to index
      %get3A_172 = arith.constant 96 : index
      %get3A_173 = tpu.vector_load %arg11[%get3A_171, %get3A_172] {strides = array<i32>} : memref<128x256xf32, #tpu.memory_space<vmem>>, vector<1x16xf32>,
      %get3A_174 = vector.shape_cast %get3A_173 : vector<1x16xf32> to vector<16xf32>
      %sub3A_175 = arith.subf %get3A_174, %sub3A_168 : vector<16xf32>
      %swap3A_176 = arith.index_cast %scan3A_34 : i32 to index
      %swap3A_177 = arith.constant 96 : index
      %swap3A_178 = tpu.vector_load %arg10[%swap3A_176, %swap3A_177] {strides = array<i32>} : memref<128x256xf32, #tpu.memory_space<vmem>>, vector<1x16xf32>,
      %swap3A_179 = vector.shape_cast %swap3A_178 : vector<1x16xf32> to vector<16xf32>
      %swap3A_180 = vector.shape_cast %sub3A_175 : vector<16xf32> to vector<1x16xf32>
      tpu.vector_store %arg10[%swap3A_176, %swap3A_177], %swap3A_180 {strides = array<i32>} : memref<128x256xf32, #tpu.memory_space<vmem>>, vector<1x16xf32>,
      %get3A_181 = arith.index_cast %scan3A_34 : i32 to index
      %get3A_182 = arith.constant 112 : index
      %get3A_183 = tpu.vector_load %arg10[%get3A_181, %get3A_182] {strides = array<i32>} : memref<128x256xf32, #tpu.memory_space<vmem>>, vector<1x16xf32>,
      %get3A_184 = vector.shape_cast %get3A_183 : vector<1x16xf32> to vector<16xf32>
      %get3A_185 = arith.index_cast %scan3A_34 : i32 to index
      %get3A_186 = arith.constant 112 : index
      %get3A_187 = tpu.vector_load %arg9[%get3A_185, %get3A_186] {strides = array<i32>} : memref<128x256xf32, #tpu.memory_space<vmem>>, vector<1x16xf32>,
      %get3A_188 = vector.shape_cast %get3A_187 : vector<1x16xf32> to vector<16xf32>
      %sub3A_189 = arith.subf %get3A_184, %get3A_188 : vector<16xf32>
      %mul3A_190 = arith.mulf %sub3A_189, %sub3A_189 : vector<16xf32>
      %add3A_191 = arith.addf %add3A_170, %mul3A_190 : vector<16xf32>
      %get3A_192 = arith.index_cast %scan3A_34 : i32 to index
      %get3A_193 = arith.constant 112 : index
      %get3A_194 = tpu.vector_load %arg11[%get3A_192, %get3A_193] {strides = array<i32>} : memref<128x256xf32, #tpu.memory_space<vmem>>, vector<1x16xf32>,
      %get3A_195 = vector.shape_cast %get3A_194 : vector<1x16xf32> to vector<16xf32>
      %sub3A_196 = arith.subf %get3A_195, %sub3A_189 : vector<16xf32>
      %swap3A_197 = arith.index_cast %scan3A_34 : i32 to index
      %swap3A_198 = arith.constant 112 : index
      %swap3A_199 = tpu.vector_load %arg10[%swap3A_197, %swap3A_198] {strides = array<i32>} : memref<128x256xf32, #tpu.memory_space<vmem>>, vector<1x16xf32>,
      %swap3A_200 = vector.shape_cast %swap3A_199 : vector<1x16xf32> to vector<16xf32>
      %swap3A_201 = vector.shape_cast %sub3A_196 : vector<16xf32> to vector<1x16xf32>
      tpu.vector_store %arg10[%swap3A_197, %swap3A_198], %swap3A_201 {strides = array<i32>} : memref<128x256xf32, #tpu.memory_space<vmem>>, vector<1x16xf32>,
      %get3A_202 = arith.index_cast %scan3A_34 : i32 to index
      %get3A_203 = arith.constant 128 : index
      %get3A_204 = tpu.vector_load %arg10[%get3A_202, %get3A_203] {strides = array<i32>} : memref<128x256xf32, #tpu.memory_space<vmem>>, vector<1x16xf32>,
      %get3A_205 = vector.shape_cast %get3A_204 : vector<1x16xf32> to vector<16xf32>
      %get3A_206 = arith.index_cast %scan3A_34 : i32 to index
      %get3A_207 = arith.constant 128 : index
      %get3A_208 = tpu.vector_load %arg9[%get3A_206, %get3A_207] {strides = array<i32>} : memref<128x256xf32, #tpu.memory_space<vmem>>, vector<1x16xf32>,
      %get3A_209 = vector.shape_cast %get3A_208 : vector<1x16xf32> to vector<16xf32>
      %sub3A_210 = arith.subf %get3A_205, %get3A_209 : vector<16xf32>
      %mul3A_211 = arith.mulf %sub3A_210, %sub3A_210 : vector<16xf32>
      %add3A_212 = arith.addf %add3A_191, %mul3A_211 : vector<16xf32>
      %get3A_213 = arith.index_cast %scan3A_34 : i32 to index
      %get3A_214 = arith.constant 128 : index
      %get3A_215 = tpu.vector_load %arg11[%get3A_213, %get3A_214] {strides = array<i32>} : memref<128x256xf32, #tpu.memory_space<vmem>>, vector<1x16xf32>,
      %get3A_216 = vector.shape_cast %get3A_215 : vector<1x16xf32> to vector<16xf32>
      %sub3A_217 = arith.subf %get3A_216, %sub3A_210 : vector<16xf32>
      %swap3A_218 = arith.index_cast %scan3A_34 : i32 to index
      %swap3A_219 = arith.constant 128 : index
      %swap3A_220 = tpu.vector_load %arg10[%swap3A_218, %swap3A_219] {strides = array<i32>} : memref<128x256xf32, #tpu.memory_space<vmem>>, vector<1x16xf32>,
      %swap3A_221 = vector.shape_cast %swap3A_220 : vector<1x16xf32> to vector<16xf32>
      %swap3A_222 = vector.shape_cast %sub3A_217 : vector<16xf32> to vector<1x16xf32>
      tpu.vector_store %arg10[%swap3A_218, %swap3A_219], %swap3A_222 {strides = array<i32>} : memref<128x256xf32, #tpu.memory_space<vmem>>, vector<1x16xf32>,
      %get3A_223 = arith.index_cast %scan3A_34 : i32 to index
      %get3A_224 = arith.constant 144 : index
      %get3A_225 = tpu.vector_load %arg10[%get3A_223, %get3A_224] {strides = array<i32>} : memref<128x256xf32, #tpu.memory_space<vmem>>, vector<1x16xf32>,
      %get3A_226 = vector.shape_cast %get3A_225 : vector<1x16xf32> to vector<16xf32>
      %get3A_227 = arith.index_cast %scan3A_34 : i32 to index
      %get3A_228 = arith.constant 144 : index
      %get3A_229 = tpu.vector_load %arg9[%get3A_227, %get3A_228] {strides = array<i32>} : memref<128x256xf32, #tpu.memory_space<vmem>>, vector<1x16xf32>,
      %get3A_230 = vector.shape_cast %get3A_229 : vector<1x16xf32> to vector<16xf32>
      %sub3A_231 = arith.subf %get3A_226, %get3A_230 : vector<16xf32>
      %mul3A_232 = arith.mulf %sub3A_231, %sub3A_231 : vector<16xf32>
      %add3A_233 = arith.addf %add3A_212, %mul3A_232 : vector<16xf32>
      %get3A_234 = arith.index_cast %scan3A_34 : i32 to index
      %get3A_235 = arith.constant 144 : index
      %get3A_236 = tpu.vector_load %arg11[%get3A_234, %get3A_235] {strides = array<i32>} : memref<128x256xf32, #tpu.memory_space<vmem>>, vector<1x16xf32>,
      %get3A_237 = vector.shape_cast %get3A_236 : vector<1x16xf32> to vector<16xf32>
      %sub3A_238 = arith.subf %get3A_237, %sub3A_231 : vector<16xf32>
      %swap3A_239 = arith.index_cast %scan3A_34 : i32 to index
      %swap3A_240 = arith.constant 144 : index
      %swap3A_241 = tpu.vector_load %arg10[%swap3A_239, %swap3A_240] {strides = array<i32>} : memref<128x256xf32, #tpu.memory_space<vmem>>, vector<1x16xf32>,
      %swap3A_242 = vector.shape_cast %swap3A_241 : vector<1x16xf32> to vector<16xf32>
      %swap3A_243 = vector.shape_cast %sub3A_238 : vector<16xf32> to vector<1x16xf32>
      tpu.vector_store %arg10[%swap3A_239, %swap3A_240], %swap3A_243 {strides = array<i32>} : memref<128x256xf32, #tpu.memory_space<vmem>>, vector<1x16xf32>,
      %get3A_244 = arith.index_cast %scan3A_34 : i32 to index
      %get3A_245 = arith.constant 160 : index
      %get3A_246 = tpu.vector_load %arg10[%get3A_244, %get3A_245] {strides = array<i32>} : memref<128x256xf32, #tpu.memory_space<vmem>>, vector<1x16xf32>,
      %get3A_247 = vector.shape_cast %get3A_246 : vector<1x16xf32> to vector<16xf32>
      %get3A_248 = arith.index_cast %scan3A_34 : i32 to index
      %get3A_249 = arith.constant 160 : index
      %get3A_250 = tpu.vector_load %arg9[%get3A_248, %get3A_249] {strides = array<i32>} : memref<128x256xf32, #tpu.memory_space<vmem>>, vector<1x16xf32>,
      %get3A_251 = vector.shape_cast %get3A_250 : vector<1x16xf32> to vector<16xf32>
      %sub3A_252 = arith.subf %get3A_247, %get3A_251 : vector<16xf32>
      %mul3A_253 = arith.mulf %sub3A_252, %sub3A_252 : vector<16xf32>
      %add3A_254 = arith.addf %add3A_233, %mul3A_253 : vector<16xf32>
      %get3A_255 = arith.index_cast %scan3A_34 : i32 to index
      %get3A_256 = arith.constant 160 : index
      %get3A_257 = tpu.vector_load %arg11[%get3A_255, %get3A_256] {strides = array<i32>} : memref<128x256xf32, #tpu.memory_space<vmem>>, vector<1x16xf32>,
      %get3A_258 = vector.shape_cast %get3A_257 : vector<1x16xf32> to vector<16xf32>
      %sub3A_259 = arith.subf %get3A_258, %sub3A_252 : vector<16xf32>
      %swap3A_260 = arith.index_cast %scan3A_34 : i32 to index
      %swap3A_261 = arith.constant 160 : index
      %swap3A_262 = tpu.vector_load %arg10[%swap3A_260, %swap3A_261] {strides = array<i32>} : memref<128x256xf32, #tpu.memory_space<vmem>>, vector<1x16xf32>,
      %swap3A_263 = vector.shape_cast %swap3A_262 : vector<1x16xf32> to vector<16xf32>
      %swap3A_264 = vector.shape_cast %sub3A_259 : vector<16xf32> to vector<1x16xf32>
      tpu.vector_store %arg10[%swap3A_260, %swap3A_261], %swap3A_264 {strides = array<i32>} : memref<128x256xf32, #tpu.memory_space<vmem>>, vector<1x16xf32>,
      %get3A_265 = arith.index_cast %scan3A_34 : i32 to index
      %get3A_266 = arith.constant 176 : index
      %get3A_267 = tpu.vector_load %arg10[%get3A_265, %get3A_266] {strides = array<i32>} : memref<128x256xf32, #tpu.memory_space<vmem>>, vector<1x16xf32>,
      %get3A_268 = vector.shape_cast %get3A_267 : vector<1x16xf32> to vector<16xf32>
      %get3A_269 = arith.index_cast %scan3A_34 : i32 to index
      %get3A_270 = arith.constant 176 : index
      %get3A_271 = tpu.vector_load %arg9[%get3A_269, %get3A_270] {strides = array<i32>} : memref<128x256xf32, #tpu.memory_space<vmem>>, vector<1x16xf32>,
      %get3A_272 = vector.shape_cast %get3A_271 : vector<1x16xf32> to vector<16xf32>
      %sub3A_273 = arith.subf %get3A_268, %get3A_272 : vector<16xf32>
      %mul3A_274 = arith.mulf %sub3A_273, %sub3A_273 : vector<16xf32>
      %add3A_275 = arith.addf %add3A_254, %mul3A_274 : vector<16xf32>
      %get3A_276 = arith.index_cast %scan3A_34 : i32 to index
      %get3A_277 = arith.constant 176 : index
      %get3A_278 = tpu.vector_load %arg11[%get3A_276, %get3A_277] {strides = array<i32>} : memref<128x256xf32, #tpu.memory_space<vmem>>, vector<1x16xf32>,
      %get3A_279 = vector.shape_cast %get3A_278 : vector<1x16xf32> to vector<16xf32>
      %sub3A_280 = arith.subf %get3A_279, %sub3A_273 : vector<16xf32>
      %swap3A_281 = arith.index_cast %scan3A_34 : i32 to index
      %swap3A_282 = arith.constant 176 : index
      %swap3A_283 = tpu.vector_load %arg10[%swap3A_281, %swap3A_282] {strides = array<i32>} : memref<128x256xf32, #tpu.memory_space<vmem>>, vector<1x16xf32>,
      %swap3A_284 = vector.shape_cast %swap3A_283 : vector<1x16xf32> to vector<16xf32>
      %swap3A_285 = vector.shape_cast %sub3A_280 : vector<16xf32> to vector<1x16xf32>
      tpu.vector_store %arg10[%swap3A_281, %swap3A_282], %swap3A_285 {strides = array<i32>} : memref<128x256xf32, #tpu.memory_space<vmem>>, vector<1x16xf32>,
      %get3A_286 = arith.index_cast %scan3A_34 : i32 to index
      %get3A_287 = arith.constant 192 : index
      %get3A_288 = tpu.vector_load %arg10[%get3A_286, %get3A_287] {strides = array<i32>} : memref<128x256xf32, #tpu.memory_space<vmem>>, vector<1x16xf32>,
      %get3A_289 = vector.shape_cast %get3A_288 : vector<1x16xf32> to vector<16xf32>
      %get3A_290 = arith.index_cast %scan3A_34 : i32 to index
      %get3A_291 = arith.constant 192 : index
      %get3A_292 = tpu.vector_load %arg9[%get3A_290, %get3A_291] {strides = array<i32>} : memref<128x256xf32, #tpu.memory_space<vmem>>, vector<1x16xf32>,
      %get3A_293 = vector.shape_cast %get3A_292 : vector<1x16xf32> to vector<16xf32>
      %sub3A_294 = arith.subf %get3A_289, %get3A_293 : vector<16xf32>
      %mul3A_295 = arith.mulf %sub3A_294, %sub3A_294 : vector<16xf32>
      %add3A_296 = arith.addf %add3A_275, %mul3A_295 : vector<16xf32>
      %get3A_297 = arith.index_cast %scan3A_34 : i32 to index
      %get3A_298 = arith.constant 192 : index
      %get3A_299 = tpu.vector_load %arg11[%get3A_297, %get3A_298] {strides = array<i32>} : memref<128x256xf32, #tpu.memory_space<vmem>>, vector<1x16xf32>,
      %get3A_300 = vector.shape_cast %get3A_299 : vector<1x16xf32> to vector<16xf32>
      %sub3A_301 = arith.subf %get3A_300, %sub3A_294 : vector<16xf32>
      %swap3A_302 = arith.index_cast %scan3A_34 : i32 to index
      %swap3A_303 = arith.constant 192 : index
      %swap3A_304 = tpu.vector_load %arg10[%swap3A_302, %swap3A_303] {strides = array<i32>} : memref<128x256xf32, #tpu.memory_space<vmem>>, vector<1x16xf32>,
      %swap3A_305 = vector.shape_cast %swap3A_304 : vector<1x16xf32> to vector<16xf32>
      %swap3A_306 = vector.shape_cast %sub3A_301 : vector<16xf32> to vector<1x16xf32>
      tpu.vector_store %arg10[%swap3A_302, %swap3A_303], %swap3A_306 {strides = array<i32>} : memref<128x256xf32, #tpu.memory_space<vmem>>, vector<1x16xf32>,
      %get3A_307 = arith.index_cast %scan3A_34 : i32 to index
      %get3A_308 = arith.constant 208 : index
      %get3A_309 = tpu.vector_load %arg10[%get3A_307, %get3A_308] {strides = array<i32>} : memref<128x256xf32, #tpu.memory_space<vmem>>, vector<1x16xf32>,
      %get3A_310 = vector.shape_cast %get3A_309 : vector<1x16xf32> to vector<16xf32>
      %get3A_311 = arith.index_cast %scan3A_34 : i32 to index
      %get3A_312 = arith.constant 208 : index
      %get3A_313 = tpu.vector_load %arg9[%get3A_311, %get3A_312] {strides = array<i32>} : memref<128x256xf32, #tpu.memory_space<vmem>>, vector<1x16xf32>,
      %get3A_314 = vector.shape_cast %get3A_313 : vector<1x16xf32> to vector<16xf32>
      %sub3A_315 = arith.subf %get3A_310, %get3A_314 : vector<16xf32>
      %mul3A_316 = arith.mulf %sub3A_315, %sub3A_315 : vector<16xf32>
      %add3A_317 = arith.addf %add3A_296, %mul3A_316 : vector<16xf32>
      %get3A_318 = arith.index_cast %scan3A_34 : i32 to index
      %get3A_319 = arith.constant 208 : index
      %get3A_320 = tpu.vector_load %arg11[%get3A_318, %get3A_319] {strides = array<i32>} : memref<128x256xf32, #tpu.memory_space<vmem>>, vector<1x16xf32>,
      %get3A_321 = vector.shape_cast %get3A_320 : vector<1x16xf32> to vector<16xf32>
      %sub3A_322 = arith.subf %get3A_321, %sub3A_315 : vector<16xf32>
      %swap3A_323 = arith.index_cast %scan3A_34 : i32 to index
      %swap3A_324 = arith.constant 208 : index
      %swap3A_325 = tpu.vector_load %arg10[%swap3A_323, %swap3A_324] {strides = array<i32>} : memref<128x256xf32, #tpu.memory_space<vmem>>, vector<1x16xf32>,
      %swap3A_326 = vector.shape_cast %swap3A_325 : vector<1x16xf32> to vector<16xf32>
      %swap3A_327 = vector.shape_cast %sub3A_322 : vector<16xf32> to vector<1x16xf32>
      tpu.vector_store %arg10[%swap3A_323, %swap3A_324], %swap3A_327 {strides = array<i32>} : memref<128x256xf32, #tpu.memory_space<vmem>>, vector<1x16xf32>,
      %get3A_328 = arith.index_cast %scan3A_34 : i32 to index
      %get3A_329 = arith.constant 224 : index
      %get3A_330 = tpu.vector_load %arg10[%get3A_328, %get3A_329] {strides = array<i32>} : memref<128x256xf32, #tpu.memory_space<vmem>>, vector<1x16xf32>,
      %get3A_331 = vector.shape_cast %get3A_330 : vector<1x16xf32> to vector<16xf32>
      %get3A_332 = arith.index_cast %scan3A_34 : i32 to index
      %get3A_333 = arith.constant 224 : index
      %get3A_334 = tpu.vector_load %arg9[%get3A_332, %get3A_333] {strides = array<i32>} : memref<128x256xf32, #tpu.memory_space<vmem>>, vector<1x16xf32>,
      %get3A_335 = vector.shape_cast %get3A_334 : vector<1x16xf32> to vector<16xf32>
      %sub3A_336 = arith.subf %get3A_331, %get3A_335 : vector<16xf32>
      %mul3A_337 = arith.mulf %sub3A_336, %sub3A_336 : vector<16xf32>
      %add3A_338 = arith.addf %add3A_317, %mul3A_337 : vector<16xf32>
      %get3A_339 = arith.index_cast %scan3A_34 : i32 to index
      %get3A_340 = arith.constant 224 : index
      %get3A_341 = tpu.vector_load %arg11[%get3A_339, %get3A_340] {strides = array<i32>} : memref<128x256xf32, #tpu.memory_space<vmem>>, vector<1x16xf32>,
      %get3A_342 = vector.shape_cast %get3A_341 : vector<1x16xf32> to vector<16xf32>
      %sub3A_343 = arith.subf %get3A_342, %sub3A_336 : vector<16xf32>
      %swap3A_344 = arith.index_cast %scan3A_34 : i32 to index
      %swap3A_345 = arith.constant 224 : index
      %swap3A_346 = tpu.vector_load %arg10[%swap3A_344, %swap3A_345] {strides = array<i32>} : memref<128x256xf32, #tpu.memory_space<vmem>>, vector<1x16xf32>,
      %swap3A_347 = vector.shape_cast %swap3A_346 : vector<1x16xf32> to vector<16xf32>
      %swap3A_348 = vector.shape_cast %sub3A_343 : vector<16xf32> to vector<1x16xf32>
      tpu.vector_store %arg10[%swap3A_344, %swap3A_345], %swap3A_348 {strides = array<i32>} : memref<128x256xf32, #tpu.memory_space<vmem>>, vector<1x16xf32>,
      %get3A_349 = arith.index_cast %scan3A_34 : i32 to index
      %get3A_350 = arith.constant 240 : index
      %get3A_351 = tpu.vector_load %arg10[%get3A_349, %get3A_350] {strides = array<i32>} : memref<128x256xf32, #tpu.memory_space<vmem>>, vector<1x16xf32>,
      %get3A_352 = vector.shape_cast %get3A_351 : vector<1x16xf32> to vector<16xf32>
      %get3A_353 = arith.index_cast %scan3A_34 : i32 to index
      %get3A_354 = arith.constant 240 : index
      %get3A_355 = tpu.vector_load %arg9[%get3A_353, %get3A_354] {strides = array<i32>} : memref<128x256xf32, #tpu.memory_space<vmem>>, vector<1x16xf32>,
      %get3A_356 = vector.shape_cast %get3A_355 : vector<1x16xf32> to vector<16xf32>
      %sub3A_357 = arith.subf %get3A_352, %get3A_356 : vector<16xf32>
      %mul3A_358 = arith.mulf %sub3A_357, %sub3A_357 : vector<16xf32>
      %add3A_359 = arith.addf %add3A_338, %mul3A_358 : vector<16xf32>
      %get3A_360 = arith.index_cast %scan3A_34 : i32 to index
      %get3A_361 = arith.constant 240 : index
      %get3A_362 = tpu.vector_load %arg11[%get3A_360, %get3A_361] {strides = array<i32>} : memref<128x256xf32, #tpu.memory_space<vmem>>, vector<1x16xf32>,
      %get3A_363 = vector.shape_cast %get3A_362 : vector<1x16xf32> to vector<16xf32>
      %sub3A_364 = arith.subf %get3A_363, %sub3A_357 : vector<16xf32>
      %swap3A_365 = arith.index_cast %scan3A_34 : i32 to index
      %swap3A_366 = arith.constant 240 : index
      %swap3A_367 = tpu.vector_load %arg10[%swap3A_365, %swap3A_366] {strides = array<i32>} : memref<128x256xf32, #tpu.memory_space<vmem>>, vector<1x16xf32>,
      %swap3A_368 = vector.shape_cast %swap3A_367 : vector<1x16xf32> to vector<16xf32>
      %swap3A_369 = vector.shape_cast %sub3A_364 : vector<16xf32> to vector<1x16xf32>
      tpu.vector_store %arg10[%swap3A_365, %swap3A_366], %swap3A_369 {strides = array<i32>} : memref<128x256xf32, #tpu.memory_space<vmem>>, vector<1x16xf32>,
      scf.yield %add3A_359 : vector<16xf32>
    }
    %scan3A_14 = arith.constant 128 : i32
    "tpu.region"() ({
      %run_scoped3A = tpu.sem_alloc : memref<!tpu.dma_semaphore, #tpu.memory_space<semaphore_mem>>
      %dma_start3A_34 = arith.constant 0 : i32
      %dma_start3A_35 = tpu.memref_slice %arg6[%add3A_5, %dma_start3A_34] : memref<8192x256xf32, #tpu.memory_space<hbm>> -> memref<128x256xf32, #tpu.memory_space<hbm>>
      %dma_start3A_36 = arith.constant 0 : i32
      %dma_start3A_37 = tpu.memref_slice %arg6[%add3A_5, %dma_start3A_36] : memref<8192x256xf32, #tpu.memory_space<hbm>> -> memref<128x256xf32, #tpu.memory_space<hbm>>
      tpu.enqueue_dma source(%arg10 : memref<128x256xf32, #tpu.memory_space<vmem>>) target(%dma_start3A_37 : memref<128x256xf32, #tpu.memory_space<hbm>>) target_semaphore(%run_scoped3A : memref<!tpu.dma_semaphore, #tpu.memory_space<semaphore_mem>>)
      %dma_wait3A_38 = arith.constant 0 : i32
      %dma_wait3A_39 = tpu.memref_slice %arg6[%add3A_5, %dma_wait3A_38] : memref<8192x256xf32, #tpu.memory_space<hbm>> -> memref<128x256xf32, #tpu.memory_space<hbm>>
      %dma_wait3A_40 = arith.constant 0 : i32
      %dma_wait3A_41 = tpu.memref_slice %arg6[%add3A_5, %dma_wait3A_40] : memref<8192x256xf32, #tpu.memory_space<hbm>> -> memref<128x256xf32, #tpu.memory_space<hbm>>
      tpu.wait_dma2 semaphore(%run_scoped3A : memref<!tpu.dma_semaphore, #tpu.memory_space<semaphore_mem>>) src(%arg10 : memref<128x256xf32, #tpu.memory_space<vmem>>) dst(%dma_wait3A_41 : memref<128x256xf32, #tpu.memory_space<hbm>>)
      tpu.yield
    }) : () -> ()
    %mul3A_15 = arith.constant 256 : i32
    %mul3A_16 = arith.muli %add3A, %mul3A_15 : i32
    %add3A_17 = arith.constant 128 : i32
    %add3A_18 = arith.addi %mul3A_16, %add3A_17 : i32
    "tpu.region"() ({
      %run_scoped3A = tpu.sem_alloc : memref<!tpu.dma_semaphore, #tpu.memory_space<semaphore_mem>>
      %dma_start3A_34 = tpu.memref_slice %arg3[%add3A_18] : memref<8192xi32, #tpu.memory_space<hbm>> -> memref<128xi32, #tpu.memory_space<hbm>>
      %dma_start3A_35 = tpu.memref_slice %arg3[%add3A_18] : memref<8192xi32, #tpu.memory_space<hbm>> -> memref<128xi32, #tpu.memory_space<hbm>>
      tpu.enqueue_dma source(%dma_start3A_35 : memref<128xi32, #tpu.memory_space<hbm>>) target(%arg8 : memref<128xi32, #tpu.memory_space<vmem>>) target_semaphore(%run_scoped3A : memref<!tpu.dma_semaphore, #tpu.memory_space<semaphore_mem>>)
      %dma_wait3A_36 = tpu.memref_slice %arg3[%add3A_18] : memref<8192xi32, #tpu.memory_space<hbm>> -> memref<128xi32, #tpu.memory_space<hbm>>
      %dma_wait3A_37 = tpu.memref_slice %arg3[%add3A_18] : memref<8192xi32, #tpu.memory_space<hbm>> -> memref<128xi32, #tpu.memory_space<hbm>>
      tpu.wait_dma2 semaphore(%run_scoped3A : memref<!tpu.dma_semaphore, #tpu.memory_space<semaphore_mem>>) src(%dma_wait3A_37 : memref<128xi32, #tpu.memory_space<hbm>>) dst(%arg8 : memref<128xi32, #tpu.memory_space<vmem>>)
      tpu.yield
    }) : () -> ()
    %dma_start3A_19 = arith.constant 0 : i32
    %dma_start3A_20 = arith.constant 0 : i32
    %dma_start3A_21 = tpu.memref_slice %arg2[%dma_start3A_19, %dma_start3A_20] : memref<8192x256xf32, #tpu.memory_space<hbm>> -> memref<8192x256xf32, #tpu.memory_space<hbm>>
    tpu.enqueue_indirect_dma source(%dma_start3A_21 : memref<8192x256xf32, #tpu.memory_space<hbm>>) target(%arg9 : memref<128x256xf32, #tpu.memory_space<vmem>>) offsets(%arg8 : memref<128xi32, #tpu.memory_space<vmem>>) semaphore(%arg13 : memref<!tpu.dma_semaphore, #tpu.memory_space<semaphore_mem>>)
    %dma_wait3A_22 = arith.constant 0 : i32
    %dma_wait3A_23 = arith.constant 0 : i32
    %dma_wait3A_24 = tpu.memref_slice %arg2[%dma_wait3A_22, %dma_wait3A_23] : memref<8192x256xf32, #tpu.memory_space<hbm>> -> memref<8192x256xf32, #tpu.memory_space<hbm>>
    tpu.wait_indirect_dma semaphore(%arg13 : memref<!tpu.dma_semaphore, #tpu.memory_space<semaphore_mem>>) src(%dma_wait3A_24 : memref<8192x256xf32, #tpu.memory_space<hbm>>) dst(%arg9 : memref<128x256xf32, #tpu.memory_space<vmem>>)
    "tpu.region"() ({
      %run_scoped3A = tpu.sem_alloc : memref<!tpu.dma_semaphore, #tpu.memory_space<semaphore_mem>>
      %dma_start3A_34 = arith.constant 0 : i32
      %dma_start3A_35 = tpu.memref_slice %arg4[%add3A_18, %dma_start3A_34] : memref<8192x256xf32, #tpu.memory_space<hbm>> -> memref<128x256xf32, #tpu.memory_space<hbm>>
      %dma_start3A_36 = arith.constant 0 : i32
      %dma_start3A_37 = tpu.memref_slice %arg4[%add3A_18, %dma_start3A_36] : memref<8192x256xf32, #tpu.memory_space<hbm>> -> memref<128x256xf32, #tpu.memory_space<hbm>>
      tpu.enqueue_dma source(%dma_start3A_37 : memref<128x256xf32, #tpu.memory_space<hbm>>) target(%arg10 : memref<128x256xf32, #tpu.memory_space<vmem>>) target_semaphore(%run_scoped3A : memref<!tpu.dma_semaphore, #tpu.memory_space<semaphore_mem>>)
      %dma_wait3A_38 = arith.constant 0 : i32
      %dma_wait3A_39 = tpu.memref_slice %arg4[%add3A_18, %dma_wait3A_38] : memref<8192x256xf32, #tpu.memory_space<hbm>> -> memref<128x256xf32, #tpu.memory_space<hbm>>
      %dma_wait3A_40 = arith.constant 0 : i32
      %dma_wait3A_41 = tpu.memref_slice %arg4[%add3A_18, %dma_wait3A_40] : memref<8192x256xf32, #tpu.memory_space<hbm>> -> memref<128x256xf32, #tpu.memory_space<hbm>>
      tpu.wait_dma2 semaphore(%run_scoped3A : memref<!tpu.dma_semaphore, #tpu.memory_space<semaphore_mem>>) src(%dma_wait3A_41 : memref<128x256xf32, #tpu.memory_space<hbm>>) dst(%arg10 : memref<128x256xf32, #tpu.memory_space<vmem>>)
      tpu.yield
    }) : () -> ()
    "tpu.region"() ({
      %run_scoped3A = tpu.sem_alloc : memref<!tpu.dma_semaphore, #tpu.memory_space<semaphore_mem>>
      %dma_start3A_34 = arith.constant 0 : i32
      %dma_start3A_35 = tpu.memref_slice %arg5[%add3A_18, %dma_start3A_34] : memref<8192x256xf32, #tpu.memory_space<hbm>> -> memref<128x256xf32, #tpu.memory_space<hbm>>
      %dma_start3A_36 = arith.constant 0 : i32
      %dma_start3A_37 = tpu.memref_slice %arg5[%add3A_18, %dma_start3A_36] : memref<8192x256xf32, #tpu.memory_space<hbm>> -> memref<128x256xf32, #tpu.memory_space<hbm>>
      tpu.enqueue_dma source(%dma_start3A_37 : memref<128x256xf32, #tpu.memory_space<hbm>>) target(%arg11 : memref<128x256xf32, #tpu.memory_space<vmem>>) target_semaphore(%run_scoped3A : memref<!tpu.dma_semaphore, #tpu.memory_space<semaphore_mem>>)
      %dma_wait3A_38 = arith.constant 0 : i32
      %dma_wait3A_39 = tpu.memref_slice %arg5[%add3A_18, %dma_wait3A_38] : memref<8192x256xf32, #tpu.memory_space<hbm>> -> memref<128x256xf32, #tpu.memory_space<hbm>>
      %dma_wait3A_40 = arith.constant 0 : i32
      %dma_wait3A_41 = tpu.memref_slice %arg5[%add3A_18, %dma_wait3A_40] : memref<8192x256xf32, #tpu.memory_space<hbm>> -> memref<128x256xf32, #tpu.memory_space<hbm>>
      tpu.wait_dma2 semaphore(%run_scoped3A : memref<!tpu.dma_semaphore, #tpu.memory_space<semaphore_mem>>) src(%dma_wait3A_41 : memref<128x256xf32, #tpu.memory_space<hbm>>) dst(%arg11 : memref<128x256xf32, #tpu.memory_space<vmem>>)
      tpu.yield
    }) : () -> ()
    %scan3A_25 = arith.constant 0 : i32
    %scan3A_26 = arith.constant 128 : i32
    %scan3A_27 = arith.addi %scan3A_25, %scan3A_26 : i32
    %scan3A_28 = arith.constant 1 : i32
    %scan3A_29 = scf.for %scan3A_34 = %scan3A_25 to %scan3A_27 step %scan3A_28 iter_args(%scan3A_35 = %scan3A_13) -> (vector<16xf32>)  : i32 {
      %get3A = arith.index_cast %scan3A_34 : i32 to index
      %get3A_36 = arith.constant 0 : index
      %get3A_37 = tpu.vector_load %arg10[%get3A, %get3A_36] {strides = array<i32>} : memref<128x256xf32, #tpu.memory_space<vmem>>, vector<1x16xf32>,
      %get3A_38 = vector.shape_cast %get3A_37 : vector<1x16xf32> to vector<16xf32>
      %get3A_39 = arith.index_cast %scan3A_34 : i32 to index
      %get3A_40 = arith.constant 0 : index
      %get3A_41 = tpu.vector_load %arg9[%get3A_39, %get3A_40] {strides = array<i32>} : memref<128x256xf32, #tpu.memory_space<vmem>>, vector<1x16xf32>,
      %get3A_42 = vector.shape_cast %get3A_41 : vector<1x16xf32> to vector<16xf32>
      %sub3A = arith.subf %get3A_38, %get3A_42 : vector<16xf32>
      %mul3A_43 = arith.mulf %sub3A, %sub3A : vector<16xf32>
      %add3A_44 = arith.addf %scan3A_35, %mul3A_43 : vector<16xf32>
      %get3A_45 = arith.index_cast %scan3A_34 : i32 to index
      %get3A_46 = arith.constant 0 : index
      %get3A_47 = tpu.vector_load %arg11[%get3A_45, %get3A_46] {strides = array<i32>} : memref<128x256xf32, #tpu.memory_space<vmem>>, vector<1x16xf32>,
      %get3A_48 = vector.shape_cast %get3A_47 : vector<1x16xf32> to vector<16xf32>
      %sub3A_49 = arith.subf %get3A_48, %sub3A : vector<16xf32>
      %swap3A_50 = arith.index_cast %scan3A_34 : i32 to index
      %swap3A_51 = arith.constant 0 : index
      %swap3A_52 = tpu.vector_load %arg10[%swap3A_50, %swap3A_51] {strides = array<i32>} : memref<128x256xf32, #tpu.memory_space<vmem>>, vector<1x16xf32>,
      %swap3A_53 = vector.shape_cast %swap3A_52 : vector<1x16xf32> to vector<16xf32>
      %swap3A_54 = vector.shape_cast %sub3A_49 : vector<16xf32> to vector<1x16xf32>
      tpu.vector_store %arg10[%swap3A_50, %swap3A_51], %swap3A_54 {strides = array<i32>} : memref<128x256xf32, #tpu.memory_space<vmem>>, vector<1x16xf32>,
      %get3A_55 = arith.index_cast %scan3A_34 : i32 to index
      %get3A_56 = arith.constant 16 : index
      %get3A_57 = tpu.vector_load %arg10[%get3A_55, %get3A_56] {strides = array<i32>} : memref<128x256xf32, #tpu.memory_space<vmem>>, vector<1x16xf32>,
      %get3A_58 = vector.shape_cast %get3A_57 : vector<1x16xf32> to vector<16xf32>
      %get3A_59 = arith.index_cast %scan3A_34 : i32 to index
      %get3A_60 = arith.constant 16 : index
      %get3A_61 = tpu.vector_load %arg9[%get3A_59, %get3A_60] {strides = array<i32>} : memref<128x256xf32, #tpu.memory_space<vmem>>, vector<1x16xf32>,
      %get3A_62 = vector.shape_cast %get3A_61 : vector<1x16xf32> to vector<16xf32>
      %sub3A_63 = arith.subf %get3A_58, %get3A_62 : vector<16xf32>
      %mul3A_64 = arith.mulf %sub3A_63, %sub3A_63 : vector<16xf32>
      %add3A_65 = arith.addf %add3A_44, %mul3A_64 : vector<16xf32>
      %get3A_66 = arith.index_cast %scan3A_34 : i32 to index
      %get3A_67 = arith.constant 16 : index
      %get3A_68 = tpu.vector_load %arg11[%get3A_66, %get3A_67] {strides = array<i32>} : memref<128x256xf32, #tpu.memory_space<vmem>>, vector<1x16xf32>,
      %get3A_69 = vector.shape_cast %get3A_68 : vector<1x16xf32> to vector<16xf32>
      %sub3A_70 = arith.subf %get3A_69, %sub3A_63 : vector<16xf32>
      %swap3A_71 = arith.index_cast %scan3A_34 : i32 to index
      %swap3A_72 = arith.constant 16 : index
      %swap3A_73 = tpu.vector_load %arg10[%swap3A_71, %swap3A_72] {strides = array<i32>} : memref<128x256xf32, #tpu.memory_space<vmem>>, vector<1x16xf32>,
      %swap3A_74 = vector.shape_cast %swap3A_73 : vector<1x16xf32> to vector<16xf32>
      %swap3A_75 = vector.shape_cast %sub3A_70 : vector<16xf32> to vector<1x16xf32>
      tpu.vector_store %arg10[%swap3A_71, %swap3A_72], %swap3A_75 {strides = array<i32>} : memref<128x256xf32, #tpu.memory_space<vmem>>, vector<1x16xf32>,
      %get3A_76 = arith.index_cast %scan3A_34 : i32 to index
      %get3A_77 = arith.constant 32 : index
      %get3A_78 = tpu.vector_load %arg10[%get3A_76, %get3A_77] {strides = array<i32>} : memref<128x256xf32, #tpu.memory_space<vmem>>, vector<1x16xf32>,
      %get3A_79 = vector.shape_cast %get3A_78 : vector<1x16xf32> to vector<16xf32>
      %get3A_80 = arith.index_cast %scan3A_34 : i32 to index
      %get3A_81 = arith.constant 32 : index
      %get3A_82 = tpu.vector_load %arg9[%get3A_80, %get3A_81] {strides = array<i32>} : memref<128x256xf32, #tpu.memory_space<vmem>>, vector<1x16xf32>,
      %get3A_83 = vector.shape_cast %get3A_82 : vector<1x16xf32> to vector<16xf32>
      %sub3A_84 = arith.subf %get3A_79, %get3A_83 : vector<16xf32>
      %mul3A_85 = arith.mulf %sub3A_84, %sub3A_84 : vector<16xf32>
      %add3A_86 = arith.addf %add3A_65, %mul3A_85 : vector<16xf32>
      %get3A_87 = arith.index_cast %scan3A_34 : i32 to index
      %get3A_88 = arith.constant 32 : index
      %get3A_89 = tpu.vector_load %arg11[%get3A_87, %get3A_88] {strides = array<i32>} : memref<128x256xf32, #tpu.memory_space<vmem>>, vector<1x16xf32>,
      %get3A_90 = vector.shape_cast %get3A_89 : vector<1x16xf32> to vector<16xf32>
      %sub3A_91 = arith.subf %get3A_90, %sub3A_84 : vector<16xf32>
      %swap3A_92 = arith.index_cast %scan3A_34 : i32 to index
      %swap3A_93 = arith.constant 32 : index
      %swap3A_94 = tpu.vector_load %arg10[%swap3A_92, %swap3A_93] {strides = array<i32>} : memref<128x256xf32, #tpu.memory_space<vmem>>, vector<1x16xf32>,
      %swap3A_95 = vector.shape_cast %swap3A_94 : vector<1x16xf32> to vector<16xf32>
      %swap3A_96 = vector.shape_cast %sub3A_91 : vector<16xf32> to vector<1x16xf32>
      tpu.vector_store %arg10[%swap3A_92, %swap3A_93], %swap3A_96 {strides = array<i32>} : memref<128x256xf32, #tpu.memory_space<vmem>>, vector<1x16xf32>,
      %get3A_97 = arith.index_cast %scan3A_34 : i32 to index
      %get3A_98 = arith.constant 48 : index
      %get3A_99 = tpu.vector_load %arg10[%get3A_97, %get3A_98] {strides = array<i32>} : memref<128x256xf32, #tpu.memory_space<vmem>>, vector<1x16xf32>,
      %get3A_100 = vector.shape_cast %get3A_99 : vector<1x16xf32> to vector<16xf32>
      %get3A_101 = arith.index_cast %scan3A_34 : i32 to index
      %get3A_102 = arith.constant 48 : index
      %get3A_103 = tpu.vector_load %arg9[%get3A_101, %get3A_102] {strides = array<i32>} : memref<128x256xf32, #tpu.memory_space<vmem>>, vector<1x16xf32>,
      %get3A_104 = vector.shape_cast %get3A_103 : vector<1x16xf32> to vector<16xf32>
      %sub3A_105 = arith.subf %get3A_100, %get3A_104 : vector<16xf32>
      %mul3A_106 = arith.mulf %sub3A_105, %sub3A_105 : vector<16xf32>
      %add3A_107 = arith.addf %add3A_86, %mul3A_106 : vector<16xf32>
      %get3A_108 = arith.index_cast %scan3A_34 : i32 to index
      %get3A_109 = arith.constant 48 : index
      %get3A_110 = tpu.vector_load %arg11[%get3A_108, %get3A_109] {strides = array<i32>} : memref<128x256xf32, #tpu.memory_space<vmem>>, vector<1x16xf32>,
      %get3A_111 = vector.shape_cast %get3A_110 : vector<1x16xf32> to vector<16xf32>
      %sub3A_112 = arith.subf %get3A_111, %sub3A_105 : vector<16xf32>
      %swap3A_113 = arith.index_cast %scan3A_34 : i32 to index
      %swap3A_114 = arith.constant 48 : index
      %swap3A_115 = tpu.vector_load %arg10[%swap3A_113, %swap3A_114] {strides = array<i32>} : memref<128x256xf32, #tpu.memory_space<vmem>>, vector<1x16xf32>,
      %swap3A_116 = vector.shape_cast %swap3A_115 : vector<1x16xf32> to vector<16xf32>
      %swap3A_117 = vector.shape_cast %sub3A_112 : vector<16xf32> to vector<1x16xf32>
      tpu.vector_store %arg10[%swap3A_113, %swap3A_114], %swap3A_117 {strides = array<i32>} : memref<128x256xf32, #tpu.memory_space<vmem>>, vector<1x16xf32>,
      %get3A_118 = arith.index_cast %scan3A_34 : i32 to index
      %get3A_119 = arith.constant 64 : index
      %get3A_120 = tpu.vector_load %arg10[%get3A_118, %get3A_119] {strides = array<i32>} : memref<128x256xf32, #tpu.memory_space<vmem>>, vector<1x16xf32>,
      %get3A_121 = vector.shape_cast %get3A_120 : vector<1x16xf32> to vector<16xf32>
      %get3A_122 = arith.index_cast %scan3A_34 : i32 to index
      %get3A_123 = arith.constant 64 : index
      %get3A_124 = tpu.vector_load %arg9[%get3A_122, %get3A_123] {strides = array<i32>} : memref<128x256xf32, #tpu.memory_space<vmem>>, vector<1x16xf32>,
      %get3A_125 = vector.shape_cast %get3A_124 : vector<1x16xf32> to vector<16xf32>
      %sub3A_126 = arith.subf %get3A_121, %get3A_125 : vector<16xf32>
      %mul3A_127 = arith.mulf %sub3A_126, %sub3A_126 : vector<16xf32>
      %add3A_128 = arith.addf %add3A_107, %mul3A_127 : vector<16xf32>
      %get3A_129 = arith.index_cast %scan3A_34 : i32 to index
      %get3A_130 = arith.constant 64 : index
      %get3A_131 = tpu.vector_load %arg11[%get3A_129, %get3A_130] {strides = array<i32>} : memref<128x256xf32, #tpu.memory_space<vmem>>, vector<1x16xf32>,
      %get3A_132 = vector.shape_cast %get3A_131 : vector<1x16xf32> to vector<16xf32>
      %sub3A_133 = arith.subf %get3A_132, %sub3A_126 : vector<16xf32>
      %swap3A_134 = arith.index_cast %scan3A_34 : i32 to index
      %swap3A_135 = arith.constant 64 : index
      %swap3A_136 = tpu.vector_load %arg10[%swap3A_134, %swap3A_135] {strides = array<i32>} : memref<128x256xf32, #tpu.memory_space<vmem>>, vector<1x16xf32>,
      %swap3A_137 = vector.shape_cast %swap3A_136 : vector<1x16xf32> to vector<16xf32>
      %swap3A_138 = vector.shape_cast %sub3A_133 : vector<16xf32> to vector<1x16xf32>
      tpu.vector_store %arg10[%swap3A_134, %swap3A_135], %swap3A_138 {strides = array<i32>} : memref<128x256xf32, #tpu.memory_space<vmem>>, vector<1x16xf32>,
      %get3A_139 = arith.index_cast %scan3A_34 : i32 to index
      %get3A_140 = arith.constant 80 : index
      %get3A_141 = tpu.vector_load %arg10[%get3A_139, %get3A_140] {strides = array<i32>} : memref<128x256xf32, #tpu.memory_space<vmem>>, vector<1x16xf32>,
      %get3A_142 = vector.shape_cast %get3A_141 : vector<1x16xf32> to vector<16xf32>
      %get3A_143 = arith.index_cast %scan3A_34 : i32 to index
      %get3A_144 = arith.constant 80 : index
      %get3A_145 = tpu.vector_load %arg9[%get3A_143, %get3A_144] {strides = array<i32>} : memref<128x256xf32, #tpu.memory_space<vmem>>, vector<1x16xf32>,
      %get3A_146 = vector.shape_cast %get3A_145 : vector<1x16xf32> to vector<16xf32>
      %sub3A_147 = arith.subf %get3A_142, %get3A_146 : vector<16xf32>
      %mul3A_148 = arith.mulf %sub3A_147, %sub3A_147 : vector<16xf32>
      %add3A_149 = arith.addf %add3A_128, %mul3A_148 : vector<16xf32>
      %get3A_150 = arith.index_cast %scan3A_34 : i32 to index
      %get3A_151 = arith.constant 80 : index
      %get3A_152 = tpu.vector_load %arg11[%get3A_150, %get3A_151] {strides = array<i32>} : memref<128x256xf32, #tpu.memory_space<vmem>>, vector<1x16xf32>,
      %get3A_153 = vector.shape_cast %get3A_152 : vector<1x16xf32> to vector<16xf32>
      %sub3A_154 = arith.subf %get3A_153, %sub3A_147 : vector<16xf32>
      %swap3A_155 = arith.index_cast %scan3A_34 : i32 to index
      %swap3A_156 = arith.constant 80 : index
      %swap3A_157 = tpu.vector_load %arg10[%swap3A_155, %swap3A_156] {strides = array<i32>} : memref<128x256xf32, #tpu.memory_space<vmem>>, vector<1x16xf32>,
      %swap3A_158 = vector.shape_cast %swap3A_157 : vector<1x16xf32> to vector<16xf32>
      %swap3A_159 = vector.shape_cast %sub3A_154 : vector<16xf32> to vector<1x16xf32>
      tpu.vector_store %arg10[%swap3A_155, %swap3A_156], %swap3A_159 {strides = array<i32>} : memref<128x256xf32, #tpu.memory_space<vmem>>, vector<1x16xf32>,
      %get3A_160 = arith.index_cast %scan3A_34 : i32 to index
      %get3A_161 = arith.constant 96 : index
      %get3A_162 = tpu.vector_load %arg10[%get3A_160, %get3A_161] {strides = array<i32>} : memref<128x256xf32, #tpu.memory_space<vmem>>, vector<1x16xf32>,
      %get3A_163 = vector.shape_cast %get3A_162 : vector<1x16xf32> to vector<16xf32>
      %get3A_164 = arith.index_cast %scan3A_34 : i32 to index
      %get3A_165 = arith.constant 96 : index
      %get3A_166 = tpu.vector_load %arg9[%get3A_164, %get3A_165] {strides = array<i32>} : memref<128x256xf32, #tpu.memory_space<vmem>>, vector<1x16xf32>,
      %get3A_167 = vector.shape_cast %get3A_166 : vector<1x16xf32> to vector<16xf32>
      %sub3A_168 = arith.subf %get3A_163, %get3A_167 : vector<16xf32>
      %mul3A_169 = arith.mulf %sub3A_168, %sub3A_168 : vector<16xf32>
      %add3A_170 = arith.addf %add3A_149, %mul3A_169 : vector<16xf32>
      %get3A_171 = arith.index_cast %scan3A_34 : i32 to index
      %get3A_172 = arith.constant 96 : index
      %get3A_173 = tpu.vector_load %arg11[%get3A_171, %get3A_172] {strides = array<i32>} : memref<128x256xf32, #tpu.memory_space<vmem>>, vector<1x16xf32>,
      %get3A_174 = vector.shape_cast %get3A_173 : vector<1x16xf32> to vector<16xf32>
      %sub3A_175 = arith.subf %get3A_174, %sub3A_168 : vector<16xf32>
      %swap3A_176 = arith.index_cast %scan3A_34 : i32 to index
      %swap3A_177 = arith.constant 96 : index
      %swap3A_178 = tpu.vector_load %arg10[%swap3A_176, %swap3A_177] {strides = array<i32>} : memref<128x256xf32, #tpu.memory_space<vmem>>, vector<1x16xf32>,
      %swap3A_179 = vector.shape_cast %swap3A_178 : vector<1x16xf32> to vector<16xf32>
      %swap3A_180 = vector.shape_cast %sub3A_175 : vector<16xf32> to vector<1x16xf32>
      tpu.vector_store %arg10[%swap3A_176, %swap3A_177], %swap3A_180 {strides = array<i32>} : memref<128x256xf32, #tpu.memory_space<vmem>>, vector<1x16xf32>,
      %get3A_181 = arith.index_cast %scan3A_34 : i32 to index
      %get3A_182 = arith.constant 112 : index
      %get3A_183 = tpu.vector_load %arg10[%get3A_181, %get3A_182] {strides = array<i32>} : memref<128x256xf32, #tpu.memory_space<vmem>>, vector<1x16xf32>,
      %get3A_184 = vector.shape_cast %get3A_183 : vector<1x16xf32> to vector<16xf32>
      %get3A_185 = arith.index_cast %scan3A_34 : i32 to index
      %get3A_186 = arith.constant 112 : index
      %get3A_187 = tpu.vector_load %arg9[%get3A_185, %get3A_186] {strides = array<i32>} : memref<128x256xf32, #tpu.memory_space<vmem>>, vector<1x16xf32>,
      %get3A_188 = vector.shape_cast %get3A_187 : vector<1x16xf32> to vector<16xf32>
      %sub3A_189 = arith.subf %get3A_184, %get3A_188 : vector<16xf32>
      %mul3A_190 = arith.mulf %sub3A_189, %sub3A_189 : vector<16xf32>
      %add3A_191 = arith.addf %add3A_170, %mul3A_190 : vector<16xf32>
      %get3A_192 = arith.index_cast %scan3A_34 : i32 to index
      %get3A_193 = arith.constant 112 : index
      %get3A_194 = tpu.vector_load %arg11[%get3A_192, %get3A_193] {strides = array<i32>} : memref<128x256xf32, #tpu.memory_space<vmem>>, vector<1x16xf32>,
      %get3A_195 = vector.shape_cast %get3A_194 : vector<1x16xf32> to vector<16xf32>
      %sub3A_196 = arith.subf %get3A_195, %sub3A_189 : vector<16xf32>
      %swap3A_197 = arith.index_cast %scan3A_34 : i32 to index
      %swap3A_198 = arith.constant 112 : index
      %swap3A_199 = tpu.vector_load %arg10[%swap3A_197, %swap3A_198] {strides = array<i32>} : memref<128x256xf32, #tpu.memory_space<vmem>>, vector<1x16xf32>,
      %swap3A_200 = vector.shape_cast %swap3A_199 : vector<1x16xf32> to vector<16xf32>
      %swap3A_201 = vector.shape_cast %sub3A_196 : vector<16xf32> to vector<1x16xf32>
      tpu.vector_store %arg10[%swap3A_197, %swap3A_198], %swap3A_201 {strides = array<i32>} : memref<128x256xf32, #tpu.memory_space<vmem>>, vector<1x16xf32>,
      %get3A_202 = arith.index_cast %scan3A_34 : i32 to index
      %get3A_203 = arith.constant 128 : index
      %get3A_204 = tpu.vector_load %arg10[%get3A_202, %get3A_203] {strides = array<i32>} : memref<128x256xf32, #tpu.memory_space<vmem>>, vector<1x16xf32>,
      %get3A_205 = vector.shape_cast %get3A_204 : vector<1x16xf32> to vector<16xf32>
      %get3A_206 = arith.index_cast %scan3A_34 : i32 to index
      %get3A_207 = arith.constant 128 : index
      %get3A_208 = tpu.vector_load %arg9[%get3A_206, %get3A_207] {strides = array<i32>} : memref<128x256xf32, #tpu.memory_space<vmem>>, vector<1x16xf32>,
      %get3A_209 = vector.shape_cast %get3A_208 : vector<1x16xf32> to vector<16xf32>
      %sub3A_210 = arith.subf %get3A_205, %get3A_209 : vector<16xf32>
      %mul3A_211 = arith.mulf %sub3A_210, %sub3A_210 : vector<16xf32>
      %add3A_212 = arith.addf %add3A_191, %mul3A_211 : vector<16xf32>
      %get3A_213 = arith.index_cast %scan3A_34 : i32 to index
      %get3A_214 = arith.constant 128 : index
      %get3A_215 = tpu.vector_load %arg11[%get3A_213, %get3A_214] {strides = array<i32>} : memref<128x256xf32, #tpu.memory_space<vmem>>, vector<1x16xf32>,
      %get3A_216 = vector.shape_cast %get3A_215 : vector<1x16xf32> to vector<16xf32>
      %sub3A_217 = arith.subf %get3A_216, %sub3A_210 : vector<16xf32>
      %swap3A_218 = arith.index_cast %scan3A_34 : i32 to index
      %swap3A_219 = arith.constant 128 : index
      %swap3A_220 = tpu.vector_load %arg10[%swap3A_218, %swap3A_219] {strides = array<i32>} : memref<128x256xf32, #tpu.memory_space<vmem>>, vector<1x16xf32>,
      %swap3A_221 = vector.shape_cast %swap3A_220 : vector<1x16xf32> to vector<16xf32>
      %swap3A_222 = vector.shape_cast %sub3A_217 : vector<16xf32> to vector<1x16xf32>
      tpu.vector_store %arg10[%swap3A_218, %swap3A_219], %swap3A_222 {strides = array<i32>} : memref<128x256xf32, #tpu.memory_space<vmem>>, vector<1x16xf32>,
      %get3A_223 = arith.index_cast %scan3A_34 : i32 to index
      %get3A_224 = arith.constant 144 : index
      %get3A_225 = tpu.vector_load %arg10[%get3A_223, %get3A_224] {strides = array<i32>} : memref<128x256xf32, #tpu.memory_space<vmem>>, vector<1x16xf32>,
      %get3A_226 = vector.shape_cast %get3A_225 : vector<1x16xf32> to vector<16xf32>
      %get3A_227 = arith.index_cast %scan3A_34 : i32 to index
      %get3A_228 = arith.constant 144 : index
      %get3A_229 = tpu.vector_load %arg9[%get3A_227, %get3A_228] {strides = array<i32>} : memref<128x256xf32, #tpu.memory_space<vmem>>, vector<1x16xf32>,
      %get3A_230 = vector.shape_cast %get3A_229 : vector<1x16xf32> to vector<16xf32>
      %sub3A_231 = arith.subf %get3A_226, %get3A_230 : vector<16xf32>
      %mul3A_232 = arith.mulf %sub3A_231, %sub3A_231 : vector<16xf32>
      %add3A_233 = arith.addf %add3A_212, %mul3A_232 : vector<16xf32>
      %get3A_234 = arith.index_cast %scan3A_34 : i32 to index
      %get3A_235 = arith.constant 144 : index
      %get3A_236 = tpu.vector_load %arg11[%get3A_234, %get3A_235] {strides = array<i32>} : memref<128x256xf32, #tpu.memory_space<vmem>>, vector<1x16xf32>,
      %get3A_237 = vector.shape_cast %get3A_236 : vector<1x16xf32> to vector<16xf32>
      %sub3A_238 = arith.subf %get3A_237, %sub3A_231 : vector<16xf32>
      %swap3A_239 = arith.index_cast %scan3A_34 : i32 to index
      %swap3A_240 = arith.constant 144 : index
      %swap3A_241 = tpu.vector_load %arg10[%swap3A_239, %swap3A_240] {strides = array<i32>} : memref<128x256xf32, #tpu.memory_space<vmem>>, vector<1x16xf32>,
      %swap3A_242 = vector.shape_cast %swap3A_241 : vector<1x16xf32> to vector<16xf32>
      %swap3A_243 = vector.shape_cast %sub3A_238 : vector<16xf32> to vector<1x16xf32>
      tpu.vector_store %arg10[%swap3A_239, %swap3A_240], %swap3A_243 {strides = array<i32>} : memref<128x256xf32, #tpu.memory_space<vmem>>, vector<1x16xf32>,
      %get3A_244 = arith.index_cast %scan3A_34 : i32 to index
      %get3A_245 = arith.constant 160 : index
      %get3A_246 = tpu.vector_load %arg10[%get3A_244, %get3A_245] {strides = array<i32>} : memref<128x256xf32, #tpu.memory_space<vmem>>, vector<1x16xf32>,
      %get3A_247 = vector.shape_cast %get3A_246 : vector<1x16xf32> to vector<16xf32>
      %get3A_248 = arith.index_cast %scan3A_34 : i32 to index
      %get3A_249 = arith.constant 160 : index
      %get3A_250 = tpu.vector_load %arg9[%get3A_248, %get3A_249] {strides = array<i32>} : memref<128x256xf32, #tpu.memory_space<vmem>>, vector<1x16xf32>,
      %get3A_251 = vector.shape_cast %get3A_250 : vector<1x16xf32> to vector<16xf32>
      %sub3A_252 = arith.subf %get3A_247, %get3A_251 : vector<16xf32>
      %mul3A_253 = arith.mulf %sub3A_252, %sub3A_252 : vector<16xf32>
      %add3A_254 = arith.addf %add3A_233, %mul3A_253 : vector<16xf32>
      %get3A_255 = arith.index_cast %scan3A_34 : i32 to index
      %get3A_256 = arith.constant 160 : index
      %get3A_257 = tpu.vector_load %arg11[%get3A_255, %get3A_256] {strides = array<i32>} : memref<128x256xf32, #tpu.memory_space<vmem>>, vector<1x16xf32>,
      %get3A_258 = vector.shape_cast %get3A_257 : vector<1x16xf32> to vector<16xf32>
      %sub3A_259 = arith.subf %get3A_258, %sub3A_252 : vector<16xf32>
      %swap3A_260 = arith.index_cast %scan3A_34 : i32 to index
      %swap3A_261 = arith.constant 160 : index
      %swap3A_262 = tpu.vector_load %arg10[%swap3A_260, %swap3A_261] {strides = array<i32>} : memref<128x256xf32, #tpu.memory_space<vmem>>, vector<1x16xf32>,
      %swap3A_263 = vector.shape_cast %swap3A_262 : vector<1x16xf32> to vector<16xf32>
      %swap3A_264 = vector.shape_cast %sub3A_259 : vector<16xf32> to vector<1x16xf32>
      tpu.vector_store %arg10[%swap3A_260, %swap3A_261], %swap3A_264 {strides = array<i32>} : memref<128x256xf32, #tpu.memory_space<vmem>>, vector<1x16xf32>,
      %get3A_265 = arith.index_cast %scan3A_34 : i32 to index
      %get3A_266 = arith.constant 176 : index
      %get3A_267 = tpu.vector_load %arg10[%get3A_265, %get3A_266] {strides = array<i32>} : memref<128x256xf32, #tpu.memory_space<vmem>>, vector<1x16xf32>,
      %get3A_268 = vector.shape_cast %get3A_267 : vector<1x16xf32> to vector<16xf32>
      %get3A_269 = arith.index_cast %scan3A_34 : i32 to index
      %get3A_270 = arith.constant 176 : index
      %get3A_271 = tpu.vector_load %arg9[%get3A_269, %get3A_270] {strides = array<i32>} : memref<128x256xf32, #tpu.memory_space<vmem>>, vector<1x16xf32>,
      %get3A_272 = vector.shape_cast %get3A_271 : vector<1x16xf32> to vector<16xf32>
      %sub3A_273 = arith.subf %get3A_268, %get3A_272 : vector<16xf32>
      %mul3A_274 = arith.mulf %sub3A_273, %sub3A_273 : vector<16xf32>
      %add3A_275 = arith.addf %add3A_254, %mul3A_274 : vector<16xf32>
      %get3A_276 = arith.index_cast %scan3A_34 : i32 to index
      %get3A_277 = arith.constant 176 : index
      %get3A_278 = tpu.vector_load %arg11[%get3A_276, %get3A_277] {strides = array<i32>} : memref<128x256xf32, #tpu.memory_space<vmem>>, vector<1x16xf32>,
      %get3A_279 = vector.shape_cast %get3A_278 : vector<1x16xf32> to vector<16xf32>
      %sub3A_280 = arith.subf %get3A_279, %sub3A_273 : vector<16xf32>
      %swap3A_281 = arith.index_cast %scan3A_34 : i32 to index
      %swap3A_282 = arith.constant 176 : index
      %swap3A_283 = tpu.vector_load %arg10[%swap3A_281, %swap3A_282] {strides = array<i32>} : memref<128x256xf32, #tpu.memory_space<vmem>>, vector<1x16xf32>,
      %swap3A_284 = vector.shape_cast %swap3A_283 : vector<1x16xf32> to vector<16xf32>
      %swap3A_285 = vector.shape_cast %sub3A_280 : vector<16xf32> to vector<1x16xf32>
      tpu.vector_store %arg10[%swap3A_281, %swap3A_282], %swap3A_285 {strides = array<i32>} : memref<128x256xf32, #tpu.memory_space<vmem>>, vector<1x16xf32>,
      %get3A_286 = arith.index_cast %scan3A_34 : i32 to index
      %get3A_287 = arith.constant 192 : index
      %get3A_288 = tpu.vector_load %arg10[%get3A_286, %get3A_287] {strides = array<i32>} : memref<128x256xf32, #tpu.memory_space<vmem>>, vector<1x16xf32>,
      %get3A_289 = vector.shape_cast %get3A_288 : vector<1x16xf32> to vector<16xf32>
      %get3A_290 = arith.index_cast %scan3A_34 : i32 to index
      %get3A_291 = arith.constant 192 : index
      %get3A_292 = tpu.vector_load %arg9[%get3A_290, %get3A_291] {strides = array<i32>} : memref<128x256xf32, #tpu.memory_space<vmem>>, vector<1x16xf32>,
      %get3A_293 = vector.shape_cast %get3A_292 : vector<1x16xf32> to vector<16xf32>
      %sub3A_294 = arith.subf %get3A_289, %get3A_293 : vector<16xf32>
      %mul3A_295 = arith.mulf %sub3A_294, %sub3A_294 : vector<16xf32>
      %add3A_296 = arith.addf %add3A_275, %mul3A_295 : vector<16xf32>
      %get3A_297 = arith.index_cast %scan3A_34 : i32 to index
      %get3A_298 = arith.constant 192 : index
      %get3A_299 = tpu.vector_load %arg11[%get3A_297, %get3A_298] {strides = array<i32>} : memref<128x256xf32, #tpu.memory_space<vmem>>, vector<1x16xf32>,
      %get3A_300 = vector.shape_cast %get3A_299 : vector<1x16xf32> to vector<16xf32>
      %sub3A_301 = arith.subf %get3A_300, %sub3A_294 : vector<16xf32>
      %swap3A_302 = arith.index_cast %scan3A_34 : i32 to index
      %swap3A_303 = arith.constant 192 : index
      %swap3A_304 = tpu.vector_load %arg10[%swap3A_302, %swap3A_303] {strides = array<i32>} : memref<128x256xf32, #tpu.memory_space<vmem>>, vector<1x16xf32>,
      %swap3A_305 = vector.shape_cast %swap3A_304 : vector<1x16xf32> to vector<16xf32>
      %swap3A_306 = vector.shape_cast %sub3A_301 : vector<16xf32> to vector<1x16xf32>
      tpu.vector_store %arg10[%swap3A_302, %swap3A_303], %swap3A_306 {strides = array<i32>} : memref<128x256xf32, #tpu.memory_space<vmem>>, vector<1x16xf32>,
      %get3A_307 = arith.index_cast %scan3A_34 : i32 to index
      %get3A_308 = arith.constant 208 : index
      %get3A_309 = tpu.vector_load %arg10[%get3A_307, %get3A_308] {strides = array<i32>} : memref<128x256xf32, #tpu.memory_space<vmem>>, vector<1x16xf32>,
      %get3A_310 = vector.shape_cast %get3A_309 : vector<1x16xf32> to vector<16xf32>
      %get3A_311 = arith.index_cast %scan3A_34 : i32 to index
      %get3A_312 = arith.constant 208 : index
      %get3A_313 = tpu.vector_load %arg9[%get3A_311, %get3A_312] {strides = array<i32>} : memref<128x256xf32, #tpu.memory_space<vmem>>, vector<1x16xf32>,
      %get3A_314 = vector.shape_cast %get3A_313 : vector<1x16xf32> to vector<16xf32>
      %sub3A_315 = arith.subf %get3A_310, %get3A_314 : vector<16xf32>
      %mul3A_316 = arith.mulf %sub3A_315, %sub3A_315 : vector<16xf32>
      %add3A_317 = arith.addf %add3A_296, %mul3A_316 : vector<16xf32>
      %get3A_318 = arith.index_cast %scan3A_34 : i32 to index
      %get3A_319 = arith.constant 208 : index
      %get3A_320 = tpu.vector_load %arg11[%get3A_318, %get3A_319] {strides = array<i32>} : memref<128x256xf32, #tpu.memory_space<vmem>>, vector<1x16xf32>,
      %get3A_321 = vector.shape_cast %get3A_320 : vector<1x16xf32> to vector<16xf32>
      %sub3A_322 = arith.subf %get3A_321, %sub3A_315 : vector<16xf32>
      %swap3A_323 = arith.index_cast %scan3A_34 : i32 to index
      %swap3A_324 = arith.constant 208 : index
      %swap3A_325 = tpu.vector_load %arg10[%swap3A_323, %swap3A_324] {strides = array<i32>} : memref<128x256xf32, #tpu.memory_space<vmem>>, vector<1x16xf32>,
      %swap3A_326 = vector.shape_cast %swap3A_325 : vector<1x16xf32> to vector<16xf32>
      %swap3A_327 = vector.shape_cast %sub3A_322 : vector<16xf32> to vector<1x16xf32>
      tpu.vector_store %arg10[%swap3A_323, %swap3A_324], %swap3A_327 {strides = array<i32>} : memref<128x256xf32, #tpu.memory_space<vmem>>, vector<1x16xf32>,
      %get3A_328 = arith.index_cast %scan3A_34 : i32 to index
      %get3A_329 = arith.constant 224 : index
      %get3A_330 = tpu.vector_load %arg10[%get3A_328, %get3A_329] {strides = array<i32>} : memref<128x256xf32, #tpu.memory_space<vmem>>, vector<1x16xf32>,
      %get3A_331 = vector.shape_cast %get3A_330 : vector<1x16xf32> to vector<16xf32>
      %get3A_332 = arith.index_cast %scan3A_34 : i32 to index
      %get3A_333 = arith.constant 224 : index
      %get3A_334 = tpu.vector_load %arg9[%get3A_332, %get3A_333] {strides = array<i32>} : memref<128x256xf32, #tpu.memory_space<vmem>>, vector<1x16xf32>,
      %get3A_335 = vector.shape_cast %get3A_334 : vector<1x16xf32> to vector<16xf32>
      %sub3A_336 = arith.subf %get3A_331, %get3A_335 : vector<16xf32>
      %mul3A_337 = arith.mulf %sub3A_336, %sub3A_336 : vector<16xf32>
      %add3A_338 = arith.addf %add3A_317, %mul3A_337 : vector<16xf32>
      %get3A_339 = arith.index_cast %scan3A_34 : i32 to index
      %get3A_340 = arith.constant 224 : index
      %get3A_341 = tpu.vector_load %arg11[%get3A_339, %get3A_340] {strides = array<i32>} : memref<128x256xf32, #tpu.memory_space<vmem>>, vector<1x16xf32>,
      %get3A_342 = vector.shape_cast %get3A_341 : vector<1x16xf32> to vector<16xf32>
      %sub3A_343 = arith.subf %get3A_342, %sub3A_336 : vector<16xf32>
      %swap3A_344 = arith.index_cast %scan3A_34 : i32 to index
      %swap3A_345 = arith.constant 224 : index
      %swap3A_346 = tpu.vector_load %arg10[%swap3A_344, %swap3A_345] {strides = array<i32>} : memref<128x256xf32, #tpu.memory_space<vmem>>, vector<1x16xf32>,
      %swap3A_347 = vector.shape_cast %swap3A_346 : vector<1x16xf32> to vector<16xf32>
      %swap3A_348 = vector.shape_cast %sub3A_343 : vector<16xf32> to vector<1x16xf32>
      tpu.vector_store %arg10[%swap3A_344, %swap3A_345], %swap3A_348 {strides = array<i32>} : memref<128x256xf32, #tpu.memory_space<vmem>>, vector<1x16xf32>,
      %get3A_349 = arith.index_cast %scan3A_34 : i32 to index
      %get3A_350 = arith.constant 240 : index
      %get3A_351 = tpu.vector_load %arg10[%get3A_349, %get3A_350] {strides = array<i32>} : memref<128x256xf32, #tpu.memory_space<vmem>>, vector<1x16xf32>,
      %get3A_352 = vector.shape_cast %get3A_351 : vector<1x16xf32> to vector<16xf32>
      %get3A_353 = arith.index_cast %scan3A_34 : i32 to index
      %get3A_354 = arith.constant 240 : index
      %get3A_355 = tpu.vector_load %arg9[%get3A_353, %get3A_354] {strides = array<i32>} : memref<128x256xf32, #tpu.memory_space<vmem>>, vector<1x16xf32>,
      %get3A_356 = vector.shape_cast %get3A_355 : vector<1x16xf32> to vector<16xf32>
      %sub3A_357 = arith.subf %get3A_352, %get3A_356 : vector<16xf32>
      %mul3A_358 = arith.mulf %sub3A_357, %sub3A_357 : vector<16xf32>
      %add3A_359 = arith.addf %add3A_338, %mul3A_358 : vector<16xf32>
      %get3A_360 = arith.index_cast %scan3A_34 : i32 to index
      %get3A_361 = arith.constant 240 : index
      %get3A_362 = tpu.vector_load %arg11[%get3A_360, %get3A_361] {strides = array<i32>} : memref<128x256xf32, #tpu.memory_space<vmem>>, vector<1x16xf32>,
      %get3A_363 = vector.shape_cast %get3A_362 : vector<1x16xf32> to vector<16xf32>
      %sub3A_364 = arith.subf %get3A_363, %sub3A_357 : vector<16xf32>
      %swap3A_365 = arith.index_cast %scan3A_34 : i32 to index
      %swap3A_366 = arith.constant 240 : index
      %swap3A_367 = tpu.vector_load %arg10[%swap3A_365, %swap3A_366] {strides = array<i32>} : memref<128x256xf32, #tpu.memory_space<vmem>>, vector<1x16xf32>,
      %swap3A_368 = vector.shape_cast %swap3A_367 : vector<1x16xf32> to vector<16xf32>
      %swap3A_369 = vector.shape_cast %sub3A_364 : vector<16xf32> to vector<1x16xf32>
      tpu.vector_store %arg10[%swap3A_365, %swap3A_366], %swap3A_369 {strides = array<i32>} : memref<128x256xf32, #tpu.memory_space<vmem>>, vector<1x16xf32>,
      scf.yield %add3A_359 : vector<16xf32>
    }
    %scan3A_30 = arith.constant 128 : i32
    "tpu.region"() ({
      %run_scoped3A = tpu.sem_alloc : memref<!tpu.dma_semaphore, #tpu.memory_space<semaphore_mem>>
      %dma_start3A_34 = arith.constant 0 : i32
      %dma_start3A_35 = tpu.memref_slice %arg6[%add3A_18, %dma_start3A_34] : memref<8192x256xf32, #tpu.memory_space<hbm>> -> memref<128x256xf32, #tpu.memory_space<hbm>>
      %dma_start3A_36 = arith.constant 0 : i32
      %dma_start3A_37 = tpu.memref_slice %arg6[%add3A_18, %dma_start3A_36] : memref<8192x256xf32, #tpu.memory_space<hbm>> -> memref<128x256xf32, #tpu.memory_space<hbm>>
      tpu.enqueue_dma source(%arg10 : memref<128x256xf32, #tpu.memory_space<vmem>>) target(%dma_start3A_37 : memref<128x256xf32, #tpu.memory_space<hbm>>) target_semaphore(%run_scoped3A : memref<!tpu.dma_semaphore, #tpu.memory_space<semaphore_mem>>)
      %dma_wait3A_38 = arith.constant 0 : i32
      %dma_wait3A_39 = tpu.memref_slice %arg6[%add3A_18, %dma_wait3A_38] : memref<8192x256xf32, #tpu.memory_space<hbm>> -> memref<128x256xf32, #tpu.memory_space<hbm>>
      %dma_wait3A_40 = arith.constant 0 : i32
      %dma_wait3A_41 = tpu.memref_slice %arg6[%add3A_18, %dma_wait3A_40] : memref<8192x256xf32, #tpu.memory_space<hbm>> -> memref<128x256xf32, #tpu.memory_space<hbm>>
      tpu.wait_dma2 semaphore(%run_scoped3A : memref<!tpu.dma_semaphore, #tpu.memory_space<semaphore_mem>>) src(%arg10 : memref<128x256xf32, #tpu.memory_space<vmem>>) dst(%dma_wait3A_41 : memref<128x256xf32, #tpu.memory_space<hbm>>)
      tpu.yield
    }) : () -> ()
    %swap3A = arith.constant 0 : index
    %swap3A_31 = tpu.vector_load %arg12[%swap3A] {strides = array<i32>} : memref<16xf32, #tpu.memory_space<vmem>>, vector<16xf32>,
    %swap3A_32 = vector.shape_cast %swap3A_31 : vector<16xf32> to vector<16xf32>
    %swap3A_33 = vector.shape_cast %scan3A_29 : vector<16xf32> to vector<16xf32>
    tpu.vector_store %arg12[%swap3A], %swap3A_33 {strides = array<i32>} : memref<16xf32, #tpu.memory_space<vmem>>, vector<16xf32>,
    "tpu.region"() ({
      %run_scoped3A = tpu.sem_alloc : memref<!tpu.dma_semaphore, #tpu.memory_space<semaphore_mem>>
      %dma_start3A_34 = arith.constant 0 : i32
      %dma_start3A_35 = tpu.memref_slice %arg7[%add3A, %dma_start3A_34] : memref<32x16xf32, #tpu.memory_space<hbm>> -> memref<1x16xf32, #tpu.memory_space<hbm>>
      %dma_start3A_36 = tpu.memref_squeeze %dma_start3A_35 : memref<1x16xf32, #tpu.memory_space<hbm>> -> memref<16xf32, #tpu.memory_space<hbm>>
      %dma_start3A_37 = arith.constant 0 : i32
      %dma_start3A_38 = tpu.memref_slice %arg7[%add3A, %dma_start3A_37] : memref<32x16xf32, #tpu.memory_space<hbm>> -> memref<1x16xf32, #tpu.memory_space<hbm>>
      %dma_start3A_39 = tpu.memref_squeeze %dma_start3A_38 : memref<1x16xf32, #tpu.memory_space<hbm>> -> memref<16xf32, #tpu.memory_space<hbm>>
      tpu.enqueue_dma source(%arg12 : memref<16xf32, #tpu.memory_space<vmem>>) target(%dma_start3A_39 : memref<16xf32, #tpu.memory_space<hbm>>) target_semaphore(%run_scoped3A : memref<!tpu.dma_semaphore, #tpu.memory_space<semaphore_mem>>)
      %dma_wait3A_40 = arith.constant 0 : i32
      %dma_wait3A_41 = tpu.memref_slice %arg7[%add3A, %dma_wait3A_40] : memref<32x16xf32, #tpu.memory_space<hbm>> -> memref<1x16xf32, #tpu.memory_space<hbm>>
      %dma_wait3A_42 = tpu.memref_squeeze %dma_wait3A_41 : memref<1x16xf32, #tpu.memory_space<hbm>> -> memref<16xf32, #tpu.memory_space<hbm>>
      %dma_wait3A_43 = arith.constant 0 : i32
      %dma_wait3A_44 = tpu.memref_slice %arg7[%add3A, %dma_wait3A_43] : memref<32x16xf32, #tpu.memory_space<hbm>> -> memref<1x16xf32, #tpu.memory_space<hbm>>
      %dma_wait3A_45 = tpu.memref_squeeze %dma_wait3A_44 : memref<1x16xf32, #tpu.memory_space<hbm>> -> memref<16xf32, #tpu.memory_space<hbm>>
      tpu.wait_dma2 semaphore(%run_scoped3A : memref<!tpu.dma_semaphore, #tpu.memory_space<semaphore_mem>>) src(%arg12 : memref<16xf32, #tpu.memory_space<vmem>>) dst(%dma_wait3A_45 : memref<16xf32, #tpu.memory_space<hbm>>)
      tpu.yield
    }) : () -> ()
    return
  }
}

#map = affine_map<(d0, d1) -> (0, 0)>
#map1 = affine_map<(d0, d1) -> (0)>
module attributes {stable_mosaic.version = 14 : i64} {
  func.func @sc_update(%arg0: i32, %arg1: i32, %arg2: memref<8192x256xf32, #tpu.memory_space<hbm>>, %arg3: memref<8192xi32, #tpu.memory_space<hbm>>, %arg4: memref<8192x256xf32, #tpu.memory_space<hbm>>, %arg5: memref<8192x256xf32, #tpu.memory_space<hbm>>, %arg6: memref<32x16xf32, #tpu.memory_space<hbm>>, %arg7: memref<128xi32, #tpu.memory_space<vmem>>, %arg8: memref<128x256xf32, #tpu.memory_space<vmem>>, %arg9: memref<128x256xf32, #tpu.memory_space<vmem>>, %arg10: memref<16xf32, #tpu.memory_space<vmem>>, %arg11: memref<!tpu.dma_semaphore, #tpu.memory_space<semaphore_mem>>) attributes {dimension_semantics = [#tpu.dimension_semantics<core_parallel>, #tpu.dimension_semantics<subcore_parallel>], iteration_bounds = array<i64: 2, 16>, scalar_prefetch = 0 : i64, scratch_operands = 5 : i64, tpu.core_type = #tpu.core_type<sc_vector_subcore>, window_params = [{transform_indices = #map}, {transform_indices = #map1}, {transform_indices = #map}, {transform_indices = #map}, {transform_indices = #map}]} {
    %mul3A = arith.constant 2 : i32
    %mul3A_0 = arith.muli %arg1, %mul3A : i32
    %add3A = arith.addi %mul3A_0, %arg0 : i32
    %broadcast_in_dim3A = arith.constant 0.000000e+00 : f32
    %broadcast_in_dim3A_1 = vector.broadcast %broadcast_in_dim3A : f32 to vector<16xf32>
    %mul3A_2 = arith.constant 256 : i32
    %mul3A_3 = arith.muli %add3A, %mul3A_2 : i32
    %add3A_4 = arith.constant 0 : i32
    %add3A_5 = arith.addi %mul3A_3, %add3A_4 : i32
    "tpu.region"() ({
      %run_scoped3A = tpu.sem_alloc : memref<!tpu.dma_semaphore, #tpu.memory_space<semaphore_mem>>
      %dma_start3A_34 = tpu.memref_slice %arg3[%add3A_5] : memref<8192xi32, #tpu.memory_space<hbm>> -> memref<128xi32, #tpu.memory_space<hbm>>
      %dma_start3A_35 = tpu.memref_slice %arg3[%add3A_5] : memref<8192xi32, #tpu.memory_space<hbm>> -> memref<128xi32, #tpu.memory_space<hbm>>
      tpu.enqueue_dma source(%dma_start3A_35 : memref<128xi32, #tpu.memory_space<hbm>>) target(%arg7 : memref<128xi32, #tpu.memory_space<vmem>>) target_semaphore(%run_scoped3A : memref<!tpu.dma_semaphore, #tpu.memory_space<semaphore_mem>>)
      %dma_wait3A_36 = tpu.memref_slice %arg3[%add3A_5] : memref<8192xi32, #tpu.memory_space<hbm>> -> memref<128xi32, #tpu.memory_space<hbm>>
      %dma_wait3A_37 = tpu.memref_slice %arg3[%add3A_5] : memref<8192xi32, #tpu.memory_space<hbm>> -> memref<128xi32, #tpu.memory_space<hbm>>
      tpu.wait_dma2 semaphore(%run_scoped3A : memref<!tpu.dma_semaphore, #tpu.memory_space<semaphore_mem>>) src(%dma_wait3A_37 : memref<128xi32, #tpu.memory_space<hbm>>) dst(%arg7 : memref<128xi32, #tpu.memory_space<vmem>>)
      tpu.yield
    }) : () -> ()
    %dma_start3A = arith.constant 0 : i32
    %dma_start3A_6 = arith.constant 0 : i32
    %dma_start3A_7 = tpu.memref_slice %arg2[%dma_start3A, %dma_start3A_6] : memref<8192x256xf32, #tpu.memory_space<hbm>> -> memref<8192x256xf32, #tpu.memory_space<hbm>>
    tpu.enqueue_indirect_dma source(%dma_start3A_7 : memref<8192x256xf32, #tpu.memory_space<hbm>>) target(%arg8 : memref<128x256xf32, #tpu.memory_space<vmem>>) offsets(%arg7 : memref<128xi32, #tpu.memory_space<vmem>>) semaphore(%arg11 : memref<!tpu.dma_semaphore, #tpu.memory_space<semaphore_mem>>)
    %dma_wait3A = arith.constant 0 : i32
    %dma_wait3A_8 = arith.constant 0 : i32
    %dma_wait3A_9 = tpu.memref_slice %arg2[%dma_wait3A, %dma_wait3A_8] : memref<8192x256xf32, #tpu.memory_space<hbm>> -> memref<8192x256xf32, #tpu.memory_space<hbm>>
    tpu.wait_indirect_dma semaphore(%arg11 : memref<!tpu.dma_semaphore, #tpu.memory_space<semaphore_mem>>) src(%dma_wait3A_9 : memref<8192x256xf32, #tpu.memory_space<hbm>>) dst(%arg8 : memref<128x256xf32, #tpu.memory_space<vmem>>)
    "tpu.region"() ({
      %run_scoped3A = tpu.sem_alloc : memref<!tpu.dma_semaphore, #tpu.memory_space<semaphore_mem>>
      %dma_start3A_34 = arith.constant 0 : i32
      %dma_start3A_35 = tpu.memref_slice %arg4[%add3A_5, %dma_start3A_34] : memref<8192x256xf32, #tpu.memory_space<hbm>> -> memref<128x256xf32, #tpu.memory_space<hbm>>
      %dma_start3A_36 = arith.constant 0 : i32
      %dma_start3A_37 = tpu.memref_slice %arg4[%add3A_5, %dma_start3A_36] : memref<8192x256xf32, #tpu.memory_space<hbm>> -> memref<128x256xf32, #tpu.memory_space<hbm>>
      tpu.enqueue_dma source(%dma_start3A_37 : memref<128x256xf32, #tpu.memory_space<hbm>>) target(%arg9 : memref<128x256xf32, #tpu.memory_space<vmem>>) target_semaphore(%run_scoped3A : memref<!tpu.dma_semaphore, #tpu.memory_space<semaphore_mem>>)
      %dma_wait3A_38 = arith.constant 0 : i32
      %dma_wait3A_39 = tpu.memref_slice %arg4[%add3A_5, %dma_wait3A_38] : memref<8192x256xf32, #tpu.memory_space<hbm>> -> memref<128x256xf32, #tpu.memory_space<hbm>>
      %dma_wait3A_40 = arith.constant 0 : i32
      %dma_wait3A_41 = tpu.memref_slice %arg4[%add3A_5, %dma_wait3A_40] : memref<8192x256xf32, #tpu.memory_space<hbm>> -> memref<128x256xf32, #tpu.memory_space<hbm>>
      tpu.wait_dma2 semaphore(%run_scoped3A : memref<!tpu.dma_semaphore, #tpu.memory_space<semaphore_mem>>) src(%dma_wait3A_41 : memref<128x256xf32, #tpu.memory_space<hbm>>) dst(%arg9 : memref<128x256xf32, #tpu.memory_space<vmem>>)
      tpu.yield
    }) : () -> ()
    %scan3A = arith.constant 0 : i32
    %scan3A_10 = arith.constant 128 : i32
    %scan3A_11 = arith.addi %scan3A, %scan3A_10 : i32
    %scan3A_12 = arith.constant 1 : i32
    %scan3A_13 = scf.for %scan3A_34 = %scan3A to %scan3A_11 step %scan3A_12 iter_args(%scan3A_35 = %broadcast_in_dim3A_1) -> (vector<16xf32>)  : i32 {
      %get3A = arith.index_cast %scan3A_34 : i32 to index
      %get3A_36 = arith.constant 0 : index
      %get3A_37 = tpu.vector_load %arg9[%get3A, %get3A_36] {strides = array<i32>} : memref<128x256xf32, #tpu.memory_space<vmem>>, vector<1x16xf32>,
      %get3A_38 = vector.shape_cast %get3A_37 : vector<1x16xf32> to vector<16xf32>
      %get3A_39 = arith.index_cast %scan3A_34 : i32 to index
      %get3A_40 = arith.constant 0 : index
      %get3A_41 = tpu.vector_load %arg8[%get3A_39, %get3A_40] {strides = array<i32>} : memref<128x256xf32, #tpu.memory_space<vmem>>, vector<1x16xf32>,
      %get3A_42 = vector.shape_cast %get3A_41 : vector<1x16xf32> to vector<16xf32>
      %sub3A = arith.subf %get3A_38, %get3A_42 : vector<16xf32>
      %mul3A_43 = arith.mulf %sub3A, %sub3A : vector<16xf32>
      %add3A_44 = arith.addf %scan3A_35, %mul3A_43 : vector<16xf32>
      %swap3A_45 = arith.index_cast %scan3A_34 : i32 to index
      %swap3A_46 = arith.constant 0 : index
      %swap3A_47 = tpu.vector_load %arg9[%swap3A_45, %swap3A_46] {strides = array<i32>} : memref<128x256xf32, #tpu.memory_space<vmem>>, vector<1x16xf32>,
      %swap3A_48 = vector.shape_cast %swap3A_47 : vector<1x16xf32> to vector<16xf32>
      %swap3A_49 = vector.shape_cast %sub3A : vector<16xf32> to vector<1x16xf32>
      tpu.vector_store %arg9[%swap3A_45, %swap3A_46], %swap3A_49 {strides = array<i32>} : memref<128x256xf32, #tpu.memory_space<vmem>>, vector<1x16xf32>,
      %get3A_50 = arith.index_cast %scan3A_34 : i32 to index
      %get3A_51 = arith.constant 16 : index
      %get3A_52 = tpu.vector_load %arg9[%get3A_50, %get3A_51] {strides = array<i32>} : memref<128x256xf32, #tpu.memory_space<vmem>>, vector<1x16xf32>,
      %get3A_53 = vector.shape_cast %get3A_52 : vector<1x16xf32> to vector<16xf32>
      %get3A_54 = arith.index_cast %scan3A_34 : i32 to index
      %get3A_55 = arith.constant 16 : index
      %get3A_56 = tpu.vector_load %arg8[%get3A_54, %get3A_55] {strides = array<i32>} : memref<128x256xf32, #tpu.memory_space<vmem>>, vector<1x16xf32>,
      %get3A_57 = vector.shape_cast %get3A_56 : vector<1x16xf32> to vector<16xf32>
      %sub3A_58 = arith.subf %get3A_53, %get3A_57 : vector<16xf32>
      %mul3A_59 = arith.mulf %sub3A_58, %sub3A_58 : vector<16xf32>
      %add3A_60 = arith.addf %add3A_44, %mul3A_59 : vector<16xf32>
      %swap3A_61 = arith.index_cast %scan3A_34 : i32 to index
      %swap3A_62 = arith.constant 16 : index
      %swap3A_63 = tpu.vector_load %arg9[%swap3A_61, %swap3A_62] {strides = array<i32>} : memref<128x256xf32, #tpu.memory_space<vmem>>, vector<1x16xf32>,
      %swap3A_64 = vector.shape_cast %swap3A_63 : vector<1x16xf32> to vector<16xf32>
      %swap3A_65 = vector.shape_cast %sub3A_58 : vector<16xf32> to vector<1x16xf32>
      tpu.vector_store %arg9[%swap3A_61, %swap3A_62], %swap3A_65 {strides = array<i32>} : memref<128x256xf32, #tpu.memory_space<vmem>>, vector<1x16xf32>,
      %get3A_66 = arith.index_cast %scan3A_34 : i32 to index
      %get3A_67 = arith.constant 32 : index
      %get3A_68 = tpu.vector_load %arg9[%get3A_66, %get3A_67] {strides = array<i32>} : memref<128x256xf32, #tpu.memory_space<vmem>>, vector<1x16xf32>,
      %get3A_69 = vector.shape_cast %get3A_68 : vector<1x16xf32> to vector<16xf32>
      %get3A_70 = arith.index_cast %scan3A_34 : i32 to index
      %get3A_71 = arith.constant 32 : index
      %get3A_72 = tpu.vector_load %arg8[%get3A_70, %get3A_71] {strides = array<i32>} : memref<128x256xf32, #tpu.memory_space<vmem>>, vector<1x16xf32>,
      %get3A_73 = vector.shape_cast %get3A_72 : vector<1x16xf32> to vector<16xf32>
      %sub3A_74 = arith.subf %get3A_69, %get3A_73 : vector<16xf32>
      %mul3A_75 = arith.mulf %sub3A_74, %sub3A_74 : vector<16xf32>
      %add3A_76 = arith.addf %add3A_60, %mul3A_75 : vector<16xf32>
      %swap3A_77 = arith.index_cast %scan3A_34 : i32 to index
      %swap3A_78 = arith.constant 32 : index
      %swap3A_79 = tpu.vector_load %arg9[%swap3A_77, %swap3A_78] {strides = array<i32>} : memref<128x256xf32, #tpu.memory_space<vmem>>, vector<1x16xf32>,
      %swap3A_80 = vector.shape_cast %swap3A_79 : vector<1x16xf32> to vector<16xf32>
      %swap3A_81 = vector.shape_cast %sub3A_74 : vector<16xf32> to vector<1x16xf32>
      tpu.vector_store %arg9[%swap3A_77, %swap3A_78], %swap3A_81 {strides = array<i32>} : memref<128x256xf32, #tpu.memory_space<vmem>>, vector<1x16xf32>,
      %get3A_82 = arith.index_cast %scan3A_34 : i32 to index
      %get3A_83 = arith.constant 48 : index
      %get3A_84 = tpu.vector_load %arg9[%get3A_82, %get3A_83] {strides = array<i32>} : memref<128x256xf32, #tpu.memory_space<vmem>>, vector<1x16xf32>,
      %get3A_85 = vector.shape_cast %get3A_84 : vector<1x16xf32> to vector<16xf32>
      %get3A_86 = arith.index_cast %scan3A_34 : i32 to index
      %get3A_87 = arith.constant 48 : index
      %get3A_88 = tpu.vector_load %arg8[%get3A_86, %get3A_87] {strides = array<i32>} : memref<128x256xf32, #tpu.memory_space<vmem>>, vector<1x16xf32>,
      %get3A_89 = vector.shape_cast %get3A_88 : vector<1x16xf32> to vector<16xf32>
      %sub3A_90 = arith.subf %get3A_85, %get3A_89 : vector<16xf32>
      %mul3A_91 = arith.mulf %sub3A_90, %sub3A_90 : vector<16xf32>
      %add3A_92 = arith.addf %add3A_76, %mul3A_91 : vector<16xf32>
      %swap3A_93 = arith.index_cast %scan3A_34 : i32 to index
      %swap3A_94 = arith.constant 48 : index
      %swap3A_95 = tpu.vector_load %arg9[%swap3A_93, %swap3A_94] {strides = array<i32>} : memref<128x256xf32, #tpu.memory_space<vmem>>, vector<1x16xf32>,
      %swap3A_96 = vector.shape_cast %swap3A_95 : vector<1x16xf32> to vector<16xf32>
      %swap3A_97 = vector.shape_cast %sub3A_90 : vector<16xf32> to vector<1x16xf32>
      tpu.vector_store %arg9[%swap3A_93, %swap3A_94], %swap3A_97 {strides = array<i32>} : memref<128x256xf32, #tpu.memory_space<vmem>>, vector<1x16xf32>,
      %get3A_98 = arith.index_cast %scan3A_34 : i32 to index
      %get3A_99 = arith.constant 64 : index
      %get3A_100 = tpu.vector_load %arg9[%get3A_98, %get3A_99] {strides = array<i32>} : memref<128x256xf32, #tpu.memory_space<vmem>>, vector<1x16xf32>,
      %get3A_101 = vector.shape_cast %get3A_100 : vector<1x16xf32> to vector<16xf32>
      %get3A_102 = arith.index_cast %scan3A_34 : i32 to index
      %get3A_103 = arith.constant 64 : index
      %get3A_104 = tpu.vector_load %arg8[%get3A_102, %get3A_103] {strides = array<i32>} : memref<128x256xf32, #tpu.memory_space<vmem>>, vector<1x16xf32>,
      %get3A_105 = vector.shape_cast %get3A_104 : vector<1x16xf32> to vector<16xf32>
      %sub3A_106 = arith.subf %get3A_101, %get3A_105 : vector<16xf32>
      %mul3A_107 = arith.mulf %sub3A_106, %sub3A_106 : vector<16xf32>
      %add3A_108 = arith.addf %add3A_92, %mul3A_107 : vector<16xf32>
      %swap3A_109 = arith.index_cast %scan3A_34 : i32 to index
      %swap3A_110 = arith.constant 64 : index
      %swap3A_111 = tpu.vector_load %arg9[%swap3A_109, %swap3A_110] {strides = array<i32>} : memref<128x256xf32, #tpu.memory_space<vmem>>, vector<1x16xf32>,
      %swap3A_112 = vector.shape_cast %swap3A_111 : vector<1x16xf32> to vector<16xf32>
      %swap3A_113 = vector.shape_cast %sub3A_106 : vector<16xf32> to vector<1x16xf32>
      tpu.vector_store %arg9[%swap3A_109, %swap3A_110], %swap3A_113 {strides = array<i32>} : memref<128x256xf32, #tpu.memory_space<vmem>>, vector<1x16xf32>,
      %get3A_114 = arith.index_cast %scan3A_34 : i32 to index
      %get3A_115 = arith.constant 80 : index
      %get3A_116 = tpu.vector_load %arg9[%get3A_114, %get3A_115] {strides = array<i32>} : memref<128x256xf32, #tpu.memory_space<vmem>>, vector<1x16xf32>,
      %get3A_117 = vector.shape_cast %get3A_116 : vector<1x16xf32> to vector<16xf32>
      %get3A_118 = arith.index_cast %scan3A_34 : i32 to index
      %get3A_119 = arith.constant 80 : index
      %get3A_120 = tpu.vector_load %arg8[%get3A_118, %get3A_119] {strides = array<i32>} : memref<128x256xf32, #tpu.memory_space<vmem>>, vector<1x16xf32>,
      %get3A_121 = vector.shape_cast %get3A_120 : vector<1x16xf32> to vector<16xf32>
      %sub3A_122 = arith.subf %get3A_117, %get3A_121 : vector<16xf32>
      %mul3A_123 = arith.mulf %sub3A_122, %sub3A_122 : vector<16xf32>
      %add3A_124 = arith.addf %add3A_108, %mul3A_123 : vector<16xf32>
      %swap3A_125 = arith.index_cast %scan3A_34 : i32 to index
      %swap3A_126 = arith.constant 80 : index
      %swap3A_127 = tpu.vector_load %arg9[%swap3A_125, %swap3A_126] {strides = array<i32>} : memref<128x256xf32, #tpu.memory_space<vmem>>, vector<1x16xf32>,
      %swap3A_128 = vector.shape_cast %swap3A_127 : vector<1x16xf32> to vector<16xf32>
      %swap3A_129 = vector.shape_cast %sub3A_122 : vector<16xf32> to vector<1x16xf32>
      tpu.vector_store %arg9[%swap3A_125, %swap3A_126], %swap3A_129 {strides = array<i32>} : memref<128x256xf32, #tpu.memory_space<vmem>>, vector<1x16xf32>,
      %get3A_130 = arith.index_cast %scan3A_34 : i32 to index
      %get3A_131 = arith.constant 96 : index
      %get3A_132 = tpu.vector_load %arg9[%get3A_130, %get3A_131] {strides = array<i32>} : memref<128x256xf32, #tpu.memory_space<vmem>>, vector<1x16xf32>,
      %get3A_133 = vector.shape_cast %get3A_132 : vector<1x16xf32> to vector<16xf32>
      %get3A_134 = arith.index_cast %scan3A_34 : i32 to index
      %get3A_135 = arith.constant 96 : index
      %get3A_136 = tpu.vector_load %arg8[%get3A_134, %get3A_135] {strides = array<i32>} : memref<128x256xf32, #tpu.memory_space<vmem>>, vector<1x16xf32>,
      %get3A_137 = vector.shape_cast %get3A_136 : vector<1x16xf32> to vector<16xf32>
      %sub3A_138 = arith.subf %get3A_133, %get3A_137 : vector<16xf32>
      %mul3A_139 = arith.mulf %sub3A_138, %sub3A_138 : vector<16xf32>
      %add3A_140 = arith.addf %add3A_124, %mul3A_139 : vector<16xf32>
      %swap3A_141 = arith.index_cast %scan3A_34 : i32 to index
      %swap3A_142 = arith.constant 96 : index
      %swap3A_143 = tpu.vector_load %arg9[%swap3A_141, %swap3A_142] {strides = array<i32>} : memref<128x256xf32, #tpu.memory_space<vmem>>, vector<1x16xf32>,
      %swap3A_144 = vector.shape_cast %swap3A_143 : vector<1x16xf32> to vector<16xf32>
      %swap3A_145 = vector.shape_cast %sub3A_138 : vector<16xf32> to vector<1x16xf32>
      tpu.vector_store %arg9[%swap3A_141, %swap3A_142], %swap3A_145 {strides = array<i32>} : memref<128x256xf32, #tpu.memory_space<vmem>>, vector<1x16xf32>,
      %get3A_146 = arith.index_cast %scan3A_34 : i32 to index
      %get3A_147 = arith.constant 112 : index
      %get3A_148 = tpu.vector_load %arg9[%get3A_146, %get3A_147] {strides = array<i32>} : memref<128x256xf32, #tpu.memory_space<vmem>>, vector<1x16xf32>,
      %get3A_149 = vector.shape_cast %get3A_148 : vector<1x16xf32> to vector<16xf32>
      %get3A_150 = arith.index_cast %scan3A_34 : i32 to index
      %get3A_151 = arith.constant 112 : index
      %get3A_152 = tpu.vector_load %arg8[%get3A_150, %get3A_151] {strides = array<i32>} : memref<128x256xf32, #tpu.memory_space<vmem>>, vector<1x16xf32>,
      %get3A_153 = vector.shape_cast %get3A_152 : vector<1x16xf32> to vector<16xf32>
      %sub3A_154 = arith.subf %get3A_149, %get3A_153 : vector<16xf32>
      %mul3A_155 = arith.mulf %sub3A_154, %sub3A_154 : vector<16xf32>
      %add3A_156 = arith.addf %add3A_140, %mul3A_155 : vector<16xf32>
      %swap3A_157 = arith.index_cast %scan3A_34 : i32 to index
      %swap3A_158 = arith.constant 112 : index
      %swap3A_159 = tpu.vector_load %arg9[%swap3A_157, %swap3A_158] {strides = array<i32>} : memref<128x256xf32, #tpu.memory_space<vmem>>, vector<1x16xf32>,
      %swap3A_160 = vector.shape_cast %swap3A_159 : vector<1x16xf32> to vector<16xf32>
      %swap3A_161 = vector.shape_cast %sub3A_154 : vector<16xf32> to vector<1x16xf32>
      tpu.vector_store %arg9[%swap3A_157, %swap3A_158], %swap3A_161 {strides = array<i32>} : memref<128x256xf32, #tpu.memory_space<vmem>>, vector<1x16xf32>,
      %get3A_162 = arith.index_cast %scan3A_34 : i32 to index
      %get3A_163 = arith.constant 128 : index
      %get3A_164 = tpu.vector_load %arg9[%get3A_162, %get3A_163] {strides = array<i32>} : memref<128x256xf32, #tpu.memory_space<vmem>>, vector<1x16xf32>,
      %get3A_165 = vector.shape_cast %get3A_164 : vector<1x16xf32> to vector<16xf32>
      %get3A_166 = arith.index_cast %scan3A_34 : i32 to index
      %get3A_167 = arith.constant 128 : index
      %get3A_168 = tpu.vector_load %arg8[%get3A_166, %get3A_167] {strides = array<i32>} : memref<128x256xf32, #tpu.memory_space<vmem>>, vector<1x16xf32>,
      %get3A_169 = vector.shape_cast %get3A_168 : vector<1x16xf32> to vector<16xf32>
      %sub3A_170 = arith.subf %get3A_165, %get3A_169 : vector<16xf32>
      %mul3A_171 = arith.mulf %sub3A_170, %sub3A_170 : vector<16xf32>
      %add3A_172 = arith.addf %add3A_156, %mul3A_171 : vector<16xf32>
      %swap3A_173 = arith.index_cast %scan3A_34 : i32 to index
      %swap3A_174 = arith.constant 128 : index
      %swap3A_175 = tpu.vector_load %arg9[%swap3A_173, %swap3A_174] {strides = array<i32>} : memref<128x256xf32, #tpu.memory_space<vmem>>, vector<1x16xf32>,
      %swap3A_176 = vector.shape_cast %swap3A_175 : vector<1x16xf32> to vector<16xf32>
      %swap3A_177 = vector.shape_cast %sub3A_170 : vector<16xf32> to vector<1x16xf32>
      tpu.vector_store %arg9[%swap3A_173, %swap3A_174], %swap3A_177 {strides = array<i32>} : memref<128x256xf32, #tpu.memory_space<vmem>>, vector<1x16xf32>,
      %get3A_178 = arith.index_cast %scan3A_34 : i32 to index
      %get3A_179 = arith.constant 144 : index
      %get3A_180 = tpu.vector_load %arg9[%get3A_178, %get3A_179] {strides = array<i32>} : memref<128x256xf32, #tpu.memory_space<vmem>>, vector<1x16xf32>,
      %get3A_181 = vector.shape_cast %get3A_180 : vector<1x16xf32> to vector<16xf32>
      %get3A_182 = arith.index_cast %scan3A_34 : i32 to index
      %get3A_183 = arith.constant 144 : index
      %get3A_184 = tpu.vector_load %arg8[%get3A_182, %get3A_183] {strides = array<i32>} : memref<128x256xf32, #tpu.memory_space<vmem>>, vector<1x16xf32>,
      %get3A_185 = vector.shape_cast %get3A_184 : vector<1x16xf32> to vector<16xf32>
      %sub3A_186 = arith.subf %get3A_181, %get3A_185 : vector<16xf32>
      %mul3A_187 = arith.mulf %sub3A_186, %sub3A_186 : vector<16xf32>
      %add3A_188 = arith.addf %add3A_172, %mul3A_187 : vector<16xf32>
      %swap3A_189 = arith.index_cast %scan3A_34 : i32 to index
      %swap3A_190 = arith.constant 144 : index
      %swap3A_191 = tpu.vector_load %arg9[%swap3A_189, %swap3A_190] {strides = array<i32>} : memref<128x256xf32, #tpu.memory_space<vmem>>, vector<1x16xf32>,
      %swap3A_192 = vector.shape_cast %swap3A_191 : vector<1x16xf32> to vector<16xf32>
      %swap3A_193 = vector.shape_cast %sub3A_186 : vector<16xf32> to vector<1x16xf32>
      tpu.vector_store %arg9[%swap3A_189, %swap3A_190], %swap3A_193 {strides = array<i32>} : memref<128x256xf32, #tpu.memory_space<vmem>>, vector<1x16xf32>,
      %get3A_194 = arith.index_cast %scan3A_34 : i32 to index
      %get3A_195 = arith.constant 160 : index
      %get3A_196 = tpu.vector_load %arg9[%get3A_194, %get3A_195] {strides = array<i32>} : memref<128x256xf32, #tpu.memory_space<vmem>>, vector<1x16xf32>,
      %get3A_197 = vector.shape_cast %get3A_196 : vector<1x16xf32> to vector<16xf32>
      %get3A_198 = arith.index_cast %scan3A_34 : i32 to index
      %get3A_199 = arith.constant 160 : index
      %get3A_200 = tpu.vector_load %arg8[%get3A_198, %get3A_199] {strides = array<i32>} : memref<128x256xf32, #tpu.memory_space<vmem>>, vector<1x16xf32>,
      %get3A_201 = vector.shape_cast %get3A_200 : vector<1x16xf32> to vector<16xf32>
      %sub3A_202 = arith.subf %get3A_197, %get3A_201 : vector<16xf32>
      %mul3A_203 = arith.mulf %sub3A_202, %sub3A_202 : vector<16xf32>
      %add3A_204 = arith.addf %add3A_188, %mul3A_203 : vector<16xf32>
      %swap3A_205 = arith.index_cast %scan3A_34 : i32 to index
      %swap3A_206 = arith.constant 160 : index
      %swap3A_207 = tpu.vector_load %arg9[%swap3A_205, %swap3A_206] {strides = array<i32>} : memref<128x256xf32, #tpu.memory_space<vmem>>, vector<1x16xf32>,
      %swap3A_208 = vector.shape_cast %swap3A_207 : vector<1x16xf32> to vector<16xf32>
      %swap3A_209 = vector.shape_cast %sub3A_202 : vector<16xf32> to vector<1x16xf32>
      tpu.vector_store %arg9[%swap3A_205, %swap3A_206], %swap3A_209 {strides = array<i32>} : memref<128x256xf32, #tpu.memory_space<vmem>>, vector<1x16xf32>,
      %get3A_210 = arith.index_cast %scan3A_34 : i32 to index
      %get3A_211 = arith.constant 176 : index
      %get3A_212 = tpu.vector_load %arg9[%get3A_210, %get3A_211] {strides = array<i32>} : memref<128x256xf32, #tpu.memory_space<vmem>>, vector<1x16xf32>,
      %get3A_213 = vector.shape_cast %get3A_212 : vector<1x16xf32> to vector<16xf32>
      %get3A_214 = arith.index_cast %scan3A_34 : i32 to index
      %get3A_215 = arith.constant 176 : index
      %get3A_216 = tpu.vector_load %arg8[%get3A_214, %get3A_215] {strides = array<i32>} : memref<128x256xf32, #tpu.memory_space<vmem>>, vector<1x16xf32>,
      %get3A_217 = vector.shape_cast %get3A_216 : vector<1x16xf32> to vector<16xf32>
      %sub3A_218 = arith.subf %get3A_213, %get3A_217 : vector<16xf32>
      %mul3A_219 = arith.mulf %sub3A_218, %sub3A_218 : vector<16xf32>
      %add3A_220 = arith.addf %add3A_204, %mul3A_219 : vector<16xf32>
      %swap3A_221 = arith.index_cast %scan3A_34 : i32 to index
      %swap3A_222 = arith.constant 176 : index
      %swap3A_223 = tpu.vector_load %arg9[%swap3A_221, %swap3A_222] {strides = array<i32>} : memref<128x256xf32, #tpu.memory_space<vmem>>, vector<1x16xf32>,
      %swap3A_224 = vector.shape_cast %swap3A_223 : vector<1x16xf32> to vector<16xf32>
      %swap3A_225 = vector.shape_cast %sub3A_218 : vector<16xf32> to vector<1x16xf32>
      tpu.vector_store %arg9[%swap3A_221, %swap3A_222], %swap3A_225 {strides = array<i32>} : memref<128x256xf32, #tpu.memory_space<vmem>>, vector<1x16xf32>,
      %get3A_226 = arith.index_cast %scan3A_34 : i32 to index
      %get3A_227 = arith.constant 192 : index
      %get3A_228 = tpu.vector_load %arg9[%get3A_226, %get3A_227] {strides = array<i32>} : memref<128x256xf32, #tpu.memory_space<vmem>>, vector<1x16xf32>,
      %get3A_229 = vector.shape_cast %get3A_228 : vector<1x16xf32> to vector<16xf32>
      %get3A_230 = arith.index_cast %scan3A_34 : i32 to index
      %get3A_231 = arith.constant 192 : index
      %get3A_232 = tpu.vector_load %arg8[%get3A_230, %get3A_231] {strides = array<i32>} : memref<128x256xf32, #tpu.memory_space<vmem>>, vector<1x16xf32>,
      %get3A_233 = vector.shape_cast %get3A_232 : vector<1x16xf32> to vector<16xf32>
      %sub3A_234 = arith.subf %get3A_229, %get3A_233 : vector<16xf32>
      %mul3A_235 = arith.mulf %sub3A_234, %sub3A_234 : vector<16xf32>
      %add3A_236 = arith.addf %add3A_220, %mul3A_235 : vector<16xf32>
      %swap3A_237 = arith.index_cast %scan3A_34 : i32 to index
      %swap3A_238 = arith.constant 192 : index
      %swap3A_239 = tpu.vector_load %arg9[%swap3A_237, %swap3A_238] {strides = array<i32>} : memref<128x256xf32, #tpu.memory_space<vmem>>, vector<1x16xf32>,
      %swap3A_240 = vector.shape_cast %swap3A_239 : vector<1x16xf32> to vector<16xf32>
      %swap3A_241 = vector.shape_cast %sub3A_234 : vector<16xf32> to vector<1x16xf32>
      tpu.vector_store %arg9[%swap3A_237, %swap3A_238], %swap3A_241 {strides = array<i32>} : memref<128x256xf32, #tpu.memory_space<vmem>>, vector<1x16xf32>,
      %get3A_242 = arith.index_cast %scan3A_34 : i32 to index
      %get3A_243 = arith.constant 208 : index
      %get3A_244 = tpu.vector_load %arg9[%get3A_242, %get3A_243] {strides = array<i32>} : memref<128x256xf32, #tpu.memory_space<vmem>>, vector<1x16xf32>,
      %get3A_245 = vector.shape_cast %get3A_244 : vector<1x16xf32> to vector<16xf32>
      %get3A_246 = arith.index_cast %scan3A_34 : i32 to index
      %get3A_247 = arith.constant 208 : index
      %get3A_248 = tpu.vector_load %arg8[%get3A_246, %get3A_247] {strides = array<i32>} : memref<128x256xf32, #tpu.memory_space<vmem>>, vector<1x16xf32>,
      %get3A_249 = vector.shape_cast %get3A_248 : vector<1x16xf32> to vector<16xf32>
      %sub3A_250 = arith.subf %get3A_245, %get3A_249 : vector<16xf32>
      %mul3A_251 = arith.mulf %sub3A_250, %sub3A_250 : vector<16xf32>
      %add3A_252 = arith.addf %add3A_236, %mul3A_251 : vector<16xf32>
      %swap3A_253 = arith.index_cast %scan3A_34 : i32 to index
      %swap3A_254 = arith.constant 208 : index
      %swap3A_255 = tpu.vector_load %arg9[%swap3A_253, %swap3A_254] {strides = array<i32>} : memref<128x256xf32, #tpu.memory_space<vmem>>, vector<1x16xf32>,
      %swap3A_256 = vector.shape_cast %swap3A_255 : vector<1x16xf32> to vector<16xf32>
      %swap3A_257 = vector.shape_cast %sub3A_250 : vector<16xf32> to vector<1x16xf32>
      tpu.vector_store %arg9[%swap3A_253, %swap3A_254], %swap3A_257 {strides = array<i32>} : memref<128x256xf32, #tpu.memory_space<vmem>>, vector<1x16xf32>,
      %get3A_258 = arith.index_cast %scan3A_34 : i32 to index
      %get3A_259 = arith.constant 224 : index
      %get3A_260 = tpu.vector_load %arg9[%get3A_258, %get3A_259] {strides = array<i32>} : memref<128x256xf32, #tpu.memory_space<vmem>>, vector<1x16xf32>,
      %get3A_261 = vector.shape_cast %get3A_260 : vector<1x16xf32> to vector<16xf32>
      %get3A_262 = arith.index_cast %scan3A_34 : i32 to index
      %get3A_263 = arith.constant 224 : index
      %get3A_264 = tpu.vector_load %arg8[%get3A_262, %get3A_263] {strides = array<i32>} : memref<128x256xf32, #tpu.memory_space<vmem>>, vector<1x16xf32>,
      %get3A_265 = vector.shape_cast %get3A_264 : vector<1x16xf32> to vector<16xf32>
      %sub3A_266 = arith.subf %get3A_261, %get3A_265 : vector<16xf32>
      %mul3A_267 = arith.mulf %sub3A_266, %sub3A_266 : vector<16xf32>
      %add3A_268 = arith.addf %add3A_252, %mul3A_267 : vector<16xf32>
      %swap3A_269 = arith.index_cast %scan3A_34 : i32 to index
      %swap3A_270 = arith.constant 224 : index
      %swap3A_271 = tpu.vector_load %arg9[%swap3A_269, %swap3A_270] {strides = array<i32>} : memref<128x256xf32, #tpu.memory_space<vmem>>, vector<1x16xf32>,
      %swap3A_272 = vector.shape_cast %swap3A_271 : vector<1x16xf32> to vector<16xf32>
      %swap3A_273 = vector.shape_cast %sub3A_266 : vector<16xf32> to vector<1x16xf32>
      tpu.vector_store %arg9[%swap3A_269, %swap3A_270], %swap3A_273 {strides = array<i32>} : memref<128x256xf32, #tpu.memory_space<vmem>>, vector<1x16xf32>,
      %get3A_274 = arith.index_cast %scan3A_34 : i32 to index
      %get3A_275 = arith.constant 240 : index
      %get3A_276 = tpu.vector_load %arg9[%get3A_274, %get3A_275] {strides = array<i32>} : memref<128x256xf32, #tpu.memory_space<vmem>>, vector<1x16xf32>,
      %get3A_277 = vector.shape_cast %get3A_276 : vector<1x16xf32> to vector<16xf32>
      %get3A_278 = arith.index_cast %scan3A_34 : i32 to index
      %get3A_279 = arith.constant 240 : index
      %get3A_280 = tpu.vector_load %arg8[%get3A_278, %get3A_279] {strides = array<i32>} : memref<128x256xf32, #tpu.memory_space<vmem>>, vector<1x16xf32>,
      %get3A_281 = vector.shape_cast %get3A_280 : vector<1x16xf32> to vector<16xf32>
      %sub3A_282 = arith.subf %get3A_277, %get3A_281 : vector<16xf32>
      %mul3A_283 = arith.mulf %sub3A_282, %sub3A_282 : vector<16xf32>
      %add3A_284 = arith.addf %add3A_268, %mul3A_283 : vector<16xf32>
      %swap3A_285 = arith.index_cast %scan3A_34 : i32 to index
      %swap3A_286 = arith.constant 240 : index
      %swap3A_287 = tpu.vector_load %arg9[%swap3A_285, %swap3A_286] {strides = array<i32>} : memref<128x256xf32, #tpu.memory_space<vmem>>, vector<1x16xf32>,
      %swap3A_288 = vector.shape_cast %swap3A_287 : vector<1x16xf32> to vector<16xf32>
      %swap3A_289 = vector.shape_cast %sub3A_282 : vector<16xf32> to vector<1x16xf32>
      tpu.vector_store %arg9[%swap3A_285, %swap3A_286], %swap3A_289 {strides = array<i32>} : memref<128x256xf32, #tpu.memory_space<vmem>>, vector<1x16xf32>,
      scf.yield %add3A_284 : vector<16xf32>
    }
    %scan3A_14 = arith.constant 128 : i32
    "tpu.region"() ({
      %run_scoped3A = tpu.sem_alloc : memref<!tpu.dma_semaphore, #tpu.memory_space<semaphore_mem>>
      %dma_start3A_34 = arith.constant 0 : i32
      %dma_start3A_35 = tpu.memref_slice %arg5[%add3A_5, %dma_start3A_34] : memref<8192x256xf32, #tpu.memory_space<hbm>> -> memref<128x256xf32, #tpu.memory_space<hbm>>
      %dma_start3A_36 = arith.constant 0 : i32
      %dma_start3A_37 = tpu.memref_slice %arg5[%add3A_5, %dma_start3A_36] : memref<8192x256xf32, #tpu.memory_space<hbm>> -> memref<128x256xf32, #tpu.memory_space<hbm>>
      tpu.enqueue_dma source(%arg9 : memref<128x256xf32, #tpu.memory_space<vmem>>) target(%dma_start3A_37 : memref<128x256xf32, #tpu.memory_space<hbm>>) target_semaphore(%run_scoped3A : memref<!tpu.dma_semaphore, #tpu.memory_space<semaphore_mem>>)
      %dma_wait3A_38 = arith.constant 0 : i32
      %dma_wait3A_39 = tpu.memref_slice %arg5[%add3A_5, %dma_wait3A_38] : memref<8192x256xf32, #tpu.memory_space<hbm>> -> memref<128x256xf32, #tpu.memory_space<hbm>>
      %dma_wait3A_40 = arith.constant 0 : i32
      %dma_wait3A_41 = tpu.memref_slice %arg5[%add3A_5, %dma_wait3A_40] : memref<8192x256xf32, #tpu.memory_space<hbm>> -> memref<128x256xf32, #tpu.memory_space<hbm>>
      tpu.wait_dma2 semaphore(%run_scoped3A : memref<!tpu.dma_semaphore, #tpu.memory_space<semaphore_mem>>) src(%arg9 : memref<128x256xf32, #tpu.memory_space<vmem>>) dst(%dma_wait3A_41 : memref<128x256xf32, #tpu.memory_space<hbm>>)
      tpu.yield
    }) : () -> ()
    %mul3A_15 = arith.constant 256 : i32
    %mul3A_16 = arith.muli %add3A, %mul3A_15 : i32
    %add3A_17 = arith.constant 128 : i32
    %add3A_18 = arith.addi %mul3A_16, %add3A_17 : i32
    "tpu.region"() ({
      %run_scoped3A = tpu.sem_alloc : memref<!tpu.dma_semaphore, #tpu.memory_space<semaphore_mem>>
      %dma_start3A_34 = tpu.memref_slice %arg3[%add3A_18] : memref<8192xi32, #tpu.memory_space<hbm>> -> memref<128xi32, #tpu.memory_space<hbm>>
      %dma_start3A_35 = tpu.memref_slice %arg3[%add3A_18] : memref<8192xi32, #tpu.memory_space<hbm>> -> memref<128xi32, #tpu.memory_space<hbm>>
      tpu.enqueue_dma source(%dma_start3A_35 : memref<128xi32, #tpu.memory_space<hbm>>) target(%arg7 : memref<128xi32, #tpu.memory_space<vmem>>) target_semaphore(%run_scoped3A : memref<!tpu.dma_semaphore, #tpu.memory_space<semaphore_mem>>)
      %dma_wait3A_36 = tpu.memref_slice %arg3[%add3A_18] : memref<8192xi32, #tpu.memory_space<hbm>> -> memref<128xi32, #tpu.memory_space<hbm>>
      %dma_wait3A_37 = tpu.memref_slice %arg3[%add3A_18] : memref<8192xi32, #tpu.memory_space<hbm>> -> memref<128xi32, #tpu.memory_space<hbm>>
      tpu.wait_dma2 semaphore(%run_scoped3A : memref<!tpu.dma_semaphore, #tpu.memory_space<semaphore_mem>>) src(%dma_wait3A_37 : memref<128xi32, #tpu.memory_space<hbm>>) dst(%arg7 : memref<128xi32, #tpu.memory_space<vmem>>)
      tpu.yield
    }) : () -> ()
    %dma_start3A_19 = arith.constant 0 : i32
    %dma_start3A_20 = arith.constant 0 : i32
    %dma_start3A_21 = tpu.memref_slice %arg2[%dma_start3A_19, %dma_start3A_20] : memref<8192x256xf32, #tpu.memory_space<hbm>> -> memref<8192x256xf32, #tpu.memory_space<hbm>>
    tpu.enqueue_indirect_dma source(%dma_start3A_21 : memref<8192x256xf32, #tpu.memory_space<hbm>>) target(%arg8 : memref<128x256xf32, #tpu.memory_space<vmem>>) offsets(%arg7 : memref<128xi32, #tpu.memory_space<vmem>>) semaphore(%arg11 : memref<!tpu.dma_semaphore, #tpu.memory_space<semaphore_mem>>)
    %dma_wait3A_22 = arith.constant 0 : i32
    %dma_wait3A_23 = arith.constant 0 : i32
    %dma_wait3A_24 = tpu.memref_slice %arg2[%dma_wait3A_22, %dma_wait3A_23] : memref<8192x256xf32, #tpu.memory_space<hbm>> -> memref<8192x256xf32, #tpu.memory_space<hbm>>
    tpu.wait_indirect_dma semaphore(%arg11 : memref<!tpu.dma_semaphore, #tpu.memory_space<semaphore_mem>>) src(%dma_wait3A_24 : memref<8192x256xf32, #tpu.memory_space<hbm>>) dst(%arg8 : memref<128x256xf32, #tpu.memory_space<vmem>>)
    "tpu.region"() ({
      %run_scoped3A = tpu.sem_alloc : memref<!tpu.dma_semaphore, #tpu.memory_space<semaphore_mem>>
      %dma_start3A_34 = arith.constant 0 : i32
      %dma_start3A_35 = tpu.memref_slice %arg4[%add3A_18, %dma_start3A_34] : memref<8192x256xf32, #tpu.memory_space<hbm>> -> memref<128x256xf32, #tpu.memory_space<hbm>>
      %dma_start3A_36 = arith.constant 0 : i32
      %dma_start3A_37 = tpu.memref_slice %arg4[%add3A_18, %dma_start3A_36] : memref<8192x256xf32, #tpu.memory_space<hbm>> -> memref<128x256xf32, #tpu.memory_space<hbm>>
      tpu.enqueue_dma source(%dma_start3A_37 : memref<128x256xf32, #tpu.memory_space<hbm>>) target(%arg9 : memref<128x256xf32, #tpu.memory_space<vmem>>) target_semaphore(%run_scoped3A : memref<!tpu.dma_semaphore, #tpu.memory_space<semaphore_mem>>)
      %dma_wait3A_38 = arith.constant 0 : i32
      %dma_wait3A_39 = tpu.memref_slice %arg4[%add3A_18, %dma_wait3A_38] : memref<8192x256xf32, #tpu.memory_space<hbm>> -> memref<128x256xf32, #tpu.memory_space<hbm>>
      %dma_wait3A_40 = arith.constant 0 : i32
      %dma_wait3A_41 = tpu.memref_slice %arg4[%add3A_18, %dma_wait3A_40] : memref<8192x256xf32, #tpu.memory_space<hbm>> -> memref<128x256xf32, #tpu.memory_space<hbm>>
      tpu.wait_dma2 semaphore(%run_scoped3A : memref<!tpu.dma_semaphore, #tpu.memory_space<semaphore_mem>>) src(%dma_wait3A_41 : memref<128x256xf32, #tpu.memory_space<hbm>>) dst(%arg9 : memref<128x256xf32, #tpu.memory_space<vmem>>)
      tpu.yield
    }) : () -> ()
    %scan3A_25 = arith.constant 0 : i32
    %scan3A_26 = arith.constant 128 : i32
    %scan3A_27 = arith.addi %scan3A_25, %scan3A_26 : i32
    %scan3A_28 = arith.constant 1 : i32
    %scan3A_29 = scf.for %scan3A_34 = %scan3A_25 to %scan3A_27 step %scan3A_28 iter_args(%scan3A_35 = %scan3A_13) -> (vector<16xf32>)  : i32 {
      %get3A = arith.index_cast %scan3A_34 : i32 to index
      %get3A_36 = arith.constant 0 : index
      %get3A_37 = tpu.vector_load %arg9[%get3A, %get3A_36] {strides = array<i32>} : memref<128x256xf32, #tpu.memory_space<vmem>>, vector<1x16xf32>,
      %get3A_38 = vector.shape_cast %get3A_37 : vector<1x16xf32> to vector<16xf32>
      %get3A_39 = arith.index_cast %scan3A_34 : i32 to index
      %get3A_40 = arith.constant 0 : index
      %get3A_41 = tpu.vector_load %arg8[%get3A_39, %get3A_40] {strides = array<i32>} : memref<128x256xf32, #tpu.memory_space<vmem>>, vector<1x16xf32>,
      %get3A_42 = vector.shape_cast %get3A_41 : vector<1x16xf32> to vector<16xf32>
      %sub3A = arith.subf %get3A_38, %get3A_42 : vector<16xf32>
      %mul3A_43 = arith.mulf %sub3A, %sub3A : vector<16xf32>
      %add3A_44 = arith.addf %scan3A_35, %mul3A_43 : vector<16xf32>
      %swap3A_45 = arith.index_cast %scan3A_34 : i32 to index
      %swap3A_46 = arith.constant 0 : index
      %swap3A_47 = tpu.vector_load %arg9[%swap3A_45, %swap3A_46] {strides = array<i32>} : memref<128x256xf32, #tpu.memory_space<vmem>>, vector<1x16xf32>,
      %swap3A_48 = vector.shape_cast %swap3A_47 : vector<1x16xf32> to vector<16xf32>
      %swap3A_49 = vector.shape_cast %sub3A : vector<16xf32> to vector<1x16xf32>
      tpu.vector_store %arg9[%swap3A_45, %swap3A_46], %swap3A_49 {strides = array<i32>} : memref<128x256xf32, #tpu.memory_space<vmem>>, vector<1x16xf32>,
      %get3A_50 = arith.index_cast %scan3A_34 : i32 to index
      %get3A_51 = arith.constant 16 : index
      %get3A_52 = tpu.vector_load %arg9[%get3A_50, %get3A_51] {strides = array<i32>} : memref<128x256xf32, #tpu.memory_space<vmem>>, vector<1x16xf32>,
      %get3A_53 = vector.shape_cast %get3A_52 : vector<1x16xf32> to vector<16xf32>
      %get3A_54 = arith.index_cast %scan3A_34 : i32 to index
      %get3A_55 = arith.constant 16 : index
      %get3A_56 = tpu.vector_load %arg8[%get3A_54, %get3A_55] {strides = array<i32>} : memref<128x256xf32, #tpu.memory_space<vmem>>, vector<1x16xf32>,
      %get3A_57 = vector.shape_cast %get3A_56 : vector<1x16xf32> to vector<16xf32>
      %sub3A_58 = arith.subf %get3A_53, %get3A_57 : vector<16xf32>
      %mul3A_59 = arith.mulf %sub3A_58, %sub3A_58 : vector<16xf32>
      %add3A_60 = arith.addf %add3A_44, %mul3A_59 : vector<16xf32>
      %swap3A_61 = arith.index_cast %scan3A_34 : i32 to index
      %swap3A_62 = arith.constant 16 : index
      %swap3A_63 = tpu.vector_load %arg9[%swap3A_61, %swap3A_62] {strides = array<i32>} : memref<128x256xf32, #tpu.memory_space<vmem>>, vector<1x16xf32>,
      %swap3A_64 = vector.shape_cast %swap3A_63 : vector<1x16xf32> to vector<16xf32>
      %swap3A_65 = vector.shape_cast %sub3A_58 : vector<16xf32> to vector<1x16xf32>
      tpu.vector_store %arg9[%swap3A_61, %swap3A_62], %swap3A_65 {strides = array<i32>} : memref<128x256xf32, #tpu.memory_space<vmem>>, vector<1x16xf32>,
      %get3A_66 = arith.index_cast %scan3A_34 : i32 to index
      %get3A_67 = arith.constant 32 : index
      %get3A_68 = tpu.vector_load %arg9[%get3A_66, %get3A_67] {strides = array<i32>} : memref<128x256xf32, #tpu.memory_space<vmem>>, vector<1x16xf32>,
      %get3A_69 = vector.shape_cast %get3A_68 : vector<1x16xf32> to vector<16xf32>
      %get3A_70 = arith.index_cast %scan3A_34 : i32 to index
      %get3A_71 = arith.constant 32 : index
      %get3A_72 = tpu.vector_load %arg8[%get3A_70, %get3A_71] {strides = array<i32>} : memref<128x256xf32, #tpu.memory_space<vmem>>, vector<1x16xf32>,
      %get3A_73 = vector.shape_cast %get3A_72 : vector<1x16xf32> to vector<16xf32>
      %sub3A_74 = arith.subf %get3A_69, %get3A_73 : vector<16xf32>
      %mul3A_75 = arith.mulf %sub3A_74, %sub3A_74 : vector<16xf32>
      %add3A_76 = arith.addf %add3A_60, %mul3A_75 : vector<16xf32>
      %swap3A_77 = arith.index_cast %scan3A_34 : i32 to index
      %swap3A_78 = arith.constant 32 : index
      %swap3A_79 = tpu.vector_load %arg9[%swap3A_77, %swap3A_78] {strides = array<i32>} : memref<128x256xf32, #tpu.memory_space<vmem>>, vector<1x16xf32>,
      %swap3A_80 = vector.shape_cast %swap3A_79 : vector<1x16xf32> to vector<16xf32>
      %swap3A_81 = vector.shape_cast %sub3A_74 : vector<16xf32> to vector<1x16xf32>
      tpu.vector_store %arg9[%swap3A_77, %swap3A_78], %swap3A_81 {strides = array<i32>} : memref<128x256xf32, #tpu.memory_space<vmem>>, vector<1x16xf32>,
      %get3A_82 = arith.index_cast %scan3A_34 : i32 to index
      %get3A_83 = arith.constant 48 : index
      %get3A_84 = tpu.vector_load %arg9[%get3A_82, %get3A_83] {strides = array<i32>} : memref<128x256xf32, #tpu.memory_space<vmem>>, vector<1x16xf32>,
      %get3A_85 = vector.shape_cast %get3A_84 : vector<1x16xf32> to vector<16xf32>
      %get3A_86 = arith.index_cast %scan3A_34 : i32 to index
      %get3A_87 = arith.constant 48 : index
      %get3A_88 = tpu.vector_load %arg8[%get3A_86, %get3A_87] {strides = array<i32>} : memref<128x256xf32, #tpu.memory_space<vmem>>, vector<1x16xf32>,
      %get3A_89 = vector.shape_cast %get3A_88 : vector<1x16xf32> to vector<16xf32>
      %sub3A_90 = arith.subf %get3A_85, %get3A_89 : vector<16xf32>
      %mul3A_91 = arith.mulf %sub3A_90, %sub3A_90 : vector<16xf32>
      %add3A_92 = arith.addf %add3A_76, %mul3A_91 : vector<16xf32>
      %swap3A_93 = arith.index_cast %scan3A_34 : i32 to index
      %swap3A_94 = arith.constant 48 : index
      %swap3A_95 = tpu.vector_load %arg9[%swap3A_93, %swap3A_94] {strides = array<i32>} : memref<128x256xf32, #tpu.memory_space<vmem>>, vector<1x16xf32>,
      %swap3A_96 = vector.shape_cast %swap3A_95 : vector<1x16xf32> to vector<16xf32>
      %swap3A_97 = vector.shape_cast %sub3A_90 : vector<16xf32> to vector<1x16xf32>
      tpu.vector_store %arg9[%swap3A_93, %swap3A_94], %swap3A_97 {strides = array<i32>} : memref<128x256xf32, #tpu.memory_space<vmem>>, vector<1x16xf32>,
      %get3A_98 = arith.index_cast %scan3A_34 : i32 to index
      %get3A_99 = arith.constant 64 : index
      %get3A_100 = tpu.vector_load %arg9[%get3A_98, %get3A_99] {strides = array<i32>} : memref<128x256xf32, #tpu.memory_space<vmem>>, vector<1x16xf32>,
      %get3A_101 = vector.shape_cast %get3A_100 : vector<1x16xf32> to vector<16xf32>
      %get3A_102 = arith.index_cast %scan3A_34 : i32 to index
      %get3A_103 = arith.constant 64 : index
      %get3A_104 = tpu.vector_load %arg8[%get3A_102, %get3A_103] {strides = array<i32>} : memref<128x256xf32, #tpu.memory_space<vmem>>, vector<1x16xf32>,
      %get3A_105 = vector.shape_cast %get3A_104 : vector<1x16xf32> to vector<16xf32>
      %sub3A_106 = arith.subf %get3A_101, %get3A_105 : vector<16xf32>
      %mul3A_107 = arith.mulf %sub3A_106, %sub3A_106 : vector<16xf32>
      %add3A_108 = arith.addf %add3A_92, %mul3A_107 : vector<16xf32>
      %swap3A_109 = arith.index_cast %scan3A_34 : i32 to index
      %swap3A_110 = arith.constant 64 : index
      %swap3A_111 = tpu.vector_load %arg9[%swap3A_109, %swap3A_110] {strides = array<i32>} : memref<128x256xf32, #tpu.memory_space<vmem>>, vector<1x16xf32>,
      %swap3A_112 = vector.shape_cast %swap3A_111 : vector<1x16xf32> to vector<16xf32>
      %swap3A_113 = vector.shape_cast %sub3A_106 : vector<16xf32> to vector<1x16xf32>
      tpu.vector_store %arg9[%swap3A_109, %swap3A_110], %swap3A_113 {strides = array<i32>} : memref<128x256xf32, #tpu.memory_space<vmem>>, vector<1x16xf32>,
      %get3A_114 = arith.index_cast %scan3A_34 : i32 to index
      %get3A_115 = arith.constant 80 : index
      %get3A_116 = tpu.vector_load %arg9[%get3A_114, %get3A_115] {strides = array<i32>} : memref<128x256xf32, #tpu.memory_space<vmem>>, vector<1x16xf32>,
      %get3A_117 = vector.shape_cast %get3A_116 : vector<1x16xf32> to vector<16xf32>
      %get3A_118 = arith.index_cast %scan3A_34 : i32 to index
      %get3A_119 = arith.constant 80 : index
      %get3A_120 = tpu.vector_load %arg8[%get3A_118, %get3A_119] {strides = array<i32>} : memref<128x256xf32, #tpu.memory_space<vmem>>, vector<1x16xf32>,
      %get3A_121 = vector.shape_cast %get3A_120 : vector<1x16xf32> to vector<16xf32>
      %sub3A_122 = arith.subf %get3A_117, %get3A_121 : vector<16xf32>
      %mul3A_123 = arith.mulf %sub3A_122, %sub3A_122 : vector<16xf32>
      %add3A_124 = arith.addf %add3A_108, %mul3A_123 : vector<16xf32>
      %swap3A_125 = arith.index_cast %scan3A_34 : i32 to index
      %swap3A_126 = arith.constant 80 : index
      %swap3A_127 = tpu.vector_load %arg9[%swap3A_125, %swap3A_126] {strides = array<i32>} : memref<128x256xf32, #tpu.memory_space<vmem>>, vector<1x16xf32>,
      %swap3A_128 = vector.shape_cast %swap3A_127 : vector<1x16xf32> to vector<16xf32>
      %swap3A_129 = vector.shape_cast %sub3A_122 : vector<16xf32> to vector<1x16xf32>
      tpu.vector_store %arg9[%swap3A_125, %swap3A_126], %swap3A_129 {strides = array<i32>} : memref<128x256xf32, #tpu.memory_space<vmem>>, vector<1x16xf32>,
      %get3A_130 = arith.index_cast %scan3A_34 : i32 to index
      %get3A_131 = arith.constant 96 : index
      %get3A_132 = tpu.vector_load %arg9[%get3A_130, %get3A_131] {strides = array<i32>} : memref<128x256xf32, #tpu.memory_space<vmem>>, vector<1x16xf32>,
      %get3A_133 = vector.shape_cast %get3A_132 : vector<1x16xf32> to vector<16xf32>
      %get3A_134 = arith.index_cast %scan3A_34 : i32 to index
      %get3A_135 = arith.constant 96 : index
      %get3A_136 = tpu.vector_load %arg8[%get3A_134, %get3A_135] {strides = array<i32>} : memref<128x256xf32, #tpu.memory_space<vmem>>, vector<1x16xf32>,
      %get3A_137 = vector.shape_cast %get3A_136 : vector<1x16xf32> to vector<16xf32>
      %sub3A_138 = arith.subf %get3A_133, %get3A_137 : vector<16xf32>
      %mul3A_139 = arith.mulf %sub3A_138, %sub3A_138 : vector<16xf32>
      %add3A_140 = arith.addf %add3A_124, %mul3A_139 : vector<16xf32>
      %swap3A_141 = arith.index_cast %scan3A_34 : i32 to index
      %swap3A_142 = arith.constant 96 : index
      %swap3A_143 = tpu.vector_load %arg9[%swap3A_141, %swap3A_142] {strides = array<i32>} : memref<128x256xf32, #tpu.memory_space<vmem>>, vector<1x16xf32>,
      %swap3A_144 = vector.shape_cast %swap3A_143 : vector<1x16xf32> to vector<16xf32>
      %swap3A_145 = vector.shape_cast %sub3A_138 : vector<16xf32> to vector<1x16xf32>
      tpu.vector_store %arg9[%swap3A_141, %swap3A_142], %swap3A_145 {strides = array<i32>} : memref<128x256xf32, #tpu.memory_space<vmem>>, vector<1x16xf32>,
      %get3A_146 = arith.index_cast %scan3A_34 : i32 to index
      %get3A_147 = arith.constant 112 : index
      %get3A_148 = tpu.vector_load %arg9[%get3A_146, %get3A_147] {strides = array<i32>} : memref<128x256xf32, #tpu.memory_space<vmem>>, vector<1x16xf32>,
      %get3A_149 = vector.shape_cast %get3A_148 : vector<1x16xf32> to vector<16xf32>
      %get3A_150 = arith.index_cast %scan3A_34 : i32 to index
      %get3A_151 = arith.constant 112 : index
      %get3A_152 = tpu.vector_load %arg8[%get3A_150, %get3A_151] {strides = array<i32>} : memref<128x256xf32, #tpu.memory_space<vmem>>, vector<1x16xf32>,
      %get3A_153 = vector.shape_cast %get3A_152 : vector<1x16xf32> to vector<16xf32>
      %sub3A_154 = arith.subf %get3A_149, %get3A_153 : vector<16xf32>
      %mul3A_155 = arith.mulf %sub3A_154, %sub3A_154 : vector<16xf32>
      %add3A_156 = arith.addf %add3A_140, %mul3A_155 : vector<16xf32>
      %swap3A_157 = arith.index_cast %scan3A_34 : i32 to index
      %swap3A_158 = arith.constant 112 : index
      %swap3A_159 = tpu.vector_load %arg9[%swap3A_157, %swap3A_158] {strides = array<i32>} : memref<128x256xf32, #tpu.memory_space<vmem>>, vector<1x16xf32>,
      %swap3A_160 = vector.shape_cast %swap3A_159 : vector<1x16xf32> to vector<16xf32>
      %swap3A_161 = vector.shape_cast %sub3A_154 : vector<16xf32> to vector<1x16xf32>
      tpu.vector_store %arg9[%swap3A_157, %swap3A_158], %swap3A_161 {strides = array<i32>} : memref<128x256xf32, #tpu.memory_space<vmem>>, vector<1x16xf32>,
      %get3A_162 = arith.index_cast %scan3A_34 : i32 to index
      %get3A_163 = arith.constant 128 : index
      %get3A_164 = tpu.vector_load %arg9[%get3A_162, %get3A_163] {strides = array<i32>} : memref<128x256xf32, #tpu.memory_space<vmem>>, vector<1x16xf32>,
      %get3A_165 = vector.shape_cast %get3A_164 : vector<1x16xf32> to vector<16xf32>
      %get3A_166 = arith.index_cast %scan3A_34 : i32 to index
      %get3A_167 = arith.constant 128 : index
      %get3A_168 = tpu.vector_load %arg8[%get3A_166, %get3A_167] {strides = array<i32>} : memref<128x256xf32, #tpu.memory_space<vmem>>, vector<1x16xf32>,
      %get3A_169 = vector.shape_cast %get3A_168 : vector<1x16xf32> to vector<16xf32>
      %sub3A_170 = arith.subf %get3A_165, %get3A_169 : vector<16xf32>
      %mul3A_171 = arith.mulf %sub3A_170, %sub3A_170 : vector<16xf32>
      %add3A_172 = arith.addf %add3A_156, %mul3A_171 : vector<16xf32>
      %swap3A_173 = arith.index_cast %scan3A_34 : i32 to index
      %swap3A_174 = arith.constant 128 : index
      %swap3A_175 = tpu.vector_load %arg9[%swap3A_173, %swap3A_174] {strides = array<i32>} : memref<128x256xf32, #tpu.memory_space<vmem>>, vector<1x16xf32>,
      %swap3A_176 = vector.shape_cast %swap3A_175 : vector<1x16xf32> to vector<16xf32>
      %swap3A_177 = vector.shape_cast %sub3A_170 : vector<16xf32> to vector<1x16xf32>
      tpu.vector_store %arg9[%swap3A_173, %swap3A_174], %swap3A_177 {strides = array<i32>} : memref<128x256xf32, #tpu.memory_space<vmem>>, vector<1x16xf32>,
      %get3A_178 = arith.index_cast %scan3A_34 : i32 to index
      %get3A_179 = arith.constant 144 : index
      %get3A_180 = tpu.vector_load %arg9[%get3A_178, %get3A_179] {strides = array<i32>} : memref<128x256xf32, #tpu.memory_space<vmem>>, vector<1x16xf32>,
      %get3A_181 = vector.shape_cast %get3A_180 : vector<1x16xf32> to vector<16xf32>
      %get3A_182 = arith.index_cast %scan3A_34 : i32 to index
      %get3A_183 = arith.constant 144 : index
      %get3A_184 = tpu.vector_load %arg8[%get3A_182, %get3A_183] {strides = array<i32>} : memref<128x256xf32, #tpu.memory_space<vmem>>, vector<1x16xf32>,
      %get3A_185 = vector.shape_cast %get3A_184 : vector<1x16xf32> to vector<16xf32>
      %sub3A_186 = arith.subf %get3A_181, %get3A_185 : vector<16xf32>
      %mul3A_187 = arith.mulf %sub3A_186, %sub3A_186 : vector<16xf32>
      %add3A_188 = arith.addf %add3A_172, %mul3A_187 : vector<16xf32>
      %swap3A_189 = arith.index_cast %scan3A_34 : i32 to index
      %swap3A_190 = arith.constant 144 : index
      %swap3A_191 = tpu.vector_load %arg9[%swap3A_189, %swap3A_190] {strides = array<i32>} : memref<128x256xf32, #tpu.memory_space<vmem>>, vector<1x16xf32>,
      %swap3A_192 = vector.shape_cast %swap3A_191 : vector<1x16xf32> to vector<16xf32>
      %swap3A_193 = vector.shape_cast %sub3A_186 : vector<16xf32> to vector<1x16xf32>
      tpu.vector_store %arg9[%swap3A_189, %swap3A_190], %swap3A_193 {strides = array<i32>} : memref<128x256xf32, #tpu.memory_space<vmem>>, vector<1x16xf32>,
      %get3A_194 = arith.index_cast %scan3A_34 : i32 to index
      %get3A_195 = arith.constant 160 : index
      %get3A_196 = tpu.vector_load %arg9[%get3A_194, %get3A_195] {strides = array<i32>} : memref<128x256xf32, #tpu.memory_space<vmem>>, vector<1x16xf32>,
      %get3A_197 = vector.shape_cast %get3A_196 : vector<1x16xf32> to vector<16xf32>
      %get3A_198 = arith.index_cast %scan3A_34 : i32 to index
      %get3A_199 = arith.constant 160 : index
      %get3A_200 = tpu.vector_load %arg8[%get3A_198, %get3A_199] {strides = array<i32>} : memref<128x256xf32, #tpu.memory_space<vmem>>, vector<1x16xf32>,
      %get3A_201 = vector.shape_cast %get3A_200 : vector<1x16xf32> to vector<16xf32>
      %sub3A_202 = arith.subf %get3A_197, %get3A_201 : vector<16xf32>
      %mul3A_203 = arith.mulf %sub3A_202, %sub3A_202 : vector<16xf32>
      %add3A_204 = arith.addf %add3A_188, %mul3A_203 : vector<16xf32>
      %swap3A_205 = arith.index_cast %scan3A_34 : i32 to index
      %swap3A_206 = arith.constant 160 : index
      %swap3A_207 = tpu.vector_load %arg9[%swap3A_205, %swap3A_206] {strides = array<i32>} : memref<128x256xf32, #tpu.memory_space<vmem>>, vector<1x16xf32>,
      %swap3A_208 = vector.shape_cast %swap3A_207 : vector<1x16xf32> to vector<16xf32>
      %swap3A_209 = vector.shape_cast %sub3A_202 : vector<16xf32> to vector<1x16xf32>
      tpu.vector_store %arg9[%swap3A_205, %swap3A_206], %swap3A_209 {strides = array<i32>} : memref<128x256xf32, #tpu.memory_space<vmem>>, vector<1x16xf32>,
      %get3A_210 = arith.index_cast %scan3A_34 : i32 to index
      %get3A_211 = arith.constant 176 : index
      %get3A_212 = tpu.vector_load %arg9[%get3A_210, %get3A_211] {strides = array<i32>} : memref<128x256xf32, #tpu.memory_space<vmem>>, vector<1x16xf32>,
      %get3A_213 = vector.shape_cast %get3A_212 : vector<1x16xf32> to vector<16xf32>
      %get3A_214 = arith.index_cast %scan3A_34 : i32 to index
      %get3A_215 = arith.constant 176 : index
      %get3A_216 = tpu.vector_load %arg8[%get3A_214, %get3A_215] {strides = array<i32>} : memref<128x256xf32, #tpu.memory_space<vmem>>, vector<1x16xf32>,
      %get3A_217 = vector.shape_cast %get3A_216 : vector<1x16xf32> to vector<16xf32>
      %sub3A_218 = arith.subf %get3A_213, %get3A_217 : vector<16xf32>
      %mul3A_219 = arith.mulf %sub3A_218, %sub3A_218 : vector<16xf32>
      %add3A_220 = arith.addf %add3A_204, %mul3A_219 : vector<16xf32>
      %swap3A_221 = arith.index_cast %scan3A_34 : i32 to index
      %swap3A_222 = arith.constant 176 : index
      %swap3A_223 = tpu.vector_load %arg9[%swap3A_221, %swap3A_222] {strides = array<i32>} : memref<128x256xf32, #tpu.memory_space<vmem>>, vector<1x16xf32>,
      %swap3A_224 = vector.shape_cast %swap3A_223 : vector<1x16xf32> to vector<16xf32>
      %swap3A_225 = vector.shape_cast %sub3A_218 : vector<16xf32> to vector<1x16xf32>
      tpu.vector_store %arg9[%swap3A_221, %swap3A_222], %swap3A_225 {strides = array<i32>} : memref<128x256xf32, #tpu.memory_space<vmem>>, vector<1x16xf32>,
      %get3A_226 = arith.index_cast %scan3A_34 : i32 to index
      %get3A_227 = arith.constant 192 : index
      %get3A_228 = tpu.vector_load %arg9[%get3A_226, %get3A_227] {strides = array<i32>} : memref<128x256xf32, #tpu.memory_space<vmem>>, vector<1x16xf32>,
      %get3A_229 = vector.shape_cast %get3A_228 : vector<1x16xf32> to vector<16xf32>
      %get3A_230 = arith.index_cast %scan3A_34 : i32 to index
      %get3A_231 = arith.constant 192 : index
      %get3A_232 = tpu.vector_load %arg8[%get3A_230, %get3A_231] {strides = array<i32>} : memref<128x256xf32, #tpu.memory_space<vmem>>, vector<1x16xf32>,
      %get3A_233 = vector.shape_cast %get3A_232 : vector<1x16xf32> to vector<16xf32>
      %sub3A_234 = arith.subf %get3A_229, %get3A_233 : vector<16xf32>
      %mul3A_235 = arith.mulf %sub3A_234, %sub3A_234 : vector<16xf32>
      %add3A_236 = arith.addf %add3A_220, %mul3A_235 : vector<16xf32>
      %swap3A_237 = arith.index_cast %scan3A_34 : i32 to index
      %swap3A_238 = arith.constant 192 : index
      %swap3A_239 = tpu.vector_load %arg9[%swap3A_237, %swap3A_238] {strides = array<i32>} : memref<128x256xf32, #tpu.memory_space<vmem>>, vector<1x16xf32>,
      %swap3A_240 = vector.shape_cast %swap3A_239 : vector<1x16xf32> to vector<16xf32>
      %swap3A_241 = vector.shape_cast %sub3A_234 : vector<16xf32> to vector<1x16xf32>
      tpu.vector_store %arg9[%swap3A_237, %swap3A_238], %swap3A_241 {strides = array<i32>} : memref<128x256xf32, #tpu.memory_space<vmem>>, vector<1x16xf32>,
      %get3A_242 = arith.index_cast %scan3A_34 : i32 to index
      %get3A_243 = arith.constant 208 : index
      %get3A_244 = tpu.vector_load %arg9[%get3A_242, %get3A_243] {strides = array<i32>} : memref<128x256xf32, #tpu.memory_space<vmem>>, vector<1x16xf32>,
      %get3A_245 = vector.shape_cast %get3A_244 : vector<1x16xf32> to vector<16xf32>
      %get3A_246 = arith.index_cast %scan3A_34 : i32 to index
      %get3A_247 = arith.constant 208 : index
      %get3A_248 = tpu.vector_load %arg8[%get3A_246, %get3A_247] {strides = array<i32>} : memref<128x256xf32, #tpu.memory_space<vmem>>, vector<1x16xf32>,
      %get3A_249 = vector.shape_cast %get3A_248 : vector<1x16xf32> to vector<16xf32>
      %sub3A_250 = arith.subf %get3A_245, %get3A_249 : vector<16xf32>
      %mul3A_251 = arith.mulf %sub3A_250, %sub3A_250 : vector<16xf32>
      %add3A_252 = arith.addf %add3A_236, %mul3A_251 : vector<16xf32>
      %swap3A_253 = arith.index_cast %scan3A_34 : i32 to index
      %swap3A_254 = arith.constant 208 : index
      %swap3A_255 = tpu.vector_load %arg9[%swap3A_253, %swap3A_254] {strides = array<i32>} : memref<128x256xf32, #tpu.memory_space<vmem>>, vector<1x16xf32>,
      %swap3A_256 = vector.shape_cast %swap3A_255 : vector<1x16xf32> to vector<16xf32>
      %swap3A_257 = vector.shape_cast %sub3A_250 : vector<16xf32> to vector<1x16xf32>
      tpu.vector_store %arg9[%swap3A_253, %swap3A_254], %swap3A_257 {strides = array<i32>} : memref<128x256xf32, #tpu.memory_space<vmem>>, vector<1x16xf32>,
      %get3A_258 = arith.index_cast %scan3A_34 : i32 to index
      %get3A_259 = arith.constant 224 : index
      %get3A_260 = tpu.vector_load %arg9[%get3A_258, %get3A_259] {strides = array<i32>} : memref<128x256xf32, #tpu.memory_space<vmem>>, vector<1x16xf32>,
      %get3A_261 = vector.shape_cast %get3A_260 : vector<1x16xf32> to vector<16xf32>
      %get3A_262 = arith.index_cast %scan3A_34 : i32 to index
      %get3A_263 = arith.constant 224 : index
      %get3A_264 = tpu.vector_load %arg8[%get3A_262, %get3A_263] {strides = array<i32>} : memref<128x256xf32, #tpu.memory_space<vmem>>, vector<1x16xf32>,
      %get3A_265 = vector.shape_cast %get3A_264 : vector<1x16xf32> to vector<16xf32>
      %sub3A_266 = arith.subf %get3A_261, %get3A_265 : vector<16xf32>
      %mul3A_267 = arith.mulf %sub3A_266, %sub3A_266 : vector<16xf32>
      %add3A_268 = arith.addf %add3A_252, %mul3A_267 : vector<16xf32>
      %swap3A_269 = arith.index_cast %scan3A_34 : i32 to index
      %swap3A_270 = arith.constant 224 : index
      %swap3A_271 = tpu.vector_load %arg9[%swap3A_269, %swap3A_270] {strides = array<i32>} : memref<128x256xf32, #tpu.memory_space<vmem>>, vector<1x16xf32>,
      %swap3A_272 = vector.shape_cast %swap3A_271 : vector<1x16xf32> to vector<16xf32>
      %swap3A_273 = vector.shape_cast %sub3A_266 : vector<16xf32> to vector<1x16xf32>
      tpu.vector_store %arg9[%swap3A_269, %swap3A_270], %swap3A_273 {strides = array<i32>} : memref<128x256xf32, #tpu.memory_space<vmem>>, vector<1x16xf32>,
      %get3A_274 = arith.index_cast %scan3A_34 : i32 to index
      %get3A_275 = arith.constant 240 : index
      %get3A_276 = tpu.vector_load %arg9[%get3A_274, %get3A_275] {strides = array<i32>} : memref<128x256xf32, #tpu.memory_space<vmem>>, vector<1x16xf32>,
      %get3A_277 = vector.shape_cast %get3A_276 : vector<1x16xf32> to vector<16xf32>
      %get3A_278 = arith.index_cast %scan3A_34 : i32 to index
      %get3A_279 = arith.constant 240 : index
      %get3A_280 = tpu.vector_load %arg8[%get3A_278, %get3A_279] {strides = array<i32>} : memref<128x256xf32, #tpu.memory_space<vmem>>, vector<1x16xf32>,
      %get3A_281 = vector.shape_cast %get3A_280 : vector<1x16xf32> to vector<16xf32>
      %sub3A_282 = arith.subf %get3A_277, %get3A_281 : vector<16xf32>
      %mul3A_283 = arith.mulf %sub3A_282, %sub3A_282 : vector<16xf32>
      %add3A_284 = arith.addf %add3A_268, %mul3A_283 : vector<16xf32>
      %swap3A_285 = arith.index_cast %scan3A_34 : i32 to index
      %swap3A_286 = arith.constant 240 : index
      %swap3A_287 = tpu.vector_load %arg9[%swap3A_285, %swap3A_286] {strides = array<i32>} : memref<128x256xf32, #tpu.memory_space<vmem>>, vector<1x16xf32>,
      %swap3A_288 = vector.shape_cast %swap3A_287 : vector<1x16xf32> to vector<16xf32>
      %swap3A_289 = vector.shape_cast %sub3A_282 : vector<16xf32> to vector<1x16xf32>
      tpu.vector_store %arg9[%swap3A_285, %swap3A_286], %swap3A_289 {strides = array<i32>} : memref<128x256xf32, #tpu.memory_space<vmem>>, vector<1x16xf32>,
      scf.yield %add3A_284 : vector<16xf32>
    }
    %scan3A_30 = arith.constant 128 : i32
    "tpu.region"() ({
      %run_scoped3A = tpu.sem_alloc : memref<!tpu.dma_semaphore, #tpu.memory_space<semaphore_mem>>
      %dma_start3A_34 = arith.constant 0 : i32
      %dma_start3A_35 = tpu.memref_slice %arg5[%add3A_18, %dma_start3A_34] : memref<8192x256xf32, #tpu.memory_space<hbm>> -> memref<128x256xf32, #tpu.memory_space<hbm>>
      %dma_start3A_36 = arith.constant 0 : i32
      %dma_start3A_37 = tpu.memref_slice %arg5[%add3A_18, %dma_start3A_36] : memref<8192x256xf32, #tpu.memory_space<hbm>> -> memref<128x256xf32, #tpu.memory_space<hbm>>
      tpu.enqueue_dma source(%arg9 : memref<128x256xf32, #tpu.memory_space<vmem>>) target(%dma_start3A_37 : memref<128x256xf32, #tpu.memory_space<hbm>>) target_semaphore(%run_scoped3A : memref<!tpu.dma_semaphore, #tpu.memory_space<semaphore_mem>>)
      %dma_wait3A_38 = arith.constant 0 : i32
      %dma_wait3A_39 = tpu.memref_slice %arg5[%add3A_18, %dma_wait3A_38] : memref<8192x256xf32, #tpu.memory_space<hbm>> -> memref<128x256xf32, #tpu.memory_space<hbm>>
      %dma_wait3A_40 = arith.constant 0 : i32
      %dma_wait3A_41 = tpu.memref_slice %arg5[%add3A_18, %dma_wait3A_40] : memref<8192x256xf32, #tpu.memory_space<hbm>> -> memref<128x256xf32, #tpu.memory_space<hbm>>
      tpu.wait_dma2 semaphore(%run_scoped3A : memref<!tpu.dma_semaphore, #tpu.memory_space<semaphore_mem>>) src(%arg9 : memref<128x256xf32, #tpu.memory_space<vmem>>) dst(%dma_wait3A_41 : memref<128x256xf32, #tpu.memory_space<hbm>>)
      tpu.yield
    }) : () -> ()
    %swap3A = arith.constant 0 : index
    %swap3A_31 = tpu.vector_load %arg10[%swap3A] {strides = array<i32>} : memref<16xf32, #tpu.memory_space<vmem>>, vector<16xf32>,
    %swap3A_32 = vector.shape_cast %swap3A_31 : vector<16xf32> to vector<16xf32>
    %swap3A_33 = vector.shape_cast %scan3A_29 : vector<16xf32> to vector<16xf32>
    tpu.vector_store %arg10[%swap3A], %swap3A_33 {strides = array<i32>} : memref<16xf32, #tpu.memory_space<vmem>>, vector<16xf32>,
    "tpu.region"() ({
      %run_scoped3A = tpu.sem_alloc : memref<!tpu.dma_semaphore, #tpu.memory_space<semaphore_mem>>
      %dma_start3A_34 = arith.constant 0 : i32
      %dma_start3A_35 = tpu.memref_slice %arg6[%add3A, %dma_start3A_34] : memref<32x16xf32, #tpu.memory_space<hbm>> -> memref<1x16xf32, #tpu.memory_space<hbm>>
      %dma_start3A_36 = tpu.memref_squeeze %dma_start3A_35 : memref<1x16xf32, #tpu.memory_space<hbm>> -> memref<16xf32, #tpu.memory_space<hbm>>
      %dma_start3A_37 = arith.constant 0 : i32
      %dma_start3A_38 = tpu.memref_slice %arg6[%add3A, %dma_start3A_37] : memref<32x16xf32, #tpu.memory_space<hbm>> -> memref<1x16xf32, #tpu.memory_space<hbm>>
      %dma_start3A_39 = tpu.memref_squeeze %dma_start3A_38 : memref<1x16xf32, #tpu.memory_space<hbm>> -> memref<16xf32, #tpu.memory_space<hbm>>
      tpu.enqueue_dma source(%arg10 : memref<16xf32, #tpu.memory_space<vmem>>) target(%dma_start3A_39 : memref<16xf32, #tpu.memory_space<hbm>>) target_semaphore(%run_scoped3A : memref<!tpu.dma_semaphore, #tpu.memory_space<semaphore_mem>>)
      %dma_wait3A_40 = arith.constant 0 : i32
      %dma_wait3A_41 = tpu.memref_slice %arg6[%add3A, %dma_wait3A_40] : memref<32x16xf32, #tpu.memory_space<hbm>> -> memref<1x16xf32, #tpu.memory_space<hbm>>
      %dma_wait3A_42 = tpu.memref_squeeze %dma_wait3A_41 : memref<1x16xf32, #tpu.memory_space<hbm>> -> memref<16xf32, #tpu.memory_space<hbm>>
      %dma_wait3A_43 = arith.constant 0 : i32
      %dma_wait3A_44 = tpu.memref_slice %arg6[%add3A, %dma_wait3A_43] : memref<32x16xf32, #tpu.memory_space<hbm>> -> memref<1x16xf32, #tpu.memory_space<hbm>>
      %dma_wait3A_45 = tpu.memref_squeeze %dma_wait3A_44 : memref<1x16xf32, #tpu.memory_space<hbm>> -> memref<16xf32, #tpu.memory_space<hbm>>
      tpu.wait_dma2 semaphore(%run_scoped3A : memref<!tpu.dma_semaphore, #tpu.memory_space<semaphore_mem>>) src(%arg10 : memref<16xf32, #tpu.memory_space<vmem>>) dst(%dma_wait3A_45 : memref<16xf32, #tpu.memory_space<hbm>>)
      tpu.yield
    }) : () -> ()
    return
  }
}

#map = affine_map<(d0, d1) -> (0, 0)>
#map1 = affine_map<(d0, d1) -> (0)>
module attributes {stable_mosaic.version = 14 : i64} {
  func.func @sc_update(%arg0: i32, %arg1: i32, %arg2: memref<8192x256xf32, #tpu.memory_space<hbm>>, %arg3: memref<8192xi32, #tpu.memory_space<hbm>>, %arg4: memref<8192x256xf32, #tpu.memory_space<hbm>>, %arg5: memref<8192x256xf32, #tpu.memory_space<hbm>>, %arg6: memref<32x16xf32, #tpu.memory_space<hbm>>, %arg7: memref<128xi32, #tpu.memory_space<vmem>>, %arg8: memref<128x256xf32, #tpu.memory_space<vmem>>, %arg9: memref<128x256xf32, #tpu.memory_space<vmem>>, %arg10: memref<16xf32, #tpu.memory_space<vmem>>, %arg11: memref<!tpu.dma_semaphore, #tpu.memory_space<semaphore_mem>>) attributes {dimension_semantics = [#tpu.dimension_semantics<core_parallel>, #tpu.dimension_semantics<subcore_parallel>], iteration_bounds = array<i64: 2, 16>, scalar_prefetch = 0 : i64, scratch_operands = 5 : i64, tpu.core_type = #tpu.core_type<sc_vector_subcore>, window_params = [{transform_indices = #map}, {transform_indices = #map1}, {transform_indices = #map}, {transform_indices = #map}, {transform_indices = #map}]} {
    %mul3A = arith.constant 2 : i32
    %mul3A_0 = arith.muli %arg1, %mul3A : i32
    %add3A = arith.addi %mul3A_0, %arg0 : i32
    %broadcast_in_dim3A = arith.constant 0.000000e+00 : f32
    %broadcast_in_dim3A_1 = vector.broadcast %broadcast_in_dim3A : f32 to vector<16xf32>
    %mul3A_2 = arith.constant 256 : i32
    %mul3A_3 = arith.muli %add3A, %mul3A_2 : i32
    %add3A_4 = arith.constant 0 : i32
    %add3A_5 = arith.addi %mul3A_3, %add3A_4 : i32
    "tpu.region"() ({
      %run_scoped3A = tpu.sem_alloc : memref<!tpu.dma_semaphore, #tpu.memory_space<semaphore_mem>>
      %dma_start3A_34 = tpu.memref_slice %arg3[%add3A_5] : memref<8192xi32, #tpu.memory_space<hbm>> -> memref<128xi32, #tpu.memory_space<hbm>>
      %dma_start3A_35 = tpu.memref_slice %arg3[%add3A_5] : memref<8192xi32, #tpu.memory_space<hbm>> -> memref<128xi32, #tpu.memory_space<hbm>>
      tpu.enqueue_dma source(%dma_start3A_35 : memref<128xi32, #tpu.memory_space<hbm>>) target(%arg7 : memref<128xi32, #tpu.memory_space<vmem>>) target_semaphore(%run_scoped3A : memref<!tpu.dma_semaphore, #tpu.memory_space<semaphore_mem>>)
      %dma_wait3A_36 = tpu.memref_slice %arg3[%add3A_5] : memref<8192xi32, #tpu.memory_space<hbm>> -> memref<128xi32, #tpu.memory_space<hbm>>
      %dma_wait3A_37 = tpu.memref_slice %arg3[%add3A_5] : memref<8192xi32, #tpu.memory_space<hbm>> -> memref<128xi32, #tpu.memory_space<hbm>>
      tpu.wait_dma2 semaphore(%run_scoped3A : memref<!tpu.dma_semaphore, #tpu.memory_space<semaphore_mem>>) src(%dma_wait3A_37 : memref<128xi32, #tpu.memory_space<hbm>>) dst(%arg7 : memref<128xi32, #tpu.memory_space<vmem>>)
      tpu.yield
    }) : () -> ()
    %dma_start3A = arith.constant 0 : i32
    %dma_start3A_6 = arith.constant 0 : i32
    %dma_start3A_7 = tpu.memref_slice %arg2[%dma_start3A, %dma_start3A_6] : memref<8192x256xf32, #tpu.memory_space<hbm>> -> memref<8192x256xf32, #tpu.memory_space<hbm>>
    tpu.enqueue_indirect_dma source(%dma_start3A_7 : memref<8192x256xf32, #tpu.memory_space<hbm>>) target(%arg8 : memref<128x256xf32, #tpu.memory_space<vmem>>) offsets(%arg7 : memref<128xi32, #tpu.memory_space<vmem>>) semaphore(%arg11 : memref<!tpu.dma_semaphore, #tpu.memory_space<semaphore_mem>>)
    %dma_wait3A = arith.constant 0 : i32
    %dma_wait3A_8 = arith.constant 0 : i32
    %dma_wait3A_9 = tpu.memref_slice %arg2[%dma_wait3A, %dma_wait3A_8] : memref<8192x256xf32, #tpu.memory_space<hbm>> -> memref<8192x256xf32, #tpu.memory_space<hbm>>
    tpu.wait_indirect_dma semaphore(%arg11 : memref<!tpu.dma_semaphore, #tpu.memory_space<semaphore_mem>>) src(%dma_wait3A_9 : memref<8192x256xf32, #tpu.memory_space<hbm>>) dst(%arg8 : memref<128x256xf32, #tpu.memory_space<vmem>>)
    "tpu.region"() ({
      %run_scoped3A = tpu.sem_alloc : memref<!tpu.dma_semaphore, #tpu.memory_space<semaphore_mem>>
      %dma_start3A_34 = arith.constant 0 : i32
      %dma_start3A_35 = tpu.memref_slice %arg4[%add3A_5, %dma_start3A_34] : memref<8192x256xf32, #tpu.memory_space<hbm>> -> memref<128x256xf32, #tpu.memory_space<hbm>>
      %dma_start3A_36 = arith.constant 0 : i32
      %dma_start3A_37 = tpu.memref_slice %arg4[%add3A_5, %dma_start3A_36] : memref<8192x256xf32, #tpu.memory_space<hbm>> -> memref<128x256xf32, #tpu.memory_space<hbm>>
      tpu.enqueue_dma source(%dma_start3A_37 : memref<128x256xf32, #tpu.memory_space<hbm>>) target(%arg9 : memref<128x256xf32, #tpu.memory_space<vmem>>) target_semaphore(%run_scoped3A : memref<!tpu.dma_semaphore, #tpu.memory_space<semaphore_mem>>)
      %dma_wait3A_38 = arith.constant 0 : i32
      %dma_wait3A_39 = tpu.memref_slice %arg4[%add3A_5, %dma_wait3A_38] : memref<8192x256xf32, #tpu.memory_space<hbm>> -> memref<128x256xf32, #tpu.memory_space<hbm>>
      %dma_wait3A_40 = arith.constant 0 : i32
      %dma_wait3A_41 = tpu.memref_slice %arg4[%add3A_5, %dma_wait3A_40] : memref<8192x256xf32, #tpu.memory_space<hbm>> -> memref<128x256xf32, #tpu.memory_space<hbm>>
      tpu.wait_dma2 semaphore(%run_scoped3A : memref<!tpu.dma_semaphore, #tpu.memory_space<semaphore_mem>>) src(%dma_wait3A_41 : memref<128x256xf32, #tpu.memory_space<hbm>>) dst(%arg9 : memref<128x256xf32, #tpu.memory_space<vmem>>)
      tpu.yield
    }) : () -> ()
    %scan3A = arith.constant 0 : i32
    %scan3A_10 = arith.constant 128 : i32
    %scan3A_11 = arith.addi %scan3A, %scan3A_10 : i32
    %scan3A_12 = arith.constant 1 : i32
    %scan3A_13 = scf.for %scan3A_34 = %scan3A to %scan3A_11 step %scan3A_12 iter_args(%scan3A_35 = %broadcast_in_dim3A_1) -> (vector<16xf32>)  : i32 {
      %get3A = arith.index_cast %scan3A_34 : i32 to index
      %get3A_36 = arith.constant 0 : index
      %get3A_37 = tpu.vector_load %arg9[%get3A, %get3A_36] {strides = array<i32>} : memref<128x256xf32, #tpu.memory_space<vmem>>, vector<1x16xf32>,
      %get3A_38 = vector.shape_cast %get3A_37 : vector<1x16xf32> to vector<16xf32>
      %get3A_39 = arith.index_cast %scan3A_34 : i32 to index
      %get3A_40 = arith.constant 0 : index
      %get3A_41 = tpu.vector_load %arg8[%get3A_39, %get3A_40] {strides = array<i32>} : memref<128x256xf32, #tpu.memory_space<vmem>>, vector<1x16xf32>,
      %get3A_42 = vector.shape_cast %get3A_41 : vector<1x16xf32> to vector<16xf32>
      %sub3A = arith.subf %get3A_38, %get3A_42 : vector<16xf32>
      %mul3A_43 = arith.mulf %sub3A, %sub3A : vector<16xf32>
      %add3A_44 = arith.addf %scan3A_35, %mul3A_43 : vector<16xf32>
      %swap3A_45 = arith.index_cast %scan3A_34 : i32 to index
      %swap3A_46 = arith.constant 0 : index
      %swap3A_47 = tpu.vector_load %arg9[%swap3A_45, %swap3A_46] {strides = array<i32>} : memref<128x256xf32, #tpu.memory_space<vmem>>, vector<1x16xf32>,
      %swap3A_48 = vector.shape_cast %swap3A_47 : vector<1x16xf32> to vector<16xf32>
      %swap3A_49 = vector.shape_cast %sub3A : vector<16xf32> to vector<1x16xf32>
      tpu.vector_store %arg9[%swap3A_45, %swap3A_46], %swap3A_49 {strides = array<i32>} : memref<128x256xf32, #tpu.memory_space<vmem>>, vector<1x16xf32>,
      %get3A_50 = arith.index_cast %scan3A_34 : i32 to index
      %get3A_51 = arith.constant 16 : index
      %get3A_52 = tpu.vector_load %arg9[%get3A_50, %get3A_51] {strides = array<i32>} : memref<128x256xf32, #tpu.memory_space<vmem>>, vector<1x16xf32>,
      %get3A_53 = vector.shape_cast %get3A_52 : vector<1x16xf32> to vector<16xf32>
      %get3A_54 = arith.index_cast %scan3A_34 : i32 to index
      %get3A_55 = arith.constant 16 : index
      %get3A_56 = tpu.vector_load %arg8[%get3A_54, %get3A_55] {strides = array<i32>} : memref<128x256xf32, #tpu.memory_space<vmem>>, vector<1x16xf32>,
      %get3A_57 = vector.shape_cast %get3A_56 : vector<1x16xf32> to vector<16xf32>
      %sub3A_58 = arith.subf %get3A_53, %get3A_57 : vector<16xf32>
      %mul3A_59 = arith.mulf %sub3A_58, %sub3A_58 : vector<16xf32>
      %add3A_60 = arith.addf %add3A_44, %mul3A_59 : vector<16xf32>
      %swap3A_61 = arith.index_cast %scan3A_34 : i32 to index
      %swap3A_62 = arith.constant 16 : index
      %swap3A_63 = tpu.vector_load %arg9[%swap3A_61, %swap3A_62] {strides = array<i32>} : memref<128x256xf32, #tpu.memory_space<vmem>>, vector<1x16xf32>,
      %swap3A_64 = vector.shape_cast %swap3A_63 : vector<1x16xf32> to vector<16xf32>
      %swap3A_65 = vector.shape_cast %sub3A_58 : vector<16xf32> to vector<1x16xf32>
      tpu.vector_store %arg9[%swap3A_61, %swap3A_62], %swap3A_65 {strides = array<i32>} : memref<128x256xf32, #tpu.memory_space<vmem>>, vector<1x16xf32>,
      %get3A_66 = arith.index_cast %scan3A_34 : i32 to index
      %get3A_67 = arith.constant 32 : index
      %get3A_68 = tpu.vector_load %arg9[%get3A_66, %get3A_67] {strides = array<i32>} : memref<128x256xf32, #tpu.memory_space<vmem>>, vector<1x16xf32>,
      %get3A_69 = vector.shape_cast %get3A_68 : vector<1x16xf32> to vector<16xf32>
      %get3A_70 = arith.index_cast %scan3A_34 : i32 to index
      %get3A_71 = arith.constant 32 : index
      %get3A_72 = tpu.vector_load %arg8[%get3A_70, %get3A_71] {strides = array<i32>} : memref<128x256xf32, #tpu.memory_space<vmem>>, vector<1x16xf32>,
      %get3A_73 = vector.shape_cast %get3A_72 : vector<1x16xf32> to vector<16xf32>
      %sub3A_74 = arith.subf %get3A_69, %get3A_73 : vector<16xf32>
      %mul3A_75 = arith.mulf %sub3A_74, %sub3A_74 : vector<16xf32>
      %add3A_76 = arith.addf %add3A_60, %mul3A_75 : vector<16xf32>
      %swap3A_77 = arith.index_cast %scan3A_34 : i32 to index
      %swap3A_78 = arith.constant 32 : index
      %swap3A_79 = tpu.vector_load %arg9[%swap3A_77, %swap3A_78] {strides = array<i32>} : memref<128x256xf32, #tpu.memory_space<vmem>>, vector<1x16xf32>,
      %swap3A_80 = vector.shape_cast %swap3A_79 : vector<1x16xf32> to vector<16xf32>
      %swap3A_81 = vector.shape_cast %sub3A_74 : vector<16xf32> to vector<1x16xf32>
      tpu.vector_store %arg9[%swap3A_77, %swap3A_78], %swap3A_81 {strides = array<i32>} : memref<128x256xf32, #tpu.memory_space<vmem>>, vector<1x16xf32>,
      %get3A_82 = arith.index_cast %scan3A_34 : i32 to index
      %get3A_83 = arith.constant 48 : index
      %get3A_84 = tpu.vector_load %arg9[%get3A_82, %get3A_83] {strides = array<i32>} : memref<128x256xf32, #tpu.memory_space<vmem>>, vector<1x16xf32>,
      %get3A_85 = vector.shape_cast %get3A_84 : vector<1x16xf32> to vector<16xf32>
      %get3A_86 = arith.index_cast %scan3A_34 : i32 to index
      %get3A_87 = arith.constant 48 : index
      %get3A_88 = tpu.vector_load %arg8[%get3A_86, %get3A_87] {strides = array<i32>} : memref<128x256xf32, #tpu.memory_space<vmem>>, vector<1x16xf32>,
      %get3A_89 = vector.shape_cast %get3A_88 : vector<1x16xf32> to vector<16xf32>
      %sub3A_90 = arith.subf %get3A_85, %get3A_89 : vector<16xf32>
      %mul3A_91 = arith.mulf %sub3A_90, %sub3A_90 : vector<16xf32>
      %add3A_92 = arith.addf %add3A_76, %mul3A_91 : vector<16xf32>
      %swap3A_93 = arith.index_cast %scan3A_34 : i32 to index
      %swap3A_94 = arith.constant 48 : index
      %swap3A_95 = tpu.vector_load %arg9[%swap3A_93, %swap3A_94] {strides = array<i32>} : memref<128x256xf32, #tpu.memory_space<vmem>>, vector<1x16xf32>,
      %swap3A_96 = vector.shape_cast %swap3A_95 : vector<1x16xf32> to vector<16xf32>
      %swap3A_97 = vector.shape_cast %sub3A_90 : vector<16xf32> to vector<1x16xf32>
      tpu.vector_store %arg9[%swap3A_93, %swap3A_94], %swap3A_97 {strides = array<i32>} : memref<128x256xf32, #tpu.memory_space<vmem>>, vector<1x16xf32>,
      %get3A_98 = arith.index_cast %scan3A_34 : i32 to index
      %get3A_99 = arith.constant 64 : index
      %get3A_100 = tpu.vector_load %arg9[%get3A_98, %get3A_99] {strides = array<i32>} : memref<128x256xf32, #tpu.memory_space<vmem>>, vector<1x16xf32>,
      %get3A_101 = vector.shape_cast %get3A_100 : vector<1x16xf32> to vector<16xf32>
      %get3A_102 = arith.index_cast %scan3A_34 : i32 to index
      %get3A_103 = arith.constant 64 : index
      %get3A_104 = tpu.vector_load %arg8[%get3A_102, %get3A_103] {strides = array<i32>} : memref<128x256xf32, #tpu.memory_space<vmem>>, vector<1x16xf32>,
      %get3A_105 = vector.shape_cast %get3A_104 : vector<1x16xf32> to vector<16xf32>
      %sub3A_106 = arith.subf %get3A_101, %get3A_105 : vector<16xf32>
      %mul3A_107 = arith.mulf %sub3A_106, %sub3A_106 : vector<16xf32>
      %add3A_108 = arith.addf %add3A_92, %mul3A_107 : vector<16xf32>
      %swap3A_109 = arith.index_cast %scan3A_34 : i32 to index
      %swap3A_110 = arith.constant 64 : index
      %swap3A_111 = tpu.vector_load %arg9[%swap3A_109, %swap3A_110] {strides = array<i32>} : memref<128x256xf32, #tpu.memory_space<vmem>>, vector<1x16xf32>,
      %swap3A_112 = vector.shape_cast %swap3A_111 : vector<1x16xf32> to vector<16xf32>
      %swap3A_113 = vector.shape_cast %sub3A_106 : vector<16xf32> to vector<1x16xf32>
      tpu.vector_store %arg9[%swap3A_109, %swap3A_110], %swap3A_113 {strides = array<i32>} : memref<128x256xf32, #tpu.memory_space<vmem>>, vector<1x16xf32>,
      %get3A_114 = arith.index_cast %scan3A_34 : i32 to index
      %get3A_115 = arith.constant 80 : index
      %get3A_116 = tpu.vector_load %arg9[%get3A_114, %get3A_115] {strides = array<i32>} : memref<128x256xf32, #tpu.memory_space<vmem>>, vector<1x16xf32>,
      %get3A_117 = vector.shape_cast %get3A_116 : vector<1x16xf32> to vector<16xf32>
      %get3A_118 = arith.index_cast %scan3A_34 : i32 to index
      %get3A_119 = arith.constant 80 : index
      %get3A_120 = tpu.vector_load %arg8[%get3A_118, %get3A_119] {strides = array<i32>} : memref<128x256xf32, #tpu.memory_space<vmem>>, vector<1x16xf32>,
      %get3A_121 = vector.shape_cast %get3A_120 : vector<1x16xf32> to vector<16xf32>
      %sub3A_122 = arith.subf %get3A_117, %get3A_121 : vector<16xf32>
      %mul3A_123 = arith.mulf %sub3A_122, %sub3A_122 : vector<16xf32>
      %add3A_124 = arith.addf %add3A_108, %mul3A_123 : vector<16xf32>
      %swap3A_125 = arith.index_cast %scan3A_34 : i32 to index
      %swap3A_126 = arith.constant 80 : index
      %swap3A_127 = tpu.vector_load %arg9[%swap3A_125, %swap3A_126] {strides = array<i32>} : memref<128x256xf32, #tpu.memory_space<vmem>>, vector<1x16xf32>,
      %swap3A_128 = vector.shape_cast %swap3A_127 : vector<1x16xf32> to vector<16xf32>
      %swap3A_129 = vector.shape_cast %sub3A_122 : vector<16xf32> to vector<1x16xf32>
      tpu.vector_store %arg9[%swap3A_125, %swap3A_126], %swap3A_129 {strides = array<i32>} : memref<128x256xf32, #tpu.memory_space<vmem>>, vector<1x16xf32>,
      %get3A_130 = arith.index_cast %scan3A_34 : i32 to index
      %get3A_131 = arith.constant 96 : index
      %get3A_132 = tpu.vector_load %arg9[%get3A_130, %get3A_131] {strides = array<i32>} : memref<128x256xf32, #tpu.memory_space<vmem>>, vector<1x16xf32>,
      %get3A_133 = vector.shape_cast %get3A_132 : vector<1x16xf32> to vector<16xf32>
      %get3A_134 = arith.index_cast %scan3A_34 : i32 to index
      %get3A_135 = arith.constant 96 : index
      %get3A_136 = tpu.vector_load %arg8[%get3A_134, %get3A_135] {strides = array<i32>} : memref<128x256xf32, #tpu.memory_space<vmem>>, vector<1x16xf32>,
      %get3A_137 = vector.shape_cast %get3A_136 : vector<1x16xf32> to vector<16xf32>
      %sub3A_138 = arith.subf %get3A_133, %get3A_137 : vector<16xf32>
      %mul3A_139 = arith.mulf %sub3A_138, %sub3A_138 : vector<16xf32>
      %add3A_140 = arith.addf %add3A_124, %mul3A_139 : vector<16xf32>
      %swap3A_141 = arith.index_cast %scan3A_34 : i32 to index
      %swap3A_142 = arith.constant 96 : index
      %swap3A_143 = tpu.vector_load %arg9[%swap3A_141, %swap3A_142] {strides = array<i32>} : memref<128x256xf32, #tpu.memory_space<vmem>>, vector<1x16xf32>,
      %swap3A_144 = vector.shape_cast %swap3A_143 : vector<1x16xf32> to vector<16xf32>
      %swap3A_145 = vector.shape_cast %sub3A_138 : vector<16xf32> to vector<1x16xf32>
      tpu.vector_store %arg9[%swap3A_141, %swap3A_142], %swap3A_145 {strides = array<i32>} : memref<128x256xf32, #tpu.memory_space<vmem>>, vector<1x16xf32>,
      %get3A_146 = arith.index_cast %scan3A_34 : i32 to index
      %get3A_147 = arith.constant 112 : index
      %get3A_148 = tpu.vector_load %arg9[%get3A_146, %get3A_147] {strides = array<i32>} : memref<128x256xf32, #tpu.memory_space<vmem>>, vector<1x16xf32>,
      %get3A_149 = vector.shape_cast %get3A_148 : vector<1x16xf32> to vector<16xf32>
      %get3A_150 = arith.index_cast %scan3A_34 : i32 to index
      %get3A_151 = arith.constant 112 : index
      %get3A_152 = tpu.vector_load %arg8[%get3A_150, %get3A_151] {strides = array<i32>} : memref<128x256xf32, #tpu.memory_space<vmem>>, vector<1x16xf32>,
      %get3A_153 = vector.shape_cast %get3A_152 : vector<1x16xf32> to vector<16xf32>
      %sub3A_154 = arith.subf %get3A_149, %get3A_153 : vector<16xf32>
      %mul3A_155 = arith.mulf %sub3A_154, %sub3A_154 : vector<16xf32>
      %add3A_156 = arith.addf %add3A_140, %mul3A_155 : vector<16xf32>
      %swap3A_157 = arith.index_cast %scan3A_34 : i32 to index
      %swap3A_158 = arith.constant 112 : index
      %swap3A_159 = tpu.vector_load %arg9[%swap3A_157, %swap3A_158] {strides = array<i32>} : memref<128x256xf32, #tpu.memory_space<vmem>>, vector<1x16xf32>,
      %swap3A_160 = vector.shape_cast %swap3A_159 : vector<1x16xf32> to vector<16xf32>
      %swap3A_161 = vector.shape_cast %sub3A_154 : vector<16xf32> to vector<1x16xf32>
      tpu.vector_store %arg9[%swap3A_157, %swap3A_158], %swap3A_161 {strides = array<i32>} : memref<128x256xf32, #tpu.memory_space<vmem>>, vector<1x16xf32>,
      %get3A_162 = arith.index_cast %scan3A_34 : i32 to index
      %get3A_163 = arith.constant 128 : index
      %get3A_164 = tpu.vector_load %arg9[%get3A_162, %get3A_163] {strides = array<i32>} : memref<128x256xf32, #tpu.memory_space<vmem>>, vector<1x16xf32>,
      %get3A_165 = vector.shape_cast %get3A_164 : vector<1x16xf32> to vector<16xf32>
      %get3A_166 = arith.index_cast %scan3A_34 : i32 to index
      %get3A_167 = arith.constant 128 : index
      %get3A_168 = tpu.vector_load %arg8[%get3A_166, %get3A_167] {strides = array<i32>} : memref<128x256xf32, #tpu.memory_space<vmem>>, vector<1x16xf32>,
      %get3A_169 = vector.shape_cast %get3A_168 : vector<1x16xf32> to vector<16xf32>
      %sub3A_170 = arith.subf %get3A_165, %get3A_169 : vector<16xf32>
      %mul3A_171 = arith.mulf %sub3A_170, %sub3A_170 : vector<16xf32>
      %add3A_172 = arith.addf %add3A_156, %mul3A_171 : vector<16xf32>
      %swap3A_173 = arith.index_cast %scan3A_34 : i32 to index
      %swap3A_174 = arith.constant 128 : index
      %swap3A_175 = tpu.vector_load %arg9[%swap3A_173, %swap3A_174] {strides = array<i32>} : memref<128x256xf32, #tpu.memory_space<vmem>>, vector<1x16xf32>,
      %swap3A_176 = vector.shape_cast %swap3A_175 : vector<1x16xf32> to vector<16xf32>
      %swap3A_177 = vector.shape_cast %sub3A_170 : vector<16xf32> to vector<1x16xf32>
      tpu.vector_store %arg9[%swap3A_173, %swap3A_174], %swap3A_177 {strides = array<i32>} : memref<128x256xf32, #tpu.memory_space<vmem>>, vector<1x16xf32>,
      %get3A_178 = arith.index_cast %scan3A_34 : i32 to index
      %get3A_179 = arith.constant 144 : index
      %get3A_180 = tpu.vector_load %arg9[%get3A_178, %get3A_179] {strides = array<i32>} : memref<128x256xf32, #tpu.memory_space<vmem>>, vector<1x16xf32>,
      %get3A_181 = vector.shape_cast %get3A_180 : vector<1x16xf32> to vector<16xf32>
      %get3A_182 = arith.index_cast %scan3A_34 : i32 to index
      %get3A_183 = arith.constant 144 : index
      %get3A_184 = tpu.vector_load %arg8[%get3A_182, %get3A_183] {strides = array<i32>} : memref<128x256xf32, #tpu.memory_space<vmem>>, vector<1x16xf32>,
      %get3A_185 = vector.shape_cast %get3A_184 : vector<1x16xf32> to vector<16xf32>
      %sub3A_186 = arith.subf %get3A_181, %get3A_185 : vector<16xf32>
      %mul3A_187 = arith.mulf %sub3A_186, %sub3A_186 : vector<16xf32>
      %add3A_188 = arith.addf %add3A_172, %mul3A_187 : vector<16xf32>
      %swap3A_189 = arith.index_cast %scan3A_34 : i32 to index
      %swap3A_190 = arith.constant 144 : index
      %swap3A_191 = tpu.vector_load %arg9[%swap3A_189, %swap3A_190] {strides = array<i32>} : memref<128x256xf32, #tpu.memory_space<vmem>>, vector<1x16xf32>,
      %swap3A_192 = vector.shape_cast %swap3A_191 : vector<1x16xf32> to vector<16xf32>
      %swap3A_193 = vector.shape_cast %sub3A_186 : vector<16xf32> to vector<1x16xf32>
      tpu.vector_store %arg9[%swap3A_189, %swap3A_190], %swap3A_193 {strides = array<i32>} : memref<128x256xf32, #tpu.memory_space<vmem>>, vector<1x16xf32>,
      %get3A_194 = arith.index_cast %scan3A_34 : i32 to index
      %get3A_195 = arith.constant 160 : index
      %get3A_196 = tpu.vector_load %arg9[%get3A_194, %get3A_195] {strides = array<i32>} : memref<128x256xf32, #tpu.memory_space<vmem>>, vector<1x16xf32>,
      %get3A_197 = vector.shape_cast %get3A_196 : vector<1x16xf32> to vector<16xf32>
      %get3A_198 = arith.index_cast %scan3A_34 : i32 to index
      %get3A_199 = arith.constant 160 : index
      %get3A_200 = tpu.vector_load %arg8[%get3A_198, %get3A_199] {strides = array<i32>} : memref<128x256xf32, #tpu.memory_space<vmem>>, vector<1x16xf32>,
      %get3A_201 = vector.shape_cast %get3A_200 : vector<1x16xf32> to vector<16xf32>
      %sub3A_202 = arith.subf %get3A_197, %get3A_201 : vector<16xf32>
      %mul3A_203 = arith.mulf %sub3A_202, %sub3A_202 : vector<16xf32>
      %add3A_204 = arith.addf %add3A_188, %mul3A_203 : vector<16xf32>
      %swap3A_205 = arith.index_cast %scan3A_34 : i32 to index
      %swap3A_206 = arith.constant 160 : index
      %swap3A_207 = tpu.vector_load %arg9[%swap3A_205, %swap3A_206] {strides = array<i32>} : memref<128x256xf32, #tpu.memory_space<vmem>>, vector<1x16xf32>,
      %swap3A_208 = vector.shape_cast %swap3A_207 : vector<1x16xf32> to vector<16xf32>
      %swap3A_209 = vector.shape_cast %sub3A_202 : vector<16xf32> to vector<1x16xf32>
      tpu.vector_store %arg9[%swap3A_205, %swap3A_206], %swap3A_209 {strides = array<i32>} : memref<128x256xf32, #tpu.memory_space<vmem>>, vector<1x16xf32>,
      %get3A_210 = arith.index_cast %scan3A_34 : i32 to index
      %get3A_211 = arith.constant 176 : index
      %get3A_212 = tpu.vector_load %arg9[%get3A_210, %get3A_211] {strides = array<i32>} : memref<128x256xf32, #tpu.memory_space<vmem>>, vector<1x16xf32>,
      %get3A_213 = vector.shape_cast %get3A_212 : vector<1x16xf32> to vector<16xf32>
      %get3A_214 = arith.index_cast %scan3A_34 : i32 to index
      %get3A_215 = arith.constant 176 : index
      %get3A_216 = tpu.vector_load %arg8[%get3A_214, %get3A_215] {strides = array<i32>} : memref<128x256xf32, #tpu.memory_space<vmem>>, vector<1x16xf32>,
      %get3A_217 = vector.shape_cast %get3A_216 : vector<1x16xf32> to vector<16xf32>
      %sub3A_218 = arith.subf %get3A_213, %get3A_217 : vector<16xf32>
      %mul3A_219 = arith.mulf %sub3A_218, %sub3A_218 : vector<16xf32>
      %add3A_220 = arith.addf %add3A_204, %mul3A_219 : vector<16xf32>
      %swap3A_221 = arith.index_cast %scan3A_34 : i32 to index
      %swap3A_222 = arith.constant 176 : index
      %swap3A_223 = tpu.vector_load %arg9[%swap3A_221, %swap3A_222] {strides = array<i32>} : memref<128x256xf32, #tpu.memory_space<vmem>>, vector<1x16xf32>,
      %swap3A_224 = vector.shape_cast %swap3A_223 : vector<1x16xf32> to vector<16xf32>
      %swap3A_225 = vector.shape_cast %sub3A_218 : vector<16xf32> to vector<1x16xf32>
      tpu.vector_store %arg9[%swap3A_221, %swap3A_222], %swap3A_225 {strides = array<i32>} : memref<128x256xf32, #tpu.memory_space<vmem>>, vector<1x16xf32>,
      %get3A_226 = arith.index_cast %scan3A_34 : i32 to index
      %get3A_227 = arith.constant 192 : index
      %get3A_228 = tpu.vector_load %arg9[%get3A_226, %get3A_227] {strides = array<i32>} : memref<128x256xf32, #tpu.memory_space<vmem>>, vector<1x16xf32>,
      %get3A_229 = vector.shape_cast %get3A_228 : vector<1x16xf32> to vector<16xf32>
      %get3A_230 = arith.index_cast %scan3A_34 : i32 to index
      %get3A_231 = arith.constant 192 : index
      %get3A_232 = tpu.vector_load %arg8[%get3A_230, %get3A_231] {strides = array<i32>} : memref<128x256xf32, #tpu.memory_space<vmem>>, vector<1x16xf32>,
      %get3A_233 = vector.shape_cast %get3A_232 : vector<1x16xf32> to vector<16xf32>
      %sub3A_234 = arith.subf %get3A_229, %get3A_233 : vector<16xf32>
      %mul3A_235 = arith.mulf %sub3A_234, %sub3A_234 : vector<16xf32>
      %add3A_236 = arith.addf %add3A_220, %mul3A_235 : vector<16xf32>
      %swap3A_237 = arith.index_cast %scan3A_34 : i32 to index
      %swap3A_238 = arith.constant 192 : index
      %swap3A_239 = tpu.vector_load %arg9[%swap3A_237, %swap3A_238] {strides = array<i32>} : memref<128x256xf32, #tpu.memory_space<vmem>>, vector<1x16xf32>,
      %swap3A_240 = vector.shape_cast %swap3A_239 : vector<1x16xf32> to vector<16xf32>
      %swap3A_241 = vector.shape_cast %sub3A_234 : vector<16xf32> to vector<1x16xf32>
      tpu.vector_store %arg9[%swap3A_237, %swap3A_238], %swap3A_241 {strides = array<i32>} : memref<128x256xf32, #tpu.memory_space<vmem>>, vector<1x16xf32>,
      %get3A_242 = arith.index_cast %scan3A_34 : i32 to index
      %get3A_243 = arith.constant 208 : index
      %get3A_244 = tpu.vector_load %arg9[%get3A_242, %get3A_243] {strides = array<i32>} : memref<128x256xf32, #tpu.memory_space<vmem>>, vector<1x16xf32>,
      %get3A_245 = vector.shape_cast %get3A_244 : vector<1x16xf32> to vector<16xf32>
      %get3A_246 = arith.index_cast %scan3A_34 : i32 to index
      %get3A_247 = arith.constant 208 : index
      %get3A_248 = tpu.vector_load %arg8[%get3A_246, %get3A_247] {strides = array<i32>} : memref<128x256xf32, #tpu.memory_space<vmem>>, vector<1x16xf32>,
      %get3A_249 = vector.shape_cast %get3A_248 : vector<1x16xf32> to vector<16xf32>
      %sub3A_250 = arith.subf %get3A_245, %get3A_249 : vector<16xf32>
      %mul3A_251 = arith.mulf %sub3A_250, %sub3A_250 : vector<16xf32>
      %add3A_252 = arith.addf %add3A_236, %mul3A_251 : vector<16xf32>
      %swap3A_253 = arith.index_cast %scan3A_34 : i32 to index
      %swap3A_254 = arith.constant 208 : index
      %swap3A_255 = tpu.vector_load %arg9[%swap3A_253, %swap3A_254] {strides = array<i32>} : memref<128x256xf32, #tpu.memory_space<vmem>>, vector<1x16xf32>,
      %swap3A_256 = vector.shape_cast %swap3A_255 : vector<1x16xf32> to vector<16xf32>
      %swap3A_257 = vector.shape_cast %sub3A_250 : vector<16xf32> to vector<1x16xf32>
      tpu.vector_store %arg9[%swap3A_253, %swap3A_254], %swap3A_257 {strides = array<i32>} : memref<128x256xf32, #tpu.memory_space<vmem>>, vector<1x16xf32>,
      %get3A_258 = arith.index_cast %scan3A_34 : i32 to index
      %get3A_259 = arith.constant 224 : index
      %get3A_260 = tpu.vector_load %arg9[%get3A_258, %get3A_259] {strides = array<i32>} : memref<128x256xf32, #tpu.memory_space<vmem>>, vector<1x16xf32>,
      %get3A_261 = vector.shape_cast %get3A_260 : vector<1x16xf32> to vector<16xf32>
      %get3A_262 = arith.index_cast %scan3A_34 : i32 to index
      %get3A_263 = arith.constant 224 : index
      %get3A_264 = tpu.vector_load %arg8[%get3A_262, %get3A_263] {strides = array<i32>} : memref<128x256xf32, #tpu.memory_space<vmem>>, vector<1x16xf32>,
      %get3A_265 = vector.shape_cast %get3A_264 : vector<1x16xf32> to vector<16xf32>
      %sub3A_266 = arith.subf %get3A_261, %get3A_265 : vector<16xf32>
      %mul3A_267 = arith.mulf %sub3A_266, %sub3A_266 : vector<16xf32>
      %add3A_268 = arith.addf %add3A_252, %mul3A_267 : vector<16xf32>
      %swap3A_269 = arith.index_cast %scan3A_34 : i32 to index
      %swap3A_270 = arith.constant 224 : index
      %swap3A_271 = tpu.vector_load %arg9[%swap3A_269, %swap3A_270] {strides = array<i32>} : memref<128x256xf32, #tpu.memory_space<vmem>>, vector<1x16xf32>,
      %swap3A_272 = vector.shape_cast %swap3A_271 : vector<1x16xf32> to vector<16xf32>
      %swap3A_273 = vector.shape_cast %sub3A_266 : vector<16xf32> to vector<1x16xf32>
      tpu.vector_store %arg9[%swap3A_269, %swap3A_270], %swap3A_273 {strides = array<i32>} : memref<128x256xf32, #tpu.memory_space<vmem>>, vector<1x16xf32>,
      %get3A_274 = arith.index_cast %scan3A_34 : i32 to index
      %get3A_275 = arith.constant 240 : index
      %get3A_276 = tpu.vector_load %arg9[%get3A_274, %get3A_275] {strides = array<i32>} : memref<128x256xf32, #tpu.memory_space<vmem>>, vector<1x16xf32>,
      %get3A_277 = vector.shape_cast %get3A_276 : vector<1x16xf32> to vector<16xf32>
      %get3A_278 = arith.index_cast %scan3A_34 : i32 to index
      %get3A_279 = arith.constant 240 : index
      %get3A_280 = tpu.vector_load %arg8[%get3A_278, %get3A_279] {strides = array<i32>} : memref<128x256xf32, #tpu.memory_space<vmem>>, vector<1x16xf32>,
      %get3A_281 = vector.shape_cast %get3A_280 : vector<1x16xf32> to vector<16xf32>
      %sub3A_282 = arith.subf %get3A_277, %get3A_281 : vector<16xf32>
      %mul3A_283 = arith.mulf %sub3A_282, %sub3A_282 : vector<16xf32>
      %add3A_284 = arith.addf %add3A_268, %mul3A_283 : vector<16xf32>
      %swap3A_285 = arith.index_cast %scan3A_34 : i32 to index
      %swap3A_286 = arith.constant 240 : index
      %swap3A_287 = tpu.vector_load %arg9[%swap3A_285, %swap3A_286] {strides = array<i32>} : memref<128x256xf32, #tpu.memory_space<vmem>>, vector<1x16xf32>,
      %swap3A_288 = vector.shape_cast %swap3A_287 : vector<1x16xf32> to vector<16xf32>
      %swap3A_289 = vector.shape_cast %sub3A_282 : vector<16xf32> to vector<1x16xf32>
      tpu.vector_store %arg9[%swap3A_285, %swap3A_286], %swap3A_289 {strides = array<i32>} : memref<128x256xf32, #tpu.memory_space<vmem>>, vector<1x16xf32>,
      scf.yield %add3A_284 : vector<16xf32>
    }
    %scan3A_14 = arith.constant 128 : i32
    "tpu.region"() ({
      %run_scoped3A = tpu.sem_alloc : memref<!tpu.dma_semaphore, #tpu.memory_space<semaphore_mem>>
      %dma_start3A_34 = arith.constant 0 : i32
      %dma_start3A_35 = tpu.memref_slice %arg5[%add3A_5, %dma_start3A_34] : memref<8192x256xf32, #tpu.memory_space<hbm>> -> memref<128x256xf32, #tpu.memory_space<hbm>>
      %dma_start3A_36 = arith.constant 0 : i32
      %dma_start3A_37 = tpu.memref_slice %arg5[%add3A_5, %dma_start3A_36] : memref<8192x256xf32, #tpu.memory_space<hbm>> -> memref<128x256xf32, #tpu.memory_space<hbm>>
      tpu.enqueue_dma source(%arg9 : memref<128x256xf32, #tpu.memory_space<vmem>>) target(%dma_start3A_37 : memref<128x256xf32, #tpu.memory_space<hbm>>) target_semaphore(%run_scoped3A : memref<!tpu.dma_semaphore, #tpu.memory_space<semaphore_mem>>)
      %dma_wait3A_38 = arith.constant 0 : i32
      %dma_wait3A_39 = tpu.memref_slice %arg5[%add3A_5, %dma_wait3A_38] : memref<8192x256xf32, #tpu.memory_space<hbm>> -> memref<128x256xf32, #tpu.memory_space<hbm>>
      %dma_wait3A_40 = arith.constant 0 : i32
      %dma_wait3A_41 = tpu.memref_slice %arg5[%add3A_5, %dma_wait3A_40] : memref<8192x256xf32, #tpu.memory_space<hbm>> -> memref<128x256xf32, #tpu.memory_space<hbm>>
      tpu.wait_dma2 semaphore(%run_scoped3A : memref<!tpu.dma_semaphore, #tpu.memory_space<semaphore_mem>>) src(%arg9 : memref<128x256xf32, #tpu.memory_space<vmem>>) dst(%dma_wait3A_41 : memref<128x256xf32, #tpu.memory_space<hbm>>)
      tpu.yield
    }) : () -> ()
    %mul3A_15 = arith.constant 256 : i32
    %mul3A_16 = arith.muli %add3A, %mul3A_15 : i32
    %add3A_17 = arith.constant 128 : i32
    %add3A_18 = arith.addi %mul3A_16, %add3A_17 : i32
    "tpu.region"() ({
      %run_scoped3A = tpu.sem_alloc : memref<!tpu.dma_semaphore, #tpu.memory_space<semaphore_mem>>
      %dma_start3A_34 = tpu.memref_slice %arg3[%add3A_18] : memref<8192xi32, #tpu.memory_space<hbm>> -> memref<128xi32, #tpu.memory_space<hbm>>
      %dma_start3A_35 = tpu.memref_slice %arg3[%add3A_18] : memref<8192xi32, #tpu.memory_space<hbm>> -> memref<128xi32, #tpu.memory_space<hbm>>
      tpu.enqueue_dma source(%dma_start3A_35 : memref<128xi32, #tpu.memory_space<hbm>>) target(%arg7 : memref<128xi32, #tpu.memory_space<vmem>>) target_semaphore(%run_scoped3A : memref<!tpu.dma_semaphore, #tpu.memory_space<semaphore_mem>>)
      %dma_wait3A_36 = tpu.memref_slice %arg3[%add3A_18] : memref<8192xi32, #tpu.memory_space<hbm>> -> memref<128xi32, #tpu.memory_space<hbm>>
      %dma_wait3A_37 = tpu.memref_slice %arg3[%add3A_18] : memref<8192xi32, #tpu.memory_space<hbm>> -> memref<128xi32, #tpu.memory_space<hbm>>
      tpu.wait_dma2 semaphore(%run_scoped3A : memref<!tpu.dma_semaphore, #tpu.memory_space<semaphore_mem>>) src(%dma_wait3A_37 : memref<128xi32, #tpu.memory_space<hbm>>) dst(%arg7 : memref<128xi32, #tpu.memory_space<vmem>>)
      tpu.yield
    }) : () -> ()
    %dma_start3A_19 = arith.constant 0 : i32
    %dma_start3A_20 = arith.constant 0 : i32
    %dma_start3A_21 = tpu.memref_slice %arg2[%dma_start3A_19, %dma_start3A_20] : memref<8192x256xf32, #tpu.memory_space<hbm>> -> memref<8192x256xf32, #tpu.memory_space<hbm>>
    tpu.enqueue_indirect_dma source(%dma_start3A_21 : memref<8192x256xf32, #tpu.memory_space<hbm>>) target(%arg8 : memref<128x256xf32, #tpu.memory_space<vmem>>) offsets(%arg7 : memref<128xi32, #tpu.memory_space<vmem>>) semaphore(%arg11 : memref<!tpu.dma_semaphore, #tpu.memory_space<semaphore_mem>>)
    %dma_wait3A_22 = arith.constant 0 : i32
    %dma_wait3A_23 = arith.constant 0 : i32
    %dma_wait3A_24 = tpu.memref_slice %arg2[%dma_wait3A_22, %dma_wait3A_23] : memref<8192x256xf32, #tpu.memory_space<hbm>> -> memref<8192x256xf32, #tpu.memory_space<hbm>>
    tpu.wait_indirect_dma semaphore(%arg11 : memref<!tpu.dma_semaphore, #tpu.memory_space<semaphore_mem>>) src(%dma_wait3A_24 : memref<8192x256xf32, #tpu.memory_space<hbm>>) dst(%arg8 : memref<128x256xf32, #tpu.memory_space<vmem>>)
    "tpu.region"() ({
      %run_scoped3A = tpu.sem_alloc : memref<!tpu.dma_semaphore, #tpu.memory_space<semaphore_mem>>
      %dma_start3A_34 = arith.constant 0 : i32
      %dma_start3A_35 = tpu.memref_slice %arg4[%add3A_18, %dma_start3A_34] : memref<8192x256xf32, #tpu.memory_space<hbm>> -> memref<128x256xf32, #tpu.memory_space<hbm>>
      %dma_start3A_36 = arith.constant 0 : i32
      %dma_start3A_37 = tpu.memref_slice %arg4[%add3A_18, %dma_start3A_36] : memref<8192x256xf32, #tpu.memory_space<hbm>> -> memref<128x256xf32, #tpu.memory_space<hbm>>
      tpu.enqueue_dma source(%dma_start3A_37 : memref<128x256xf32, #tpu.memory_space<hbm>>) target(%arg9 : memref<128x256xf32, #tpu.memory_space<vmem>>) target_semaphore(%run_scoped3A : memref<!tpu.dma_semaphore, #tpu.memory_space<semaphore_mem>>)
      %dma_wait3A_38 = arith.constant 0 : i32
      %dma_wait3A_39 = tpu.memref_slice %arg4[%add3A_18, %dma_wait3A_38] : memref<8192x256xf32, #tpu.memory_space<hbm>> -> memref<128x256xf32, #tpu.memory_space<hbm>>
      %dma_wait3A_40 = arith.constant 0 : i32
      %dma_wait3A_41 = tpu.memref_slice %arg4[%add3A_18, %dma_wait3A_40] : memref<8192x256xf32, #tpu.memory_space<hbm>> -> memref<128x256xf32, #tpu.memory_space<hbm>>
      tpu.wait_dma2 semaphore(%run_scoped3A : memref<!tpu.dma_semaphore, #tpu.memory_space<semaphore_mem>>) src(%dma_wait3A_41 : memref<128x256xf32, #tpu.memory_space<hbm>>) dst(%arg9 : memref<128x256xf32, #tpu.memory_space<vmem>>)
      tpu.yield
    }) : () -> ()
    %scan3A_25 = arith.constant 0 : i32
    %scan3A_26 = arith.constant 128 : i32
    %scan3A_27 = arith.addi %scan3A_25, %scan3A_26 : i32
    %scan3A_28 = arith.constant 1 : i32
    %scan3A_29 = scf.for %scan3A_34 = %scan3A_25 to %scan3A_27 step %scan3A_28 iter_args(%scan3A_35 = %scan3A_13) -> (vector<16xf32>)  : i32 {
      %get3A = arith.index_cast %scan3A_34 : i32 to index
      %get3A_36 = arith.constant 0 : index
      %get3A_37 = tpu.vector_load %arg9[%get3A, %get3A_36] {strides = array<i32>} : memref<128x256xf32, #tpu.memory_space<vmem>>, vector<1x16xf32>,
      %get3A_38 = vector.shape_cast %get3A_37 : vector<1x16xf32> to vector<16xf32>
      %get3A_39 = arith.index_cast %scan3A_34 : i32 to index
      %get3A_40 = arith.constant 0 : index
      %get3A_41 = tpu.vector_load %arg8[%get3A_39, %get3A_40] {strides = array<i32>} : memref<128x256xf32, #tpu.memory_space<vmem>>, vector<1x16xf32>,
      %get3A_42 = vector.shape_cast %get3A_41 : vector<1x16xf32> to vector<16xf32>
      %sub3A = arith.subf %get3A_38, %get3A_42 : vector<16xf32>
      %mul3A_43 = arith.mulf %sub3A, %sub3A : vector<16xf32>
      %add3A_44 = arith.addf %scan3A_35, %mul3A_43 : vector<16xf32>
      %swap3A_45 = arith.index_cast %scan3A_34 : i32 to index
      %swap3A_46 = arith.constant 0 : index
      %swap3A_47 = tpu.vector_load %arg9[%swap3A_45, %swap3A_46] {strides = array<i32>} : memref<128x256xf32, #tpu.memory_space<vmem>>, vector<1x16xf32>,
      %swap3A_48 = vector.shape_cast %swap3A_47 : vector<1x16xf32> to vector<16xf32>
      %swap3A_49 = vector.shape_cast %sub3A : vector<16xf32> to vector<1x16xf32>
      tpu.vector_store %arg9[%swap3A_45, %swap3A_46], %swap3A_49 {strides = array<i32>} : memref<128x256xf32, #tpu.memory_space<vmem>>, vector<1x16xf32>,
      %get3A_50 = arith.index_cast %scan3A_34 : i32 to index
      %get3A_51 = arith.constant 16 : index
      %get3A_52 = tpu.vector_load %arg9[%get3A_50, %get3A_51] {strides = array<i32>} : memref<128x256xf32, #tpu.memory_space<vmem>>, vector<1x16xf32>,
      %get3A_53 = vector.shape_cast %get3A_52 : vector<1x16xf32> to vector<16xf32>
      %get3A_54 = arith.index_cast %scan3A_34 : i32 to index
      %get3A_55 = arith.constant 16 : index
      %get3A_56 = tpu.vector_load %arg8[%get3A_54, %get3A_55] {strides = array<i32>} : memref<128x256xf32, #tpu.memory_space<vmem>>, vector<1x16xf32>,
      %get3A_57 = vector.shape_cast %get3A_56 : vector<1x16xf32> to vector<16xf32>
      %sub3A_58 = arith.subf %get3A_53, %get3A_57 : vector<16xf32>
      %mul3A_59 = arith.mulf %sub3A_58, %sub3A_58 : vector<16xf32>
      %add3A_60 = arith.addf %add3A_44, %mul3A_59 : vector<16xf32>
      %swap3A_61 = arith.index_cast %scan3A_34 : i32 to index
      %swap3A_62 = arith.constant 16 : index
      %swap3A_63 = tpu.vector_load %arg9[%swap3A_61, %swap3A_62] {strides = array<i32>} : memref<128x256xf32, #tpu.memory_space<vmem>>, vector<1x16xf32>,
      %swap3A_64 = vector.shape_cast %swap3A_63 : vector<1x16xf32> to vector<16xf32>
      %swap3A_65 = vector.shape_cast %sub3A_58 : vector<16xf32> to vector<1x16xf32>
      tpu.vector_store %arg9[%swap3A_61, %swap3A_62], %swap3A_65 {strides = array<i32>} : memref<128x256xf32, #tpu.memory_space<vmem>>, vector<1x16xf32>,
      %get3A_66 = arith.index_cast %scan3A_34 : i32 to index
      %get3A_67 = arith.constant 32 : index
      %get3A_68 = tpu.vector_load %arg9[%get3A_66, %get3A_67] {strides = array<i32>} : memref<128x256xf32, #tpu.memory_space<vmem>>, vector<1x16xf32>,
      %get3A_69 = vector.shape_cast %get3A_68 : vector<1x16xf32> to vector<16xf32>
      %get3A_70 = arith.index_cast %scan3A_34 : i32 to index
      %get3A_71 = arith.constant 32 : index
      %get3A_72 = tpu.vector_load %arg8[%get3A_70, %get3A_71] {strides = array<i32>} : memref<128x256xf32, #tpu.memory_space<vmem>>, vector<1x16xf32>,
      %get3A_73 = vector.shape_cast %get3A_72 : vector<1x16xf32> to vector<16xf32>
      %sub3A_74 = arith.subf %get3A_69, %get3A_73 : vector<16xf32>
      %mul3A_75 = arith.mulf %sub3A_74, %sub3A_74 : vector<16xf32>
      %add3A_76 = arith.addf %add3A_60, %mul3A_75 : vector<16xf32>
      %swap3A_77 = arith.index_cast %scan3A_34 : i32 to index
      %swap3A_78 = arith.constant 32 : index
      %swap3A_79 = tpu.vector_load %arg9[%swap3A_77, %swap3A_78] {strides = array<i32>} : memref<128x256xf32, #tpu.memory_space<vmem>>, vector<1x16xf32>,
      %swap3A_80 = vector.shape_cast %swap3A_79 : vector<1x16xf32> to vector<16xf32>
      %swap3A_81 = vector.shape_cast %sub3A_74 : vector<16xf32> to vector<1x16xf32>
      tpu.vector_store %arg9[%swap3A_77, %swap3A_78], %swap3A_81 {strides = array<i32>} : memref<128x256xf32, #tpu.memory_space<vmem>>, vector<1x16xf32>,
      %get3A_82 = arith.index_cast %scan3A_34 : i32 to index
      %get3A_83 = arith.constant 48 : index
      %get3A_84 = tpu.vector_load %arg9[%get3A_82, %get3A_83] {strides = array<i32>} : memref<128x256xf32, #tpu.memory_space<vmem>>, vector<1x16xf32>,
      %get3A_85 = vector.shape_cast %get3A_84 : vector<1x16xf32> to vector<16xf32>
      %get3A_86 = arith.index_cast %scan3A_34 : i32 to index
      %get3A_87 = arith.constant 48 : index
      %get3A_88 = tpu.vector_load %arg8[%get3A_86, %get3A_87] {strides = array<i32>} : memref<128x256xf32, #tpu.memory_space<vmem>>, vector<1x16xf32>,
      %get3A_89 = vector.shape_cast %get3A_88 : vector<1x16xf32> to vector<16xf32>
      %sub3A_90 = arith.subf %get3A_85, %get3A_89 : vector<16xf32>
      %mul3A_91 = arith.mulf %sub3A_90, %sub3A_90 : vector<16xf32>
      %add3A_92 = arith.addf %add3A_76, %mul3A_91 : vector<16xf32>
      %swap3A_93 = arith.index_cast %scan3A_34 : i32 to index
      %swap3A_94 = arith.constant 48 : index
      %swap3A_95 = tpu.vector_load %arg9[%swap3A_93, %swap3A_94] {strides = array<i32>} : memref<128x256xf32, #tpu.memory_space<vmem>>, vector<1x16xf32>,
      %swap3A_96 = vector.shape_cast %swap3A_95 : vector<1x16xf32> to vector<16xf32>
      %swap3A_97 = vector.shape_cast %sub3A_90 : vector<16xf32> to vector<1x16xf32>
      tpu.vector_store %arg9[%swap3A_93, %swap3A_94], %swap3A_97 {strides = array<i32>} : memref<128x256xf32, #tpu.memory_space<vmem>>, vector<1x16xf32>,
      %get3A_98 = arith.index_cast %scan3A_34 : i32 to index
      %get3A_99 = arith.constant 64 : index
      %get3A_100 = tpu.vector_load %arg9[%get3A_98, %get3A_99] {strides = array<i32>} : memref<128x256xf32, #tpu.memory_space<vmem>>, vector<1x16xf32>,
      %get3A_101 = vector.shape_cast %get3A_100 : vector<1x16xf32> to vector<16xf32>
      %get3A_102 = arith.index_cast %scan3A_34 : i32 to index
      %get3A_103 = arith.constant 64 : index
      %get3A_104 = tpu.vector_load %arg8[%get3A_102, %get3A_103] {strides = array<i32>} : memref<128x256xf32, #tpu.memory_space<vmem>>, vector<1x16xf32>,
      %get3A_105 = vector.shape_cast %get3A_104 : vector<1x16xf32> to vector<16xf32>
      %sub3A_106 = arith.subf %get3A_101, %get3A_105 : vector<16xf32>
      %mul3A_107 = arith.mulf %sub3A_106, %sub3A_106 : vector<16xf32>
      %add3A_108 = arith.addf %add3A_92, %mul3A_107 : vector<16xf32>
      %swap3A_109 = arith.index_cast %scan3A_34 : i32 to index
      %swap3A_110 = arith.constant 64 : index
      %swap3A_111 = tpu.vector_load %arg9[%swap3A_109, %swap3A_110] {strides = array<i32>} : memref<128x256xf32, #tpu.memory_space<vmem>>, vector<1x16xf32>,
      %swap3A_112 = vector.shape_cast %swap3A_111 : vector<1x16xf32> to vector<16xf32>
      %swap3A_113 = vector.shape_cast %sub3A_106 : vector<16xf32> to vector<1x16xf32>
      tpu.vector_store %arg9[%swap3A_109, %swap3A_110], %swap3A_113 {strides = array<i32>} : memref<128x256xf32, #tpu.memory_space<vmem>>, vector<1x16xf32>,
      %get3A_114 = arith.index_cast %scan3A_34 : i32 to index
      %get3A_115 = arith.constant 80 : index
      %get3A_116 = tpu.vector_load %arg9[%get3A_114, %get3A_115] {strides = array<i32>} : memref<128x256xf32, #tpu.memory_space<vmem>>, vector<1x16xf32>,
      %get3A_117 = vector.shape_cast %get3A_116 : vector<1x16xf32> to vector<16xf32>
      %get3A_118 = arith.index_cast %scan3A_34 : i32 to index
      %get3A_119 = arith.constant 80 : index
      %get3A_120 = tpu.vector_load %arg8[%get3A_118, %get3A_119] {strides = array<i32>} : memref<128x256xf32, #tpu.memory_space<vmem>>, vector<1x16xf32>,
      %get3A_121 = vector.shape_cast %get3A_120 : vector<1x16xf32> to vector<16xf32>
      %sub3A_122 = arith.subf %get3A_117, %get3A_121 : vector<16xf32>
      %mul3A_123 = arith.mulf %sub3A_122, %sub3A_122 : vector<16xf32>
      %add3A_124 = arith.addf %add3A_108, %mul3A_123 : vector<16xf32>
      %swap3A_125 = arith.index_cast %scan3A_34 : i32 to index
      %swap3A_126 = arith.constant 80 : index
      %swap3A_127 = tpu.vector_load %arg9[%swap3A_125, %swap3A_126] {strides = array<i32>} : memref<128x256xf32, #tpu.memory_space<vmem>>, vector<1x16xf32>,
      %swap3A_128 = vector.shape_cast %swap3A_127 : vector<1x16xf32> to vector<16xf32>
      %swap3A_129 = vector.shape_cast %sub3A_122 : vector<16xf32> to vector<1x16xf32>
      tpu.vector_store %arg9[%swap3A_125, %swap3A_126], %swap3A_129 {strides = array<i32>} : memref<128x256xf32, #tpu.memory_space<vmem>>, vector<1x16xf32>,
      %get3A_130 = arith.index_cast %scan3A_34 : i32 to index
      %get3A_131 = arith.constant 96 : index
      %get3A_132 = tpu.vector_load %arg9[%get3A_130, %get3A_131] {strides = array<i32>} : memref<128x256xf32, #tpu.memory_space<vmem>>, vector<1x16xf32>,
      %get3A_133 = vector.shape_cast %get3A_132 : vector<1x16xf32> to vector<16xf32>
      %get3A_134 = arith.index_cast %scan3A_34 : i32 to index
      %get3A_135 = arith.constant 96 : index
      %get3A_136 = tpu.vector_load %arg8[%get3A_134, %get3A_135] {strides = array<i32>} : memref<128x256xf32, #tpu.memory_space<vmem>>, vector<1x16xf32>,
      %get3A_137 = vector.shape_cast %get3A_136 : vector<1x16xf32> to vector<16xf32>
      %sub3A_138 = arith.subf %get3A_133, %get3A_137 : vector<16xf32>
      %mul3A_139 = arith.mulf %sub3A_138, %sub3A_138 : vector<16xf32>
      %add3A_140 = arith.addf %add3A_124, %mul3A_139 : vector<16xf32>
      %swap3A_141 = arith.index_cast %scan3A_34 : i32 to index
      %swap3A_142 = arith.constant 96 : index
      %swap3A_143 = tpu.vector_load %arg9[%swap3A_141, %swap3A_142] {strides = array<i32>} : memref<128x256xf32, #tpu.memory_space<vmem>>, vector<1x16xf32>,
      %swap3A_144 = vector.shape_cast %swap3A_143 : vector<1x16xf32> to vector<16xf32>
      %swap3A_145 = vector.shape_cast %sub3A_138 : vector<16xf32> to vector<1x16xf32>
      tpu.vector_store %arg9[%swap3A_141, %swap3A_142], %swap3A_145 {strides = array<i32>} : memref<128x256xf32, #tpu.memory_space<vmem>>, vector<1x16xf32>,
      %get3A_146 = arith.index_cast %scan3A_34 : i32 to index
      %get3A_147 = arith.constant 112 : index
      %get3A_148 = tpu.vector_load %arg9[%get3A_146, %get3A_147] {strides = array<i32>} : memref<128x256xf32, #tpu.memory_space<vmem>>, vector<1x16xf32>,
      %get3A_149 = vector.shape_cast %get3A_148 : vector<1x16xf32> to vector<16xf32>
      %get3A_150 = arith.index_cast %scan3A_34 : i32 to index
      %get3A_151 = arith.constant 112 : index
      %get3A_152 = tpu.vector_load %arg8[%get3A_150, %get3A_151] {strides = array<i32>} : memref<128x256xf32, #tpu.memory_space<vmem>>, vector<1x16xf32>,
      %get3A_153 = vector.shape_cast %get3A_152 : vector<1x16xf32> to vector<16xf32>
      %sub3A_154 = arith.subf %get3A_149, %get3A_153 : vector<16xf32>
      %mul3A_155 = arith.mulf %sub3A_154, %sub3A_154 : vector<16xf32>
      %add3A_156 = arith.addf %add3A_140, %mul3A_155 : vector<16xf32>
      %swap3A_157 = arith.index_cast %scan3A_34 : i32 to index
      %swap3A_158 = arith.constant 112 : index
      %swap3A_159 = tpu.vector_load %arg9[%swap3A_157, %swap3A_158] {strides = array<i32>} : memref<128x256xf32, #tpu.memory_space<vmem>>, vector<1x16xf32>,
      %swap3A_160 = vector.shape_cast %swap3A_159 : vector<1x16xf32> to vector<16xf32>
      %swap3A_161 = vector.shape_cast %sub3A_154 : vector<16xf32> to vector<1x16xf32>
      tpu.vector_store %arg9[%swap3A_157, %swap3A_158], %swap3A_161 {strides = array<i32>} : memref<128x256xf32, #tpu.memory_space<vmem>>, vector<1x16xf32>,
      %get3A_162 = arith.index_cast %scan3A_34 : i32 to index
      %get3A_163 = arith.constant 128 : index
      %get3A_164 = tpu.vector_load %arg9[%get3A_162, %get3A_163] {strides = array<i32>} : memref<128x256xf32, #tpu.memory_space<vmem>>, vector<1x16xf32>,
      %get3A_165 = vector.shape_cast %get3A_164 : vector<1x16xf32> to vector<16xf32>
      %get3A_166 = arith.index_cast %scan3A_34 : i32 to index
      %get3A_167 = arith.constant 128 : index
      %get3A_168 = tpu.vector_load %arg8[%get3A_166, %get3A_167] {strides = array<i32>} : memref<128x256xf32, #tpu.memory_space<vmem>>, vector<1x16xf32>,
      %get3A_169 = vector.shape_cast %get3A_168 : vector<1x16xf32> to vector<16xf32>
      %sub3A_170 = arith.subf %get3A_165, %get3A_169 : vector<16xf32>
      %mul3A_171 = arith.mulf %sub3A_170, %sub3A_170 : vector<16xf32>
      %add3A_172 = arith.addf %add3A_156, %mul3A_171 : vector<16xf32>
      %swap3A_173 = arith.index_cast %scan3A_34 : i32 to index
      %swap3A_174 = arith.constant 128 : index
      %swap3A_175 = tpu.vector_load %arg9[%swap3A_173, %swap3A_174] {strides = array<i32>} : memref<128x256xf32, #tpu.memory_space<vmem>>, vector<1x16xf32>,
      %swap3A_176 = vector.shape_cast %swap3A_175 : vector<1x16xf32> to vector<16xf32>
      %swap3A_177 = vector.shape_cast %sub3A_170 : vector<16xf32> to vector<1x16xf32>
      tpu.vector_store %arg9[%swap3A_173, %swap3A_174], %swap3A_177 {strides = array<i32>} : memref<128x256xf32, #tpu.memory_space<vmem>>, vector<1x16xf32>,
      %get3A_178 = arith.index_cast %scan3A_34 : i32 to index
      %get3A_179 = arith.constant 144 : index
      %get3A_180 = tpu.vector_load %arg9[%get3A_178, %get3A_179] {strides = array<i32>} : memref<128x256xf32, #tpu.memory_space<vmem>>, vector<1x16xf32>,
      %get3A_181 = vector.shape_cast %get3A_180 : vector<1x16xf32> to vector<16xf32>
      %get3A_182 = arith.index_cast %scan3A_34 : i32 to index
      %get3A_183 = arith.constant 144 : index
      %get3A_184 = tpu.vector_load %arg8[%get3A_182, %get3A_183] {strides = array<i32>} : memref<128x256xf32, #tpu.memory_space<vmem>>, vector<1x16xf32>,
      %get3A_185 = vector.shape_cast %get3A_184 : vector<1x16xf32> to vector<16xf32>
      %sub3A_186 = arith.subf %get3A_181, %get3A_185 : vector<16xf32>
      %mul3A_187 = arith.mulf %sub3A_186, %sub3A_186 : vector<16xf32>
      %add3A_188 = arith.addf %add3A_172, %mul3A_187 : vector<16xf32>
      %swap3A_189 = arith.index_cast %scan3A_34 : i32 to index
      %swap3A_190 = arith.constant 144 : index
      %swap3A_191 = tpu.vector_load %arg9[%swap3A_189, %swap3A_190] {strides = array<i32>} : memref<128x256xf32, #tpu.memory_space<vmem>>, vector<1x16xf32>,
      %swap3A_192 = vector.shape_cast %swap3A_191 : vector<1x16xf32> to vector<16xf32>
      %swap3A_193 = vector.shape_cast %sub3A_186 : vector<16xf32> to vector<1x16xf32>
      tpu.vector_store %arg9[%swap3A_189, %swap3A_190], %swap3A_193 {strides = array<i32>} : memref<128x256xf32, #tpu.memory_space<vmem>>, vector<1x16xf32>,
      %get3A_194 = arith.index_cast %scan3A_34 : i32 to index
      %get3A_195 = arith.constant 160 : index
      %get3A_196 = tpu.vector_load %arg9[%get3A_194, %get3A_195] {strides = array<i32>} : memref<128x256xf32, #tpu.memory_space<vmem>>, vector<1x16xf32>,
      %get3A_197 = vector.shape_cast %get3A_196 : vector<1x16xf32> to vector<16xf32>
      %get3A_198 = arith.index_cast %scan3A_34 : i32 to index
      %get3A_199 = arith.constant 160 : index
      %get3A_200 = tpu.vector_load %arg8[%get3A_198, %get3A_199] {strides = array<i32>} : memref<128x256xf32, #tpu.memory_space<vmem>>, vector<1x16xf32>,
      %get3A_201 = vector.shape_cast %get3A_200 : vector<1x16xf32> to vector<16xf32>
      %sub3A_202 = arith.subf %get3A_197, %get3A_201 : vector<16xf32>
      %mul3A_203 = arith.mulf %sub3A_202, %sub3A_202 : vector<16xf32>
      %add3A_204 = arith.addf %add3A_188, %mul3A_203 : vector<16xf32>
      %swap3A_205 = arith.index_cast %scan3A_34 : i32 to index
      %swap3A_206 = arith.constant 160 : index
      %swap3A_207 = tpu.vector_load %arg9[%swap3A_205, %swap3A_206] {strides = array<i32>} : memref<128x256xf32, #tpu.memory_space<vmem>>, vector<1x16xf32>,
      %swap3A_208 = vector.shape_cast %swap3A_207 : vector<1x16xf32> to vector<16xf32>
      %swap3A_209 = vector.shape_cast %sub3A_202 : vector<16xf32> to vector<1x16xf32>
      tpu.vector_store %arg9[%swap3A_205, %swap3A_206], %swap3A_209 {strides = array<i32>} : memref<128x256xf32, #tpu.memory_space<vmem>>, vector<1x16xf32>,
      %get3A_210 = arith.index_cast %scan3A_34 : i32 to index
      %get3A_211 = arith.constant 176 : index
      %get3A_212 = tpu.vector_load %arg9[%get3A_210, %get3A_211] {strides = array<i32>} : memref<128x256xf32, #tpu.memory_space<vmem>>, vector<1x16xf32>,
      %get3A_213 = vector.shape_cast %get3A_212 : vector<1x16xf32> to vector<16xf32>
      %get3A_214 = arith.index_cast %scan3A_34 : i32 to index
      %get3A_215 = arith.constant 176 : index
      %get3A_216 = tpu.vector_load %arg8[%get3A_214, %get3A_215] {strides = array<i32>} : memref<128x256xf32, #tpu.memory_space<vmem>>, vector<1x16xf32>,
      %get3A_217 = vector.shape_cast %get3A_216 : vector<1x16xf32> to vector<16xf32>
      %sub3A_218 = arith.subf %get3A_213, %get3A_217 : vector<16xf32>
      %mul3A_219 = arith.mulf %sub3A_218, %sub3A_218 : vector<16xf32>
      %add3A_220 = arith.addf %add3A_204, %mul3A_219 : vector<16xf32>
      %swap3A_221 = arith.index_cast %scan3A_34 : i32 to index
      %swap3A_222 = arith.constant 176 : index
      %swap3A_223 = tpu.vector_load %arg9[%swap3A_221, %swap3A_222] {strides = array<i32>} : memref<128x256xf32, #tpu.memory_space<vmem>>, vector<1x16xf32>,
      %swap3A_224 = vector.shape_cast %swap3A_223 : vector<1x16xf32> to vector<16xf32>
      %swap3A_225 = vector.shape_cast %sub3A_218 : vector<16xf32> to vector<1x16xf32>
      tpu.vector_store %arg9[%swap3A_221, %swap3A_222], %swap3A_225 {strides = array<i32>} : memref<128x256xf32, #tpu.memory_space<vmem>>, vector<1x16xf32>,
      %get3A_226 = arith.index_cast %scan3A_34 : i32 to index
      %get3A_227 = arith.constant 192 : index
      %get3A_228 = tpu.vector_load %arg9[%get3A_226, %get3A_227] {strides = array<i32>} : memref<128x256xf32, #tpu.memory_space<vmem>>, vector<1x16xf32>,
      %get3A_229 = vector.shape_cast %get3A_228 : vector<1x16xf32> to vector<16xf32>
      %get3A_230 = arith.index_cast %scan3A_34 : i32 to index
      %get3A_231 = arith.constant 192 : index
      %get3A_232 = tpu.vector_load %arg8[%get3A_230, %get3A_231] {strides = array<i32>} : memref<128x256xf32, #tpu.memory_space<vmem>>, vector<1x16xf32>,
      %get3A_233 = vector.shape_cast %get3A_232 : vector<1x16xf32> to vector<16xf32>
      %sub3A_234 = arith.subf %get3A_229, %get3A_233 : vector<16xf32>
      %mul3A_235 = arith.mulf %sub3A_234, %sub3A_234 : vector<16xf32>
      %add3A_236 = arith.addf %add3A_220, %mul3A_235 : vector<16xf32>
      %swap3A_237 = arith.index_cast %scan3A_34 : i32 to index
      %swap3A_238 = arith.constant 192 : index
      %swap3A_239 = tpu.vector_load %arg9[%swap3A_237, %swap3A_238] {strides = array<i32>} : memref<128x256xf32, #tpu.memory_space<vmem>>, vector<1x16xf32>,
      %swap3A_240 = vector.shape_cast %swap3A_239 : vector<1x16xf32> to vector<16xf32>
      %swap3A_241 = vector.shape_cast %sub3A_234 : vector<16xf32> to vector<1x16xf32>
      tpu.vector_store %arg9[%swap3A_237, %swap3A_238], %swap3A_241 {strides = array<i32>} : memref<128x256xf32, #tpu.memory_space<vmem>>, vector<1x16xf32>,
      %get3A_242 = arith.index_cast %scan3A_34 : i32 to index
      %get3A_243 = arith.constant 208 : index
      %get3A_244 = tpu.vector_load %arg9[%get3A_242, %get3A_243] {strides = array<i32>} : memref<128x256xf32, #tpu.memory_space<vmem>>, vector<1x16xf32>,
      %get3A_245 = vector.shape_cast %get3A_244 : vector<1x16xf32> to vector<16xf32>
      %get3A_246 = arith.index_cast %scan3A_34 : i32 to index
      %get3A_247 = arith.constant 208 : index
      %get3A_248 = tpu.vector_load %arg8[%get3A_246, %get3A_247] {strides = array<i32>} : memref<128x256xf32, #tpu.memory_space<vmem>>, vector<1x16xf32>,
      %get3A_249 = vector.shape_cast %get3A_248 : vector<1x16xf32> to vector<16xf32>
      %sub3A_250 = arith.subf %get3A_245, %get3A_249 : vector<16xf32>
      %mul3A_251 = arith.mulf %sub3A_250, %sub3A_250 : vector<16xf32>
      %add3A_252 = arith.addf %add3A_236, %mul3A_251 : vector<16xf32>
      %swap3A_253 = arith.index_cast %scan3A_34 : i32 to index
      %swap3A_254 = arith.constant 208 : index
      %swap3A_255 = tpu.vector_load %arg9[%swap3A_253, %swap3A_254] {strides = array<i32>} : memref<128x256xf32, #tpu.memory_space<vmem>>, vector<1x16xf32>,
      %swap3A_256 = vector.shape_cast %swap3A_255 : vector<1x16xf32> to vector<16xf32>
      %swap3A_257 = vector.shape_cast %sub3A_250 : vector<16xf32> to vector<1x16xf32>
      tpu.vector_store %arg9[%swap3A_253, %swap3A_254], %swap3A_257 {strides = array<i32>} : memref<128x256xf32, #tpu.memory_space<vmem>>, vector<1x16xf32>,
      %get3A_258 = arith.index_cast %scan3A_34 : i32 to index
      %get3A_259 = arith.constant 224 : index
      %get3A_260 = tpu.vector_load %arg9[%get3A_258, %get3A_259] {strides = array<i32>} : memref<128x256xf32, #tpu.memory_space<vmem>>, vector<1x16xf32>,
      %get3A_261 = vector.shape_cast %get3A_260 : vector<1x16xf32> to vector<16xf32>
      %get3A_262 = arith.index_cast %scan3A_34 : i32 to index
      %get3A_263 = arith.constant 224 : index
      %get3A_264 = tpu.vector_load %arg8[%get3A_262, %get3A_263] {strides = array<i32>} : memref<128x256xf32, #tpu.memory_space<vmem>>, vector<1x16xf32>,
      %get3A_265 = vector.shape_cast %get3A_264 : vector<1x16xf32> to vector<16xf32>
      %sub3A_266 = arith.subf %get3A_261, %get3A_265 : vector<16xf32>
      %mul3A_267 = arith.mulf %sub3A_266, %sub3A_266 : vector<16xf32>
      %add3A_268 = arith.addf %add3A_252, %mul3A_267 : vector<16xf32>
      %swap3A_269 = arith.index_cast %scan3A_34 : i32 to index
      %swap3A_270 = arith.constant 224 : index
      %swap3A_271 = tpu.vector_load %arg9[%swap3A_269, %swap3A_270] {strides = array<i32>} : memref<128x256xf32, #tpu.memory_space<vmem>>, vector<1x16xf32>,
      %swap3A_272 = vector.shape_cast %swap3A_271 : vector<1x16xf32> to vector<16xf32>
      %swap3A_273 = vector.shape_cast %sub3A_266 : vector<16xf32> to vector<1x16xf32>
      tpu.vector_store %arg9[%swap3A_269, %swap3A_270], %swap3A_273 {strides = array<i32>} : memref<128x256xf32, #tpu.memory_space<vmem>>, vector<1x16xf32>,
      %get3A_274 = arith.index_cast %scan3A_34 : i32 to index
      %get3A_275 = arith.constant 240 : index
      %get3A_276 = tpu.vector_load %arg9[%get3A_274, %get3A_275] {strides = array<i32>} : memref<128x256xf32, #tpu.memory_space<vmem>>, vector<1x16xf32>,
      %get3A_277 = vector.shape_cast %get3A_276 : vector<1x16xf32> to vector<16xf32>
      %get3A_278 = arith.index_cast %scan3A_34 : i32 to index
      %get3A_279 = arith.constant 240 : index
      %get3A_280 = tpu.vector_load %arg8[%get3A_278, %get3A_279] {strides = array<i32>} : memref<128x256xf32, #tpu.memory_space<vmem>>, vector<1x16xf32>,
      %get3A_281 = vector.shape_cast %get3A_280 : vector<1x16xf32> to vector<16xf32>
      %sub3A_282 = arith.subf %get3A_277, %get3A_281 : vector<16xf32>
      %mul3A_283 = arith.mulf %sub3A_282, %sub3A_282 : vector<16xf32>
      %add3A_284 = arith.addf %add3A_268, %mul3A_283 : vector<16xf32>
      %swap3A_285 = arith.index_cast %scan3A_34 : i32 to index
      %swap3A_286 = arith.constant 240 : index
      %swap3A_287 = tpu.vector_load %arg9[%swap3A_285, %swap3A_286] {strides = array<i32>} : memref<128x256xf32, #tpu.memory_space<vmem>>, vector<1x16xf32>,
      %swap3A_288 = vector.shape_cast %swap3A_287 : vector<1x16xf32> to vector<16xf32>
      %swap3A_289 = vector.shape_cast %sub3A_282 : vector<16xf32> to vector<1x16xf32>
      tpu.vector_store %arg9[%swap3A_285, %swap3A_286], %swap3A_289 {strides = array<i32>} : memref<128x256xf32, #tpu.memory_space<vmem>>, vector<1x16xf32>,
      scf.yield %add3A_284 : vector<16xf32>
    }
    %scan3A_30 = arith.constant 128 : i32
    "tpu.region"() ({
      %run_scoped3A = tpu.sem_alloc : memref<!tpu.dma_semaphore, #tpu.memory_space<semaphore_mem>>
      %dma_start3A_34 = arith.constant 0 : i32
      %dma_start3A_35 = tpu.memref_slice %arg5[%add3A_18, %dma_start3A_34] : memref<8192x256xf32, #tpu.memory_space<hbm>> -> memref<128x256xf32, #tpu.memory_space<hbm>>
      %dma_start3A_36 = arith.constant 0 : i32
      %dma_start3A_37 = tpu.memref_slice %arg5[%add3A_18, %dma_start3A_36] : memref<8192x256xf32, #tpu.memory_space<hbm>> -> memref<128x256xf32, #tpu.memory_space<hbm>>
      tpu.enqueue_dma source(%arg9 : memref<128x256xf32, #tpu.memory_space<vmem>>) target(%dma_start3A_37 : memref<128x256xf32, #tpu.memory_space<hbm>>) target_semaphore(%run_scoped3A : memref<!tpu.dma_semaphore, #tpu.memory_space<semaphore_mem>>)
      %dma_wait3A_38 = arith.constant 0 : i32
      %dma_wait3A_39 = tpu.memref_slice %arg5[%add3A_18, %dma_wait3A_38] : memref<8192x256xf32, #tpu.memory_space<hbm>> -> memref<128x256xf32, #tpu.memory_space<hbm>>
      %dma_wait3A_40 = arith.constant 0 : i32
      %dma_wait3A_41 = tpu.memref_slice %arg5[%add3A_18, %dma_wait3A_40] : memref<8192x256xf32, #tpu.memory_space<hbm>> -> memref<128x256xf32, #tpu.memory_space<hbm>>
      tpu.wait_dma2 semaphore(%run_scoped3A : memref<!tpu.dma_semaphore, #tpu.memory_space<semaphore_mem>>) src(%arg9 : memref<128x256xf32, #tpu.memory_space<vmem>>) dst(%dma_wait3A_41 : memref<128x256xf32, #tpu.memory_space<hbm>>)
      tpu.yield
    }) : () -> ()
    %swap3A = arith.constant 0 : index
    %swap3A_31 = tpu.vector_load %arg10[%swap3A] {strides = array<i32>} : memref<16xf32, #tpu.memory_space<vmem>>, vector<16xf32>,
    %swap3A_32 = vector.shape_cast %swap3A_31 : vector<16xf32> to vector<16xf32>
    %swap3A_33 = vector.shape_cast %scan3A_29 : vector<16xf32> to vector<16xf32>
    tpu.vector_store %arg10[%swap3A], %swap3A_33 {strides = array<i32>} : memref<16xf32, #tpu.memory_space<vmem>>, vector<16xf32>,
    "tpu.region"() ({
      %run_scoped3A = tpu.sem_alloc : memref<!tpu.dma_semaphore, #tpu.memory_space<semaphore_mem>>
      %dma_start3A_34 = arith.constant 0 : i32
      %dma_start3A_35 = tpu.memref_slice %arg6[%add3A, %dma_start3A_34] : memref<32x16xf32, #tpu.memory_space<hbm>> -> memref<1x16xf32, #tpu.memory_space<hbm>>
      %dma_start3A_36 = tpu.memref_squeeze %dma_start3A_35 : memref<1x16xf32, #tpu.memory_space<hbm>> -> memref<16xf32, #tpu.memory_space<hbm>>
      %dma_start3A_37 = arith.constant 0 : i32
      %dma_start3A_38 = tpu.memref_slice %arg6[%add3A, %dma_start3A_37] : memref<32x16xf32, #tpu.memory_space<hbm>> -> memref<1x16xf32, #tpu.memory_space<hbm>>
      %dma_start3A_39 = tpu.memref_squeeze %dma_start3A_38 : memref<1x16xf32, #tpu.memory_space<hbm>> -> memref<16xf32, #tpu.memory_space<hbm>>
      tpu.enqueue_dma source(%arg10 : memref<16xf32, #tpu.memory_space<vmem>>) target(%dma_start3A_39 : memref<16xf32, #tpu.memory_space<hbm>>) target_semaphore(%run_scoped3A : memref<!tpu.dma_semaphore, #tpu.memory_space<semaphore_mem>>)
      %dma_wait3A_40 = arith.constant 0 : i32
      %dma_wait3A_41 = tpu.memref_slice %arg6[%add3A, %dma_wait3A_40] : memref<32x16xf32, #tpu.memory_space<hbm>> -> memref<1x16xf32, #tpu.memory_space<hbm>>
      %dma_wait3A_42 = tpu.memref_squeeze %dma_wait3A_41 : memref<1x16xf32, #tpu.memory_space<hbm>> -> memref<16xf32, #tpu.memory_space<hbm>>
      %dma_wait3A_43 = arith.constant 0 : i32
      %dma_wait3A_44 = tpu.memref_slice %arg6[%add3A, %dma_wait3A_43] : memref<32x16xf32, #tpu.memory_space<hbm>> -> memref<1x16xf32, #tpu.memory_space<hbm>>
      %dma_wait3A_45 = tpu.memref_squeeze %dma_wait3A_44 : memref<1x16xf32, #tpu.memory_space<hbm>> -> memref<16xf32, #tpu.memory_space<hbm>>
      tpu.wait_dma2 semaphore(%run_scoped3A : memref<!tpu.dma_semaphore, #tpu.memory_space<semaphore_mem>>) src(%arg10 : memref<16xf32, #tpu.memory_space<vmem>>) dst(%dma_wait3A_45 : memref<16xf32, #tpu.memory_space<hbm>>)
      tpu.yield
    }) : () -> ()
    return
  }
}

#map = affine_map<(d0, d1) -> (0, 0)>
#map1 = affine_map<(d0, d1) -> (0)>
module attributes {stable_mosaic.version = 14 : i64} {
  func.func @sc_update(%arg0: i32, %arg1: i32, %arg2: memref<8192x256xf32, #tpu.memory_space<hbm>>, %arg3: memref<8192xi32, #tpu.memory_space<hbm>>, %arg4: memref<8192x256xf32, #tpu.memory_space<hbm>>, %arg5: memref<8192x256xf32, #tpu.memory_space<hbm>>, %arg6: memref<32x16xf32, #tpu.memory_space<hbm>>, %arg7: memref<128xi32, #tpu.memory_space<vmem>>, %arg8: memref<128x256xf32, #tpu.memory_space<vmem>>, %arg9: memref<128x256xf32, #tpu.memory_space<vmem>>, %arg10: memref<16xf32, #tpu.memory_space<vmem>>, %arg11: memref<!tpu.dma_semaphore, #tpu.memory_space<semaphore_mem>>) attributes {dimension_semantics = [#tpu.dimension_semantics<core_parallel>, #tpu.dimension_semantics<subcore_parallel>], iteration_bounds = array<i64: 2, 16>, scalar_prefetch = 0 : i64, scratch_operands = 5 : i64, tpu.core_type = #tpu.core_type<sc_vector_subcore>, window_params = [{transform_indices = #map}, {transform_indices = #map1}, {transform_indices = #map}, {transform_indices = #map}, {transform_indices = #map}]} {
    %mul3A = arith.constant 2 : i32
    %mul3A_0 = arith.muli %arg1, %mul3A : i32
    %add3A = arith.addi %mul3A_0, %arg0 : i32
    %broadcast_in_dim3A = arith.constant 0.000000e+00 : f32
    %broadcast_in_dim3A_1 = vector.broadcast %broadcast_in_dim3A : f32 to vector<16xf32>
    %mul3A_2 = arith.constant 256 : i32
    %mul3A_3 = arith.muli %add3A, %mul3A_2 : i32
    %add3A_4 = arith.constant 0 : i32
    %add3A_5 = arith.addi %mul3A_3, %add3A_4 : i32
    "tpu.region"() ({
      %run_scoped3A = tpu.sem_alloc : memref<!tpu.dma_semaphore, #tpu.memory_space<semaphore_mem>>
      %dma_start3A_34 = tpu.memref_slice %arg3[%add3A_5] : memref<8192xi32, #tpu.memory_space<hbm>> -> memref<128xi32, #tpu.memory_space<hbm>>
      %dma_start3A_35 = tpu.memref_slice %arg3[%add3A_5] : memref<8192xi32, #tpu.memory_space<hbm>> -> memref<128xi32, #tpu.memory_space<hbm>>
      tpu.enqueue_dma source(%dma_start3A_35 : memref<128xi32, #tpu.memory_space<hbm>>) target(%arg7 : memref<128xi32, #tpu.memory_space<vmem>>) target_semaphore(%run_scoped3A : memref<!tpu.dma_semaphore, #tpu.memory_space<semaphore_mem>>)
      %dma_wait3A_36 = tpu.memref_slice %arg3[%add3A_5] : memref<8192xi32, #tpu.memory_space<hbm>> -> memref<128xi32, #tpu.memory_space<hbm>>
      %dma_wait3A_37 = tpu.memref_slice %arg3[%add3A_5] : memref<8192xi32, #tpu.memory_space<hbm>> -> memref<128xi32, #tpu.memory_space<hbm>>
      tpu.wait_dma2 semaphore(%run_scoped3A : memref<!tpu.dma_semaphore, #tpu.memory_space<semaphore_mem>>) src(%dma_wait3A_37 : memref<128xi32, #tpu.memory_space<hbm>>) dst(%arg7 : memref<128xi32, #tpu.memory_space<vmem>>)
      tpu.yield
    }) : () -> ()
    %dma_start3A = arith.constant 0 : i32
    %dma_start3A_6 = arith.constant 0 : i32
    %dma_start3A_7 = tpu.memref_slice %arg2[%dma_start3A, %dma_start3A_6] : memref<8192x256xf32, #tpu.memory_space<hbm>> -> memref<8192x256xf32, #tpu.memory_space<hbm>>
    tpu.enqueue_indirect_dma source(%dma_start3A_7 : memref<8192x256xf32, #tpu.memory_space<hbm>>) target(%arg8 : memref<128x256xf32, #tpu.memory_space<vmem>>) offsets(%arg7 : memref<128xi32, #tpu.memory_space<vmem>>) semaphore(%arg11 : memref<!tpu.dma_semaphore, #tpu.memory_space<semaphore_mem>>)
    %dma_wait3A = arith.constant 0 : i32
    %dma_wait3A_8 = arith.constant 0 : i32
    %dma_wait3A_9 = tpu.memref_slice %arg2[%dma_wait3A, %dma_wait3A_8] : memref<8192x256xf32, #tpu.memory_space<hbm>> -> memref<8192x256xf32, #tpu.memory_space<hbm>>
    tpu.wait_indirect_dma semaphore(%arg11 : memref<!tpu.dma_semaphore, #tpu.memory_space<semaphore_mem>>) src(%dma_wait3A_9 : memref<8192x256xf32, #tpu.memory_space<hbm>>) dst(%arg8 : memref<128x256xf32, #tpu.memory_space<vmem>>)
    "tpu.region"() ({
      %run_scoped3A = tpu.sem_alloc : memref<!tpu.dma_semaphore, #tpu.memory_space<semaphore_mem>>
      %dma_start3A_34 = arith.constant 0 : i32
      %dma_start3A_35 = tpu.memref_slice %arg4[%add3A_5, %dma_start3A_34] : memref<8192x256xf32, #tpu.memory_space<hbm>> -> memref<128x256xf32, #tpu.memory_space<hbm>>
      %dma_start3A_36 = arith.constant 0 : i32
      %dma_start3A_37 = tpu.memref_slice %arg4[%add3A_5, %dma_start3A_36] : memref<8192x256xf32, #tpu.memory_space<hbm>> -> memref<128x256xf32, #tpu.memory_space<hbm>>
      tpu.enqueue_dma source(%dma_start3A_37 : memref<128x256xf32, #tpu.memory_space<hbm>>) target(%arg9 : memref<128x256xf32, #tpu.memory_space<vmem>>) target_semaphore(%run_scoped3A : memref<!tpu.dma_semaphore, #tpu.memory_space<semaphore_mem>>)
      %dma_wait3A_38 = arith.constant 0 : i32
      %dma_wait3A_39 = tpu.memref_slice %arg4[%add3A_5, %dma_wait3A_38] : memref<8192x256xf32, #tpu.memory_space<hbm>> -> memref<128x256xf32, #tpu.memory_space<hbm>>
      %dma_wait3A_40 = arith.constant 0 : i32
      %dma_wait3A_41 = tpu.memref_slice %arg4[%add3A_5, %dma_wait3A_40] : memref<8192x256xf32, #tpu.memory_space<hbm>> -> memref<128x256xf32, #tpu.memory_space<hbm>>
      tpu.wait_dma2 semaphore(%run_scoped3A : memref<!tpu.dma_semaphore, #tpu.memory_space<semaphore_mem>>) src(%dma_wait3A_41 : memref<128x256xf32, #tpu.memory_space<hbm>>) dst(%arg9 : memref<128x256xf32, #tpu.memory_space<vmem>>)
      tpu.yield
    }) : () -> ()
    %scan3A = arith.constant 0 : i32
    %scan3A_10 = arith.constant 128 : i32
    %scan3A_11 = arith.addi %scan3A, %scan3A_10 : i32
    %scan3A_12 = arith.constant 1 : i32
    %scan3A_13 = scf.for %scan3A_34 = %scan3A to %scan3A_11 step %scan3A_12 iter_args(%scan3A_35 = %broadcast_in_dim3A_1) -> (vector<16xf32>)  : i32 {
      %get3A = arith.index_cast %scan3A_34 : i32 to index
      %get3A_36 = arith.constant 0 : index
      %get3A_37 = tpu.vector_load %arg9[%get3A, %get3A_36] {strides = array<i32>} : memref<128x256xf32, #tpu.memory_space<vmem>>, vector<1x16xf32>,
      %get3A_38 = vector.shape_cast %get3A_37 : vector<1x16xf32> to vector<16xf32>
      %get3A_39 = arith.index_cast %scan3A_34 : i32 to index
      %get3A_40 = arith.constant 0 : index
      %get3A_41 = tpu.vector_load %arg8[%get3A_39, %get3A_40] {strides = array<i32>} : memref<128x256xf32, #tpu.memory_space<vmem>>, vector<1x16xf32>,
      %get3A_42 = vector.shape_cast %get3A_41 : vector<1x16xf32> to vector<16xf32>
      %sub3A = arith.subf %get3A_38, %get3A_42 : vector<16xf32>
      %mul3A_43 = arith.mulf %sub3A, %sub3A : vector<16xf32>
      %add3A_44 = arith.addf %scan3A_35, %mul3A_43 : vector<16xf32>
      %swap3A_45 = arith.index_cast %scan3A_34 : i32 to index
      %swap3A_46 = arith.constant 0 : index
      %swap3A_47 = tpu.vector_load %arg9[%swap3A_45, %swap3A_46] {strides = array<i32>} : memref<128x256xf32, #tpu.memory_space<vmem>>, vector<1x16xf32>,
      %swap3A_48 = vector.shape_cast %swap3A_47 : vector<1x16xf32> to vector<16xf32>
      %swap3A_49 = vector.shape_cast %sub3A : vector<16xf32> to vector<1x16xf32>
      tpu.vector_store %arg9[%swap3A_45, %swap3A_46], %swap3A_49 {strides = array<i32>} : memref<128x256xf32, #tpu.memory_space<vmem>>, vector<1x16xf32>,
      %get3A_50 = arith.index_cast %scan3A_34 : i32 to index
      %get3A_51 = arith.constant 16 : index
      %get3A_52 = tpu.vector_load %arg9[%get3A_50, %get3A_51] {strides = array<i32>} : memref<128x256xf32, #tpu.memory_space<vmem>>, vector<1x16xf32>,
      %get3A_53 = vector.shape_cast %get3A_52 : vector<1x16xf32> to vector<16xf32>
      %get3A_54 = arith.index_cast %scan3A_34 : i32 to index
      %get3A_55 = arith.constant 16 : index
      %get3A_56 = tpu.vector_load %arg8[%get3A_54, %get3A_55] {strides = array<i32>} : memref<128x256xf32, #tpu.memory_space<vmem>>, vector<1x16xf32>,
      %get3A_57 = vector.shape_cast %get3A_56 : vector<1x16xf32> to vector<16xf32>
      %sub3A_58 = arith.subf %get3A_53, %get3A_57 : vector<16xf32>
      %mul3A_59 = arith.mulf %sub3A_58, %sub3A_58 : vector<16xf32>
      %add3A_60 = arith.addf %add3A_44, %mul3A_59 : vector<16xf32>
      %swap3A_61 = arith.index_cast %scan3A_34 : i32 to index
      %swap3A_62 = arith.constant 16 : index
      %swap3A_63 = tpu.vector_load %arg9[%swap3A_61, %swap3A_62] {strides = array<i32>} : memref<128x256xf32, #tpu.memory_space<vmem>>, vector<1x16xf32>,
      %swap3A_64 = vector.shape_cast %swap3A_63 : vector<1x16xf32> to vector<16xf32>
      %swap3A_65 = vector.shape_cast %sub3A_58 : vector<16xf32> to vector<1x16xf32>
      tpu.vector_store %arg9[%swap3A_61, %swap3A_62], %swap3A_65 {strides = array<i32>} : memref<128x256xf32, #tpu.memory_space<vmem>>, vector<1x16xf32>,
      %get3A_66 = arith.index_cast %scan3A_34 : i32 to index
      %get3A_67 = arith.constant 32 : index
      %get3A_68 = tpu.vector_load %arg9[%get3A_66, %get3A_67] {strides = array<i32>} : memref<128x256xf32, #tpu.memory_space<vmem>>, vector<1x16xf32>,
      %get3A_69 = vector.shape_cast %get3A_68 : vector<1x16xf32> to vector<16xf32>
      %get3A_70 = arith.index_cast %scan3A_34 : i32 to index
      %get3A_71 = arith.constant 32 : index
      %get3A_72 = tpu.vector_load %arg8[%get3A_70, %get3A_71] {strides = array<i32>} : memref<128x256xf32, #tpu.memory_space<vmem>>, vector<1x16xf32>,
      %get3A_73 = vector.shape_cast %get3A_72 : vector<1x16xf32> to vector<16xf32>
      %sub3A_74 = arith.subf %get3A_69, %get3A_73 : vector<16xf32>
      %mul3A_75 = arith.mulf %sub3A_74, %sub3A_74 : vector<16xf32>
      %add3A_76 = arith.addf %add3A_60, %mul3A_75 : vector<16xf32>
      %swap3A_77 = arith.index_cast %scan3A_34 : i32 to index
      %swap3A_78 = arith.constant 32 : index
      %swap3A_79 = tpu.vector_load %arg9[%swap3A_77, %swap3A_78] {strides = array<i32>} : memref<128x256xf32, #tpu.memory_space<vmem>>, vector<1x16xf32>,
      %swap3A_80 = vector.shape_cast %swap3A_79 : vector<1x16xf32> to vector<16xf32>
      %swap3A_81 = vector.shape_cast %sub3A_74 : vector<16xf32> to vector<1x16xf32>
      tpu.vector_store %arg9[%swap3A_77, %swap3A_78], %swap3A_81 {strides = array<i32>} : memref<128x256xf32, #tpu.memory_space<vmem>>, vector<1x16xf32>,
      %get3A_82 = arith.index_cast %scan3A_34 : i32 to index
      %get3A_83 = arith.constant 48 : index
      %get3A_84 = tpu.vector_load %arg9[%get3A_82, %get3A_83] {strides = array<i32>} : memref<128x256xf32, #tpu.memory_space<vmem>>, vector<1x16xf32>,
      %get3A_85 = vector.shape_cast %get3A_84 : vector<1x16xf32> to vector<16xf32>
      %get3A_86 = arith.index_cast %scan3A_34 : i32 to index
      %get3A_87 = arith.constant 48 : index
      %get3A_88 = tpu.vector_load %arg8[%get3A_86, %get3A_87] {strides = array<i32>} : memref<128x256xf32, #tpu.memory_space<vmem>>, vector<1x16xf32>,
      %get3A_89 = vector.shape_cast %get3A_88 : vector<1x16xf32> to vector<16xf32>
      %sub3A_90 = arith.subf %get3A_85, %get3A_89 : vector<16xf32>
      %mul3A_91 = arith.mulf %sub3A_90, %sub3A_90 : vector<16xf32>
      %add3A_92 = arith.addf %add3A_76, %mul3A_91 : vector<16xf32>
      %swap3A_93 = arith.index_cast %scan3A_34 : i32 to index
      %swap3A_94 = arith.constant 48 : index
      %swap3A_95 = tpu.vector_load %arg9[%swap3A_93, %swap3A_94] {strides = array<i32>} : memref<128x256xf32, #tpu.memory_space<vmem>>, vector<1x16xf32>,
      %swap3A_96 = vector.shape_cast %swap3A_95 : vector<1x16xf32> to vector<16xf32>
      %swap3A_97 = vector.shape_cast %sub3A_90 : vector<16xf32> to vector<1x16xf32>
      tpu.vector_store %arg9[%swap3A_93, %swap3A_94], %swap3A_97 {strides = array<i32>} : memref<128x256xf32, #tpu.memory_space<vmem>>, vector<1x16xf32>,
      %get3A_98 = arith.index_cast %scan3A_34 : i32 to index
      %get3A_99 = arith.constant 64 : index
      %get3A_100 = tpu.vector_load %arg9[%get3A_98, %get3A_99] {strides = array<i32>} : memref<128x256xf32, #tpu.memory_space<vmem>>, vector<1x16xf32>,
      %get3A_101 = vector.shape_cast %get3A_100 : vector<1x16xf32> to vector<16xf32>
      %get3A_102 = arith.index_cast %scan3A_34 : i32 to index
      %get3A_103 = arith.constant 64 : index
      %get3A_104 = tpu.vector_load %arg8[%get3A_102, %get3A_103] {strides = array<i32>} : memref<128x256xf32, #tpu.memory_space<vmem>>, vector<1x16xf32>,
      %get3A_105 = vector.shape_cast %get3A_104 : vector<1x16xf32> to vector<16xf32>
      %sub3A_106 = arith.subf %get3A_101, %get3A_105 : vector<16xf32>
      %mul3A_107 = arith.mulf %sub3A_106, %sub3A_106 : vector<16xf32>
      %add3A_108 = arith.addf %add3A_92, %mul3A_107 : vector<16xf32>
      %swap3A_109 = arith.index_cast %scan3A_34 : i32 to index
      %swap3A_110 = arith.constant 64 : index
      %swap3A_111 = tpu.vector_load %arg9[%swap3A_109, %swap3A_110] {strides = array<i32>} : memref<128x256xf32, #tpu.memory_space<vmem>>, vector<1x16xf32>,
      %swap3A_112 = vector.shape_cast %swap3A_111 : vector<1x16xf32> to vector<16xf32>
      %swap3A_113 = vector.shape_cast %sub3A_106 : vector<16xf32> to vector<1x16xf32>
      tpu.vector_store %arg9[%swap3A_109, %swap3A_110], %swap3A_113 {strides = array<i32>} : memref<128x256xf32, #tpu.memory_space<vmem>>, vector<1x16xf32>,
      %get3A_114 = arith.index_cast %scan3A_34 : i32 to index
      %get3A_115 = arith.constant 80 : index
      %get3A_116 = tpu.vector_load %arg9[%get3A_114, %get3A_115] {strides = array<i32>} : memref<128x256xf32, #tpu.memory_space<vmem>>, vector<1x16xf32>,
      %get3A_117 = vector.shape_cast %get3A_116 : vector<1x16xf32> to vector<16xf32>
      %get3A_118 = arith.index_cast %scan3A_34 : i32 to index
      %get3A_119 = arith.constant 80 : index
      %get3A_120 = tpu.vector_load %arg8[%get3A_118, %get3A_119] {strides = array<i32>} : memref<128x256xf32, #tpu.memory_space<vmem>>, vector<1x16xf32>,
      %get3A_121 = vector.shape_cast %get3A_120 : vector<1x16xf32> to vector<16xf32>
      %sub3A_122 = arith.subf %get3A_117, %get3A_121 : vector<16xf32>
      %mul3A_123 = arith.mulf %sub3A_122, %sub3A_122 : vector<16xf32>
      %add3A_124 = arith.addf %add3A_108, %mul3A_123 : vector<16xf32>
      %swap3A_125 = arith.index_cast %scan3A_34 : i32 to index
      %swap3A_126 = arith.constant 80 : index
      %swap3A_127 = tpu.vector_load %arg9[%swap3A_125, %swap3A_126] {strides = array<i32>} : memref<128x256xf32, #tpu.memory_space<vmem>>, vector<1x16xf32>,
      %swap3A_128 = vector.shape_cast %swap3A_127 : vector<1x16xf32> to vector<16xf32>
      %swap3A_129 = vector.shape_cast %sub3A_122 : vector<16xf32> to vector<1x16xf32>
      tpu.vector_store %arg9[%swap3A_125, %swap3A_126], %swap3A_129 {strides = array<i32>} : memref<128x256xf32, #tpu.memory_space<vmem>>, vector<1x16xf32>,
      %get3A_130 = arith.index_cast %scan3A_34 : i32 to index
      %get3A_131 = arith.constant 96 : index
      %get3A_132 = tpu.vector_load %arg9[%get3A_130, %get3A_131] {strides = array<i32>} : memref<128x256xf32, #tpu.memory_space<vmem>>, vector<1x16xf32>,
      %get3A_133 = vector.shape_cast %get3A_132 : vector<1x16xf32> to vector<16xf32>
      %get3A_134 = arith.index_cast %scan3A_34 : i32 to index
      %get3A_135 = arith.constant 96 : index
      %get3A_136 = tpu.vector_load %arg8[%get3A_134, %get3A_135] {strides = array<i32>} : memref<128x256xf32, #tpu.memory_space<vmem>>, vector<1x16xf32>,
      %get3A_137 = vector.shape_cast %get3A_136 : vector<1x16xf32> to vector<16xf32>
      %sub3A_138 = arith.subf %get3A_133, %get3A_137 : vector<16xf32>
      %mul3A_139 = arith.mulf %sub3A_138, %sub3A_138 : vector<16xf32>
      %add3A_140 = arith.addf %add3A_124, %mul3A_139 : vector<16xf32>
      %swap3A_141 = arith.index_cast %scan3A_34 : i32 to index
      %swap3A_142 = arith.constant 96 : index
      %swap3A_143 = tpu.vector_load %arg9[%swap3A_141, %swap3A_142] {strides = array<i32>} : memref<128x256xf32, #tpu.memory_space<vmem>>, vector<1x16xf32>,
      %swap3A_144 = vector.shape_cast %swap3A_143 : vector<1x16xf32> to vector<16xf32>
      %swap3A_145 = vector.shape_cast %sub3A_138 : vector<16xf32> to vector<1x16xf32>
      tpu.vector_store %arg9[%swap3A_141, %swap3A_142], %swap3A_145 {strides = array<i32>} : memref<128x256xf32, #tpu.memory_space<vmem>>, vector<1x16xf32>,
      %get3A_146 = arith.index_cast %scan3A_34 : i32 to index
      %get3A_147 = arith.constant 112 : index
      %get3A_148 = tpu.vector_load %arg9[%get3A_146, %get3A_147] {strides = array<i32>} : memref<128x256xf32, #tpu.memory_space<vmem>>, vector<1x16xf32>,
      %get3A_149 = vector.shape_cast %get3A_148 : vector<1x16xf32> to vector<16xf32>
      %get3A_150 = arith.index_cast %scan3A_34 : i32 to index
      %get3A_151 = arith.constant 112 : index
      %get3A_152 = tpu.vector_load %arg8[%get3A_150, %get3A_151] {strides = array<i32>} : memref<128x256xf32, #tpu.memory_space<vmem>>, vector<1x16xf32>,
      %get3A_153 = vector.shape_cast %get3A_152 : vector<1x16xf32> to vector<16xf32>
      %sub3A_154 = arith.subf %get3A_149, %get3A_153 : vector<16xf32>
      %mul3A_155 = arith.mulf %sub3A_154, %sub3A_154 : vector<16xf32>
      %add3A_156 = arith.addf %add3A_140, %mul3A_155 : vector<16xf32>
      %swap3A_157 = arith.index_cast %scan3A_34 : i32 to index
      %swap3A_158 = arith.constant 112 : index
      %swap3A_159 = tpu.vector_load %arg9[%swap3A_157, %swap3A_158] {strides = array<i32>} : memref<128x256xf32, #tpu.memory_space<vmem>>, vector<1x16xf32>,
      %swap3A_160 = vector.shape_cast %swap3A_159 : vector<1x16xf32> to vector<16xf32>
      %swap3A_161 = vector.shape_cast %sub3A_154 : vector<16xf32> to vector<1x16xf32>
      tpu.vector_store %arg9[%swap3A_157, %swap3A_158], %swap3A_161 {strides = array<i32>} : memref<128x256xf32, #tpu.memory_space<vmem>>, vector<1x16xf32>,
      %get3A_162 = arith.index_cast %scan3A_34 : i32 to index
      %get3A_163 = arith.constant 128 : index
      %get3A_164 = tpu.vector_load %arg9[%get3A_162, %get3A_163] {strides = array<i32>} : memref<128x256xf32, #tpu.memory_space<vmem>>, vector<1x16xf32>,
      %get3A_165 = vector.shape_cast %get3A_164 : vector<1x16xf32> to vector<16xf32>
      %get3A_166 = arith.index_cast %scan3A_34 : i32 to index
      %get3A_167 = arith.constant 128 : index
      %get3A_168 = tpu.vector_load %arg8[%get3A_166, %get3A_167] {strides = array<i32>} : memref<128x256xf32, #tpu.memory_space<vmem>>, vector<1x16xf32>,
      %get3A_169 = vector.shape_cast %get3A_168 : vector<1x16xf32> to vector<16xf32>
      %sub3A_170 = arith.subf %get3A_165, %get3A_169 : vector<16xf32>
      %mul3A_171 = arith.mulf %sub3A_170, %sub3A_170 : vector<16xf32>
      %add3A_172 = arith.addf %add3A_156, %mul3A_171 : vector<16xf32>
      %swap3A_173 = arith.index_cast %scan3A_34 : i32 to index
      %swap3A_174 = arith.constant 128 : index
      %swap3A_175 = tpu.vector_load %arg9[%swap3A_173, %swap3A_174] {strides = array<i32>} : memref<128x256xf32, #tpu.memory_space<vmem>>, vector<1x16xf32>,
      %swap3A_176 = vector.shape_cast %swap3A_175 : vector<1x16xf32> to vector<16xf32>
      %swap3A_177 = vector.shape_cast %sub3A_170 : vector<16xf32> to vector<1x16xf32>
      tpu.vector_store %arg9[%swap3A_173, %swap3A_174], %swap3A_177 {strides = array<i32>} : memref<128x256xf32, #tpu.memory_space<vmem>>, vector<1x16xf32>,
      %get3A_178 = arith.index_cast %scan3A_34 : i32 to index
      %get3A_179 = arith.constant 144 : index
      %get3A_180 = tpu.vector_load %arg9[%get3A_178, %get3A_179] {strides = array<i32>} : memref<128x256xf32, #tpu.memory_space<vmem>>, vector<1x16xf32>,
      %get3A_181 = vector.shape_cast %get3A_180 : vector<1x16xf32> to vector<16xf32>
      %get3A_182 = arith.index_cast %scan3A_34 : i32 to index
      %get3A_183 = arith.constant 144 : index
      %get3A_184 = tpu.vector_load %arg8[%get3A_182, %get3A_183] {strides = array<i32>} : memref<128x256xf32, #tpu.memory_space<vmem>>, vector<1x16xf32>,
      %get3A_185 = vector.shape_cast %get3A_184 : vector<1x16xf32> to vector<16xf32>
      %sub3A_186 = arith.subf %get3A_181, %get3A_185 : vector<16xf32>
      %mul3A_187 = arith.mulf %sub3A_186, %sub3A_186 : vector<16xf32>
      %add3A_188 = arith.addf %add3A_172, %mul3A_187 : vector<16xf32>
      %swap3A_189 = arith.index_cast %scan3A_34 : i32 to index
      %swap3A_190 = arith.constant 144 : index
      %swap3A_191 = tpu.vector_load %arg9[%swap3A_189, %swap3A_190] {strides = array<i32>} : memref<128x256xf32, #tpu.memory_space<vmem>>, vector<1x16xf32>,
      %swap3A_192 = vector.shape_cast %swap3A_191 : vector<1x16xf32> to vector<16xf32>
      %swap3A_193 = vector.shape_cast %sub3A_186 : vector<16xf32> to vector<1x16xf32>
      tpu.vector_store %arg9[%swap3A_189, %swap3A_190], %swap3A_193 {strides = array<i32>} : memref<128x256xf32, #tpu.memory_space<vmem>>, vector<1x16xf32>,
      %get3A_194 = arith.index_cast %scan3A_34 : i32 to index
      %get3A_195 = arith.constant 160 : index
      %get3A_196 = tpu.vector_load %arg9[%get3A_194, %get3A_195] {strides = array<i32>} : memref<128x256xf32, #tpu.memory_space<vmem>>, vector<1x16xf32>,
      %get3A_197 = vector.shape_cast %get3A_196 : vector<1x16xf32> to vector<16xf32>
      %get3A_198 = arith.index_cast %scan3A_34 : i32 to index
      %get3A_199 = arith.constant 160 : index
      %get3A_200 = tpu.vector_load %arg8[%get3A_198, %get3A_199] {strides = array<i32>} : memref<128x256xf32, #tpu.memory_space<vmem>>, vector<1x16xf32>,
      %get3A_201 = vector.shape_cast %get3A_200 : vector<1x16xf32> to vector<16xf32>
      %sub3A_202 = arith.subf %get3A_197, %get3A_201 : vector<16xf32>
      %mul3A_203 = arith.mulf %sub3A_202, %sub3A_202 : vector<16xf32>
      %add3A_204 = arith.addf %add3A_188, %mul3A_203 : vector<16xf32>
      %swap3A_205 = arith.index_cast %scan3A_34 : i32 to index
      %swap3A_206 = arith.constant 160 : index
      %swap3A_207 = tpu.vector_load %arg9[%swap3A_205, %swap3A_206] {strides = array<i32>} : memref<128x256xf32, #tpu.memory_space<vmem>>, vector<1x16xf32>,
      %swap3A_208 = vector.shape_cast %swap3A_207 : vector<1x16xf32> to vector<16xf32>
      %swap3A_209 = vector.shape_cast %sub3A_202 : vector<16xf32> to vector<1x16xf32>
      tpu.vector_store %arg9[%swap3A_205, %swap3A_206], %swap3A_209 {strides = array<i32>} : memref<128x256xf32, #tpu.memory_space<vmem>>, vector<1x16xf32>,
      %get3A_210 = arith.index_cast %scan3A_34 : i32 to index
      %get3A_211 = arith.constant 176 : index
      %get3A_212 = tpu.vector_load %arg9[%get3A_210, %get3A_211] {strides = array<i32>} : memref<128x256xf32, #tpu.memory_space<vmem>>, vector<1x16xf32>,
      %get3A_213 = vector.shape_cast %get3A_212 : vector<1x16xf32> to vector<16xf32>
      %get3A_214 = arith.index_cast %scan3A_34 : i32 to index
      %get3A_215 = arith.constant 176 : index
      %get3A_216 = tpu.vector_load %arg8[%get3A_214, %get3A_215] {strides = array<i32>} : memref<128x256xf32, #tpu.memory_space<vmem>>, vector<1x16xf32>,
      %get3A_217 = vector.shape_cast %get3A_216 : vector<1x16xf32> to vector<16xf32>
      %sub3A_218 = arith.subf %get3A_213, %get3A_217 : vector<16xf32>
      %mul3A_219 = arith.mulf %sub3A_218, %sub3A_218 : vector<16xf32>
      %add3A_220 = arith.addf %add3A_204, %mul3A_219 : vector<16xf32>
      %swap3A_221 = arith.index_cast %scan3A_34 : i32 to index
      %swap3A_222 = arith.constant 176 : index
      %swap3A_223 = tpu.vector_load %arg9[%swap3A_221, %swap3A_222] {strides = array<i32>} : memref<128x256xf32, #tpu.memory_space<vmem>>, vector<1x16xf32>,
      %swap3A_224 = vector.shape_cast %swap3A_223 : vector<1x16xf32> to vector<16xf32>
      %swap3A_225 = vector.shape_cast %sub3A_218 : vector<16xf32> to vector<1x16xf32>
      tpu.vector_store %arg9[%swap3A_221, %swap3A_222], %swap3A_225 {strides = array<i32>} : memref<128x256xf32, #tpu.memory_space<vmem>>, vector<1x16xf32>,
      %get3A_226 = arith.index_cast %scan3A_34 : i32 to index
      %get3A_227 = arith.constant 192 : index
      %get3A_228 = tpu.vector_load %arg9[%get3A_226, %get3A_227] {strides = array<i32>} : memref<128x256xf32, #tpu.memory_space<vmem>>, vector<1x16xf32>,
      %get3A_229 = vector.shape_cast %get3A_228 : vector<1x16xf32> to vector<16xf32>
      %get3A_230 = arith.index_cast %scan3A_34 : i32 to index
      %get3A_231 = arith.constant 192 : index
      %get3A_232 = tpu.vector_load %arg8[%get3A_230, %get3A_231] {strides = array<i32>} : memref<128x256xf32, #tpu.memory_space<vmem>>, vector<1x16xf32>,
      %get3A_233 = vector.shape_cast %get3A_232 : vector<1x16xf32> to vector<16xf32>
      %sub3A_234 = arith.subf %get3A_229, %get3A_233 : vector<16xf32>
      %mul3A_235 = arith.mulf %sub3A_234, %sub3A_234 : vector<16xf32>
      %add3A_236 = arith.addf %add3A_220, %mul3A_235 : vector<16xf32>
      %swap3A_237 = arith.index_cast %scan3A_34 : i32 to index
      %swap3A_238 = arith.constant 192 : index
      %swap3A_239 = tpu.vector_load %arg9[%swap3A_237, %swap3A_238] {strides = array<i32>} : memref<128x256xf32, #tpu.memory_space<vmem>>, vector<1x16xf32>,
      %swap3A_240 = vector.shape_cast %swap3A_239 : vector<1x16xf32> to vector<16xf32>
      %swap3A_241 = vector.shape_cast %sub3A_234 : vector<16xf32> to vector<1x16xf32>
      tpu.vector_store %arg9[%swap3A_237, %swap3A_238], %swap3A_241 {strides = array<i32>} : memref<128x256xf32, #tpu.memory_space<vmem>>, vector<1x16xf32>,
      %get3A_242 = arith.index_cast %scan3A_34 : i32 to index
      %get3A_243 = arith.constant 208 : index
      %get3A_244 = tpu.vector_load %arg9[%get3A_242, %get3A_243] {strides = array<i32>} : memref<128x256xf32, #tpu.memory_space<vmem>>, vector<1x16xf32>,
      %get3A_245 = vector.shape_cast %get3A_244 : vector<1x16xf32> to vector<16xf32>
      %get3A_246 = arith.index_cast %scan3A_34 : i32 to index
      %get3A_247 = arith.constant 208 : index
      %get3A_248 = tpu.vector_load %arg8[%get3A_246, %get3A_247] {strides = array<i32>} : memref<128x256xf32, #tpu.memory_space<vmem>>, vector<1x16xf32>,
      %get3A_249 = vector.shape_cast %get3A_248 : vector<1x16xf32> to vector<16xf32>
      %sub3A_250 = arith.subf %get3A_245, %get3A_249 : vector<16xf32>
      %mul3A_251 = arith.mulf %sub3A_250, %sub3A_250 : vector<16xf32>
      %add3A_252 = arith.addf %add3A_236, %mul3A_251 : vector<16xf32>
      %swap3A_253 = arith.index_cast %scan3A_34 : i32 to index
      %swap3A_254 = arith.constant 208 : index
      %swap3A_255 = tpu.vector_load %arg9[%swap3A_253, %swap3A_254] {strides = array<i32>} : memref<128x256xf32, #tpu.memory_space<vmem>>, vector<1x16xf32>,
      %swap3A_256 = vector.shape_cast %swap3A_255 : vector<1x16xf32> to vector<16xf32>
      %swap3A_257 = vector.shape_cast %sub3A_250 : vector<16xf32> to vector<1x16xf32>
      tpu.vector_store %arg9[%swap3A_253, %swap3A_254], %swap3A_257 {strides = array<i32>} : memref<128x256xf32, #tpu.memory_space<vmem>>, vector<1x16xf32>,
      %get3A_258 = arith.index_cast %scan3A_34 : i32 to index
      %get3A_259 = arith.constant 224 : index
      %get3A_260 = tpu.vector_load %arg9[%get3A_258, %get3A_259] {strides = array<i32>} : memref<128x256xf32, #tpu.memory_space<vmem>>, vector<1x16xf32>,
      %get3A_261 = vector.shape_cast %get3A_260 : vector<1x16xf32> to vector<16xf32>
      %get3A_262 = arith.index_cast %scan3A_34 : i32 to index
      %get3A_263 = arith.constant 224 : index
      %get3A_264 = tpu.vector_load %arg8[%get3A_262, %get3A_263] {strides = array<i32>} : memref<128x256xf32, #tpu.memory_space<vmem>>, vector<1x16xf32>,
      %get3A_265 = vector.shape_cast %get3A_264 : vector<1x16xf32> to vector<16xf32>
      %sub3A_266 = arith.subf %get3A_261, %get3A_265 : vector<16xf32>
      %mul3A_267 = arith.mulf %sub3A_266, %sub3A_266 : vector<16xf32>
      %add3A_268 = arith.addf %add3A_252, %mul3A_267 : vector<16xf32>
      %swap3A_269 = arith.index_cast %scan3A_34 : i32 to index
      %swap3A_270 = arith.constant 224 : index
      %swap3A_271 = tpu.vector_load %arg9[%swap3A_269, %swap3A_270] {strides = array<i32>} : memref<128x256xf32, #tpu.memory_space<vmem>>, vector<1x16xf32>,
      %swap3A_272 = vector.shape_cast %swap3A_271 : vector<1x16xf32> to vector<16xf32>
      %swap3A_273 = vector.shape_cast %sub3A_266 : vector<16xf32> to vector<1x16xf32>
      tpu.vector_store %arg9[%swap3A_269, %swap3A_270], %swap3A_273 {strides = array<i32>} : memref<128x256xf32, #tpu.memory_space<vmem>>, vector<1x16xf32>,
      %get3A_274 = arith.index_cast %scan3A_34 : i32 to index
      %get3A_275 = arith.constant 240 : index
      %get3A_276 = tpu.vector_load %arg9[%get3A_274, %get3A_275] {strides = array<i32>} : memref<128x256xf32, #tpu.memory_space<vmem>>, vector<1x16xf32>,
      %get3A_277 = vector.shape_cast %get3A_276 : vector<1x16xf32> to vector<16xf32>
      %get3A_278 = arith.index_cast %scan3A_34 : i32 to index
      %get3A_279 = arith.constant 240 : index
      %get3A_280 = tpu.vector_load %arg8[%get3A_278, %get3A_279] {strides = array<i32>} : memref<128x256xf32, #tpu.memory_space<vmem>>, vector<1x16xf32>,
      %get3A_281 = vector.shape_cast %get3A_280 : vector<1x16xf32> to vector<16xf32>
      %sub3A_282 = arith.subf %get3A_277, %get3A_281 : vector<16xf32>
      %mul3A_283 = arith.mulf %sub3A_282, %sub3A_282 : vector<16xf32>
      %add3A_284 = arith.addf %add3A_268, %mul3A_283 : vector<16xf32>
      %swap3A_285 = arith.index_cast %scan3A_34 : i32 to index
      %swap3A_286 = arith.constant 240 : index
      %swap3A_287 = tpu.vector_load %arg9[%swap3A_285, %swap3A_286] {strides = array<i32>} : memref<128x256xf32, #tpu.memory_space<vmem>>, vector<1x16xf32>,
      %swap3A_288 = vector.shape_cast %swap3A_287 : vector<1x16xf32> to vector<16xf32>
      %swap3A_289 = vector.shape_cast %sub3A_282 : vector<16xf32> to vector<1x16xf32>
      tpu.vector_store %arg9[%swap3A_285, %swap3A_286], %swap3A_289 {strides = array<i32>} : memref<128x256xf32, #tpu.memory_space<vmem>>, vector<1x16xf32>,
      scf.yield %add3A_284 : vector<16xf32>
    }
    %scan3A_14 = arith.constant 128 : i32
    "tpu.region"() ({
      %run_scoped3A = tpu.sem_alloc : memref<!tpu.dma_semaphore, #tpu.memory_space<semaphore_mem>>
      %dma_start3A_34 = arith.constant 0 : i32
      %dma_start3A_35 = tpu.memref_slice %arg5[%add3A_5, %dma_start3A_34] : memref<8192x256xf32, #tpu.memory_space<hbm>> -> memref<128x256xf32, #tpu.memory_space<hbm>>
      %dma_start3A_36 = arith.constant 0 : i32
      %dma_start3A_37 = tpu.memref_slice %arg5[%add3A_5, %dma_start3A_36] : memref<8192x256xf32, #tpu.memory_space<hbm>> -> memref<128x256xf32, #tpu.memory_space<hbm>>
      tpu.enqueue_dma source(%arg9 : memref<128x256xf32, #tpu.memory_space<vmem>>) target(%dma_start3A_37 : memref<128x256xf32, #tpu.memory_space<hbm>>) target_semaphore(%run_scoped3A : memref<!tpu.dma_semaphore, #tpu.memory_space<semaphore_mem>>)
      %dma_wait3A_38 = arith.constant 0 : i32
      %dma_wait3A_39 = tpu.memref_slice %arg5[%add3A_5, %dma_wait3A_38] : memref<8192x256xf32, #tpu.memory_space<hbm>> -> memref<128x256xf32, #tpu.memory_space<hbm>>
      %dma_wait3A_40 = arith.constant 0 : i32
      %dma_wait3A_41 = tpu.memref_slice %arg5[%add3A_5, %dma_wait3A_40] : memref<8192x256xf32, #tpu.memory_space<hbm>> -> memref<128x256xf32, #tpu.memory_space<hbm>>
      tpu.wait_dma2 semaphore(%run_scoped3A : memref<!tpu.dma_semaphore, #tpu.memory_space<semaphore_mem>>) src(%arg9 : memref<128x256xf32, #tpu.memory_space<vmem>>) dst(%dma_wait3A_41 : memref<128x256xf32, #tpu.memory_space<hbm>>)
      tpu.yield
    }) : () -> ()
    %mul3A_15 = arith.constant 256 : i32
    %mul3A_16 = arith.muli %add3A, %mul3A_15 : i32
    %add3A_17 = arith.constant 128 : i32
    %add3A_18 = arith.addi %mul3A_16, %add3A_17 : i32
    "tpu.region"() ({
      %run_scoped3A = tpu.sem_alloc : memref<!tpu.dma_semaphore, #tpu.memory_space<semaphore_mem>>
      %dma_start3A_34 = tpu.memref_slice %arg3[%add3A_18] : memref<8192xi32, #tpu.memory_space<hbm>> -> memref<128xi32, #tpu.memory_space<hbm>>
      %dma_start3A_35 = tpu.memref_slice %arg3[%add3A_18] : memref<8192xi32, #tpu.memory_space<hbm>> -> memref<128xi32, #tpu.memory_space<hbm>>
      tpu.enqueue_dma source(%dma_start3A_35 : memref<128xi32, #tpu.memory_space<hbm>>) target(%arg7 : memref<128xi32, #tpu.memory_space<vmem>>) target_semaphore(%run_scoped3A : memref<!tpu.dma_semaphore, #tpu.memory_space<semaphore_mem>>)
      %dma_wait3A_36 = tpu.memref_slice %arg3[%add3A_18] : memref<8192xi32, #tpu.memory_space<hbm>> -> memref<128xi32, #tpu.memory_space<hbm>>
      %dma_wait3A_37 = tpu.memref_slice %arg3[%add3A_18] : memref<8192xi32, #tpu.memory_space<hbm>> -> memref<128xi32, #tpu.memory_space<hbm>>
      tpu.wait_dma2 semaphore(%run_scoped3A : memref<!tpu.dma_semaphore, #tpu.memory_space<semaphore_mem>>) src(%dma_wait3A_37 : memref<128xi32, #tpu.memory_space<hbm>>) dst(%arg7 : memref<128xi32, #tpu.memory_space<vmem>>)
      tpu.yield
    }) : () -> ()
    %dma_start3A_19 = arith.constant 0 : i32
    %dma_start3A_20 = arith.constant 0 : i32
    %dma_start3A_21 = tpu.memref_slice %arg2[%dma_start3A_19, %dma_start3A_20] : memref<8192x256xf32, #tpu.memory_space<hbm>> -> memref<8192x256xf32, #tpu.memory_space<hbm>>
    tpu.enqueue_indirect_dma source(%dma_start3A_21 : memref<8192x256xf32, #tpu.memory_space<hbm>>) target(%arg8 : memref<128x256xf32, #tpu.memory_space<vmem>>) offsets(%arg7 : memref<128xi32, #tpu.memory_space<vmem>>) semaphore(%arg11 : memref<!tpu.dma_semaphore, #tpu.memory_space<semaphore_mem>>)
    %dma_wait3A_22 = arith.constant 0 : i32
    %dma_wait3A_23 = arith.constant 0 : i32
    %dma_wait3A_24 = tpu.memref_slice %arg2[%dma_wait3A_22, %dma_wait3A_23] : memref<8192x256xf32, #tpu.memory_space<hbm>> -> memref<8192x256xf32, #tpu.memory_space<hbm>>
    tpu.wait_indirect_dma semaphore(%arg11 : memref<!tpu.dma_semaphore, #tpu.memory_space<semaphore_mem>>) src(%dma_wait3A_24 : memref<8192x256xf32, #tpu.memory_space<hbm>>) dst(%arg8 : memref<128x256xf32, #tpu.memory_space<vmem>>)
    "tpu.region"() ({
      %run_scoped3A = tpu.sem_alloc : memref<!tpu.dma_semaphore, #tpu.memory_space<semaphore_mem>>
      %dma_start3A_34 = arith.constant 0 : i32
      %dma_start3A_35 = tpu.memref_slice %arg4[%add3A_18, %dma_start3A_34] : memref<8192x256xf32, #tpu.memory_space<hbm>> -> memref<128x256xf32, #tpu.memory_space<hbm>>
      %dma_start3A_36 = arith.constant 0 : i32
      %dma_start3A_37 = tpu.memref_slice %arg4[%add3A_18, %dma_start3A_36] : memref<8192x256xf32, #tpu.memory_space<hbm>> -> memref<128x256xf32, #tpu.memory_space<hbm>>
      tpu.enqueue_dma source(%dma_start3A_37 : memref<128x256xf32, #tpu.memory_space<hbm>>) target(%arg9 : memref<128x256xf32, #tpu.memory_space<vmem>>) target_semaphore(%run_scoped3A : memref<!tpu.dma_semaphore, #tpu.memory_space<semaphore_mem>>)
      %dma_wait3A_38 = arith.constant 0 : i32
      %dma_wait3A_39 = tpu.memref_slice %arg4[%add3A_18, %dma_wait3A_38] : memref<8192x256xf32, #tpu.memory_space<hbm>> -> memref<128x256xf32, #tpu.memory_space<hbm>>
      %dma_wait3A_40 = arith.constant 0 : i32
      %dma_wait3A_41 = tpu.memref_slice %arg4[%add3A_18, %dma_wait3A_40] : memref<8192x256xf32, #tpu.memory_space<hbm>> -> memref<128x256xf32, #tpu.memory_space<hbm>>
      tpu.wait_dma2 semaphore(%run_scoped3A : memref<!tpu.dma_semaphore, #tpu.memory_space<semaphore_mem>>) src(%dma_wait3A_41 : memref<128x256xf32, #tpu.memory_space<hbm>>) dst(%arg9 : memref<128x256xf32, #tpu.memory_space<vmem>>)
      tpu.yield
    }) : () -> ()
    %scan3A_25 = arith.constant 0 : i32
    %scan3A_26 = arith.constant 128 : i32
    %scan3A_27 = arith.addi %scan3A_25, %scan3A_26 : i32
    %scan3A_28 = arith.constant 1 : i32
    %scan3A_29 = scf.for %scan3A_34 = %scan3A_25 to %scan3A_27 step %scan3A_28 iter_args(%scan3A_35 = %scan3A_13) -> (vector<16xf32>)  : i32 {
      %get3A = arith.index_cast %scan3A_34 : i32 to index
      %get3A_36 = arith.constant 0 : index
      %get3A_37 = tpu.vector_load %arg9[%get3A, %get3A_36] {strides = array<i32>} : memref<128x256xf32, #tpu.memory_space<vmem>>, vector<1x16xf32>,
      %get3A_38 = vector.shape_cast %get3A_37 : vector<1x16xf32> to vector<16xf32>
      %get3A_39 = arith.index_cast %scan3A_34 : i32 to index
      %get3A_40 = arith.constant 0 : index
      %get3A_41 = tpu.vector_load %arg8[%get3A_39, %get3A_40] {strides = array<i32>} : memref<128x256xf32, #tpu.memory_space<vmem>>, vector<1x16xf32>,
      %get3A_42 = vector.shape_cast %get3A_41 : vector<1x16xf32> to vector<16xf32>
      %sub3A = arith.subf %get3A_38, %get3A_42 : vector<16xf32>
      %mul3A_43 = arith.mulf %sub3A, %sub3A : vector<16xf32>
      %add3A_44 = arith.addf %scan3A_35, %mul3A_43 : vector<16xf32>
      %swap3A_45 = arith.index_cast %scan3A_34 : i32 to index
      %swap3A_46 = arith.constant 0 : index
      %swap3A_47 = tpu.vector_load %arg9[%swap3A_45, %swap3A_46] {strides = array<i32>} : memref<128x256xf32, #tpu.memory_space<vmem>>, vector<1x16xf32>,
      %swap3A_48 = vector.shape_cast %swap3A_47 : vector<1x16xf32> to vector<16xf32>
      %swap3A_49 = vector.shape_cast %sub3A : vector<16xf32> to vector<1x16xf32>
      tpu.vector_store %arg9[%swap3A_45, %swap3A_46], %swap3A_49 {strides = array<i32>} : memref<128x256xf32, #tpu.memory_space<vmem>>, vector<1x16xf32>,
      %get3A_50 = arith.index_cast %scan3A_34 : i32 to index
      %get3A_51 = arith.constant 16 : index
      %get3A_52 = tpu.vector_load %arg9[%get3A_50, %get3A_51] {strides = array<i32>} : memref<128x256xf32, #tpu.memory_space<vmem>>, vector<1x16xf32>,
      %get3A_53 = vector.shape_cast %get3A_52 : vector<1x16xf32> to vector<16xf32>
      %get3A_54 = arith.index_cast %scan3A_34 : i32 to index
      %get3A_55 = arith.constant 16 : index
      %get3A_56 = tpu.vector_load %arg8[%get3A_54, %get3A_55] {strides = array<i32>} : memref<128x256xf32, #tpu.memory_space<vmem>>, vector<1x16xf32>,
      %get3A_57 = vector.shape_cast %get3A_56 : vector<1x16xf32> to vector<16xf32>
      %sub3A_58 = arith.subf %get3A_53, %get3A_57 : vector<16xf32>
      %mul3A_59 = arith.mulf %sub3A_58, %sub3A_58 : vector<16xf32>
      %add3A_60 = arith.addf %add3A_44, %mul3A_59 : vector<16xf32>
      %swap3A_61 = arith.index_cast %scan3A_34 : i32 to index
      %swap3A_62 = arith.constant 16 : index
      %swap3A_63 = tpu.vector_load %arg9[%swap3A_61, %swap3A_62] {strides = array<i32>} : memref<128x256xf32, #tpu.memory_space<vmem>>, vector<1x16xf32>,
      %swap3A_64 = vector.shape_cast %swap3A_63 : vector<1x16xf32> to vector<16xf32>
      %swap3A_65 = vector.shape_cast %sub3A_58 : vector<16xf32> to vector<1x16xf32>
      tpu.vector_store %arg9[%swap3A_61, %swap3A_62], %swap3A_65 {strides = array<i32>} : memref<128x256xf32, #tpu.memory_space<vmem>>, vector<1x16xf32>,
      %get3A_66 = arith.index_cast %scan3A_34 : i32 to index
      %get3A_67 = arith.constant 32 : index
      %get3A_68 = tpu.vector_load %arg9[%get3A_66, %get3A_67] {strides = array<i32>} : memref<128x256xf32, #tpu.memory_space<vmem>>, vector<1x16xf32>,
      %get3A_69 = vector.shape_cast %get3A_68 : vector<1x16xf32> to vector<16xf32>
      %get3A_70 = arith.index_cast %scan3A_34 : i32 to index
      %get3A_71 = arith.constant 32 : index
      %get3A_72 = tpu.vector_load %arg8[%get3A_70, %get3A_71] {strides = array<i32>} : memref<128x256xf32, #tpu.memory_space<vmem>>, vector<1x16xf32>,
      %get3A_73 = vector.shape_cast %get3A_72 : vector<1x16xf32> to vector<16xf32>
      %sub3A_74 = arith.subf %get3A_69, %get3A_73 : vector<16xf32>
      %mul3A_75 = arith.mulf %sub3A_74, %sub3A_74 : vector<16xf32>
      %add3A_76 = arith.addf %add3A_60, %mul3A_75 : vector<16xf32>
      %swap3A_77 = arith.index_cast %scan3A_34 : i32 to index
      %swap3A_78 = arith.constant 32 : index
      %swap3A_79 = tpu.vector_load %arg9[%swap3A_77, %swap3A_78] {strides = array<i32>} : memref<128x256xf32, #tpu.memory_space<vmem>>, vector<1x16xf32>,
      %swap3A_80 = vector.shape_cast %swap3A_79 : vector<1x16xf32> to vector<16xf32>
      %swap3A_81 = vector.shape_cast %sub3A_74 : vector<16xf32> to vector<1x16xf32>
      tpu.vector_store %arg9[%swap3A_77, %swap3A_78], %swap3A_81 {strides = array<i32>} : memref<128x256xf32, #tpu.memory_space<vmem>>, vector<1x16xf32>,
      %get3A_82 = arith.index_cast %scan3A_34 : i32 to index
      %get3A_83 = arith.constant 48 : index
      %get3A_84 = tpu.vector_load %arg9[%get3A_82, %get3A_83] {strides = array<i32>} : memref<128x256xf32, #tpu.memory_space<vmem>>, vector<1x16xf32>,
      %get3A_85 = vector.shape_cast %get3A_84 : vector<1x16xf32> to vector<16xf32>
      %get3A_86 = arith.index_cast %scan3A_34 : i32 to index
      %get3A_87 = arith.constant 48 : index
      %get3A_88 = tpu.vector_load %arg8[%get3A_86, %get3A_87] {strides = array<i32>} : memref<128x256xf32, #tpu.memory_space<vmem>>, vector<1x16xf32>,
      %get3A_89 = vector.shape_cast %get3A_88 : vector<1x16xf32> to vector<16xf32>
      %sub3A_90 = arith.subf %get3A_85, %get3A_89 : vector<16xf32>
      %mul3A_91 = arith.mulf %sub3A_90, %sub3A_90 : vector<16xf32>
      %add3A_92 = arith.addf %add3A_76, %mul3A_91 : vector<16xf32>
      %swap3A_93 = arith.index_cast %scan3A_34 : i32 to index
      %swap3A_94 = arith.constant 48 : index
      %swap3A_95 = tpu.vector_load %arg9[%swap3A_93, %swap3A_94] {strides = array<i32>} : memref<128x256xf32, #tpu.memory_space<vmem>>, vector<1x16xf32>,
      %swap3A_96 = vector.shape_cast %swap3A_95 : vector<1x16xf32> to vector<16xf32>
      %swap3A_97 = vector.shape_cast %sub3A_90 : vector<16xf32> to vector<1x16xf32>
      tpu.vector_store %arg9[%swap3A_93, %swap3A_94], %swap3A_97 {strides = array<i32>} : memref<128x256xf32, #tpu.memory_space<vmem>>, vector<1x16xf32>,
      %get3A_98 = arith.index_cast %scan3A_34 : i32 to index
      %get3A_99 = arith.constant 64 : index
      %get3A_100 = tpu.vector_load %arg9[%get3A_98, %get3A_99] {strides = array<i32>} : memref<128x256xf32, #tpu.memory_space<vmem>>, vector<1x16xf32>,
      %get3A_101 = vector.shape_cast %get3A_100 : vector<1x16xf32> to vector<16xf32>
      %get3A_102 = arith.index_cast %scan3A_34 : i32 to index
      %get3A_103 = arith.constant 64 : index
      %get3A_104 = tpu.vector_load %arg8[%get3A_102, %get3A_103] {strides = array<i32>} : memref<128x256xf32, #tpu.memory_space<vmem>>, vector<1x16xf32>,
      %get3A_105 = vector.shape_cast %get3A_104 : vector<1x16xf32> to vector<16xf32>
      %sub3A_106 = arith.subf %get3A_101, %get3A_105 : vector<16xf32>
      %mul3A_107 = arith.mulf %sub3A_106, %sub3A_106 : vector<16xf32>
      %add3A_108 = arith.addf %add3A_92, %mul3A_107 : vector<16xf32>
      %swap3A_109 = arith.index_cast %scan3A_34 : i32 to index
      %swap3A_110 = arith.constant 64 : index
      %swap3A_111 = tpu.vector_load %arg9[%swap3A_109, %swap3A_110] {strides = array<i32>} : memref<128x256xf32, #tpu.memory_space<vmem>>, vector<1x16xf32>,
      %swap3A_112 = vector.shape_cast %swap3A_111 : vector<1x16xf32> to vector<16xf32>
      %swap3A_113 = vector.shape_cast %sub3A_106 : vector<16xf32> to vector<1x16xf32>
      tpu.vector_store %arg9[%swap3A_109, %swap3A_110], %swap3A_113 {strides = array<i32>} : memref<128x256xf32, #tpu.memory_space<vmem>>, vector<1x16xf32>,
      %get3A_114 = arith.index_cast %scan3A_34 : i32 to index
      %get3A_115 = arith.constant 80 : index
      %get3A_116 = tpu.vector_load %arg9[%get3A_114, %get3A_115] {strides = array<i32>} : memref<128x256xf32, #tpu.memory_space<vmem>>, vector<1x16xf32>,
      %get3A_117 = vector.shape_cast %get3A_116 : vector<1x16xf32> to vector<16xf32>
      %get3A_118 = arith.index_cast %scan3A_34 : i32 to index
      %get3A_119 = arith.constant 80 : index
      %get3A_120 = tpu.vector_load %arg8[%get3A_118, %get3A_119] {strides = array<i32>} : memref<128x256xf32, #tpu.memory_space<vmem>>, vector<1x16xf32>,
      %get3A_121 = vector.shape_cast %get3A_120 : vector<1x16xf32> to vector<16xf32>
      %sub3A_122 = arith.subf %get3A_117, %get3A_121 : vector<16xf32>
      %mul3A_123 = arith.mulf %sub3A_122, %sub3A_122 : vector<16xf32>
      %add3A_124 = arith.addf %add3A_108, %mul3A_123 : vector<16xf32>
      %swap3A_125 = arith.index_cast %scan3A_34 : i32 to index
      %swap3A_126 = arith.constant 80 : index
      %swap3A_127 = tpu.vector_load %arg9[%swap3A_125, %swap3A_126] {strides = array<i32>} : memref<128x256xf32, #tpu.memory_space<vmem>>, vector<1x16xf32>,
      %swap3A_128 = vector.shape_cast %swap3A_127 : vector<1x16xf32> to vector<16xf32>
      %swap3A_129 = vector.shape_cast %sub3A_122 : vector<16xf32> to vector<1x16xf32>
      tpu.vector_store %arg9[%swap3A_125, %swap3A_126], %swap3A_129 {strides = array<i32>} : memref<128x256xf32, #tpu.memory_space<vmem>>, vector<1x16xf32>,
      %get3A_130 = arith.index_cast %scan3A_34 : i32 to index
      %get3A_131 = arith.constant 96 : index
      %get3A_132 = tpu.vector_load %arg9[%get3A_130, %get3A_131] {strides = array<i32>} : memref<128x256xf32, #tpu.memory_space<vmem>>, vector<1x16xf32>,
      %get3A_133 = vector.shape_cast %get3A_132 : vector<1x16xf32> to vector<16xf32>
      %get3A_134 = arith.index_cast %scan3A_34 : i32 to index
      %get3A_135 = arith.constant 96 : index
      %get3A_136 = tpu.vector_load %arg8[%get3A_134, %get3A_135] {strides = array<i32>} : memref<128x256xf32, #tpu.memory_space<vmem>>, vector<1x16xf32>,
      %get3A_137 = vector.shape_cast %get3A_136 : vector<1x16xf32> to vector<16xf32>
      %sub3A_138 = arith.subf %get3A_133, %get3A_137 : vector<16xf32>
      %mul3A_139 = arith.mulf %sub3A_138, %sub3A_138 : vector<16xf32>
      %add3A_140 = arith.addf %add3A_124, %mul3A_139 : vector<16xf32>
      %swap3A_141 = arith.index_cast %scan3A_34 : i32 to index
      %swap3A_142 = arith.constant 96 : index
      %swap3A_143 = tpu.vector_load %arg9[%swap3A_141, %swap3A_142] {strides = array<i32>} : memref<128x256xf32, #tpu.memory_space<vmem>>, vector<1x16xf32>,
      %swap3A_144 = vector.shape_cast %swap3A_143 : vector<1x16xf32> to vector<16xf32>
      %swap3A_145 = vector.shape_cast %sub3A_138 : vector<16xf32> to vector<1x16xf32>
      tpu.vector_store %arg9[%swap3A_141, %swap3A_142], %swap3A_145 {strides = array<i32>} : memref<128x256xf32, #tpu.memory_space<vmem>>, vector<1x16xf32>,
      %get3A_146 = arith.index_cast %scan3A_34 : i32 to index
      %get3A_147 = arith.constant 112 : index
      %get3A_148 = tpu.vector_load %arg9[%get3A_146, %get3A_147] {strides = array<i32>} : memref<128x256xf32, #tpu.memory_space<vmem>>, vector<1x16xf32>,
      %get3A_149 = vector.shape_cast %get3A_148 : vector<1x16xf32> to vector<16xf32>
      %get3A_150 = arith.index_cast %scan3A_34 : i32 to index
      %get3A_151 = arith.constant 112 : index
      %get3A_152 = tpu.vector_load %arg8[%get3A_150, %get3A_151] {strides = array<i32>} : memref<128x256xf32, #tpu.memory_space<vmem>>, vector<1x16xf32>,
      %get3A_153 = vector.shape_cast %get3A_152 : vector<1x16xf32> to vector<16xf32>
      %sub3A_154 = arith.subf %get3A_149, %get3A_153 : vector<16xf32>
      %mul3A_155 = arith.mulf %sub3A_154, %sub3A_154 : vector<16xf32>
      %add3A_156 = arith.addf %add3A_140, %mul3A_155 : vector<16xf32>
      %swap3A_157 = arith.index_cast %scan3A_34 : i32 to index
      %swap3A_158 = arith.constant 112 : index
      %swap3A_159 = tpu.vector_load %arg9[%swap3A_157, %swap3A_158] {strides = array<i32>} : memref<128x256xf32, #tpu.memory_space<vmem>>, vector<1x16xf32>,
      %swap3A_160 = vector.shape_cast %swap3A_159 : vector<1x16xf32> to vector<16xf32>
      %swap3A_161 = vector.shape_cast %sub3A_154 : vector<16xf32> to vector<1x16xf32>
      tpu.vector_store %arg9[%swap3A_157, %swap3A_158], %swap3A_161 {strides = array<i32>} : memref<128x256xf32, #tpu.memory_space<vmem>>, vector<1x16xf32>,
      %get3A_162 = arith.index_cast %scan3A_34 : i32 to index
      %get3A_163 = arith.constant 128 : index
      %get3A_164 = tpu.vector_load %arg9[%get3A_162, %get3A_163] {strides = array<i32>} : memref<128x256xf32, #tpu.memory_space<vmem>>, vector<1x16xf32>,
      %get3A_165 = vector.shape_cast %get3A_164 : vector<1x16xf32> to vector<16xf32>
      %get3A_166 = arith.index_cast %scan3A_34 : i32 to index
      %get3A_167 = arith.constant 128 : index
      %get3A_168 = tpu.vector_load %arg8[%get3A_166, %get3A_167] {strides = array<i32>} : memref<128x256xf32, #tpu.memory_space<vmem>>, vector<1x16xf32>,
      %get3A_169 = vector.shape_cast %get3A_168 : vector<1x16xf32> to vector<16xf32>
      %sub3A_170 = arith.subf %get3A_165, %get3A_169 : vector<16xf32>
      %mul3A_171 = arith.mulf %sub3A_170, %sub3A_170 : vector<16xf32>
      %add3A_172 = arith.addf %add3A_156, %mul3A_171 : vector<16xf32>
      %swap3A_173 = arith.index_cast %scan3A_34 : i32 to index
      %swap3A_174 = arith.constant 128 : index
      %swap3A_175 = tpu.vector_load %arg9[%swap3A_173, %swap3A_174] {strides = array<i32>} : memref<128x256xf32, #tpu.memory_space<vmem>>, vector<1x16xf32>,
      %swap3A_176 = vector.shape_cast %swap3A_175 : vector<1x16xf32> to vector<16xf32>
      %swap3A_177 = vector.shape_cast %sub3A_170 : vector<16xf32> to vector<1x16xf32>
      tpu.vector_store %arg9[%swap3A_173, %swap3A_174], %swap3A_177 {strides = array<i32>} : memref<128x256xf32, #tpu.memory_space<vmem>>, vector<1x16xf32>,
      %get3A_178 = arith.index_cast %scan3A_34 : i32 to index
      %get3A_179 = arith.constant 144 : index
      %get3A_180 = tpu.vector_load %arg9[%get3A_178, %get3A_179] {strides = array<i32>} : memref<128x256xf32, #tpu.memory_space<vmem>>, vector<1x16xf32>,
      %get3A_181 = vector.shape_cast %get3A_180 : vector<1x16xf32> to vector<16xf32>
      %get3A_182 = arith.index_cast %scan3A_34 : i32 to index
      %get3A_183 = arith.constant 144 : index
      %get3A_184 = tpu.vector_load %arg8[%get3A_182, %get3A_183] {strides = array<i32>} : memref<128x256xf32, #tpu.memory_space<vmem>>, vector<1x16xf32>,
      %get3A_185 = vector.shape_cast %get3A_184 : vector<1x16xf32> to vector<16xf32>
      %sub3A_186 = arith.subf %get3A_181, %get3A_185 : vector<16xf32>
      %mul3A_187 = arith.mulf %sub3A_186, %sub3A_186 : vector<16xf32>
      %add3A_188 = arith.addf %add3A_172, %mul3A_187 : vector<16xf32>
      %swap3A_189 = arith.index_cast %scan3A_34 : i32 to index
      %swap3A_190 = arith.constant 144 : index
      %swap3A_191 = tpu.vector_load %arg9[%swap3A_189, %swap3A_190] {strides = array<i32>} : memref<128x256xf32, #tpu.memory_space<vmem>>, vector<1x16xf32>,
      %swap3A_192 = vector.shape_cast %swap3A_191 : vector<1x16xf32> to vector<16xf32>
      %swap3A_193 = vector.shape_cast %sub3A_186 : vector<16xf32> to vector<1x16xf32>
      tpu.vector_store %arg9[%swap3A_189, %swap3A_190], %swap3A_193 {strides = array<i32>} : memref<128x256xf32, #tpu.memory_space<vmem>>, vector<1x16xf32>,
      %get3A_194 = arith.index_cast %scan3A_34 : i32 to index
      %get3A_195 = arith.constant 160 : index
      %get3A_196 = tpu.vector_load %arg9[%get3A_194, %get3A_195] {strides = array<i32>} : memref<128x256xf32, #tpu.memory_space<vmem>>, vector<1x16xf32>,
      %get3A_197 = vector.shape_cast %get3A_196 : vector<1x16xf32> to vector<16xf32>
      %get3A_198 = arith.index_cast %scan3A_34 : i32 to index
      %get3A_199 = arith.constant 160 : index
      %get3A_200 = tpu.vector_load %arg8[%get3A_198, %get3A_199] {strides = array<i32>} : memref<128x256xf32, #tpu.memory_space<vmem>>, vector<1x16xf32>,
      %get3A_201 = vector.shape_cast %get3A_200 : vector<1x16xf32> to vector<16xf32>
      %sub3A_202 = arith.subf %get3A_197, %get3A_201 : vector<16xf32>
      %mul3A_203 = arith.mulf %sub3A_202, %sub3A_202 : vector<16xf32>
      %add3A_204 = arith.addf %add3A_188, %mul3A_203 : vector<16xf32>
      %swap3A_205 = arith.index_cast %scan3A_34 : i32 to index
      %swap3A_206 = arith.constant 160 : index
      %swap3A_207 = tpu.vector_load %arg9[%swap3A_205, %swap3A_206] {strides = array<i32>} : memref<128x256xf32, #tpu.memory_space<vmem>>, vector<1x16xf32>,
      %swap3A_208 = vector.shape_cast %swap3A_207 : vector<1x16xf32> to vector<16xf32>
      %swap3A_209 = vector.shape_cast %sub3A_202 : vector<16xf32> to vector<1x16xf32>
      tpu.vector_store %arg9[%swap3A_205, %swap3A_206], %swap3A_209 {strides = array<i32>} : memref<128x256xf32, #tpu.memory_space<vmem>>, vector<1x16xf32>,
      %get3A_210 = arith.index_cast %scan3A_34 : i32 to index
      %get3A_211 = arith.constant 176 : index
      %get3A_212 = tpu.vector_load %arg9[%get3A_210, %get3A_211] {strides = array<i32>} : memref<128x256xf32, #tpu.memory_space<vmem>>, vector<1x16xf32>,
      %get3A_213 = vector.shape_cast %get3A_212 : vector<1x16xf32> to vector<16xf32>
      %get3A_214 = arith.index_cast %scan3A_34 : i32 to index
      %get3A_215 = arith.constant 176 : index
      %get3A_216 = tpu.vector_load %arg8[%get3A_214, %get3A_215] {strides = array<i32>} : memref<128x256xf32, #tpu.memory_space<vmem>>, vector<1x16xf32>,
      %get3A_217 = vector.shape_cast %get3A_216 : vector<1x16xf32> to vector<16xf32>
      %sub3A_218 = arith.subf %get3A_213, %get3A_217 : vector<16xf32>
      %mul3A_219 = arith.mulf %sub3A_218, %sub3A_218 : vector<16xf32>
      %add3A_220 = arith.addf %add3A_204, %mul3A_219 : vector<16xf32>
      %swap3A_221 = arith.index_cast %scan3A_34 : i32 to index
      %swap3A_222 = arith.constant 176 : index
      %swap3A_223 = tpu.vector_load %arg9[%swap3A_221, %swap3A_222] {strides = array<i32>} : memref<128x256xf32, #tpu.memory_space<vmem>>, vector<1x16xf32>,
      %swap3A_224 = vector.shape_cast %swap3A_223 : vector<1x16xf32> to vector<16xf32>
      %swap3A_225 = vector.shape_cast %sub3A_218 : vector<16xf32> to vector<1x16xf32>
      tpu.vector_store %arg9[%swap3A_221, %swap3A_222], %swap3A_225 {strides = array<i32>} : memref<128x256xf32, #tpu.memory_space<vmem>>, vector<1x16xf32>,
      %get3A_226 = arith.index_cast %scan3A_34 : i32 to index
      %get3A_227 = arith.constant 192 : index
      %get3A_228 = tpu.vector_load %arg9[%get3A_226, %get3A_227] {strides = array<i32>} : memref<128x256xf32, #tpu.memory_space<vmem>>, vector<1x16xf32>,
      %get3A_229 = vector.shape_cast %get3A_228 : vector<1x16xf32> to vector<16xf32>
      %get3A_230 = arith.index_cast %scan3A_34 : i32 to index
      %get3A_231 = arith.constant 192 : index
      %get3A_232 = tpu.vector_load %arg8[%get3A_230, %get3A_231] {strides = array<i32>} : memref<128x256xf32, #tpu.memory_space<vmem>>, vector<1x16xf32>,
      %get3A_233 = vector.shape_cast %get3A_232 : vector<1x16xf32> to vector<16xf32>
      %sub3A_234 = arith.subf %get3A_229, %get3A_233 : vector<16xf32>
      %mul3A_235 = arith.mulf %sub3A_234, %sub3A_234 : vector<16xf32>
      %add3A_236 = arith.addf %add3A_220, %mul3A_235 : vector<16xf32>
      %swap3A_237 = arith.index_cast %scan3A_34 : i32 to index
      %swap3A_238 = arith.constant 192 : index
      %swap3A_239 = tpu.vector_load %arg9[%swap3A_237, %swap3A_238] {strides = array<i32>} : memref<128x256xf32, #tpu.memory_space<vmem>>, vector<1x16xf32>,
      %swap3A_240 = vector.shape_cast %swap3A_239 : vector<1x16xf32> to vector<16xf32>
      %swap3A_241 = vector.shape_cast %sub3A_234 : vector<16xf32> to vector<1x16xf32>
      tpu.vector_store %arg9[%swap3A_237, %swap3A_238], %swap3A_241 {strides = array<i32>} : memref<128x256xf32, #tpu.memory_space<vmem>>, vector<1x16xf32>,
      %get3A_242 = arith.index_cast %scan3A_34 : i32 to index
      %get3A_243 = arith.constant 208 : index
      %get3A_244 = tpu.vector_load %arg9[%get3A_242, %get3A_243] {strides = array<i32>} : memref<128x256xf32, #tpu.memory_space<vmem>>, vector<1x16xf32>,
      %get3A_245 = vector.shape_cast %get3A_244 : vector<1x16xf32> to vector<16xf32>
      %get3A_246 = arith.index_cast %scan3A_34 : i32 to index
      %get3A_247 = arith.constant 208 : index
      %get3A_248 = tpu.vector_load %arg8[%get3A_246, %get3A_247] {strides = array<i32>} : memref<128x256xf32, #tpu.memory_space<vmem>>, vector<1x16xf32>,
      %get3A_249 = vector.shape_cast %get3A_248 : vector<1x16xf32> to vector<16xf32>
      %sub3A_250 = arith.subf %get3A_245, %get3A_249 : vector<16xf32>
      %mul3A_251 = arith.mulf %sub3A_250, %sub3A_250 : vector<16xf32>
      %add3A_252 = arith.addf %add3A_236, %mul3A_251 : vector<16xf32>
      %swap3A_253 = arith.index_cast %scan3A_34 : i32 to index
      %swap3A_254 = arith.constant 208 : index
      %swap3A_255 = tpu.vector_load %arg9[%swap3A_253, %swap3A_254] {strides = array<i32>} : memref<128x256xf32, #tpu.memory_space<vmem>>, vector<1x16xf32>,
      %swap3A_256 = vector.shape_cast %swap3A_255 : vector<1x16xf32> to vector<16xf32>
      %swap3A_257 = vector.shape_cast %sub3A_250 : vector<16xf32> to vector<1x16xf32>
      tpu.vector_store %arg9[%swap3A_253, %swap3A_254], %swap3A_257 {strides = array<i32>} : memref<128x256xf32, #tpu.memory_space<vmem>>, vector<1x16xf32>,
      %get3A_258 = arith.index_cast %scan3A_34 : i32 to index
      %get3A_259 = arith.constant 224 : index
      %get3A_260 = tpu.vector_load %arg9[%get3A_258, %get3A_259] {strides = array<i32>} : memref<128x256xf32, #tpu.memory_space<vmem>>, vector<1x16xf32>,
      %get3A_261 = vector.shape_cast %get3A_260 : vector<1x16xf32> to vector<16xf32>
      %get3A_262 = arith.index_cast %scan3A_34 : i32 to index
      %get3A_263 = arith.constant 224 : index
      %get3A_264 = tpu.vector_load %arg8[%get3A_262, %get3A_263] {strides = array<i32>} : memref<128x256xf32, #tpu.memory_space<vmem>>, vector<1x16xf32>,
      %get3A_265 = vector.shape_cast %get3A_264 : vector<1x16xf32> to vector<16xf32>
      %sub3A_266 = arith.subf %get3A_261, %get3A_265 : vector<16xf32>
      %mul3A_267 = arith.mulf %sub3A_266, %sub3A_266 : vector<16xf32>
      %add3A_268 = arith.addf %add3A_252, %mul3A_267 : vector<16xf32>
      %swap3A_269 = arith.index_cast %scan3A_34 : i32 to index
      %swap3A_270 = arith.constant 224 : index
      %swap3A_271 = tpu.vector_load %arg9[%swap3A_269, %swap3A_270] {strides = array<i32>} : memref<128x256xf32, #tpu.memory_space<vmem>>, vector<1x16xf32>,
      %swap3A_272 = vector.shape_cast %swap3A_271 : vector<1x16xf32> to vector<16xf32>
      %swap3A_273 = vector.shape_cast %sub3A_266 : vector<16xf32> to vector<1x16xf32>
      tpu.vector_store %arg9[%swap3A_269, %swap3A_270], %swap3A_273 {strides = array<i32>} : memref<128x256xf32, #tpu.memory_space<vmem>>, vector<1x16xf32>,
      %get3A_274 = arith.index_cast %scan3A_34 : i32 to index
      %get3A_275 = arith.constant 240 : index
      %get3A_276 = tpu.vector_load %arg9[%get3A_274, %get3A_275] {strides = array<i32>} : memref<128x256xf32, #tpu.memory_space<vmem>>, vector<1x16xf32>,
      %get3A_277 = vector.shape_cast %get3A_276 : vector<1x16xf32> to vector<16xf32>
      %get3A_278 = arith.index_cast %scan3A_34 : i32 to index
      %get3A_279 = arith.constant 240 : index
      %get3A_280 = tpu.vector_load %arg8[%get3A_278, %get3A_279] {strides = array<i32>} : memref<128x256xf32, #tpu.memory_space<vmem>>, vector<1x16xf32>,
      %get3A_281 = vector.shape_cast %get3A_280 : vector<1x16xf32> to vector<16xf32>
      %sub3A_282 = arith.subf %get3A_277, %get3A_281 : vector<16xf32>
      %mul3A_283 = arith.mulf %sub3A_282, %sub3A_282 : vector<16xf32>
      %add3A_284 = arith.addf %add3A_268, %mul3A_283 : vector<16xf32>
      %swap3A_285 = arith.index_cast %scan3A_34 : i32 to index
      %swap3A_286 = arith.constant 240 : index
      %swap3A_287 = tpu.vector_load %arg9[%swap3A_285, %swap3A_286] {strides = array<i32>} : memref<128x256xf32, #tpu.memory_space<vmem>>, vector<1x16xf32>,
      %swap3A_288 = vector.shape_cast %swap3A_287 : vector<1x16xf32> to vector<16xf32>
      %swap3A_289 = vector.shape_cast %sub3A_282 : vector<16xf32> to vector<1x16xf32>
      tpu.vector_store %arg9[%swap3A_285, %swap3A_286], %swap3A_289 {strides = array<i32>} : memref<128x256xf32, #tpu.memory_space<vmem>>, vector<1x16xf32>,
      scf.yield %add3A_284 : vector<16xf32>
    }
    %scan3A_30 = arith.constant 128 : i32
    "tpu.region"() ({
      %run_scoped3A = tpu.sem_alloc : memref<!tpu.dma_semaphore, #tpu.memory_space<semaphore_mem>>
      %dma_start3A_34 = arith.constant 0 : i32
      %dma_start3A_35 = tpu.memref_slice %arg5[%add3A_18, %dma_start3A_34] : memref<8192x256xf32, #tpu.memory_space<hbm>> -> memref<128x256xf32, #tpu.memory_space<hbm>>
      %dma_start3A_36 = arith.constant 0 : i32
      %dma_start3A_37 = tpu.memref_slice %arg5[%add3A_18, %dma_start3A_36] : memref<8192x256xf32, #tpu.memory_space<hbm>> -> memref<128x256xf32, #tpu.memory_space<hbm>>
      tpu.enqueue_dma source(%arg9 : memref<128x256xf32, #tpu.memory_space<vmem>>) target(%dma_start3A_37 : memref<128x256xf32, #tpu.memory_space<hbm>>) target_semaphore(%run_scoped3A : memref<!tpu.dma_semaphore, #tpu.memory_space<semaphore_mem>>)
      %dma_wait3A_38 = arith.constant 0 : i32
      %dma_wait3A_39 = tpu.memref_slice %arg5[%add3A_18, %dma_wait3A_38] : memref<8192x256xf32, #tpu.memory_space<hbm>> -> memref<128x256xf32, #tpu.memory_space<hbm>>
      %dma_wait3A_40 = arith.constant 0 : i32
      %dma_wait3A_41 = tpu.memref_slice %arg5[%add3A_18, %dma_wait3A_40] : memref<8192x256xf32, #tpu.memory_space<hbm>> -> memref<128x256xf32, #tpu.memory_space<hbm>>
      tpu.wait_dma2 semaphore(%run_scoped3A : memref<!tpu.dma_semaphore, #tpu.memory_space<semaphore_mem>>) src(%arg9 : memref<128x256xf32, #tpu.memory_space<vmem>>) dst(%dma_wait3A_41 : memref<128x256xf32, #tpu.memory_space<hbm>>)
      tpu.yield
    }) : () -> ()
    %swap3A = arith.constant 0 : index
    %swap3A_31 = tpu.vector_load %arg10[%swap3A] {strides = array<i32>} : memref<16xf32, #tpu.memory_space<vmem>>, vector<16xf32>,
    %swap3A_32 = vector.shape_cast %swap3A_31 : vector<16xf32> to vector<16xf32>
    %swap3A_33 = vector.shape_cast %scan3A_29 : vector<16xf32> to vector<16xf32>
    tpu.vector_store %arg10[%swap3A], %swap3A_33 {strides = array<i32>} : memref<16xf32, #tpu.memory_space<vmem>>, vector<16xf32>,
    "tpu.region"() ({
      %run_scoped3A = tpu.sem_alloc : memref<!tpu.dma_semaphore, #tpu.memory_space<semaphore_mem>>
      %dma_start3A_34 = arith.constant 0 : i32
      %dma_start3A_35 = tpu.memref_slice %arg6[%add3A, %dma_start3A_34] : memref<32x16xf32, #tpu.memory_space<hbm>> -> memref<1x16xf32, #tpu.memory_space<hbm>>
      %dma_start3A_36 = tpu.memref_squeeze %dma_start3A_35 : memref<1x16xf32, #tpu.memory_space<hbm>> -> memref<16xf32, #tpu.memory_space<hbm>>
      %dma_start3A_37 = arith.constant 0 : i32
      %dma_start3A_38 = tpu.memref_slice %arg6[%add3A, %dma_start3A_37] : memref<32x16xf32, #tpu.memory_space<hbm>> -> memref<1x16xf32, #tpu.memory_space<hbm>>
      %dma_start3A_39 = tpu.memref_squeeze %dma_start3A_38 : memref<1x16xf32, #tpu.memory_space<hbm>> -> memref<16xf32, #tpu.memory_space<hbm>>
      tpu.enqueue_dma source(%arg10 : memref<16xf32, #tpu.memory_space<vmem>>) target(%dma_start3A_39 : memref<16xf32, #tpu.memory_space<hbm>>) target_semaphore(%run_scoped3A : memref<!tpu.dma_semaphore, #tpu.memory_space<semaphore_mem>>)
      %dma_wait3A_40 = arith.constant 0 : i32
      %dma_wait3A_41 = tpu.memref_slice %arg6[%add3A, %dma_wait3A_40] : memref<32x16xf32, #tpu.memory_space<hbm>> -> memref<1x16xf32, #tpu.memory_space<hbm>>
      %dma_wait3A_42 = tpu.memref_squeeze %dma_wait3A_41 : memref<1x16xf32, #tpu.memory_space<hbm>> -> memref<16xf32, #tpu.memory_space<hbm>>
      %dma_wait3A_43 = arith.constant 0 : i32
      %dma_wait3A_44 = tpu.memref_slice %arg6[%add3A, %dma_wait3A_43] : memref<32x16xf32, #tpu.memory_space<hbm>> -> memref<1x16xf32, #tpu.memory_space<hbm>>
      %dma_wait3A_45 = tpu.memref_squeeze %dma_wait3A_44 : memref<1x16xf32, #tpu.memory_space<hbm>> -> memref<16xf32, #tpu.memory_space<hbm>>
      tpu.wait_dma2 semaphore(%run_scoped3A : memref<!tpu.dma_semaphore, #tpu.memory_space<semaphore_mem>>) src(%arg10 : memref<16xf32, #tpu.memory_space<vmem>>) dst(%dma_wait3A_45 : memref<16xf32, #tpu.memory_space<hbm>>)
      tpu.yield
    }) : () -> ()
    return
  }
}

module attributes {stable_mosaic.version = 14 : i64} {
  func.func @_dist_argmin_body(%arg0: i32, %arg1: i32, %arg2: memref<512x256xf32, #tpu.memory_space<vmem>>, %arg3: memref<4096x256xf32, #tpu.memory_space<vmem>>, %arg4: memref<8x4096xf32, #tpu.memory_space<vmem>>, %arg5: memref<512x1xi32, #tpu.memory_space<vmem>>, %arg6: memref<512x1xf32, #tpu.memory_space<vmem>>, %arg7: memref<512x1xf32, #tpu.memory_space<vmem>>, %arg8: memref<512x1xi32, #tpu.memory_space<vmem>>) attributes {dimension_semantics = [#tpu.dimension_semantics<arbitrary>, #tpu.dimension_semantics<arbitrary>], iteration_bounds = array<i64: 16, 2>, scalar_prefetch = 0 : i64, scratch_operands = 3 : i64, tpu.core_type = #tpu.core_type<tc>, window_params = [{transform_indices = @transform_0, window_bounds = array<i64: 512, 256>}, {transform_indices = @transform_1, window_bounds = array<i64: 4096, 256>}, {transform_indices = @transform_2, window_bounds = array<i64: 8, 4096>}, {transform_indices = @transform_3, window_bounds = array<i64: 512, 1>}]} {
    %get3A = arith.constant 0 : index
    %get3A_0 = arith.constant 0 : index
    %get3A_1 = vector.load %arg2[%get3A, %get3A_0] : memref<512x256xf32, #tpu.memory_space<vmem>>, vector<512x256xf32>
    %eq3A = arith.constant 0 : i32
    %eq3A_2 = arith.cmpi eq, %arg1, %eq3A : i32
    %convert_element_type3A = arith.extui %eq3A_2 : i1 to i32
    %cond3A = arith.constant 0 : i32
    %cond3A_3 = arith.cmpi ne, %convert_element_type3A, %cond3A : i32
    scf.if %cond3A_3 {
      %mul3A_41 = arith.mulf %get3A_1, %get3A_1 : vector<512x256xf32>
      %reduce_sum3A = arith.constant dense<0.000000e+00> : vector<512xf32>
      %reduce_sum3A_42 = vector.multi_reduction <add>, %mul3A_41, %reduce_sum3A [1] : vector<512x256xf32> to vector<512xf32>
      %broadcast_in_dim3A_43 = vector.shape_cast %reduce_sum3A_42 : vector<512xf32> to vector<512x1xf32>
      %swap3A = arith.constant 0 : index
      %swap3A_44 = arith.constant 0 : index
      %swap3A_45 = vector.load %arg6[%swap3A, %swap3A_44] : memref<512x1xf32, #tpu.memory_space<vmem>>, vector<512x1xf32>
      tpu.vector_store %arg6[%swap3A, %swap3A_44], %broadcast_in_dim3A_43 {strides = array<i32>} : memref<512x1xf32, #tpu.memory_space<vmem>>, vector<512x1xf32>,
    } else {
    }
    %convert_element_type3A_4 = arith.truncf %get3A_1 : vector<512x256xf32> to vector<512x256xbf16>
    %get3A_5 = arith.constant 0 : index
    %get3A_6 = arith.constant 0 : index
    %get3A_7 = vector.load %arg3[%get3A_5, %get3A_6] : memref<4096x256xf32, #tpu.memory_space<vmem>>, vector<4096x256xf32>
    %convert_element_type3A_8 = arith.truncf %get3A_7 : vector<4096x256xf32> to vector<4096x256xbf16>
    %dot_general3A = arith.constant dense<0.000000e+00> : vector<512x4096xf32>
    %dot_general3A_9 = tpu.matmul %convert_element_type3A_4, %convert_element_type3A_8, %dot_general3A {dimension_numbers = #tpu.dot_dimension_numbers<[1], [1], [0], [0], [0, 0, 1, 0], [], []>, transpose_lhs_hint = false} : vector<512x256xbf16>, vector<4096x256xbf16>, vector<512x4096xf32> -> vector<512x4096xf32>
    %get3A_10 = arith.constant 0 : index
    %get3A_11 = arith.constant 0 : index
    %get3A_12 = vector.load %arg6[%get3A_10, %get3A_11] : memref<512x1xf32, #tpu.memory_space<vmem>>, vector<512x1xf32>
    %get3A_13 = arith.constant 0 : index
    %get3A_14 = arith.constant 0 : index
    %get3A_15 = vector.load %arg4[%get3A_13, %get3A_14] : memref<8x4096xf32, #tpu.memory_space<vmem>>, vector<1x4096xf32>
    %add3A = vector.broadcast %get3A_12 : vector<512x1xf32> to vector<512x4096xf32>
    %add3A_16 = vector.broadcast %get3A_15 : vector<1x4096xf32> to vector<512x4096xf32>
    %add3A_17 = arith.addf %add3A, %add3A_16 : vector<512x4096xf32>
    %mul3A = arith.constant 2.000000e+00 : f32
    %mul3A_18 = vector.broadcast %mul3A : f32 to vector<512x4096xf32>
    %mul3A_19 = arith.mulf %mul3A_18, %dot_general3A_9 : vector<512x4096xf32>
    %sub3A = arith.subf %add3A_17, %mul3A_19 : vector<512x4096xf32>
    %reduce_min3A = arith.constant dense<0x7F800000> : vector<512xf32>
    %reduce_min3A_20 = vector.multi_reduction <minimumf>, %sub3A, %reduce_min3A [1] : vector<512x4096xf32> to vector<512xf32>
    %broadcast_in_dim3A = vector.shape_cast %reduce_min3A_20 : vector<512xf32> to vector<512x1xf32>
    %iota3A = tpu.iota {dimensions = array<i32: 1>} : vector<512x4096xi32>
    %mul3A_21 = arith.constant 4096 : i32
    %mul3A_22 = arith.muli %arg1, %mul3A_21 : i32
    %add3A_23 = vector.broadcast %mul3A_22 : i32 to vector<512x4096xi32>
    %add3A_24 = arith.addi %iota3A, %add3A_23 : vector<512x4096xi32>
    %eq3A_25 = vector.broadcast %broadcast_in_dim3A : vector<512x1xf32> to vector<512x4096xf32>
    %eq3A_26 = arith.cmpf oeq, %sub3A, %eq3A_25 : vector<512x4096xf32>
    %jit3A = arith.constant 1073741824 : i32
    %broadcast_in_dim3A_27 = vector.broadcast %jit3A : i32 to vector<512x4096xi32>
    %select_n3A = arith.select %eq3A_26, %add3A_24, %broadcast_in_dim3A_27 : vector<512x4096xi1>, vector<512x4096xi32>
    %reduce_min3A_28 = arith.constant dense<2147483647> : vector<512xi32>
    %reduce_min3A_29 = vector.multi_reduction <minsi>, %select_n3A, %reduce_min3A_28 [1] : vector<512x4096xi32> to vector<512xi32>
    %broadcast_in_dim3A_30 = vector.shape_cast %reduce_min3A_29 : vector<512xi32> to vector<512x1xi32>
    %eq3A_31 = arith.constant 0 : i32
    %eq3A_32 = arith.cmpi eq, %arg1, %eq3A_31 : i32
    %convert_element_type3A_33 = arith.extui %eq3A_32 : i1 to i32
    %cond3A_34 = arith.constant 0 : i32
    %cond3A_35 = arith.cmpi ne, %convert_element_type3A_33, %cond3A_34 : i32
    scf.if %cond3A_35 {
      %swap3A = arith.constant 0 : index
      %swap3A_41 = arith.constant 0 : index
      %swap3A_42 = vector.load %arg7[%swap3A, %swap3A_41] : memref<512x1xf32, #tpu.memory_space<vmem>>, vector<512x1xf32>
      tpu.vector_store %arg7[%swap3A, %swap3A_41], %broadcast_in_dim3A {strides = array<i32>} : memref<512x1xf32, #tpu.memory_space<vmem>>, vector<512x1xf32>,
      %swap3A_43 = arith.constant 0 : index
      %swap3A_44 = arith.constant 0 : index
      %swap3A_45 = vector.load %arg8[%swap3A_43, %swap3A_44] : memref<512x1xi32, #tpu.memory_space<vmem>>, vector<512x1xi32>
      tpu.vector_store %arg8[%swap3A_43, %swap3A_44], %broadcast_in_dim3A_30 {strides = array<i32>} : memref<512x1xi32, #tpu.memory_space<vmem>>, vector<512x1xi32>,
    } else {
    }
    %eq3A_36 = arith.constant 1 : i32
    %eq3A_37 = arith.cmpi eq, %arg1, %eq3A_36 : i32
    %convert_element_type3A_38 = arith.extui %eq3A_37 : i1 to i32
    %cond3A_39 = arith.constant 0 : i32
    %cond3A_40 = arith.cmpi ne, %convert_element_type3A_38, %cond3A_39 : i32
    scf.if %cond3A_40 {
      %get3A_41 = arith.constant 0 : index
      %get3A_42 = arith.constant 0 : index
      %get3A_43 = vector.load %arg7[%get3A_41, %get3A_42] : memref<512x1xf32, #tpu.memory_space<vmem>>, vector<512x1xf32>
      %lt3A = arith.cmpf olt, %broadcast_in_dim3A, %get3A_43 : vector<512x1xf32>
      %get3A_44 = arith.constant 0 : index
      %get3A_45 = arith.constant 0 : index
      %get3A_46 = vector.load %arg8[%get3A_44, %get3A_45] : memref<512x1xi32, #tpu.memory_space<vmem>>, vector<512x1xi32>
      %select_n3A_47 = arith.select %lt3A, %broadcast_in_dim3A_30, %get3A_46 : vector<512x1xi1>, vector<512x1xi32>
      %swap3A = arith.constant 0 : index
      %swap3A_48 = arith.constant 0 : index
      %swap3A_49 = vector.load %arg5[%swap3A, %swap3A_48] : memref<512x1xi32, #tpu.memory_space<vmem>>, vector<512x1xi32>
      tpu.vector_store %arg5[%swap3A, %swap3A_48], %select_n3A_47 {strides = array<i32>} : memref<512x1xi32, #tpu.memory_space<vmem>>, vector<512x1xi32>,
    } else {
    }
    return
  }
  func.func @transform_0(%arg0: i32, %arg1: i32) -> (i32, i32) {
    %c0_i32 = arith.constant 0 : i32
    %c0_i32_0 = arith.constant 0 : i32
    return %arg0, %c0_i32 : i32, i32
  }
  func.func @transform_1(%arg0: i32, %arg1: i32) -> (i32, i32) {
    %c0_i32 = arith.constant 0 : i32
    %c0_i32_0 = arith.constant 0 : i32
    return %arg1, %c0_i32 : i32, i32
  }
  func.func @transform_2(%arg0: i32, %arg1: i32) -> (i32, i32) {
    %c0_i32 = arith.constant 0 : i32
    %c0_i32_0 = arith.constant 0 : i32
    return %c0_i32, %arg1 : i32, i32
  }
  func.func @transform_3(%arg0: i32, %arg1: i32) -> (i32, i32) {
    %c0_i32 = arith.constant 0 : i32
    %c0_i32_0 = arith.constant 0 : i32
    return %arg0, %c0_i32 : i32, i32
  }
}

module attributes {stable_mosaic.version = 14 : i64} {
  func.func @_csq_body(%arg0: i32, %arg1: memref<2048x256xf32, #tpu.memory_space<vmem>>, %arg2: memref<8x2048xf32, #tpu.memory_space<vmem>>) attributes {dimension_semantics = [#tpu.dimension_semantics<arbitrary>], iteration_bounds = array<i64: 4>, scalar_prefetch = 0 : i64, scratch_operands = 0 : i64, tpu.core_type = #tpu.core_type<tc>, window_params = [{transform_indices = @transform_0, window_bounds = array<i64: 2048, 256>}, {transform_indices = @transform_1, window_bounds = array<i64: 8, 2048>}]} {
    %broadcast_in_dim3A = arith.constant 1.000000e+00 : f32
    %broadcast_in_dim3A_0 = vector.broadcast %broadcast_in_dim3A : f32 to vector<8x256xf32>
    %get3A = arith.constant 0 : index
    %get3A_1 = arith.constant 0 : index
    %get3A_2 = vector.load %arg1[%get3A, %get3A_1] : memref<2048x256xf32, #tpu.memory_space<vmem>>, vector<2048x256xf32>
    %get3A_3 = arith.constant 0 : index
    %get3A_4 = arith.constant 0 : index
    %get3A_5 = vector.load %arg1[%get3A_3, %get3A_4] : memref<2048x256xf32, #tpu.memory_space<vmem>>, vector<2048x256xf32>
    %mul3A = arith.mulf %get3A_2, %get3A_5 : vector<2048x256xf32>
    %dot_general3A = arith.constant dense<0.000000e+00> : vector<8x2048xf32>
    %dot_general3A_6 = tpu.matmul %broadcast_in_dim3A_0, %mul3A, %dot_general3A {dimension_numbers = #tpu.dot_dimension_numbers<[1], [1], [0], [0], [0, 0, 1, 0], [], []>, precision = #tpu.contract_precision<fp32>, transpose_lhs_hint = false} : vector<8x256xf32>, vector<2048x256xf32>, vector<8x2048xf32> -> vector<8x2048xf32>
    %swap3A = arith.constant 0 : index
    %swap3A_7 = arith.constant 0 : index
    %swap3A_8 = vector.load %arg2[%swap3A, %swap3A_7] : memref<8x2048xf32, #tpu.memory_space<vmem>>, vector<8x2048xf32>
    tpu.vector_store %arg2[%swap3A, %swap3A_7], %dot_general3A_6 {strides = array<i32>} : memref<8x2048xf32, #tpu.memory_space<vmem>>, vector<8x2048xf32>,
    return
  }
  func.func @transform_0(%arg0: i32) -> (i32, i32) {
    %c0_i32 = arith.constant 0 : i32
    %c0_i32_0 = arith.constant 0 : i32
    return %arg0, %c0_i32 : i32, i32
  }
  func.func @transform_1(%arg0: i32) -> (i32, i32) {
    %c0_i32 = arith.constant 0 : i32
    %c0_i32_0 = arith.constant 0 : i32
    return %c0_i32, %arg0 : i32, i32
  }
}

module attributes {stable_mosaic.version = 14 : i64} {
  func.func @_dist_argmin_body(%arg0: i32, %arg1: i32, %arg2: memref<512x256xf32, #tpu.memory_space<vmem>>, %arg3: memref<4096x256xf32, #tpu.memory_space<vmem>>, %arg4: memref<8x4096xf32, #tpu.memory_space<vmem>>, %arg5: memref<512x1xi32, #tpu.memory_space<vmem>>, %arg6: memref<512x1xf32, #tpu.memory_space<vmem>>, %arg7: memref<512x1xf32, #tpu.memory_space<vmem>>, %arg8: memref<512x1xi32, #tpu.memory_space<vmem>>) attributes {dimension_semantics = [#tpu.dimension_semantics<arbitrary>, #tpu.dimension_semantics<arbitrary>], iteration_bounds = array<i64: 16, 2>, scalar_prefetch = 0 : i64, scratch_operands = 3 : i64, tpu.core_type = #tpu.core_type<tc>, window_params = [{transform_indices = @transform_0, window_bounds = array<i64: 512, 256>}, {transform_indices = @transform_1, window_bounds = array<i64: 4096, 256>}, {transform_indices = @transform_2, window_bounds = array<i64: 8, 4096>}, {transform_indices = @transform_3, window_bounds = array<i64: 512, 1>}]} {
    %get3A = arith.constant 0 : index
    %get3A_0 = arith.constant 0 : index
    %get3A_1 = vector.load %arg2[%get3A, %get3A_0] : memref<512x256xf32, #tpu.memory_space<vmem>>, vector<512x256xf32>
    %eq3A = arith.constant 0 : i32
    %eq3A_2 = arith.cmpi eq, %arg1, %eq3A : i32
    %convert_element_type3A = arith.extui %eq3A_2 : i1 to i32
    %cond3A = arith.constant 0 : i32
    %cond3A_3 = arith.cmpi ne, %convert_element_type3A, %cond3A : i32
    scf.if %cond3A_3 {
      %mul3A_41 = arith.mulf %get3A_1, %get3A_1 : vector<512x256xf32>
      %reduce_sum3A = arith.constant dense<0.000000e+00> : vector<512xf32>
      %reduce_sum3A_42 = vector.multi_reduction <add>, %mul3A_41, %reduce_sum3A [1] : vector<512x256xf32> to vector<512xf32>
      %broadcast_in_dim3A_43 = vector.shape_cast %reduce_sum3A_42 : vector<512xf32> to vector<512x1xf32>
      %swap3A = arith.constant 0 : index
      %swap3A_44 = arith.constant 0 : index
      %swap3A_45 = vector.load %arg6[%swap3A, %swap3A_44] : memref<512x1xf32, #tpu.memory_space<vmem>>, vector<512x1xf32>
      tpu.vector_store %arg6[%swap3A, %swap3A_44], %broadcast_in_dim3A_43 {strides = array<i32>} : memref<512x1xf32, #tpu.memory_space<vmem>>, vector<512x1xf32>,
    } else {
    }
    %convert_element_type3A_4 = arith.truncf %get3A_1 : vector<512x256xf32> to vector<512x256xbf16>
    %get3A_5 = arith.constant 0 : index
    %get3A_6 = arith.constant 0 : index
    %get3A_7 = vector.load %arg3[%get3A_5, %get3A_6] : memref<4096x256xf32, #tpu.memory_space<vmem>>, vector<4096x256xf32>
    %convert_element_type3A_8 = arith.truncf %get3A_7 : vector<4096x256xf32> to vector<4096x256xbf16>
    %dot_general3A = arith.constant dense<0.000000e+00> : vector<512x4096xf32>
    %dot_general3A_9 = tpu.matmul %convert_element_type3A_4, %convert_element_type3A_8, %dot_general3A {dimension_numbers = #tpu.dot_dimension_numbers<[1], [1], [0], [0], [0, 0, 1, 0], [], []>, transpose_lhs_hint = false} : vector<512x256xbf16>, vector<4096x256xbf16>, vector<512x4096xf32> -> vector<512x4096xf32>
    %get3A_10 = arith.constant 0 : index
    %get3A_11 = arith.constant 0 : index
    %get3A_12 = vector.load %arg6[%get3A_10, %get3A_11] : memref<512x1xf32, #tpu.memory_space<vmem>>, vector<512x1xf32>
    %get3A_13 = arith.constant 0 : index
    %get3A_14 = arith.constant 0 : index
    %get3A_15 = vector.load %arg4[%get3A_13, %get3A_14] : memref<8x4096xf32, #tpu.memory_space<vmem>>, vector<1x4096xf32>
    %add3A = vector.broadcast %get3A_12 : vector<512x1xf32> to vector<512x4096xf32>
    %add3A_16 = vector.broadcast %get3A_15 : vector<1x4096xf32> to vector<512x4096xf32>
    %add3A_17 = arith.addf %add3A, %add3A_16 : vector<512x4096xf32>
    %mul3A = arith.constant 2.000000e+00 : f32
    %mul3A_18 = vector.broadcast %mul3A : f32 to vector<512x4096xf32>
    %mul3A_19 = arith.mulf %mul3A_18, %dot_general3A_9 : vector<512x4096xf32>
    %sub3A = arith.subf %add3A_17, %mul3A_19 : vector<512x4096xf32>
    %reduce_min3A = arith.constant dense<0x7F800000> : vector<512xf32>
    %reduce_min3A_20 = vector.multi_reduction <minimumf>, %sub3A, %reduce_min3A [1] : vector<512x4096xf32> to vector<512xf32>
    %broadcast_in_dim3A = vector.shape_cast %reduce_min3A_20 : vector<512xf32> to vector<512x1xf32>
    %iota3A = tpu.iota {dimensions = array<i32: 1>} : vector<512x4096xi32>
    %mul3A_21 = arith.constant 4096 : i32
    %mul3A_22 = arith.muli %arg1, %mul3A_21 : i32
    %add3A_23 = vector.broadcast %mul3A_22 : i32 to vector<512x4096xi32>
    %add3A_24 = arith.addi %iota3A, %add3A_23 : vector<512x4096xi32>
    %eq3A_25 = vector.broadcast %broadcast_in_dim3A : vector<512x1xf32> to vector<512x4096xf32>
    %eq3A_26 = arith.cmpf oeq, %sub3A, %eq3A_25 : vector<512x4096xf32>
    %jit3A = arith.constant 1073741824 : i32
    %broadcast_in_dim3A_27 = vector.broadcast %jit3A : i32 to vector<512x4096xi32>
    %select_n3A = arith.select %eq3A_26, %add3A_24, %broadcast_in_dim3A_27 : vector<512x4096xi1>, vector<512x4096xi32>
    %reduce_min3A_28 = arith.constant dense<2147483647> : vector<512xi32>
    %reduce_min3A_29 = vector.multi_reduction <minsi>, %select_n3A, %reduce_min3A_28 [1] : vector<512x4096xi32> to vector<512xi32>
    %broadcast_in_dim3A_30 = vector.shape_cast %reduce_min3A_29 : vector<512xi32> to vector<512x1xi32>
    %eq3A_31 = arith.constant 0 : i32
    %eq3A_32 = arith.cmpi eq, %arg1, %eq3A_31 : i32
    %convert_element_type3A_33 = arith.extui %eq3A_32 : i1 to i32
    %cond3A_34 = arith.constant 0 : i32
    %cond3A_35 = arith.cmpi ne, %convert_element_type3A_33, %cond3A_34 : i32
    scf.if %cond3A_35 {
      %swap3A = arith.constant 0 : index
      %swap3A_41 = arith.constant 0 : index
      %swap3A_42 = vector.load %arg7[%swap3A, %swap3A_41] : memref<512x1xf32, #tpu.memory_space<vmem>>, vector<512x1xf32>
      tpu.vector_store %arg7[%swap3A, %swap3A_41], %broadcast_in_dim3A {strides = array<i32>} : memref<512x1xf32, #tpu.memory_space<vmem>>, vector<512x1xf32>,
      %swap3A_43 = arith.constant 0 : index
      %swap3A_44 = arith.constant 0 : index
      %swap3A_45 = vector.load %arg8[%swap3A_43, %swap3A_44] : memref<512x1xi32, #tpu.memory_space<vmem>>, vector<512x1xi32>
      tpu.vector_store %arg8[%swap3A_43, %swap3A_44], %broadcast_in_dim3A_30 {strides = array<i32>} : memref<512x1xi32, #tpu.memory_space<vmem>>, vector<512x1xi32>,
    } else {
    }
    %eq3A_36 = arith.constant 1 : i32
    %eq3A_37 = arith.cmpi eq, %arg1, %eq3A_36 : i32
    %convert_element_type3A_38 = arith.extui %eq3A_37 : i1 to i32
    %cond3A_39 = arith.constant 0 : i32
    %cond3A_40 = arith.cmpi ne, %convert_element_type3A_38, %cond3A_39 : i32
    scf.if %cond3A_40 {
      %get3A_41 = arith.constant 0 : index
      %get3A_42 = arith.constant 0 : index
      %get3A_43 = vector.load %arg7[%get3A_41, %get3A_42] : memref<512x1xf32, #tpu.memory_space<vmem>>, vector<512x1xf32>
      %convert_element_type3A_44 = arith.truncf %get3A_43 : vector<512x1xf32> to vector<512x1xbf16>
      %convert_element_type3A_45 = arith.extf %convert_element_type3A_44 : vector<512x1xbf16> to vector<512x1xf32>
      %lt3A = arith.cmpf olt, %broadcast_in_dim3A, %convert_element_type3A_45 : vector<512x1xf32>
      %get3A_46 = arith.constant 0 : index
      %get3A_47 = arith.constant 0 : index
      %get3A_48 = vector.load %arg8[%get3A_46, %get3A_47] : memref<512x1xi32, #tpu.memory_space<vmem>>, vector<512x1xi32>
      %select_n3A_49 = arith.select %lt3A, %broadcast_in_dim3A_30, %get3A_48 : vector<512x1xi1>, vector<512x1xi32>
      %swap3A = arith.constant 0 : index
      %swap3A_50 = arith.constant 0 : index
      %swap3A_51 = vector.load %arg5[%swap3A, %swap3A_50] : memref<512x1xi32, #tpu.memory_space<vmem>>, vector<512x1xi32>
      tpu.vector_store %arg5[%swap3A, %swap3A_50], %select_n3A_49 {strides = array<i32>} : memref<512x1xi32, #tpu.memory_space<vmem>>, vector<512x1xi32>,
    } else {
    }
    return
  }
  func.func @transform_0(%arg0: i32, %arg1: i32) -> (i32, i32) {
    %c0_i32 = arith.constant 0 : i32
    %c0_i32_0 = arith.constant 0 : i32
    return %arg0, %c0_i32 : i32, i32
  }
  func.func @transform_1(%arg0: i32, %arg1: i32) -> (i32, i32) {
    %c0_i32 = arith.constant 0 : i32
    %c0_i32_0 = arith.constant 0 : i32
    return %arg1, %c0_i32 : i32, i32
  }
  func.func @transform_2(%arg0: i32, %arg1: i32) -> (i32, i32) {
    %c0_i32 = arith.constant 0 : i32
    %c0_i32_0 = arith.constant 0 : i32
    return %c0_i32, %arg1 : i32, i32
  }
  func.func @transform_3(%arg0: i32, %arg1: i32) -> (i32, i32) {
    %c0_i32 = arith.constant 0 : i32
    %c0_i32_0 = arith.constant 0 : i32
    return %arg0, %c0_i32 : i32, i32
  }
}

</mosaic_0001>

<sc_bundles>
// kernel: kernel.14.cloned.1.call-start
scs
__scs_entry_jumppad:
0x0: {  	(pc) =	sbr.rel $0x88, $3  }
0x1: {  	(tag) =	ssettag $0x0;
	lr =	simm.s32 $0x1  }
0x2: {  	[smem:$0x3F9F] =	sst lr;
	_ =	strace $0xD0000000  }
0x3: {  	_ = 	snop  }
0x4: {  	_ = 	snop  }
0x5: {  	_ = 	snop  }
0x6: {  	_ = 	snop  }
0x7: {  	_ = 	snop  }
__scs_overlays_trampoline_lowered:
0x8: {  	[smem:$0x3FAE] =	sst s0  }
0x9: {  	[smem:$0x3FAF] =	sst s1  }
0xa: {  	[smem:$0x3FB0] =	sst s2  }
0xb: {  	[smem:$0x3FB1] =	sst s3  }
0xc: {  	[smem:$0x3FB2] =	sst s4  }
0xd: {  	[smem:$0x3FB3] =	sst s5  }
0xe: {  	[smem:$0x3FB4] =	sst s6  }
0xf: {  	[smem:$0x3FB5] =	sst s7  }
0x10: {  	[smem:$0x3FB6] =	sst s8  }
0x11: {  	[smem:$0x3FB7] =	sst s9;
	s0 =	simm.s32 @!p0 $0x0  }
0x12: {  	s1 =	sld [smem:$0x3F9D];
	s0 =	simm.s32 @p0 $0x1  }
0x13: {  	[smem:$0x3FB8] =	sst s0;
	s0 =	simm.s32 @!p1 $0x0  }
0x14: {  	s2 =	sld [smem:$0x3F9C];
	s0 =	simm.s32 @p1 $0x1  }
0x15: {  	[smem:$0x3FB9] =	sst s0;
	s0 =	simm.s32 @!p2 $0x0  }
0x16: {  	s3 =	sld [smem:$0x3FDB];
	s0 =	simm.s32 @p2 $0x1  }
0x17: {  	s4 =	simm.s32 $0x1BF5;
	[smem:$0x3FBB] =	sst s0  }
0x18: {  	s0 =	sld [smem:$0x3F9E];
	_ =	swait.ge [sflag:s4], $0x0  }
0x19: {  	s7 =	sld [smem:$0x3F9F]  }
0x1a: {  	s8 =	sadd.s32 $0xFFFFE003, lr  }
0x1b: {  	s9 =	sadd.s32 $0xFFFFFEF7, lr;
	s5 =	simm.s32 $0xFFFFFFFF;
	p2 =	slt.u32 s8, $0xFFFFF086  }
0x1c: {  	p1 =	slt.u32 s9, $0xF7A;
	s5 =	simm.s32 @!p2 $0x0  }
0x1d: {  	s5 =	simm.s32 @p1 $0x1;
	p0 =	seq.s32 s7, s2  }
0x1e: {  	s7 =	smul.u32 @!p0 $0xF7A, s2;
	p2 =	seq.s32 @!p0 s5, $0x0  }
0x1f: {  	s9 =	smul.u32 $0xF7A, s1;
	s8 =	simm.s32 @!p0 $0x1BF5;
	p2 =	por !p2, p0  }
0x20: {  	[sflag:s8] =	ssyncset.s32 @!p0 $0xFFFFF086;
	s6 =	sadd.s32 @!p0 s3, s7;
	s7 =	simm.s32 @!p0 $0x108  }
0x21: {  	s3 =	sadd.s32 s3, s9;
	s6 =	sadd.s32 @!p0 $0x88, s6;
	s7 =	simm.s32 @p2 $0x1082  }
0x22: {  	[simem:s7], [sflag:s8] =	dma.local @!p0 [hbm:s6], $0xF7A  }
0x23: {  	s9 =	sor.u32 $0xD0000000, s2;
	s6 =	simm.s32 $0x108;
	_ =	swait.ge @!p0 [sflag:s8], $0x0  }
0x24: {  	s3 =	sadd.s32 $0x88, s3;
	s6 =	simm.s32 @!p1 $0x1082;
	[sflag:s4] =	ssyncset.s32 $0xFFFFF086  }
0x25: {  	[simem:s6], [sflag:s4] =	dma.local [hbm:s3], $0xF7A  }
0x26: {  	[smem:$0x3F9F] =	sst s1;
	(tag) =	ssettag s2;
	_ =	strace s9  }
0x27: {  	s1 =	sld [smem:$0x3FAF]  }
0x28: {  	s2 =	sld [smem:$0x3FB0]  }
0x29: {  	s4 =	sld [smem:$0x3FB2]  }
0x2a: {  	p0 =	seq.s32 s5, $0x0;
	s5 =	sld [smem:$0x3FB3]  }
0x2b: {  	s6 =	sld [smem:$0x3FB4]  }
0x2c: {  	s7 =	sld [smem:$0x3FB5]  }
0x2d: {  	s3 =	simm.s32 $0x108;
	s8 =	sld [smem:$0x3FB6]  }
0x2e: {  	s3 =	simm.s32 @!p0 $0x1082;
	s9 =	sld [smem:$0x3FB7]  }
0x2f: {  	lr =	sadd.s32 s0, s3;
	s0 =	sld [smem:$0x3FAE]  }
0x30: {  	s3 =	sld [smem:$0x3FB1]  }
0x31: {  	[smem:$0x3FBA] =	sst s10  }
0x32: {  	s10 =	sld [smem:$0x3FB8];
	_ =	sdelay $0x3  }
0x33: {  	p0 =	seq.s32 s10, $0x1;
	s10 =	sld [smem:$0x3FBA];
	_ =	sdelay $0x3  }
0x34: {  	[smem:$0x3FBA] =	sst s10  }
0x35: {  	s10 =	sld [smem:$0x3FB9];
	_ =	sdelay $0x3  }
0x36: {  	p1 =	seq.s32 s10, $0x1;
	s10 =	sld [smem:$0x3FBA];
	_ =	sdelay $0x3  }
0x37: {  	[smem:$0x3FBA] =	sst s10  }
0x38: {  	s10 =	sld [smem:$0x3FBB]  }
0x39: {  	_ = 	snop;
	(pc) =	sbr.ind lr, $3  }
0x3a: {  	_ = 	snop  }
0x3b: {  	_ = 	snop  }
0x3c: {  	p2 =	seq.s32 s10, $0x1;
	s10 =	sld [smem:$0x3FBA]  }
0x3d: {  	_ =	shalt  }
0x3e: {  	_ =	shalt  }
0x3f: {  	_ =	shalt  }
0x40: {  	_ =	shalt  }
0x41: {  	_ =	shalt  }
0x42: {  	_ =	shalt  }
0x43: {  	_ =	shalt  }
0x44: {  	_ =	shalt  }
0x45: {  	_ =	shalt  }
0x46: {  	_ =	shalt  }
0x47: {  	_ =	shalt  }
0x48: {  	_ =	shalt  }
0x49: {  	_ =	shalt  }
0x4a: {  	_ =	shalt  }
0x4b: {  	_ =	shalt  }
0x4c: {  	_ =	shalt  }
0x4d: {  	_ =	shalt  }
0x4e: {  	_ =	shalt  }
0x4f: {  	_ =	shalt  }
0x50: {  	_ =	shalt  }
0x51: {  	_ =	shalt  }
0x52: {  	_ =	shalt  }
0x53: {  	_ =	shalt  }
0x54: {  	_ =	shalt  }
0x55: {  	_ =	shalt  }
0x56: {  	_ =	shalt  }
0x57: {  	_ =	shalt  }
0x58: {  	_ =	shalt  }
0x59: {  	_ =	shalt  }
0x5a: {  	_ =	shalt  }
0x5b: {  	_ =	shalt  }
0x5c: {  	_ =	shalt  }
0x5d: {  	_ =	shalt  }
0x5e: {  	_ =	shalt  }
0x5f: {  	_ =	shalt  }
0x60: {  	_ =	shalt  }
0x61: {  	_ =	shalt  }
0x62: {  	_ =	shalt  }
0x63: {  	_ =	shalt  }
0x64: {  	_ =	shalt  }
0x65: {  	_ =	shalt  }
0x66: {  	_ =	shalt  }
0x67: {  	_ =	shalt  }
0x68: {  	_ =	shalt  }
0x69: {  	_ =	shalt  }
0x6a: {  	_ =	shalt  }
0x6b: {  	_ =	shalt  }
0x6c: {  	_ =	shalt  }
0x6d: {  	_ =	shalt  }
0x6e: {  	_ =	shalt  }
0x6f: {  	_ =	shalt  }
0x70: {  	_ =	shalt  }
0x71: {  	_ =	shalt  }
0x72: {  	_ =	shalt  }
0x73: {  	_ =	shalt  }
0x74: {  	_ =	shalt  }
0x75: {  	_ =	shalt  }
0x76: {  	_ =	shalt  }
0x77: {  	_ =	shalt  }
0x78: {  	_ =	shalt  }
0x79: {  	_ =	shalt  }
0x7a: {  	_ =	shalt  }
0x7b: {  	_ =	shalt  }
0x7c: {  	_ =	shalt  }
0x7d: {  	_ =	shalt  }
0x7e: {  	_ =	shalt  }
0x7f: {  	_ =	shalt  }
0x80: {  	_ =	shalt  }
0x81: {  	_ =	shalt  }
0x82: {  	_ =	shalt  }
0x83: {  	_ =	shalt  }
0x84: {  	_ =	shalt  }
0x85: {  	_ =	shalt  }
0x86: {  	_ =	shalt  }
0x87: {  	_ =	shalt  }
.Lfunc_end0:
.L_simem_size_0:
called_computation_lowered:
.L_overlay_start_0:
0x88: {  	s2 =	sld [smem:$0x3FD9]  }
0x89: {  	s3 =	sld [smem:$0x3FFE];
	_ =	sdelay $0x1  }
0x8a: {  	s1 =	srdreg.scid  }
0x8b: {  	s0 =	sand.u32 $0x1, s1  }
0x8c: {  	s14 =	sshll.u32 s0, $0xA;
	s2 =	sadd.s32 s3, s2  }
0x8d: {  	s2 =	sadd.s32 s2, s14  }
0x8e: {  	[smem:$0x3FC6] =	sst s2  }
0x8f: {  	_ = 	snop  }
0x90: {  	s2 =	sld [smem:$0x3FD0];
	_ =	sdelay $0x2  }
0x91: {  	s4 =	simm.s32 $0xA;
	s5 =	simm.s32 $0x10;
	s15 =	sld [smem:$0x3FC9]  }
0x92: {  	[smem:s5], [sflag:s4] =	dma.local [hbm:s2], $0x1  }
0x93: {  	_ =	swait.eq [sflag:s4], $0x1  }
0x94: {  	[sflag:s4] =	ssyncset.done $0x0  }
0x95: {  	[sflag:s4] =	ssyncadd.s32 $0xFFFFFFFF  }
0x96: {  	s16 =	sld [smem:$0x12];
	(tm) =	ssettm $0x1  }
0x97: {  	s17 =	sld [smem:$0x3FFB];
	_ =	sdelay $0x3  }
0x98: {  	_ =	strace s17  }
0x99: {  	s4 =	sld [smem:$0x3FFC];
	_ =	sdelay $0x3  }
0x9a: {  	_ =	strace s4  }
0x9b: {  	s4 =	sld [smem:$0x3FFD];
	_ =	sdelay $0x3  }
0x9c: {  	_ =	strace s4  }
0x9d: {  	_ =	strace $0x8FFFFFFF  }
0x9e: {  	s18 =	sld [smem:$0x3FDB];
	_ =	sdelay $0x1  }
0x9f: {  	s19 =	simm.s32 $_scs_section_size  }
0xa0: {  	s6 =	simm.s32 $_size__tile_overlayer_lowered;
	s7 =	simm.s32 $_tile_overlayer_lowered  }
0xa1: {  	s22 =	simm.s32 $0x1BFF;
	s21 =	sshll.u32 s7, $0x1;
	s4 =	sadd.s32 s19, s18  }
0xa2: {  	s8 =	simm.s32 $0x0;
	s20 =	sshll.u32 s6, $0x1;
	s6 =	sadd.s32 s21, s4  }
0xa3: {  	[timem:s8], [sflag:s22] =	dma.local [hbm:s6], s20  }
0xa4: {  	_ =	swait.ge [sflag:s22], s20  }
0xa5: {  	s5 =	ssub.s32 $0x0, s20;
	[sflag:s22] =	ssyncset.done $0x0  }
0xa6: {  	[sflag:s22] =	ssyncadd.s32 s5;
	_ =	sdelay $0x1  }
0xa7: {  	s23 =	simm.s32 $0x1B8B  }
0xa8: {  	_ =	swait.ge [sflag:s23], $0x1  }
0xa9: {  	[sflag:s23] =	ssyncset.done $0x0  }
0xaa: {  	s25 =	simm.s32 $0x1B8E;
	s24 =	sld [smem:$0x3FFE];
	[sflag:s23] =	ssyncadd.s32 $0xFFFFFFFF  }
0xab: {  	s26 =	simm.s32 $execute0_lowered;
	[smem:$0x3FD2] =	sst s25  }
0xac: {  	s6 =	sshll.u32 s26, $0x1;
	_ =	strace $0x80000046;
	[dreg:$0x1] =	wrdreg $0xFFFFFFFF  }
0xad: {  	s28 =	simm.s32 $_size_execute0_lowered;
	s4 =	sadd.s32 s4, s6;
	[dreg:$0x0] =	wrdreg $0x0  }
0xae: {  	s6 =	sshll.u32 s28, $0x1;
	[dreg:$0x2] =	wrdreg s4  }
0xaf: {  	[dreg:$0x3] =	wrdreg s6  }
0xb0: {  	[dreg:$0x4] =	wrdreg $0xC0  }
0xb1: {  	_ =	task [dreg:s8], $0x5FFFF  }
0xb2: {  	[dreg:$0x1] =	wrdreg $0xFFFFFFFF  }
0xb3: {  	[dreg:$0x0] =	wrdreg $0x60  }
0xb4: {  	[dreg:$0x2] =	wrdreg s24  }
0xb5: {  	[dreg:$0x3] =	wrdreg s16  }
0xb6: {  	[dreg:$0x4] =	wrdreg s15  }
0xb7: {  	[dreg:$0x5] =	wrdreg $0x9  }
0xb8: {  	_ =	task.clear_ibuf [dreg:s8], $0x6FFFF;
	_ =	strace $0x90000046  }
0xb9: {  	s29 =	simm.s32 $0x9;
	_ =	strace $0x80000048  }
0xba: {  	_ =	swait.ge [sflag:s29], $0x1  }
0xbb: {  	[sflag:s29] =	ssyncadd.s32 $0xFFFFFFFF  }
0xbc: {  	_ =	strace $0x90000048  }
0xbd: {  	_ =	sfence  }
0xbe: {  	s30 =	sld [smem:$0x0];
	_ =	sdelay $0x2  }
0xbf: {  	s31 =	sshll.u32 s1, $0xD;
	s1 =	sshrl.u32 s1, $0x2  }
0xc0: {  	s3 =	sand.u32 $0x4000, s31;
	s1 =	sadd.s32 s1, s30  }
0xc1: {  	s0 =	sor.u32 s3, s0;
	s1 =	sshll.u32 s1, $0x11  }
0xc2: {  	s0 =	sor.u32 s1, s0  }
0xc3: {  	s0 =	sadd.s32 $0x8F2B, s0  }
0xc4: {  	[sflag:s0] =	ssyncadd.remote.s32 $0x1  }
0xc5: {  	_ =	sfence.sel $0xFFFF  }
0xc6: {  	[dreg:$0x0] =	wrdreg $0xFFFFFFFF;
	(pc) =	sbr.abs _section_cstart, $3  }
0xc7: {  	[dreg:$0x1] =	wrdreg $0xFFFFFFFF  }
0xc8: {  	_ =	task.clear_ibuf [dreg:s8], $0x2FFFF;
	_ =	strace $0x9FFFFFFF  }
0xc9: {  	(tm) =	ssettm $0x7FFFFFFF  }
tec
execute0_lowered:
.L_overlay_start_1:
0x0: {  	(tag) =	ssettag $0x1  }
0x1: {  	s0 =	rddreg [dreg:$0x0]  }
0x2: {  	s1 =	rddreg [dreg:$0x1]  }
0x3: {  	s4 =	rddreg [dreg:$0x2];
	s2 =	simm.s32 $0x0  }
0x4: {  	s3 =	srdreg.scid;
	s6 =	stileid.u32;
	s12 =	simm.s32 $0x2  }
0x5: {  	s17 =	simm.s32 $0x2080;
	s18 =	simm.s32 $0x2880;
	s19 =	simm.s32 $0x3080  }
0x6: {  	s20 =	simm.s32 $0x3880;
	s21 =	simm.s32 $0x4080;
	s28 =	simm.s32 $0x7080  }
0x7: {  	s29 =	simm.s32 $0x7880;
	s30 =	simm.s32 $0x1;
	s31 =	simm.s32 $0x8080  }
0x8: {  	[smem:$0x7FF] =	sst s2;
	s5 =	sand.u32 $0x1, s3;
	s22 =	sshll.u32 s6, $0x1  }
0x9: {  	s3 =	sadd.s32 $0x82400, s0;
	s9 =	sadd.s32 $0xC2400, s0;
	_ =	strace $0x80000047  }
0xa: {  	s6 =	sor.u32 s5, s22;
	s5 =	ssub.s32 $0x2, s5;
	s22 =	simm.s32 $0x4880  }
0xb: {  	s7 =	sshll.u32 s6, $0x4;
	s23 =	sshrl.u32 s5, $0x1;
	s24 =	sshll.u32 s6, $0x8  }
0xc: {  	s25 =	sshll.u32 s6, $0x5;
	s6 =	sshll.u32 s6, $0xD;
	s0 =	sadd.s32 s7, s0  }
0xd: {  	s11 =	ssub.s32 s5, s23;
	s7 =	sadd.s32 s1, s25;
	s26 =	sor.u32 $0x80, s24  }
0xe: {  	s5 =	sadd.s32 s4, s6;
	s6 =	sadd.s32 s9, s6;
	s23 =	simm.s32 $0x5080  }
0xf: {  	s24 =	simm.s32 $0x5880;
	s25 =	simm.s32 $0x6080;
	[dreg:$0x4] =	wrdreg s7  }
0x10: {  	v2 =	vlaneseq.u32;
	s8 =	sshrl.u32 s26, $0x3;
	s10 =	sshll.u32 s26, $0x5;
	s11 =	smax.u32 s11, $0x1  }
0x11: {  	vm0 =	vmmov $0xffff;
	v1 =	vshrl.u32 v2, $0x3;
	s26 =	simm.s32 $0x6880;
	s7 =	sadd.s32 s1, s8;
	s8 =	sadd.s32 s4, s10  }
0x12: {  	v0 =	vand.u32 $0x7, v2;
	v2 =	vor.u32 $0x8, v2;
	v1 =	vmul.u32 $0x8, v1;
	s9 =	sadd.s32 s9, s10;
	s10 =	sadd.s32 $0x102400, s0;
	s1 =	simm.s32 $0x0  }
.LBB2_1:
0x13: {  	s0 =	rddreg [dreg:$0x4]  }
0x14: {  	[tilespmem:s2], [sflag:$0x2] =	stream.linear.gather [hbm4b:s0+s2], $0x80, $0x38;
	[tilespmem:$0x10100] =	vst v63  }
0x15: {  	_ =	swait.ge [sflag:s12], $0x80  }
0x16: {  	[sflag:s12] =	ssyncset.done $0x0  }
0x17: {  	[sflag:s12] =	ssyncadd.s32 $0xFFFFFF80  }
0x18: {  	v3 =	vld [tilespmem:$0x0];
	_ =	sdelay $0x4  }
0x19: {  	v4 =	vshll.u32 v3, $0x1  }
0x1a: {  	v3 =	vand.u32 $0x7, v3;
	v4 =	vand.u32 $0xFFFFFFF0, v4  }
0x1b: {  	v3 =	vor.u32 v3, v4  }
0x1c: {  	v4 =	vperm.xlane v3, v0;
	_ =	sdelay $0x1  }
0x1d: {  	v3 =	vperm.xlane v3, v2;
	v4 =	vadd.s32 v1, v4;
	_ =	sdelay $0x1  }
0x1e: {  	v3 =	vadd.s32 v1, v3;
	_ =	sdelay $0x1  }
0x1f: {  	s15 =	simm.s32 $0x80  }
0x20: {  	[tilespmem:s15], [sflag:$0x1] =	stream.indirect_vreg.gather [hbm4b:s3+s2], $0x80, v4, vm0, $0xb8;
	[tilespmem:$0x10100] =	vst v63  }
0x21: {  	s16 =	simm.s32 $0x880  }
0x22: {  	[tilespmem:s16], [sflag:$0x1] =	stream.indirect_vreg.gather [hbm4b:s3+s2], $0x80, v3, vm0, $0xb8;
	[tilespmem:$0x10100] =	vst v63  }
0x23: {  	v3 =	vld [tilespmem:$0x10];
	_ =	sdelay $0x4  }
0x24: {  	v4 =	vshll.u32 v3, $0x1  }
0x25: {  	v3 =	vand.u32 $0x7, v3;
	v4 =	vand.u32 $0xFFFFFFF0, v4  }
0x26: {  	v3 =	vor.u32 v3, v4  }
0x27: {  	v4 =	vperm.xlane v3, v0;
	_ =	sdelay $0x1  }
0x28: {  	v3 =	vperm.xlane v3, v2;
	v4 =	vadd.s32 v1, v4;
	_ =	sdelay $0x1  }
0x29: {  	v3 =	vadd.s32 v1, v3;
	_ =	sdelay $0x1  }
0x2a: {  	s4 =	simm.s32 $0x1080  }
0x2b: {  	[tilespmem:s4], [sflag:$0x1] =	stream.indirect_vreg.gather [hbm4b:s3+s2], $0x80, v4, vm0, $0xb8;
	[tilespmem:$0x10100] =	vst v63  }
0x2c: {  	s13 =	simm.s32 $0x1880  }
0x2d: {  	[tilespmem:s13], [sflag:$0x1] =	stream.indirect_vreg.gather [hbm4b:s3+s2], $0x80, v3, vm0, $0xb8;
	[tilespmem:$0x10100] =	vst v63  }
0x2e: {  	v3 =	vld [tilespmem:$0x20];
	_ =	sdelay $0x4  }
0x2f: {  	v4 =	vshll.u32 v3, $0x1  }
0x30: {  	v3 =	vand.u32 $0x7, v3;
	v4 =	vand.u32 $0xFFFFFFF0, v4  }
0x31: {  	v3 =	vor.u32 v3, v4  }
0x32: {  	v4 =	vperm.xlane v3, v0;
	_ =	sdelay $0x1  }
0x33: {  	v3 =	vperm.xlane v3, v2;
	v4 =	vadd.s32 v1, v4;
	_ =	sdelay $0x1  }
0x34: {  	v3 =	vadd.s32 v1, v3;
	_ =	sdelay $0x2  }
0x35: {  	[tilespmem:s17], [sflag:$0x1] =	stream.indirect_vreg.gather [hbm4b:s3+s2], $0x80, v4, vm0, $0xb8;
	[tilespmem:$0x10100] =	vst v63  }
0x36: {  	_ = 	snop  }
0x37: {  	[tilespmem:s18], [sflag:$0x1] =	stream.indirect_vreg.gather [hbm4b:s3+s2], $0x80, v3, vm0, $0xb8;
	[tilespmem:$0x10100] =	vst v63  }
0x38: {  	v3 =	vld [tilespmem:$0x30];
	_ =	sdelay $0x4  }
0x39: {  	v4 =	vshll.u32 v3, $0x1  }
0x3a: {  	v3 =	vand.u32 $0x7, v3;
	v4 =	vand.u32 $0xFFFFFFF0, v4  }
0x3b: {  	v3 =	vor.u32 v3, v4  }
0x3c: {  	v4 =	vperm.xlane v3, v0;
	_ =	sdelay $0x1  }
0x3d: {  	v3 =	vperm.xlane v3, v2;
	v4 =	vadd.s32 v1, v4;
	_ =	sdelay $0x1  }
0x3e: {  	v3 =	vadd.s32 v1, v3;
	_ =	sdelay $0x2  }
0x3f: {  	[tilespmem:s19], [sflag:$0x1] =	stream.indirect_vreg.gather [hbm4b:s3+s2], $0x80, v4, vm0, $0xb8;
	[tilespmem:$0x10100] =	vst v63  }
0x40: {  	_ = 	snop  }
0x41: {  	[tilespmem:s20], [sflag:$0x1] =	stream.indirect_vreg.gather [hbm4b:s3+s2], $0x80, v3, vm0, $0xb8;
	[tilespmem:$0x10100] =	vst v63  }
0x42: {  	v3 =	vld [tilespmem:$0x40];
	_ =	sdelay $0x4  }
0x43: {  	v4 =	vshll.u32 v3, $0x1  }
0x44: {  	v3 =	vand.u32 $0x7, v3;
	v4 =	vand.u32 $0xFFFFFFF0, v4  }
0x45: {  	v3 =	vor.u32 v3, v4  }
0x46: {  	v4 =	vperm.xlane v3, v0;
	_ =	sdelay $0x1  }
0x47: {  	v3 =	vperm.xlane v3, v2;
	v4 =	vadd.s32 v1, v4;
	_ =	sdelay $0x1  }
0x48: {  	v3 =	vadd.s32 v1, v3;
	_ =	sdelay $0x2  }
0x49: {  	[tilespmem:s21], [sflag:$0x1] =	stream.indirect_vreg.gather [hbm4b:s3+s2], $0x80, v4, vm0, $0xb8;
	[tilespmem:$0x10100] =	vst v63  }
0x4a: {  	_ = 	snop  }
0x4b: {  	[tilespmem:s22], [sflag:$0x1] =	stream.indirect_vreg.gather [hbm4b:s3+s2], $0x80, v3, vm0, $0xb8;
	[tilespmem:$0x10100] =	vst v63  }
0x4c: {  	v3 =	vld [tilespmem:$0x50];
	_ =	sdelay $0x4  }
0x4d: {  	v4 =	vshll.u32 v3, $0x1  }
0x4e: {  	v3 =	vand.u32 $0x7, v3;
	v4 =	vand.u32 $0xFFFFFFF0, v4  }
0x4f: {  	v3 =	vor.u32 v3, v4  }
0x50: {  	v4 =	vperm.xlane v3, v0;
	_ =	sdelay $0x1  }
0x51: {  	v3 =	vperm.xlane v3, v2;
	v4 =	vadd.s32 v1, v4;
	_ =	sdelay $0x1  }
0x52: {  	v3 =	vadd.s32 v1, v3;
	_ =	sdelay $0x2  }
0x53: {  	[tilespmem:s23], [sflag:$0x1] =	stream.indirect_vreg.gather [hbm4b:s3+s2], $0x80, v4, vm0, $0xb8;
	[tilespmem:$0x10100] =	vst v63  }
0x54: {  	_ = 	snop  }
0x55: {  	[tilespmem:s24], [sflag:$0x1] =	stream.indirect_vreg.gather [hbm4b:s3+s2], $0x80, v3, vm0, $0xb8;
	[tilespmem:$0x10100] =	vst v63  }
0x56: {  	v3 =	vld [tilespmem:$0x60];
	_ =	sdelay $0x4  }
0x57: {  	v4 =	vshll.u32 v3, $0x1  }
0x58: {  	v3 =	vand.u32 $0x7, v3;
	v4 =	vand.u32 $0xFFFFFFF0, v4  }
0x59: {  	v3 =	vor.u32 v3, v4  }
0x5a: {  	v4 =	vperm.xlane v3, v0;
	_ =	sdelay $0x1  }
0x5b: {  	v3 =	vperm.xlane v3, v2;
	v4 =	vadd.s32 v1, v4;
	_ =	sdelay $0x1  }
0x5c: {  	v3 =	vadd.s32 v1, v3;
	_ =	sdelay $0x2  }
0x5d: {  	[tilespmem:s25], [sflag:$0x1] =	stream.indirect_vreg.gather [hbm4b:s3+s2], $0x80, v4, vm0, $0xb8;
	[tilespmem:$0x10100] =	vst v63  }
0x5e: {  	_ = 	snop  }
0x5f: {  	[tilespmem:s26], [sflag:$0x1] =	stream.indirect_vreg.gather [hbm4b:s3+s2], $0x80, v3, vm0, $0xb8;
	[tilespmem:$0x10100] =	vst v63  }
0x60: {  	v3 =	vld [tilespmem:$0x70];
	_ =	sdelay $0x4  }
0x61: {  	v4 =	vshll.u32 v3, $0x1  }
0x62: {  	v3 =	vand.u32 $0x7, v3;
	v4 =	vand.u32 $0xFFFFFFF0, v4  }
0x63: {  	v3 =	vor.u32 v3, v4  }
0x64: {  	v4 =	vperm.xlane v3, v0;
	_ =	sdelay $0x1  }
0x65: {  	v3 =	vperm.xlane v3, v2;
	v4 =	vadd.s32 v1, v4;
	_ =	sdelay $0x1  }
0x66: {  	v3 =	vadd.s32 v1, v3;
	_ =	sdelay $0x2  }
0x67: {  	[tilespmem:s28], [sflag:$0x1] =	stream.indirect_vreg.gather [hbm4b:s3+s2], $0x80, v4, vm0, $0xb8;
	[tilespmem:$0x10100] =	vst v63  }
0x68: {  	_ = 	snop  }
0x69: {  	[tilespmem:s29], [sflag:$0x1] =	stream.indirect_vreg.gather [hbm4b:s3+s2], $0x80, v3, vm0, $0xb8;
	[tilespmem:$0x10100] =	vst v63  }
0x6a: {  	_ =	swait.ge [sflag:s30], $0x8000  }
0x6b: {  	[sflag:s30] =	ssyncset.done $0x0  }
0x6c: {  	[sflag:s30] =	ssyncadd.s32 $0xFFFF8000  }
0x6d: {  	[tilespmem:s31], [sflag:$0x2] =	stream.linear.gather [hbm4b:s5+s2], $0x8000, $0x38;
	[tilespmem:$0x10100] =	vst v63  }
0x6e: {  	_ =	swait.ge [sflag:s12], $0x8000  }
0x6f: {  	s14 =	sand.u32 $0x7800, s2;
	s4 =	sand.u32 $0x380, s2;
	[sflag:s12] =	ssyncset.done $0x0  }
0x70: {  	s13 =	sor.u32 s4, s14;
	[sflag:s12] =	ssyncadd.s32 $0xFFFF8000  }
0x71: {  	v3 =	vld [tilespmem:s13+$0x90]  }
0x72: {  	v4 =	vld [tilespmem:s13+$0x8090]  }
0x73: {  	v5 =	vld [tilespmem:s13+$0x8080]  }
0x74: {  	v6 =	vld [tilespmem:s13+$0x4B0]  }
0x75: {  	v7 =	vld [tilespmem:s13+$0x80A0]  }
0x76: {  	v8 =	vld [tilespmem:s13+$0xA0]  }
0x77: {  	v9 =	vld [tilespmem:s13+$0x80B0]  }
0x78: {  	v10 =	vld [tilespmem:s13+$0xB0]  }
0x79: {  	v11 =	vld [tilespmem:s13+$0x80C0]  }
0x7a: {  	v12 =	vld [tilespmem:s13+$0xC0]  }
0x7b: {  	v13 =	vld [tilespmem:s13+$0x80D0]  }
0x7c: {  	v14 =	vld [tilespmem:s13+$0xD0]  }
0x7d: {  	v15 =	vld [tilespmem:s13+$0x80E0]  }
0x7e: {  	v16 =	vld [tilespmem:s13+$0xE0]  }
0x7f: {  	v17 =	vld [tilespmem:s13+$0x80F0]  }
0x80: {  	v18 =	vld [tilespmem:s13+$0xF0]  }
0x81: {  	v19 =	vld [tilespmem:s13+$0x8480]  }
0x82: {  	v20 =	vld [tilespmem:s13+$0x480]  }
0x83: {  	v3 =	vsub.f32 v4, v3;
	v4 =	vld [tilespmem:s13+$0x8490]  }
0x84: {  	v7 =	vsub.f32 v7, v8;
	v8 =	vld [tilespmem:s13+$0x490]  }
0x85: {  	v9 =	vsub.f32 v9, v10;
	v10 =	vld [tilespmem:s13+$0x84A0];
	[tilespmem:s13+$0x8090] =	vst v3  }
0x86: {  	v11 =	vsub.f32 v11, v12;
	v12 =	vld [tilespmem:s13+$0x4A0];
	[tilespmem:s13+$0x80A0] =	vst v7  }
0x87: {  	v13 =	vsub.f32 v13, v14;
	v14 =	vld [tilespmem:s13+$0x84B0];
	[tilespmem:s13+$0x80B0] =	vst v9  }
0x88: {  	v15 =	vsub.f32 v15, v16;
	v16 =	vld [tilespmem:s13+$0x80];
	[tilespmem:s13+$0x80C0] =	vst v11  }
0x89: {  	v17 =	vsub.f32 v17, v18;
	v18 =	vld [tilespmem:s13+$0x84C0];
	[tilespmem:s13+$0x80D0] =	vst v13  }
0x8a: {  	v19 =	vsub.f32 v19, v20;
	v20 =	vld [tilespmem:s13+$0x4C0];
	[tilespmem:s13+$0x80E0] =	vst v15  }
0x8b: {  	[tilespmem:s13+$0x80F0] =	vst v17;
	v4 =	vsub.f32 v4, v8;
	v8 =	vld [tilespmem:s13+$0x84D0]  }
0x8c: {  	[tilespmem:s13+$0x8480] =	vst v19;
	v10 =	vsub.f32 v10, v12;
	v12 =	vld [tilespmem:s13+$0x4D0]  }
0x8d: {  	v6 =	vsub.f32 v14, v6;
	v14 =	vld [tilespmem:s13+$0x84E0];
	[tilespmem:s13+$0x8490] =	vst v4  }
0x8e: {  	s15 =	simm.s32 $0x100;
	s16 =	simm.s32 $0x80;
	v5 =	vsub.f32 v5, v16;
	v16 =	vld [tilespmem:s13+$0x4E0];
	[tilespmem:s13+$0x84A0] =	vst v10  }
0x8f: {  	s0 =	sand.u32 $0x7800, s15;
	s4 =	sand.u32 $0x380, s16;
	v21 =	vld [tilespmem:s13+$0x84F0];
	[tilespmem:s13+$0x84B0] =	vst v6  }
0x90: {  	s0 =	sor.u32 s4, s0;
	v18 =	vsub.f32 v18, v20;
	v20 =	vld [tilespmem:s13+$0x4F0];
	[tilespmem:s13+$0x8080] =	vst v5  }
0x91: {  	v5 =	vmul.f32 v5, v5;
	v22 =	vld [tilespmem:s0+$0x90];
	v12 =	vsub.f32 v8, v12  }
0x92: {  	[tilespmem:s13+$0x84C0] =	vst v18;
	v23 =	vld [tilespmem:s0+$0x8090];
	v8 =	vimm.f32 $0.0e+00  }
0x93: {  	v3 =	vmul.f32 v3, v3;
	v25 =	vsub.f32 v14, v16;
	v16 =	vld [tilespmem:s0+$0x80C0];
	v5 =	vadd.f32 v5, v8;
	[tilespmem:s13+$0x84D0] =	vst v12  }
0x94: {  	v26 =	vld [tilespmem:s0+$0x4B0]  }
0x95: {  	v7 =	vmul.f32 v7, v7;
	v3 =	vadd.f32 v3, v5;
	v5 =	vld [tilespmem:s0+$0x80A0];
	[tilespmem:s13+$0x84E0] =	vst v25  }
0x96: {  	v20 =	vsub.f32 v21, v20;
	v8 =	vld [tilespmem:s0+$0xA0]  }
0x97: {  	v9 =	vmul.f32 v9, v9;
	v27 =	vld [tilespmem:s0+$0x84B0];
	v3 =	vadd.f32 v7, v3  }
0x98: {  	[tilespmem:s13+$0x84F0] =	vst v20;
	v7 =	vld [tilespmem:s0+$0x80B0]  }
0x99: {  	v11 =	vmul.f32 v11, v11;
	v14 =	vld [tilespmem:s0+$0xB0];
	v3 =	vadd.f32 v9, v3  }
0x9a: {  	v21 =	vld [tilespmem:s0+$0xC0]  }
0x9b: {  	v13 =	vmul.f32 v13, v13;
	v9 =	vsub.f32 v23, v22;
	v22 =	vld [tilespmem:s0+$0x84A0];
	v3 =	vadd.f32 v11, v3  }
0x9c: {  	v23 =	vld [tilespmem:s0+$0x4A0]  }
0x9d: {  	v15 =	vmul.f32 v15, v15;
	v5 =	vsub.f32 v5, v8;
	v8 =	vld [tilespmem:s0+$0x80D0];
	v3 =	vadd.f32 v13, v3  }
0x9e: {  	v11 =	vld [tilespmem:s0+$0xD0]  }
0x9f: {  	v17 =	vmul.f32 v17, v17;
	v7 =	vsub.f32 v7, v14;
	v14 =	vld [tilespmem:s0+$0xE0];
	v3 =	vadd.f32 v15, v3  }
0xa0: {  	v13 =	vld [tilespmem:s0+$0x80E0]  }
0xa1: {  	v19 =	vmul.f32 v19, v19;
	v15 =	vsub.f32 v16, v21;
	v16 =	vld [tilespmem:s0+$0x80F0];
	v3 =	vadd.f32 v17, v3  }
0xa2: {  	v21 =	vld [tilespmem:s0+$0xF0]  }
0xa3: {  	v4 =	vmul.f32 v4, v4;
	v11 =	vsub.f32 v8, v11;
	v8 =	vld [tilespmem:s0+$0x8480];
	v3 =	vadd.f32 v19, v3  }
0xa4: {  	v26 =	vsub.f32 v27, v26;
	v17 =	vld [tilespmem:s0+$0x480]  }
0xa5: {  	v10 =	vmul.f32 v10, v10;
	[tilespmem:s0+$0x8090] =	vst v9;
	v13 =	vsub.f32 v13, v14;
	v14 =	vld [tilespmem:s0+$0x8490];
	v4 =	vadd.f32 v4, v3  }
0xa6: {  	v12 =	vmul.f32 v12, v12;
	[tilespmem:s0+$0x80A0] =	vst v5;
	v23 =	vsub.f32 v22, v23;
	v19 =	vld [tilespmem:s0+$0x490]  }
0xa7: {  	[tilespmem:s0+$0x84B0] =	vst v26;
	v21 =	vsub.f32 v16, v21;
	v16 =	vmul.f32 v6, v6;
	v4 =	vadd.f32 v10, v4  }
0xa8: {  	v24 =	vld [tilespmem:s0+$0x8080];
	[tilespmem:s0+$0x80B0] =	vst v7;
	v6 =	vmul.f32 v5, v5;
	v5 =	vmul.f32 v7, v7  }
0xa9: {  	v28 =	vld [tilespmem:s0+$0x80];
	[tilespmem:s0+$0x84A0] =	vst v23;
	v3 =	vmul.f32 v9, v9;
	v9 =	vmul.f32 v18, v18;
	v4 =	vadd.f32 v16, v4  }
0xaa: {  	v22 =	vld [tilespmem:s0+$0x84E0];
	[tilespmem:s0+$0x80C0] =	vst v15;
	v7 =	vmul.f32 v11, v11;
	v17 =	vsub.f32 v8, v17;
	v8 =	vmul.f32 v15, v15  }
0xab: {  	[tilespmem:s0+$0x80D0] =	vst v11;
	v10 =	vmul.f32 v13, v13;
	v18 =	vsub.f32 v14, v19;
	v14 =	vld [tilespmem:s0+$0x84C0];
	v4 =	vadd.f32 v9, v4  }
0xac: {  	[tilespmem:s0+$0x80E0] =	vst v13;
	v13 =	vmul.f32 v23, v23;
	v11 =	vmul.f32 v17, v17;
	v16 =	vld [tilespmem:s0+$0x4C0]  }
0xad: {  	v15 =	vld [tilespmem:s0+$0x84D0];
	[tilespmem:s0+$0x8480] =	vst v17;
	v17 =	vmul.f32 v25, v25;
	v19 =	vmul.f32 v20, v20;
	v4 =	vadd.f32 v12, v4  }
0xae: {  	[tilespmem:s0+$0x80F0] =	vst v21;
	v9 =	vmul.f32 v21, v21;
	v21 =	vld [tilespmem:s0+$0x4D0];
	v12 =	vmul.f32 v18, v18  }
0xaf: {  	s14 =	simm.s32 $0x200;
	s13 =	simm.s32 $0x100;
	v23 =	vld [tilespmem:s0+$0x4E0];
	[tilespmem:s0+$0x8490] =	vst v18;
	v18 =	vsub.f32 v24, v28;
	v20 =	vadd.f32 v17, v4;
	v4 =	vmul.f32 v26, v26  }
.LBB2_2:
0xb0: {  	s4 =	smov.u32 s14  }
0xb1: {  	s15 =	sand.u32 $0x7800, s14;
	s16 =	sand.u32 $0x380, s13;
	v17 =	vmul.f32 v18, v18;
	v14 =	vsub.f32 v14, v16;
	v16 =	vld [tilespmem:s0+$0x84F0];
	v19 =	vadd.f32 v19, v20;
	s4 =	sadd.s32 $0x100, s14  }
0xb2: {  	p0 =	sne.s32 s14, $0x7F00;
	s15 =	sor.u32 s16, s15;
	[tilespmem:s0+$0x8080] =	vst v18;
	v18 =	vld [tilespmem:s0+$0x4F0]  }
0xb3: {  	v17 =	vadd.f32 v17, v19;
	v15 =	vsub.f32 v15, v21;
	v20 =	vld [tilespmem:s15+$0x90];
	[tilespmem:s0+$0x84C0] =	vst v14  }
0xb4: {  	v19 =	vld [tilespmem:s15+$0x8090]  }
0xb5: {  	v3 =	vadd.f32 v3, v17;
	v17 =	vsub.f32 v22, v23;
	v24 =	vld [tilespmem:s15+$0x8080];
	[tilespmem:s0+$0x84D0] =	vst v15  }
0xb6: {  	v21 =	vld [tilespmem:s15+$0x4B0]  }
0xb7: {  	v3 =	vadd.f32 v6, v3;
	v22 =	vld [tilespmem:s15+$0x80A0];
	[tilespmem:s0+$0x84E0] =	vst v17;
	v18 =	vsub.f32 v16, v18  }
0xb8: {  	v6 =	vld [tilespmem:s15+$0xA0]  }
0xb9: {  	v3 =	vadd.f32 v5, v3;
	v16 =	vld [tilespmem:s15+$0x80B0];
	[tilespmem:s0+$0x84F0] =	vst v18;
	s0 =	smov.u32 s15  }
0xba: {  	v5 =	vld [tilespmem:s0+$0xB0]  }
0xbb: {  	v19 =	vsub.f32 v19, v20;
	v8 =	vadd.f32 v8, v3;
	v20 =	vld [tilespmem:s0+$0x80C0]  }
0xbc: {  	v23 =	vld [tilespmem:s0+$0xC0]  }
0xbd: {  	v3 =	vmul.f32 v19, v19;
	v7 =	vadd.f32 v7, v8;
	[tilespmem:s0+$0x8090] =	vst v19;
	v19 =	vsub.f32 v22, v6;
	v22 =	vld [tilespmem:s0+$0x80D0]  }
0xbe: {  	v25 =	vld [tilespmem:s0+$0xD0]  }
0xbf: {  	v7 =	vadd.f32 v10, v7;
	v6 =	vmul.f32 v19, v19;
	[tilespmem:s0+$0x80A0] =	vst v19;
	v8 =	vsub.f32 v16, v5;
	v16 =	vld [tilespmem:s0+$0x80E0]  }
0xc0: {  	v10 =	vld [tilespmem:s0+$0xE0]  }
0xc1: {  	v7 =	vadd.f32 v9, v7;
	v5 =	vmul.f32 v8, v8;
	[tilespmem:s0+$0x80B0] =	vst v8;
	v19 =	vsub.f32 v20, v23;
	v20 =	vld [tilespmem:s0+$0x80F0]  }
0xc2: {  	v9 =	vld [tilespmem:s0+$0xF0]  }
0xc3: {  	v11 =	vadd.f32 v11, v7;
	v8 =	vmul.f32 v19, v19;
	[tilespmem:s0+$0x80C0] =	vst v19;
	v19 =	vsub.f32 v22, v25;
	v22 =	vld [tilespmem:s0+$0x8480]  }
0xc4: {  	v23 =	vld [tilespmem:s0+$0x480]  }
0xc5: {  	v11 =	vadd.f32 v12, v11;
	v7 =	vmul.f32 v19, v19;
	[tilespmem:s0+$0x80D0] =	vst v19;
	v16 =	vsub.f32 v16, v10;
	v19 =	vld [tilespmem:s0+$0x8490]  }
0xc6: {  	v12 =	vld [tilespmem:s0+$0x490]  }
0xc7: {  	v11 =	vadd.f32 v13, v11;
	v10 =	vmul.f32 v16, v16;
	[tilespmem:s0+$0x80E0] =	vst v16;
	v16 =	vsub.f32 v20, v9;
	v20 =	vld [tilespmem:s0+$0x84A0]  }
0xc8: {  	v25 =	vmul.f32 v14, v14;
	v13 =	vld [tilespmem:s0+$0x4A0]  }
0xc9: {  	v4 =	vadd.f32 v4, v11;
	v9 =	vmul.f32 v16, v16;
	[tilespmem:s0+$0x80F0] =	vst v16;
	v14 =	vsub.f32 v22, v23;
	v22 =	vld [tilespmem:s0+$0x84B0]  }
0xca: {  	v26 =	vmul.f32 v15, v15;
	v23 =	vld [tilespmem:s0+$0x80]  }
0xcb: {  	v4 =	vadd.f32 v25, v4;
	v11 =	vmul.f32 v14, v14;
	[tilespmem:s0+$0x8480] =	vst v14;
	v15 =	vsub.f32 v19, v12;
	v14 =	vld [tilespmem:s0+$0x84C0]  }
.Ltmp0:
0xcc: {  	v17 =	vmul.f32 v17, v17;
	v16 =	vld [tilespmem:s0+$0x4C0];
	(pc) =	sbr.rel @p0 .LBB2_2-.Ltmp0, $4  }
0xcd: {  	v4 =	vadd.f32 v26, v4;
	v12 =	vmul.f32 v15, v15;
	[tilespmem:s0+$0x8490] =	vst v15;
	v20 =	vsub.f32 v20, v13;
	v15 =	vld [tilespmem:s0+$0x84D0]  }
0xce: {  	v19 =	vmul.f32 v18, v18;
	v25 =	vsub.f32 v22, v21;
	v21 =	vld [tilespmem:s0+$0x4D0]  }
0xcf: {  	v18 =	vsub.f32 v24, v23;
	v13 =	vmul.f32 v20, v20;
	[tilespmem:s0+$0x84A0] =	vst v20;
	v22 =	vld [tilespmem:s0+$0x84E0];
	v20 =	vadd.f32 v17, v4  }
0xd0: {  	s13 =	sadd.s32 $0x80, s13;
	s14 =	smov.u32 s4;
	v4 =	vmul.f32 v25, v25;
	[tilespmem:s0+$0x84B0] =	vst v25;
	v23 =	vld [tilespmem:s0+$0x4E0]  }
0xd1: {  	v24 =	vld [tilespmem:s0+$0x84F0]  }
0xd2: {  	v25 =	vld [tilespmem:s0+$0x4F0];
	_ =	sdelay $0x1  }
0xd3: {  	v17 =	vsub.f32 v14, v16  }
0xd4: {  	[tilespmem:s0+$0x8080] =	vst v18;
	v16 =	vsub.f32 v15, v21  }
0xd5: {  	[tilespmem:s0+$0x84C0] =	vst v17;
	v15 =	vsub.f32 v22, v23  }
0xd6: {  	[tilespmem:s0+$0x84D0] =	vst v16;
	v14 =	vsub.f32 v24, v25  }
0xd7: {  	[tilespmem:s0+$0x84E0] =	vst v15  }
0xd8: {  	[tilespmem:s0+$0x84F0] =	vst v14;
	s0 =	simm.s32 $0x0  }
0xd9: {  	[hbm4b:s6+s0] =	stream.linear.scatter [tilespmem:s31], [sflag:$0x2], $0x8000, $0x38;
	[tilespmem:$0x10100] =	vst v63  }
0xda: {  	_ =	swait.ge [sflag:s12], $0x8000  }
0xdb: {  	[sflag:s12] =	ssyncset.done $0x0  }
0xdc: {  	[sflag:s12] =	ssyncadd.s32 $0xFFFF8000  }
0xdd: {  	[tilespmem:s0], [sflag:$0x2] =	stream.linear.gather [hbm4b:s7+s0], $0x80, $0x38;
	[tilespmem:$0x10100] =	vst v63  }
0xde: {  	_ =	swait.ge [sflag:s12], $0x80  }
0xdf: {  	[sflag:s12] =	ssyncset.done $0x0  }
0xe0: {  	[sflag:s12] =	ssyncadd.s32 $0xFFFFFF80  }
0xe1: {  	v21 =	vld [tilespmem:$0x0];
	_ =	sdelay $0x4  }
0xe2: {  	v22 =	vshll.u32 v21, $0x1  }
0xe3: {  	v21 =	vand.u32 $0x7, v21;
	v22 =	vand.u32 $0xFFFFFFF0, v22  }
0xe4: {  	v21 =	vor.u32 v21, v22  }
0xe5: {  	v22 =	vperm.xlane v21, v0;
	_ =	sdelay $0x1  }
0xe6: {  	v21 =	vperm.xlane v21, v2;
	v22 =	vadd.s32 v1, v22;
	_ =	sdelay $0x1  }
0xe7: {  	v21 =	vadd.s32 v1, v21;
	_ =	sdelay $0x1  }
0xe8: {  	s4 =	simm.s32 $0x80  }
0xe9: {  	[tilespmem:s4], [sflag:$0x1] =	stream.indirect_vreg.gather [hbm4b:s3+s0], $0x80, v22, vm0, $0xb8;
	[tilespmem:$0x10100] =	vst v63  }
0xea: {  	s15 =	simm.s32 $0x880  }
0xeb: {  	[tilespmem:s15], [sflag:$0x1] =	stream.indirect_vreg.gather [hbm4b:s3+s0], $0x80, v21, vm0, $0xb8;
	[tilespmem:$0x10100] =	vst v63  }
0xec: {  	v21 =	vld [tilespmem:$0x10];
	_ =	sdelay $0x4  }
0xed: {  	v22 =	vshll.u32 v21, $0x1  }
0xee: {  	v21 =	vand.u32 $0x7, v21;
	v22 =	vand.u32 $0xFFFFFFF0, v22  }
0xef: {  	v21 =	vor.u32 v21, v22  }
0xf0: {  	v22 =	vperm.xlane v21, v0;
	_ =	sdelay $0x1  }
0xf1: {  	v21 =	vperm.xlane v21, v2;
	v22 =	vadd.s32 v1, v22;
	_ =	sdelay $0x1  }
0xf2: {  	v21 =	vadd.s32 v1, v21;
	_ =	sdelay $0x1  }
0xf3: {  	s16 =	simm.s32 $0x1080  }
0xf4: {  	[tilespmem:s16], [sflag:$0x1] =	stream.indirect_vreg.gather [hbm4b:s3+s0], $0x80, v22, vm0, $0xb8;
	[tilespmem:$0x10100] =	vst v63  }
0xf5: {  	s13 =	simm.s32 $0x1880  }
0xf6: {  	[tilespmem:s13], [sflag:$0x1] =	stream.indirect_vreg.gather [hbm4b:s3+s0], $0x80, v21, vm0, $0xb8;
	[tilespmem:$0x10100] =	vst v63  }
0xf7: {  	v21 =	vld [tilespmem:$0x20];
	_ =	sdelay $0x4  }
0xf8: {  	v22 =	vshll.u32 v21, $0x1  }
0xf9: {  	v21 =	vand.u32 $0x7, v21;
	v22 =	vand.u32 $0xFFFFFFF0, v22  }
0xfa: {  	v21 =	vor.u32 v21, v22  }
0xfb: {  	v22 =	vperm.xlane v21, v0;
	_ =	sdelay $0x1  }
0xfc: {  	v21 =	vperm.xlane v21, v2;
	v22 =	vadd.s32 v1, v22;
	_ =	sdelay $0x1  }
0xfd: {  	v21 =	vadd.s32 v1, v21;
	_ =	sdelay $0x2  }
0xfe: {  	[tilespmem:s17], [sflag:$0x1] =	stream.indirect_vreg.gather [hbm4b:s3+s0], $0x80, v22, vm0, $0xb8;
	[tilespmem:$0x10100] =	vst v63  }
0xff: {  	_ = 	snop  }
0x100: {  	[tilespmem:s18], [sflag:$0x1] =	stream.indirect_vreg.gather [hbm4b:s3+s0], $0x80, v21, vm0, $0xb8;
	[tilespmem:$0x10100] =	vst v63  }
0x101: {  	v21 =	vld [tilespmem:$0x30];
	_ =	sdelay $0x4  }
0x102: {  	v22 =	vshll.u32 v21, $0x1  }
0x103: {  	v21 =	vand.u32 $0x7, v21;
	v22 =	vand.u32 $0xFFFFFFF0, v22  }
0x104: {  	v21 =	vor.u32 v21, v22  }
0x105: {  	v22 =	vperm.xlane v21, v0;
	_ =	sdelay $0x1  }
0x106: {  	v21 =	vperm.xlane v21, v2;
	v22 =	vadd.s32 v1, v22;
	_ =	sdelay $0x1  }
0x107: {  	v21 =	vadd.s32 v1, v21;
	_ =	sdelay $0x2  }
0x108: {  	[tilespmem:s19], [sflag:$0x1] =	stream.indirect_vreg.gather [hbm4b:s3+s0], $0x80, v22, vm0, $0xb8;
	[tilespmem:$0x10100] =	vst v63  }
0x109: {  	_ = 	snop  }
0x10a: {  	[tilespmem:s20], [sflag:$0x1] =	stream.indirect_vreg.gather [hbm4b:s3+s0], $0x80, v21, vm0, $0xb8;
	[tilespmem:$0x10100] =	vst v63  }
0x10b: {  	v21 =	vld [tilespmem:$0x40];
	_ =	sdelay $0x4  }
0x10c: {  	v22 =	vshll.u32 v21, $0x1  }
0x10d: {  	v21 =	vand.u32 $0x7, v21;
	v22 =	vand.u32 $0xFFFFFFF0, v22  }
0x10e: {  	v21 =	vor.u32 v21, v22  }
0x10f: {  	v22 =	vperm.xlane v21, v0;
	_ =	sdelay $0x1  }
0x110: {  	v21 =	vperm.xlane v21, v2;
	v22 =	vadd.s32 v1, v22;
	_ =	sdelay $0x1  }
0x111: {  	v21 =	vadd.s32 v1, v21;
	_ =	sdelay $0x2  }
0x112: {  	[tilespmem:s21], [sflag:$0x1] =	stream.indirect_vreg.gather [hbm4b:s3+s0], $0x80, v22, vm0, $0xb8;
	[tilespmem:$0x10100] =	vst v63  }
0x113: {  	_ = 	snop  }
0x114: {  	[tilespmem:s22], [sflag:$0x1] =	stream.indirect_vreg.gather [hbm4b:s3+s0], $0x80, v21, vm0, $0xb8;
	[tilespmem:$0x10100] =	vst v63  }
0x115: {  	v21 =	vld [tilespmem:$0x50];
	_ =	sdelay $0x4  }
0x116: {  	v22 =	vshll.u32 v21, $0x1  }
0x117: {  	v21 =	vand.u32 $0x7, v21;
	v22 =	vand.u32 $0xFFFFFFF0, v22  }
0x118: {  	v21 =	vor.u32 v21, v22  }
0x119: {  	v22 =	vperm.xlane v21, v0;
	_ =	sdelay $0x1  }
0x11a: {  	v21 =	vperm.xlane v21, v2;
	v22 =	vadd.s32 v1, v22;
	_ =	sdelay $0x1  }
0x11b: {  	v21 =	vadd.s32 v1, v21;
	_ =	sdelay $0x2  }
0x11c: {  	[tilespmem:s23], [sflag:$0x1] =	stream.indirect_vreg.gather [hbm4b:s3+s0], $0x80, v22, vm0, $0xb8;
	[tilespmem:$0x10100] =	vst v63  }
0x11d: {  	_ = 	snop  }
0x11e: {  	[tilespmem:s24], [sflag:$0x1] =	stream.indirect_vreg.gather [hbm4b:s3+s0], $0x80, v21, vm0, $0xb8;
	[tilespmem:$0x10100] =	vst v63  }
0x11f: {  	v21 =	vld [tilespmem:$0x60];
	_ =	sdelay $0x4  }
0x120: {  	v22 =	vshll.u32 v21, $0x1  }
0x121: {  	v21 =	vand.u32 $0x7, v21;
	v22 =	vand.u32 $0xFFFFFFF0, v22  }
0x122: {  	v21 =	vor.u32 v21, v22  }
0x123: {  	v22 =	vperm.xlane v21, v0;
	_ =	sdelay $0x1  }
0x124: {  	v21 =	vperm.xlane v21, v2;
	v22 =	vadd.s32 v1, v22;
	_ =	sdelay $0x1  }
0x125: {  	v21 =	vadd.s32 v1, v21;
	_ =	sdelay $0x2  }
0x126: {  	[tilespmem:s25], [sflag:$0x1] =	stream.indirect_vreg.gather [hbm4b:s3+s0], $0x80, v22, vm0, $0xb8;
	[tilespmem:$0x10100] =	vst v63  }
0x127: {  	_ = 	snop  }
0x128: {  	[tilespmem:s26], [sflag:$0x1] =	stream.indirect_vreg.gather [hbm4b:s3+s0], $0x80, v21, vm0, $0xb8;
	[tilespmem:$0x10100] =	vst v63  }
0x129: {  	v21 =	vld [tilespmem:$0x70];
	_ =	sdelay $0x4  }
0x12a: {  	v22 =	vshll.u32 v21, $0x1  }
0x12b: {  	v21 =	vand.u32 $0x7, v21;
	v22 =	vand.u32 $0xFFFFFFF0, v22  }
0x12c: {  	v21 =	vor.u32 v21, v22  }
0x12d: {  	v22 =	vperm.xlane v21, v0;
	_ =	sdelay $0x1  }
0x12e: {  	v21 =	vperm.xlane v21, v2;
	v22 =	vadd.s32 v1, v22;
	_ =	sdelay $0x1  }
0x12f: {  	v21 =	vadd.s32 v1, v21;
	_ =	sdelay $0x2  }
0x130: {  	[tilespmem:s28], [sflag:$0x1] =	stream.indirect_vreg.gather [hbm4b:s3+s0], $0x80, v22, vm0, $0xb8;
	[tilespmem:$0x10100] =	vst v63  }
0x131: {  	_ = 	snop  }
0x132: {  	[tilespmem:s29], [sflag:$0x1] =	stream.indirect_vreg.gather [hbm4b:s3+s0], $0x80, v21, vm0, $0xb8;
	[tilespmem:$0x10100] =	vst v63  }
0x133: {  	_ =	swait.ge [sflag:s30], $0x8000  }
0x134: {  	[sflag:s30] =	ssyncset.done $0x0  }
0x135: {  	v18 =	vmul.f32 v18, v18;
	v19 =	vadd.f32 v19, v20;
	[sflag:s30] =	ssyncadd.s32 $0xFFFF8000  }
0x136: {  	[tilespmem:s31], [sflag:$0x2] =	stream.linear.gather [hbm4b:s8+s0], $0x8000, $0x38;
	[tilespmem:$0x10100] =	vst v63  }
0x137: {  	v18 =	vadd.f32 v18, v19;
	_ =	swait.ge [sflag:s12], $0x8000  }
0x138: {  	s14 =	sand.u32 $0x7800, s0;
	s0 =	sand.u32 $0x380, s0;
	[sflag:s12] =	ssyncset.done $0x0  }
0x139: {  	v3 =	vadd.f32 v3, v18;
	s13 =	sor.u32 s0, s14;
	[sflag:s12] =	ssyncadd.s32 $0xFFFF8000  }
0x13a: {  	v20 =	vld [tilespmem:s13+$0x90]  }
0x13b: {  	v3 =	vadd.f32 v6, v3;
	v21 =	vld [tilespmem:s13+$0x8090]  }
0x13c: {  	v19 =	vld [tilespmem:s13+$0x8080]  }
0x13d: {  	v3 =	vadd.f32 v5, v3;
	v22 =	vld [tilespmem:s13+$0x4B0]  }
0x13e: {  	v18 =	vld [tilespmem:s13+$0x80A0]  }
0x13f: {  	v3 =	vadd.f32 v8, v3;
	v23 =	vld [tilespmem:s13+$0xA0]  }
0x140: {  	v6 =	vld [tilespmem:s13+$0x80B0]  }
0x141: {  	v3 =	vadd.f32 v7, v3;
	v55 =	vld [tilespmem:s13+$0xB0]  }
0x142: {  	v5 =	vld [tilespmem:s13+$0x80C0]  }
0x143: {  	v3 =	vadd.f32 v10, v3;
	v56 =	vld [tilespmem:s13+$0xC0]  }
0x144: {  	v8 =	vld [tilespmem:s13+$0x80D0]  }
0x145: {  	v3 =	vadd.f32 v9, v3;
	v26 =	vld [tilespmem:s13+$0xD0]  }
0x146: {  	v7 =	vld [tilespmem:s13+$0x80E0]  }
0x147: {  	v3 =	vadd.f32 v11, v3;
	v27 =	vld [tilespmem:s13+$0xE0]  }
0x148: {  	v10 =	vld [tilespmem:s13+$0x80F0]  }
0x149: {  	v3 =	vadd.f32 v12, v3;
	v28 =	vld [tilespmem:s13+$0xF0]  }
0x14a: {  	v9 =	vld [tilespmem:s13+$0x8480]  }
0x14b: {  	v3 =	vadd.f32 v13, v3;
	v29 =	vld [tilespmem:s13+$0x480]  }
0x14c: {  	v12 =	vld [tilespmem:s13+$0x84A0]  }
0x14d: {  	v3 =	vadd.f32 v4, v3;
	v4 =	vmul.f32 v17, v17;
	v13 =	vld [tilespmem:s13+$0x84B0]  }
0x14e: {  	v57 =	vld [tilespmem:s13+$0x80];
	v11 =	vsub.f32 v21, v20  }
0x14f: {  	v3 =	vadd.f32 v4, v3;
	v4 =	vmul.f32 v16, v16;
	v17 =	vld [tilespmem:s13+$0x84C0];
	v18 =	vsub.f32 v18, v23  }
0x150: {  	v20 =	vld [tilespmem:s13+$0x8490];
	v6 =	vsub.f32 v6, v55;
	[tilespmem:s13+$0x8090] =	vst v11  }
0x151: {  	v15 =	vmul.f32 v15, v15;
	v3 =	vadd.f32 v4, v3;
	v21 =	vld [tilespmem:s13+$0x490];
	v5 =	vsub.f32 v5, v56;
	[tilespmem:s13+$0x80A0] =	vst v18  }
0x152: {  	v58 =	vld [tilespmem:s13+$0x4C0];
	v8 =	vsub.f32 v8, v26;
	[tilespmem:s13+$0x80B0] =	vst v6  }
0x153: {  	v3 =	vadd.f32 v15, v3;
	v15 =	vld [tilespmem:s13+$0x84F0];
	v7 =	vsub.f32 v7, v27;
	[tilespmem:s13+$0x80C0] =	vst v5  }
0x154: {  	v23 =	vld [tilespmem:s13+$0x4A0];
	v10 =	vsub.f32 v10, v28;
	v9 =	vsub.f32 v9, v29;
	[tilespmem:s13+$0x80D0] =	vst v8  }
0x155: {  	v14 =	vmul.f32 v14, v14;
	v4 =	vsub.f32 v13, v22;
	v13 =	vld [tilespmem:s13+$0x84E0];
	v19 =	vsub.f32 v19, v57;
	[tilespmem:s13+$0x80E0] =	vst v7  }
0x156: {  	[tilespmem:s13+$0x80F0] =	vst v10;
	v16 =	vsub.f32 v20, v21;
	v20 =	vld [tilespmem:s13+$0x84D0]  }
0x157: {  	v3 =	vadd.f32 v14, v3;
	[tilespmem:s13+$0x8480] =	vst v9;
	v14 =	vmul.f32 v19, v19;
	v21 =	vld [tilespmem:s13+$0x4D0]  }
0x158: {  	s15 =	simm.s32 $0x100;
	s16 =	simm.s32 $0x80;
	v22 =	vld [tilespmem:s13+$0x4E0];
	[tilespmem:s13+$0x84B0] =	vst v4  }
0x159: {  	s4 =	sand.u32 $0x380, s16;
	s0 =	sand.u32 $0x7800, s15;
	[tilespmem:s13+$0x8080] =	vst v19;
	v11 =	vmul.f32 v11, v11;
	v3 =	vadd.f32 v14, v3;
	v12 =	vsub.f32 v12, v23;
	v23 =	vld [tilespmem:s13+$0x4F0]  }
0x15a: {  	s0 =	sor.u32 s4, s0;
	[tilespmem:s13+$0x8490] =	vst v16  }
0x15b: {  	v17 =	vsub.f32 v17, v58;
	v3 =	vadd.f32 v11, v3;
	v11 =	vld [tilespmem:s0+$0x80A0];
	[tilespmem:s13+$0x84A0] =	vst v12  }
0x15c: {  	v14 =	vmul.f32 v18, v18;
	v19 =	vld [tilespmem:s0+$0x90];
	v20 =	vsub.f32 v20, v21  }
0x15d: {  	v13 =	vsub.f32 v13, v22;
	[tilespmem:s13+$0x84C0] =	vst v17;
	v21 =	vld [tilespmem:s0+$0x8090]  }
0x15e: {  	v3 =	vadd.f32 v14, v3;
	v14 =	vld [tilespmem:s0+$0x80B0];
	v23 =	vsub.f32 v15, v23;
	[tilespmem:s13+$0x84D0] =	vst v20  }
0x15f: {  	v22 =	vld [tilespmem:s0+$0x4B0];
	[tilespmem:s13+$0x84E0] =	vst v13  }
0x160: {  	v6 =	vmul.f32 v6, v6;
	v15 =	vld [tilespmem:s0+$0xA0];
	[tilespmem:s13+$0x84F0] =	vst v23  }
0x161: {  	v18 =	vld [tilespmem:s0+$0xB0]  }
0x162: {  	v5 =	vmul.f32 v5, v5;
	v3 =	vadd.f32 v6, v3;
	v6 =	vsub.f32 v21, v19;
	v19 =	vld [tilespmem:s0+$0x80C0]  }
0x163: {  	v21 =	vld [tilespmem:s0+$0xC0]  }
0x164: {  	v8 =	vmul.f32 v8, v8;
	v3 =	vadd.f32 v5, v3;
	v61 =	vld [tilespmem:s0+$0x4A0]  }
0x165: {  	v5 =	vsub.f32 v11, v15;
	v11 =	vld [tilespmem:s0+$0x80D0]  }
0x166: {  	v7 =	vmul.f32 v7, v7;
	v3 =	vadd.f32 v8, v3;
	v15 =	vld [tilespmem:s0+$0xD0]  }
0x167: {  	v8 =	vsub.f32 v14, v18;
	v14 =	vld [tilespmem:s0+$0x80E0]  }
0x168: {  	v10 =	vmul.f32 v10, v10;
	v3 =	vadd.f32 v7, v3;
	v18 =	vld [tilespmem:s0+$0xE0]  }
0x169: {  	v7 =	vsub.f32 v19, v21;
	v19 =	vld [tilespmem:s0+$0x80F0]  }
0x16a: {  	v9 =	vmul.f32 v9, v9;
	v3 =	vadd.f32 v10, v3;
	v21 =	vld [tilespmem:s0+$0xF0]  }
0x16b: {  	v10 =	vsub.f32 v11, v15;
	v11 =	vld [tilespmem:s0+$0x8480]  }
0x16c: {  	v16 =	vmul.f32 v16, v16;
	v3 =	vadd.f32 v9, v3;
	v15 =	vld [tilespmem:s0+$0x480]  }
0x16d: {  	v9 =	vsub.f32 v14, v18;
	v14 =	vld [tilespmem:s0+$0x8490]  }
0x16e: {  	v12 =	vmul.f32 v12, v12;
	[tilespmem:s0+$0x8090] =	vst v6;
	v16 =	vadd.f32 v16, v3;
	v18 =	vld [tilespmem:s0+$0x490]  }
0x16f: {  	v60 =	vmul.f32 v4, v4;
	[tilespmem:s0+$0x80A0] =	vst v5;
	v19 =	vsub.f32 v19, v21;
	v21 =	vld [tilespmem:s0+$0x84A0]  }
0x170: {  	v4 =	vmul.f32 v5, v5;
	[tilespmem:s0+$0x80B0] =	vst v8;
	v3 =	vmul.f32 v6, v6;
	v6 =	vadd.f32 v12, v16;
	v12 =	vld [tilespmem:s0+$0x84B0]  }
0x171: {  	v59 =	vld [tilespmem:s0+$0x8080];
	[tilespmem:s0+$0x80C0] =	vst v7;
	v5 =	vmul.f32 v8, v8;
	v8 =	vmul.f32 v17, v17  }
0x172: {  	v62 =	vld [tilespmem:s0+$0x80];
	[tilespmem:s0+$0x80D0] =	vst v10;
	v11 =	vsub.f32 v11, v15;
	v15 =	vadd.f32 v60, v6;
	v6 =	vmul.f32 v7, v7  }
0x173: {  	v17 =	vld [tilespmem:s0+$0x4D0];
	[tilespmem:s0+$0x80E0] =	vst v9;
	v7 =	vmul.f32 v10, v10;
	v63 =	vsub.f32 v14, v18;
	v18 =	vmul.f32 v20, v20  }
0x174: {  	v16 =	vld [tilespmem:s0+$0x4C0];
	[tilespmem:s0+$0x80F0] =	vst v19;
	v26 =	vsub.f32 v21, v61;
	v21 =	vmul.f32 v23, v23;
	v20 =	vadd.f32 v8, v15  }
0x175: {  	v14 =	vld [tilespmem:s0+$0x84C0];
	[tilespmem:s0+$0x8480] =	vst v11;
	v8 =	vmul.f32 v9, v9;
	v9 =	vmul.f32 v19, v19;
	v19 =	vsub.f32 v12, v22  }
0x176: {  	v15 =	vld [tilespmem:s0+$0x84D0];
	v10 =	vmul.f32 v11, v11;
	v11 =	vmul.f32 v13, v13;
	[tilespmem:s0+$0x8490] =	vst v63;
	v22 =	vadd.f32 v18, v20  }
0x177: {  	[tilespmem:s0+$0x84A0] =	vst v26;
	v12 =	vmul.f32 v63, v63;
	v13 =	vmul.f32 v26, v26;
	v18 =	vld [tilespmem:s0+$0x84E0]  }
0x178: {  	s4 =	simm.s32 $0x200;
	s13 =	simm.s32 $0x100;
	v20 =	vsub.f32 v59, v62;
	[tilespmem:s0+$0x84B0] =	vst v19;
	v22 =	vadd.f32 v11, v22;
	v11 =	vmul.f32 v19, v19;
	v19 =	vld [tilespmem:s0+$0x4E0]  }
.LBB2_4:
0x179: {  	s14 =	smov.u32 s4  }
0x17a: {  	s15 =	sand.u32 $0x7800, s4;
	s16 =	sand.u32 $0x380, s13;
	v23 =	vmul.f32 v20, v20;
	v14 =	vsub.f32 v14, v16;
	v16 =	vld [tilespmem:s0+$0x84F0];
	v21 =	vadd.f32 v21, v22;
	s14 =	sadd.s32 $0x100, s4  }
0x17b: {  	p0 =	sne.s32 s4, $0x7F00;
	s15 =	sor.u32 s16, s15;
	[tilespmem:s0+$0x8080] =	vst v20;
	v20 =	vld [tilespmem:s0+$0x4F0]  }
0x17c: {  	v21 =	vadd.f32 v23, v21;
	v15 =	vsub.f32 v15, v17;
	v22 =	vld [tilespmem:s15+$0x90];
	[tilespmem:s0+$0x84C0] =	vst v14  }
0x17d: {  	v17 =	vld [tilespmem:s15+$0x8090]  }
0x17e: {  	v3 =	vadd.f32 v3, v21;
	v18 =	vsub.f32 v18, v19;
	v23 =	vld [tilespmem:s15+$0x8080];
	[tilespmem:s0+$0x84D0] =	vst v15  }
0x17f: {  	v19 =	vld [tilespmem:s15+$0x4B0]  }
0x180: {  	v3 =	vadd.f32 v4, v3;
	v21 =	vld [tilespmem:s15+$0x80A0];
	[tilespmem:s0+$0x84E0] =	vst v18;
	v20 =	vsub.f32 v16, v20  }
0x181: {  	v4 =	vld [tilespmem:s15+$0xA0]  }
0x182: {  	v3 =	vadd.f32 v5, v3;
	v16 =	vld [tilespmem:s15+$0x80B0];
	[tilespmem:s0+$0x84F0] =	vst v20;
	s0 =	smov.u32 s15  }
0x183: {  	v5 =	vld [tilespmem:s0+$0xB0]  }
0x184: {  	v17 =	vsub.f32 v17, v22;
	v6 =	vadd.f32 v6, v3;
	v22 =	vld [tilespmem:s0+$0x80C0]  }
0x185: {  	v24 =	vld [tilespmem:s0+$0xC0]  }
0x186: {  	v3 =	vmul.f32 v17, v17;
	v6 =	vadd.f32 v7, v6;
	[tilespmem:s0+$0x8090] =	vst v17;
	v17 =	vsub.f32 v21, v4;
	v21 =	vld [tilespmem:s0+$0x80D0]  }
0x187: {  	v7 =	vld [tilespmem:s0+$0xD0]  }
0x188: {  	v6 =	vadd.f32 v8, v6;
	v4 =	vmul.f32 v17, v17;
	[tilespmem:s0+$0x80A0] =	vst v17;
	v16 =	vsub.f32 v16, v5;
	v17 =	vld [tilespmem:s0+$0x80E0]  }
0x189: {  	v8 =	vld [tilespmem:s0+$0xE0]  }
0x18a: {  	v9 =	vadd.f32 v9, v6;
	v5 =	vmul.f32 v16, v16;
	[tilespmem:s0+$0x80B0] =	vst v16;
	v16 =	vsub.f32 v22, v24;
	v22 =	vld [tilespmem:s0+$0x80F0]  }
0x18b: {  	v24 =	vld [tilespmem:s0+$0xF0]  }
0x18c: {  	v9 =	vadd.f32 v10, v9;
	v6 =	vmul.f32 v16, v16;
	[tilespmem:s0+$0x80C0] =	vst v16;
	v16 =	vsub.f32 v21, v7;
	v21 =	vld [tilespmem:s0+$0x8480]  }
0x18d: {  	v10 =	vld [tilespmem:s0+$0x480]  }
0x18e: {  	v9 =	vadd.f32 v12, v9;
	v7 =	vmul.f32 v16, v16;
	[tilespmem:s0+$0x80D0] =	vst v16;
	v16 =	vsub.f32 v17, v8;
	v17 =	vld [tilespmem:s0+$0x8490]  }
0x18f: {  	v12 =	vld [tilespmem:s0+$0x490]  }
0x190: {  	v13 =	vadd.f32 v13, v9;
	v8 =	vmul.f32 v16, v16;
	[tilespmem:s0+$0x80E0] =	vst v16;
	v16 =	vsub.f32 v22, v24;
	v22 =	vld [tilespmem:s0+$0x84A0]  }
0x191: {  	v25 =	vmul.f32 v14, v14;
	v24 =	vld [tilespmem:s0+$0x4A0]  }
0x192: {  	v11 =	vadd.f32 v11, v13;
	v9 =	vmul.f32 v16, v16;
	[tilespmem:s0+$0x80F0] =	vst v16;
	v14 =	vsub.f32 v21, v10;
	v21 =	vld [tilespmem:s0+$0x84B0]  }
0x193: {  	v26 =	vmul.f32 v15, v15;
	v13 =	vld [tilespmem:s0+$0x80]  }
0x194: {  	v11 =	vadd.f32 v25, v11;
	v10 =	vmul.f32 v14, v14;
	[tilespmem:s0+$0x8480] =	vst v14;
	v15 =	vsub.f32 v17, v12;
	v14 =	vld [tilespmem:s0+$0x84C0]  }
.Ltmp1:
0x195: {  	v25 =	vmul.f32 v18, v18;
	v16 =	vld [tilespmem:s0+$0x4C0];
	(pc) =	sbr.rel @p0 .LBB2_4-.Ltmp1, $4  }
0x196: {  	v11 =	vadd.f32 v26, v11;
	v12 =	vmul.f32 v15, v15;
	[tilespmem:s0+$0x8490] =	vst v15;
	v18 =	vsub.f32 v22, v24;
	v15 =	vld [tilespmem:s0+$0x84D0]  }
0x197: {  	v19 =	vsub.f32 v21, v19;
	v17 =	vld [tilespmem:s0+$0x4D0];
	v21 =	vmul.f32 v20, v20  }
0x198: {  	v22 =	vadd.f32 v25, v11;
	v20 =	vsub.f32 v23, v13;
	v13 =	vmul.f32 v18, v18;
	[tilespmem:s0+$0x84A0] =	vst v18;
	v18 =	vld [tilespmem:s0+$0x84E0]  }
0x199: {  	s13 =	sadd.s32 $0x80, s13;
	s4 =	smov.u32 s14;
	v11 =	vmul.f32 v19, v19;
	[tilespmem:s0+$0x84B0] =	vst v19;
	v19 =	vld [tilespmem:s0+$0x4E0]  }
0x19a: {  	v23 =	vmul.f32 v20, v20;
	v21 =	vadd.f32 v21, v22;
	_ =	sdelay $0x1  }
0x19b: {  	v21 =	vadd.f32 v23, v21;
	_ =	sdelay $0x1  }
0x19c: {  	v3 =	vadd.f32 v3, v21;
	_ =	sdelay $0x1  }
0x19d: {  	v3 =	vadd.f32 v4, v3;
	_ =	sdelay $0x1  }
0x19e: {  	v3 =	vadd.f32 v5, v3;
	_ =	sdelay $0x1  }
0x19f: {  	v3 =	vadd.f32 v6, v3;
	_ =	sdelay $0x1  }
0x1a0: {  	v3 =	vadd.f32 v7, v3;
	_ =	sdelay $0x1  }
0x1a1: {  	v3 =	vadd.f32 v8, v3;
	_ =	sdelay $0x1  }
0x1a2: {  	v3 =	vadd.f32 v9, v3;
	_ =	sdelay $0x1  }
0x1a3: {  	v3 =	vadd.f32 v10, v3;
	_ =	sdelay $0x1  }
0x1a4: {  	v3 =	vadd.f32 v12, v3  }
0x1a5: {  	v57 =	vld [tilespmem:s0+$0x84F0]  }
0x1a6: {  	v58 =	vsub.f32 v14, v16;
	v59 =	vld [tilespmem:s0+$0x4F0];
	v3 =	vadd.f32 v13, v3;
	_ =	sdelay $0x1  }
0x1a7: {  	v60 =	vsub.f32 v15, v17;
	v61 =	vmul.f32 v58, v58;
	v3 =	vadd.f32 v11, v3  }
0x1a8: {  	[tilespmem:s0+$0x8080] =	vst v20  }
0x1a9: {  	[tilespmem:s0+$0x84C0] =	vst v58;
	v62 =	vsub.f32 v18, v19;
	v63 =	vmul.f32 v60, v60;
	v3 =	vadd.f32 v61, v3  }
0x1aa: {  	[tilespmem:s0+$0x84D0] =	vst v60;
	v4 =	vsub.f32 v57, v59  }
0x1ab: {  	[tilespmem:s0+$0x84E0] =	vst v62;
	v5 =	vmul.f32 v62, v62;
	v3 =	vadd.f32 v63, v3  }
0x1ac: {  	[tilespmem:s0+$0x84F0] =	vst v4  }
0x1ad: {  	v4 =	vmul.f32 v4, v4;
	[hbm4b:s9+s2] =	stream.linear.scatter [tilespmem:s31], [sflag:$0x2], $0x8000, $0x38;
	v3 =	vadd.f32 v5, v3;
	[tilespmem:$0x10100] =	vst v63  }
0x1ae: {  	_ =	swait.ge [sflag:s12], $0x8000  }
0x1af: {  	s1 =	sadd.s32 $0x1, s1;
	[sflag:s12] =	ssyncset.done $0x0;
	v3 =	vadd.f32 v4, v3  }
0x1b0: {  	p0 =	sne.s32 s1, s11;
	[sflag:s12] =	ssyncadd.s32 $0xFFFF8000  }
.Ltmp2:
0x1b1: {  	s16 =	simm.s32 $0x10080;
	[tilespmem:$0x10080] =	vst v3;
	(pc) =	sbr.rel @p0 .LBB2_1-.Ltmp2, $4  }
0x1b2: {  	[hbm4b:s10+s2] =	stream.linear.scatter [tilespmem:s16], [sflag:$0x2], $0x80, $0x38;
	[tilespmem:$0x10100] =	vst v63  }
0x1b3: {  	_ =	swait.ge [sflag:s12], $0x80  }
0x1b4: {  	[sflag:s12] =	ssyncset.done $0x0  }
0x1b5: {  	[sflag:s12] =	ssyncadd.s32 $0xFFFFFF80  }
0x1b6: {  	_ =	sfence.sel $0x180000  }
0x1b7: {  	[bflag:$0x0] =	sbarrier.arrive $0xFFFF  }
0x1b8: {  	_ =	strace $0x90000047  }
0x1b9: {  	s0 =	stileid.u32;
	[bflag:$0x2] =	sbarrier.arrive $0xFFFF  }
0x1ba: {  	p0 =	sne.s32 s0, $0x0;
	s0 =	rddreg [dreg:$0x3]  }
0x1bb: {  	s0 =	sadd.s32 @!p0 $0x100000, s0  }
0x1bc: {  	[sflag:s0] =	ssyncadd.tile.s32 @!p0 $0x1;
	_ =	shalt  }
.Lfunc_end2:
_tile_overlayer_lowered:
.L_overlay_start_2:
0x1bd: {  	(tag) =	ssettag $0x2  }
0x1be: {  	s0 =	rddreg [dreg:$0x0];
	s2 =	stileid.u32  }
0x1bf: {  	s1 =	rddreg [dreg:$0x1];
	p0 =	sne.s32 s2, $0x0  }
0x1c0: {  	s3 =	rddreg [dreg:$0x2];
	[bflag:$0x3] =	sbarrier.arrive $0xFFFF;
	s2 =	simm.s32 @!p0 $0x1C02  }
0x1c1: {  	[timem:s3], [sflag:s2] =	dma.local @!p0 [hbm:s0], s1  }
0x1c2: {  	s0 =	simm.s32 @!p0 $0x2  }
0x1c3: {  	_ =	swait.ge @!p0 [sflag:s0], s1  }
0x1c4: {  	s1 =	ssub.s32 @!p0 $0x0, s1;
	[sflag:s0] =	ssyncset.done @!p0 $0x0  }
0x1c5: {  	[sflag:s0] =	ssyncadd.s32 @!p0 s1  }
0x1c6: {  	[bflag:$0x3] =	sbarrier.arrive $0xFFFF  }
0x1c7: {  	_ =	shalt  }

// kernel: kernel.17.cloned.1.call-start
scs
__scs_entry_jumppad:
0x0: {  	(pc) =	sbr.rel $0x88, $3  }
0x1: {  	(tag) =	ssettag $0x0;
	lr =	simm.s32 $0x1  }
0x2: {  	[smem:$0x3F9F] =	sst lr;
	_ =	strace $0xD0000000  }
0x3: {  	_ = 	snop  }
0x4: {  	_ = 	snop  }
0x5: {  	_ = 	snop  }
0x6: {  	_ = 	snop  }
0x7: {  	_ = 	snop  }
__scs_overlays_trampoline_lowered:
0x8: {  	[smem:$0x3FAE] =	sst s0  }
0x9: {  	[smem:$0x3FAF] =	sst s1  }
0xa: {  	[smem:$0x3FB0] =	sst s2  }
0xb: {  	[smem:$0x3FB1] =	sst s3  }
0xc: {  	[smem:$0x3FB2] =	sst s4  }
0xd: {  	[smem:$0x3FB3] =	sst s5  }
0xe: {  	[smem:$0x3FB4] =	sst s6  }
0xf: {  	[smem:$0x3FB5] =	sst s7  }
0x10: {  	[smem:$0x3FB6] =	sst s8  }
0x11: {  	[smem:$0x3FB7] =	sst s9;
	s0 =	simm.s32 @!p0 $0x0  }
0x12: {  	s1 =	sld [smem:$0x3F9D];
	s0 =	simm.s32 @p0 $0x1  }
0x13: {  	[smem:$0x3FB8] =	sst s0;
	s0 =	simm.s32 @!p1 $0x0  }
0x14: {  	s2 =	sld [smem:$0x3F9C];
	s0 =	simm.s32 @p1 $0x1  }
0x15: {  	[smem:$0x3FB9] =	sst s0;
	s0 =	simm.s32 @!p2 $0x0  }
0x16: {  	s3 =	sld [smem:$0x3FDB];
	s0 =	simm.s32 @p2 $0x1  }
0x17: {  	s4 =	simm.s32 $0x1BF5;
	[smem:$0x3FBB] =	sst s0  }
0x18: {  	s0 =	sld [smem:$0x3F9E];
	_ =	swait.ge [sflag:s4], $0x0  }
0x19: {  	s7 =	sld [smem:$0x3F9F]  }
0x1a: {  	s8 =	sadd.s32 $0xFFFFE003, lr  }
0x1b: {  	s9 =	sadd.s32 $0xFFFFFEF7, lr;
	s5 =	simm.s32 $0xFFFFFFFF;
	p2 =	slt.u32 s8, $0xFFFFF086  }
0x1c: {  	p1 =	slt.u32 s9, $0xF7A;
	s5 =	simm.s32 @!p2 $0x0  }
0x1d: {  	s5 =	simm.s32 @p1 $0x1;
	p0 =	seq.s32 s7, s2  }
0x1e: {  	s7 =	smul.u32 @!p0 $0xF7A, s2;
	p2 =	seq.s32 @!p0 s5, $0x0  }
0x1f: {  	s9 =	smul.u32 $0xF7A, s1;
	s8 =	simm.s32 @!p0 $0x1BF5;
	p2 =	por !p2, p0  }
0x20: {  	[sflag:s8] =	ssyncset.s32 @!p0 $0xFFFFF086;
	s6 =	sadd.s32 @!p0 s3, s7;
	s7 =	simm.s32 @!p0 $0x108  }
0x21: {  	s3 =	sadd.s32 s3, s9;
	s6 =	sadd.s32 @!p0 $0x88, s6;
	s7 =	simm.s32 @p2 $0x1082  }
0x22: {  	[simem:s7], [sflag:s8] =	dma.local @!p0 [hbm:s6], $0xF7A  }
0x23: {  	s9 =	sor.u32 $0xD0000000, s2;
	s6 =	simm.s32 $0x108;
	_ =	swait.ge @!p0 [sflag:s8], $0x0  }
0x24: {  	s3 =	sadd.s32 $0x88, s3;
	s6 =	simm.s32 @!p1 $0x1082;
	[sflag:s4] =	ssyncset.s32 $0xFFFFF086  }
0x25: {  	[simem:s6], [sflag:s4] =	dma.local [hbm:s3], $0xF7A  }
0x26: {  	[smem:$0x3F9F] =	sst s1;
	(tag) =	ssettag s2;
	_ =	strace s9  }
0x27: {  	s1 =	sld [smem:$0x3FAF]  }
0x28: {  	s2 =	sld [smem:$0x3FB0]  }
0x29: {  	s4 =	sld [smem:$0x3FB2]  }
0x2a: {  	p0 =	seq.s32 s5, $0x0;
	s5 =	sld [smem:$0x3FB3]  }
0x2b: {  	s6 =	sld [smem:$0x3FB4]  }
0x2c: {  	s7 =	sld [smem:$0x3FB5]  }
0x2d: {  	s3 =	simm.s32 $0x108;
	s8 =	sld [smem:$0x3FB6]  }
0x2e: {  	s3 =	simm.s32 @!p0 $0x1082;
	s9 =	sld [smem:$0x3FB7]  }
0x2f: {  	lr =	sadd.s32 s0, s3;
	s0 =	sld [smem:$0x3FAE]  }
0x30: {  	s3 =	sld [smem:$0x3FB1]  }
0x31: {  	[smem:$0x3FBA] =	sst s10  }
0x32: {  	s10 =	sld [smem:$0x3FB8];
	_ =	sdelay $0x3  }
0x33: {  	p0 =	seq.s32 s10, $0x1;
	s10 =	sld [smem:$0x3FBA];
	_ =	sdelay $0x3  }
0x34: {  	[smem:$0x3FBA] =	sst s10  }
0x35: {  	s10 =	sld [smem:$0x3FB9];
	_ =	sdelay $0x3  }
0x36: {  	p1 =	seq.s32 s10, $0x1;
	s10 =	sld [smem:$0x3FBA];
	_ =	sdelay $0x3  }
0x37: {  	[smem:$0x3FBA] =	sst s10  }
0x38: {  	s10 =	sld [smem:$0x3FBB]  }
0x39: {  	_ = 	snop;
	(pc) =	sbr.ind lr, $3  }
0x3a: {  	_ = 	snop  }
0x3b: {  	_ = 	snop  }
0x3c: {  	p2 =	seq.s32 s10, $0x1;
	s10 =	sld [smem:$0x3FBA]  }
0x3d: {  	_ =	shalt  }
0x3e: {  	_ =	shalt  }
0x3f: {  	_ =	shalt  }
0x40: {  	_ =	shalt  }
0x41: {  	_ =	shalt  }
0x42: {  	_ =	shalt  }
0x43: {  	_ =	shalt  }
0x44: {  	_ =	shalt  }
0x45: {  	_ =	shalt  }
0x46: {  	_ =	shalt  }
0x47: {  	_ =	shalt  }
0x48: {  	_ =	shalt  }
0x49: {  	_ =	shalt  }
0x4a: {  	_ =	shalt  }
0x4b: {  	_ =	shalt  }
0x4c: {  	_ =	shalt  }
0x4d: {  	_ =	shalt  }
0x4e: {  	_ =	shalt  }
0x4f: {  	_ =	shalt  }
0x50: {  	_ =	shalt  }
0x51: {  	_ =	shalt  }
0x52: {  	_ =	shalt  }
0x53: {  	_ =	shalt  }
0x54: {  	_ =	shalt  }
0x55: {  	_ =	shalt  }
0x56: {  	_ =	shalt  }
0x57: {  	_ =	shalt  }
0x58: {  	_ =	shalt  }
0x59: {  	_ =	shalt  }
0x5a: {  	_ =	shalt  }
0x5b: {  	_ =	shalt  }
0x5c: {  	_ =	shalt  }
0x5d: {  	_ =	shalt  }
0x5e: {  	_ =	shalt  }
0x5f: {  	_ =	shalt  }
0x60: {  	_ =	shalt  }
0x61: {  	_ =	shalt  }
0x62: {  	_ =	shalt  }
0x63: {  	_ =	shalt  }
0x64: {  	_ =	shalt  }
0x65: {  	_ =	shalt  }
0x66: {  	_ =	shalt  }
0x67: {  	_ =	shalt  }
0x68: {  	_ =	shalt  }
0x69: {  	_ =	shalt  }
0x6a: {  	_ =	shalt  }
0x6b: {  	_ =	shalt  }
0x6c: {  	_ =	shalt  }
0x6d: {  	_ =	shalt  }
0x6e: {  	_ =	shalt  }
0x6f: {  	_ =	shalt  }
0x70: {  	_ =	shalt  }
0x71: {  	_ =	shalt  }
0x72: {  	_ =	shalt  }
0x73: {  	_ =	shalt  }
0x74: {  	_ =	shalt  }
0x75: {  	_ =	shalt  }
0x76: {  	_ =	shalt  }
0x77: {  	_ =	shalt  }
0x78: {  	_ =	shalt  }
0x79: {  	_ =	shalt  }
0x7a: {  	_ =	shalt  }
0x7b: {  	_ =	shalt  }
0x7c: {  	_ =	shalt  }
0x7d: {  	_ =	shalt  }
0x7e: {  	_ =	shalt  }
0x7f: {  	_ =	shalt  }
0x80: {  	_ =	shalt  }
0x81: {  	_ =	shalt  }
0x82: {  	_ =	shalt  }
0x83: {  	_ =	shalt  }
0x84: {  	_ =	shalt  }
0x85: {  	_ =	shalt  }
0x86: {  	_ =	shalt  }
0x87: {  	_ =	shalt  }
.Lfunc_end0:
.L_simem_size_0:
called_computation.1_lowered:
.L_overlay_start_0:
0x88: {  	s2 =	sld [smem:$0x3FD9]  }
0x89: {  	s3 =	sld [smem:$0x3FFE];
	_ =	sdelay $0x1  }
0x8a: {  	s1 =	srdreg.scid  }
0x8b: {  	s0 =	sand.u32 $0x1, s1  }
0x8c: {  	s14 =	sshll.u32 s0, $0xA;
	s2 =	sadd.s32 s3, s2  }
0x8d: {  	s2 =	sadd.s32 s2, s14  }
0x8e: {  	[smem:$0x3FC6] =	sst s2  }
0x8f: {  	_ = 	snop  }
0x90: {  	s2 =	sld [smem:$0x3FD0];
	_ =	sdelay $0x2  }
0x91: {  	s15 =	simm.s32 $0xA;
	s4 =	simm.s32 $0x10  }
0x92: {  	[smem:s4], [sflag:s15] =	dma.local [hbm:s2], $0x1  }
0x93: {  	_ =	swait.eq [sflag:s15], $0x1  }
0x94: {  	[sflag:s15] =	ssyncset.done $0x0  }
0x95: {  	s16 =	sld [smem:$0x10];
	[sflag:s15] =	ssyncadd.s32 $0xFFFFFFFF  }
0x96: {  	s17 =	sld [smem:$0x12];
	(tm) =	ssettm $0x1  }
0x97: {  	s18 =	sld [smem:$0x3FFB];
	_ =	sdelay $0x3  }
0x98: {  	_ =	strace s18  }
0x99: {  	s4 =	sld [smem:$0x3FFC];
	_ =	sdelay $0x3  }
0x9a: {  	_ =	strace s4  }
0x9b: {  	s4 =	sld [smem:$0x3FFD];
	_ =	sdelay $0x3  }
0x9c: {  	_ =	strace s4  }
0x9d: {  	_ =	strace $0x8FFFFFFF  }
0x9e: {  	s19 =	sld [smem:$0x3FDB];
	_ =	sdelay $0x1  }
0x9f: {  	s5 =	simm.s32 $_scs_section_size  }
0xa0: {  	s6 =	simm.s32 $_size__tile_overlayer_lowered;
	s7 =	simm.s32 $_tile_overlayer_lowered  }
0xa1: {  	s22 =	simm.s32 $0x1BFF;
	s21 =	sshll.u32 s7, $0x1;
	s4 =	sadd.s32 s5, s19  }
0xa2: {  	s8 =	simm.s32 $0x0;
	s20 =	sshll.u32 s6, $0x1;
	s6 =	sadd.s32 s21, s4  }
0xa3: {  	[timem:s8], [sflag:s22] =	dma.local [hbm:s6], s20  }
0xa4: {  	_ =	swait.ge [sflag:s22], s20  }
0xa5: {  	s5 =	ssub.s32 $0x0, s20;
	[sflag:s22] =	ssyncset.done $0x0  }
0xa6: {  	[sflag:s22] =	ssyncadd.s32 s5;
	_ =	sdelay $0x1  }
0xa7: {  	s23 =	simm.s32 $0x1B8B  }
0xa8: {  	_ =	swait.ge [sflag:s23], $0x1  }
0xa9: {  	[sflag:s23] =	ssyncset.done $0x0  }
0xaa: {  	s25 =	simm.s32 $0x1B8E;
	s24 =	sld [smem:$0x3FFE];
	[sflag:s23] =	ssyncadd.s32 $0xFFFFFFFF  }
0xab: {  	s26 =	simm.s32 $execute0_lowered;
	[smem:$0x3FD2] =	sst s25  }
0xac: {  	s6 =	sshll.u32 s26, $0x1;
	_ =	strace $0x80000049;
	[dreg:$0x1] =	wrdreg $0xFFFFFFFF  }
0xad: {  	s28 =	simm.s32 $_size_execute0_lowered;
	s4 =	sadd.s32 s4, s6;
	[dreg:$0x0] =	wrdreg $0x0  }
0xae: {  	s6 =	sshll.u32 s28, $0x1;
	[dreg:$0x2] =	wrdreg s4  }
0xaf: {  	[dreg:$0x3] =	wrdreg s6  }
0xb0: {  	[dreg:$0x4] =	wrdreg $0xC0  }
0xb1: {  	_ =	task [dreg:s8], $0x5FFFF  }
0xb2: {  	[dreg:$0x1] =	wrdreg $0xFFFFFFFF  }
0xb3: {  	[dreg:$0x0] =	wrdreg $0x60  }
0xb4: {  	[dreg:$0x2] =	wrdreg s16  }
0xb5: {  	[dreg:$0x3] =	wrdreg s17  }
0xb6: {  	[dreg:$0x4] =	wrdreg s24  }
0xb7: {  	[dreg:$0x5] =	wrdreg $0x9  }
0xb8: {  	_ =	task.clear_ibuf [dreg:s8], $0x6FFFF;
	_ =	strace $0x90000049  }
0xb9: {  	s29 =	simm.s32 $0x9;
	_ =	strace $0x8000004B  }
0xba: {  	_ =	swait.ge [sflag:s29], $0x1  }
0xbb: {  	[sflag:s29] =	ssyncadd.s32 $0xFFFFFFFF  }
0xbc: {  	_ =	strace $0x9000004B  }
0xbd: {  	_ =	sfence  }
0xbe: {  	s30 =	sld [smem:$0x0];
	_ =	sdelay $0x2  }
0xbf: {  	s31 =	sshll.u32 s1, $0xD;
	s1 =	sshrl.u32 s1, $0x2  }
0xc0: {  	s3 =	sand.u32 $0x4000, s31;
	s1 =	sadd.s32 s1, s30  }
0xc1: {  	s0 =	sor.u32 s3, s0;
	s1 =	sshll.u32 s1, $0x11  }
0xc2: {  	s0 =	sor.u32 s1, s0  }
0xc3: {  	s0 =	sadd.s32 $0x8F2B, s0  }
0xc4: {  	[sflag:s0] =	ssyncadd.remote.s32 $0x1  }
0xc5: {  	_ =	sfence.sel $0xFFFF  }
0xc6: {  	[dreg:$0x0] =	wrdreg $0xFFFFFFFF;
	(pc) =	sbr.abs _section_cstart, $3  }
0xc7: {  	[dreg:$0x1] =	wrdreg $0xFFFFFFFF  }
0xc8: {  	_ =	task.clear_ibuf [dreg:s8], $0x2FFFF;
	_ =	strace $0x9FFFFFFF  }
0xc9: {  	(tm) =	ssettm $0x7FFFFFFF  }
tec
execute0_lowered:
.L_overlay_start_1:
0x0: {  	(tag) =	ssettag $0x1  }
0x1: {  	s1 =	rddreg [dreg:$0x0]  }
0x2: {  	s0 =	rddreg [dreg:$0x1]  }
0x3: {  	s2 =	rddreg [dreg:$0x2];
	s3 =	simm.s32 $0x0  }
0x4: {  	s4 =	srdreg.scid;
	s5 =	stileid.u32;
	s12 =	simm.s32 $0x2  }
0x5: {  	s17 =	simm.s32 $0x2080;
	s18 =	simm.s32 $0x2880;
	s19 =	simm.s32 $0x3080  }
0x6: {  	s20 =	simm.s32 $0x3880;
	s21 =	simm.s32 $0x4080;
	s22 =	simm.s32 $0x4880  }
0x7: {  	s23 =	simm.s32 $0x5080;
	s28 =	simm.s32 $0x7080;
	s29 =	simm.s32 $0x7880  }
0x8: {  	s30 =	simm.s32 $0x1;
	s31 =	simm.s32 $0x8080;
	[smem:$0x7FF] =	sst s3  }
0x9: {  	s4 =	sand.u32 $0x1, s4;
	s5 =	sshll.u32 s5, $0x1;
	s8 =	sadd.s32 $0xC2400, s2  }
0xa: {  	s9 =	sadd.s32 $0x102600, s2;
	s5 =	sor.u32 s4, s5;
	s4 =	ssub.s32 $0x2, s4  }
0xb: {  	_ =	strace $0x8000004A;
	s6 =	sshll.u32 s5, $0x4;
	s24 =	sshrl.u32 s4, $0x1  }
0xc: {  	s25 =	sshll.u32 s5, $0x8;
	s7 =	sshll.u32 s5, $0x5;
	s26 =	sshll.u32 s5, $0xD  }
0xd: {  	s2 =	sadd.s32 s6, s2;
	s4 =	ssub.s32 s4, s24;
	s7 =	sadd.s32 s0, s7  }
0xe: {  	s6 =	sor.u32 $0x80, s25;
	s5 =	sadd.s32 s8, s26;
	s24 =	simm.s32 $0x5880  }
0xf: {  	s25 =	simm.s32 $0x6080;
	[dreg:$0x4] =	wrdreg s7;
	s10 =	sshrl.u32 s6, $0x3  }
0x10: {  	v2 =	vlaneseq.u32;
	s11 =	sshll.u32 s6, $0x5;
	s6 =	sadd.s32 s9, s26;
	s26 =	simm.s32 $0x6880  }
0x11: {  	vm0 =	vmmov $0xffff;
	v1 =	vshrl.u32 v2, $0x3;
	s7 =	sadd.s32 s0, s10;
	s8 =	sadd.s32 s8, s11;
	s9 =	sadd.s32 s9, s11  }
0x12: {  	v0 =	vand.u32 $0x7, v2;
	v2 =	vor.u32 $0x8, v2;
	v1 =	vmul.u32 $0x8, v1;
	s10 =	sadd.s32 $0xA2400, s2;
	s11 =	smax.u32 s4, $0x1;
	s2 =	simm.s32 $0x0  }
.LBB2_1:
0x13: {  	s0 =	rddreg [dreg:$0x4]  }
0x14: {  	[tilespmem:s3], [sflag:$0x2] =	stream.linear.gather [hbm4b:s0+s3], $0x80, $0x38;
	[tilespmem:$0x10100] =	vst v63  }
0x15: {  	_ =	swait.ge [sflag:s12], $0x80  }
0x16: {  	[sflag:s12] =	ssyncset.done $0x0  }
0x17: {  	[sflag:s12] =	ssyncadd.s32 $0xFFFFFF80  }
0x18: {  	v3 =	vld [tilespmem:$0x0];
	_ =	sdelay $0x4  }
0x19: {  	v4 =	vshll.u32 v3, $0x1  }
0x1a: {  	v3 =	vand.u32 $0x7, v3;
	v4 =	vand.u32 $0xFFFFFFF0, v4  }
0x1b: {  	v3 =	vor.u32 v3, v4  }
0x1c: {  	v4 =	vperm.xlane v3, v0;
	_ =	sdelay $0x1  }
0x1d: {  	v3 =	vperm.xlane v3, v2;
	v4 =	vadd.s32 v1, v4;
	_ =	sdelay $0x1  }
0x1e: {  	v3 =	vadd.s32 v1, v3;
	_ =	sdelay $0x1  }
0x1f: {  	s15 =	simm.s32 $0x80  }
0x20: {  	[tilespmem:s15], [sflag:$0x1] =	stream.indirect_vreg.gather [hbm4b:s1+s3], $0x80, v4, vm0, $0xb8;
	[tilespmem:$0x10100] =	vst v63  }
0x21: {  	s16 =	simm.s32 $0x880  }
0x22: {  	[tilespmem:s16], [sflag:$0x1] =	stream.indirect_vreg.gather [hbm4b:s1+s3], $0x80, v3, vm0, $0xb8;
	[tilespmem:$0x10100] =	vst v63  }
0x23: {  	v3 =	vld [tilespmem:$0x10];
	_ =	sdelay $0x4  }
0x24: {  	v4 =	vshll.u32 v3, $0x1  }
0x25: {  	v3 =	vand.u32 $0x7, v3;
	v4 =	vand.u32 $0xFFFFFFF0, v4  }
0x26: {  	v3 =	vor.u32 v3, v4  }
0x27: {  	v4 =	vperm.xlane v3, v0;
	_ =	sdelay $0x1  }
0x28: {  	v3 =	vperm.xlane v3, v2;
	v4 =	vadd.s32 v1, v4;
	_ =	sdelay $0x1  }
0x29: {  	v3 =	vadd.s32 v1, v3;
	_ =	sdelay $0x1  }
0x2a: {  	s4 =	simm.s32 $0x1080  }
0x2b: {  	[tilespmem:s4], [sflag:$0x1] =	stream.indirect_vreg.gather [hbm4b:s1+s3], $0x80, v4, vm0, $0xb8;
	[tilespmem:$0x10100] =	vst v63  }
0x2c: {  	s13 =	simm.s32 $0x1880  }
0x2d: {  	[tilespmem:s13], [sflag:$0x1] =	stream.indirect_vreg.gather [hbm4b:s1+s3], $0x80, v3, vm0, $0xb8;
	[tilespmem:$0x10100] =	vst v63  }
0x2e: {  	v3 =	vld [tilespmem:$0x20];
	_ =	sdelay $0x4  }
0x2f: {  	v4 =	vshll.u32 v3, $0x1  }
0x30: {  	v3 =	vand.u32 $0x7, v3;
	v4 =	vand.u32 $0xFFFFFFF0, v4  }
0x31: {  	v3 =	vor.u32 v3, v4  }
0x32: {  	v4 =	vperm.xlane v3, v0;
	_ =	sdelay $0x1  }
0x33: {  	v3 =	vperm.xlane v3, v2;
	v4 =	vadd.s32 v1, v4;
	_ =	sdelay $0x1  }
0x34: {  	v3 =	vadd.s32 v1, v3;
	_ =	sdelay $0x2  }
0x35: {  	[tilespmem:s17], [sflag:$0x1] =	stream.indirect_vreg.gather [hbm4b:s1+s3], $0x80, v4, vm0, $0xb8;
	[tilespmem:$0x10100] =	vst v63  }
0x36: {  	_ = 	snop  }
0x37: {  	[tilespmem:s18], [sflag:$0x1] =	stream.indirect_vreg.gather [hbm4b:s1+s3], $0x80, v3, vm0, $0xb8;
	[tilespmem:$0x10100] =	vst v63  }
0x38: {  	v3 =	vld [tilespmem:$0x30];
	_ =	sdelay $0x4  }
0x39: {  	v4 =	vshll.u32 v3, $0x1  }
0x3a: {  	v3 =	vand.u32 $0x7, v3;
	v4 =	vand.u32 $0xFFFFFFF0, v4  }
0x3b: {  	v3 =	vor.u32 v3, v4  }
0x3c: {  	v4 =	vperm.xlane v3, v0;
	_ =	sdelay $0x1  }
0x3d: {  	v3 =	vperm.xlane v3, v2;
	v4 =	vadd.s32 v1, v4;
	_ =	sdelay $0x1  }
0x3e: {  	v3 =	vadd.s32 v1, v3;
	_ =	sdelay $0x2  }
0x3f: {  	[tilespmem:s19], [sflag:$0x1] =	stream.indirect_vreg.gather [hbm4b:s1+s3], $0x80, v4, vm0, $0xb8;
	[tilespmem:$0x10100] =	vst v63  }
0x40: {  	_ = 	snop  }
0x41: {  	[tilespmem:s20], [sflag:$0x1] =	stream.indirect_vreg.gather [hbm4b:s1+s3], $0x80, v3, vm0, $0xb8;
	[tilespmem:$0x10100] =	vst v63  }
0x42: {  	v3 =	vld [tilespmem:$0x40];
	_ =	sdelay $0x4  }
0x43: {  	v4 =	vshll.u32 v3, $0x1  }
0x44: {  	v3 =	vand.u32 $0x7, v3;
	v4 =	vand.u32 $0xFFFFFFF0, v4  }
0x45: {  	v3 =	vor.u32 v3, v4  }
0x46: {  	v4 =	vperm.xlane v3, v0;
	_ =	sdelay $0x1  }
0x47: {  	v3 =	vperm.xlane v3, v2;
	v4 =	vadd.s32 v1, v4;
	_ =	sdelay $0x1  }
0x48: {  	v3 =	vadd.s32 v1, v3;
	_ =	sdelay $0x2  }
0x49: {  	[tilespmem:s21], [sflag:$0x1] =	stream.indirect_vreg.gather [hbm4b:s1+s3], $0x80, v4, vm0, $0xb8;
	[tilespmem:$0x10100] =	vst v63  }
0x4a: {  	_ = 	snop  }
0x4b: {  	[tilespmem:s22], [sflag:$0x1] =	stream.indirect_vreg.gather [hbm4b:s1+s3], $0x80, v3, vm0, $0xb8;
	[tilespmem:$0x10100] =	vst v63  }
0x4c: {  	v3 =	vld [tilespmem:$0x50];
	_ =	sdelay $0x4  }
0x4d: {  	v4 =	vshll.u32 v3, $0x1  }
0x4e: {  	v3 =	vand.u32 $0x7, v3;
	v4 =	vand.u32 $0xFFFFFFF0, v4  }
0x4f: {  	v3 =	vor.u32 v3, v4  }
0x50: {  	v4 =	vperm.xlane v3, v0;
	_ =	sdelay $0x1  }
0x51: {  	v3 =	vperm.xlane v3, v2;
	v4 =	vadd.s32 v1, v4;
	_ =	sdelay $0x1  }
0x52: {  	v3 =	vadd.s32 v1, v3;
	_ =	sdelay $0x2  }
0x53: {  	[tilespmem:s23], [sflag:$0x1] =	stream.indirect_vreg.gather [hbm4b:s1+s3], $0x80, v4, vm0, $0xb8;
	[tilespmem:$0x10100] =	vst v63  }
0x54: {  	_ = 	snop  }
0x55: {  	[tilespmem:s24], [sflag:$0x1] =	stream.indirect_vreg.gather [hbm4b:s1+s3], $0x80, v3, vm0, $0xb8;
	[tilespmem:$0x10100] =	vst v63  }
0x56: {  	v3 =	vld [tilespmem:$0x60];
	_ =	sdelay $0x4  }
0x57: {  	v4 =	vshll.u32 v3, $0x1  }
0x58: {  	v3 =	vand.u32 $0x7, v3;
	v4 =	vand.u32 $0xFFFFFFF0, v4  }
0x59: {  	v3 =	vor.u32 v3, v4  }
0x5a: {  	v4 =	vperm.xlane v3, v0;
	_ =	sdelay $0x1  }
0x5b: {  	v3 =	vperm.xlane v3, v2;
	v4 =	vadd.s32 v1, v4;
	_ =	sdelay $0x1  }
0x5c: {  	v3 =	vadd.s32 v1, v3;
	_ =	sdelay $0x2  }
0x5d: {  	[tilespmem:s25], [sflag:$0x1] =	stream.indirect_vreg.gather [hbm4b:s1+s3], $0x80, v4, vm0, $0xb8;
	[tilespmem:$0x10100] =	vst v63  }
0x5e: {  	_ = 	snop  }
0x5f: {  	[tilespmem:s26], [sflag:$0x1] =	stream.indirect_vreg.gather [hbm4b:s1+s3], $0x80, v3, vm0, $0xb8;
	[tilespmem:$0x10100] =	vst v63  }
0x60: {  	v3 =	vld [tilespmem:$0x70];
	_ =	sdelay $0x4  }
0x61: {  	v4 =	vshll.u32 v3, $0x1  }
0x62: {  	v3 =	vand.u32 $0x7, v3;
	v4 =	vand.u32 $0xFFFFFFF0, v4  }
0x63: {  	v3 =	vor.u32 v3, v4  }
0x64: {  	v4 =	vperm.xlane v3, v0;
	_ =	sdelay $0x1  }
0x65: {  	v3 =	vperm.xlane v3, v2;
	v4 =	vadd.s32 v1, v4;
	_ =	sdelay $0x1  }
0x66: {  	v3 =	vadd.s32 v1, v3;
	_ =	sdelay $0x2  }
0x67: {  	[tilespmem:s28], [sflag:$0x1] =	stream.indirect_vreg.gather [hbm4b:s1+s3], $0x80, v4, vm0, $0xb8;
	[tilespmem:$0x10100] =	vst v63  }
0x68: {  	_ = 	snop  }
0x69: {  	[tilespmem:s29], [sflag:$0x1] =	stream.indirect_vreg.gather [hbm4b:s1+s3], $0x80, v3, vm0, $0xb8;
	[tilespmem:$0x10100] =	vst v63  }
0x6a: {  	_ =	swait.ge [sflag:s30], $0x8000  }
0x6b: {  	[sflag:s30] =	ssyncset.done $0x0  }
0x6c: {  	[sflag:s30] =	ssyncadd.s32 $0xFFFF8000  }
0x6d: {  	[tilespmem:s31], [sflag:$0x2] =	stream.linear.gather [hbm4b:s5+s3], $0x8000, $0x38;
	[tilespmem:$0x10100] =	vst v63  }
0x6e: {  	_ =	swait.ge [sflag:s12], $0x8000  }
0x6f: {  	s14 =	sand.u32 $0x7800, s3;
	s4 =	sand.u32 $0x380, s3;
	[sflag:s12] =	ssyncset.done $0x0  }
0x70: {  	s13 =	sor.u32 s4, s14;
	[sflag:s12] =	ssyncadd.s32 $0xFFFF8000  }
0x71: {  	v3 =	vld [tilespmem:s13+$0x90]  }
0x72: {  	v4 =	vld [tilespmem:s13+$0x8090]  }
0x73: {  	v5 =	vld [tilespmem:s13+$0x8080]  }
0x74: {  	v6 =	vld [tilespmem:s13+$0x4B0]  }
0x75: {  	v7 =	vld [tilespmem:s13+$0x80A0]  }
0x76: {  	v8 =	vld [tilespmem:s13+$0xA0]  }
0x77: {  	v9 =	vld [tilespmem:s13+$0x80B0]  }
0x78: {  	v10 =	vld [tilespmem:s13+$0xB0]  }
0x79: {  	v11 =	vld [tilespmem:s13+$0x80C0]  }
0x7a: {  	v12 =	vld [tilespmem:s13+$0xC0]  }
0x7b: {  	v13 =	vld [tilespmem:s13+$0x80D0]  }
0x7c: {  	v14 =	vld [tilespmem:s13+$0xD0]  }
0x7d: {  	v15 =	vld [tilespmem:s13+$0x80E0]  }
0x7e: {  	v16 =	vld [tilespmem:s13+$0xE0]  }
0x7f: {  	v17 =	vld [tilespmem:s13+$0x80F0]  }
0x80: {  	v18 =	vld [tilespmem:s13+$0xF0]  }
0x81: {  	v19 =	vld [tilespmem:s13+$0x8480]  }
0x82: {  	v20 =	vld [tilespmem:s13+$0x480]  }
0x83: {  	v3 =	vsub.f32 v4, v3;
	v4 =	vld [tilespmem:s13+$0x8490]  }
0x84: {  	v7 =	vsub.f32 v7, v8;
	v8 =	vld [tilespmem:s13+$0x490]  }
0x85: {  	v9 =	vsub.f32 v9, v10;
	v10 =	vld [tilespmem:s13+$0x84A0];
	[tilespmem:s13+$0x8090] =	vst v3  }
0x86: {  	v11 =	vsub.f32 v11, v12;
	v12 =	vld [tilespmem:s13+$0x4A0];
	[tilespmem:s13+$0x80A0] =	vst v7  }
0x87: {  	v13 =	vsub.f32 v13, v14;
	v14 =	vld [tilespmem:s13+$0x84B0];
	[tilespmem:s13+$0x80B0] =	vst v9  }
0x88: {  	v15 =	vsub.f32 v15, v16;
	v16 =	vld [tilespmem:s13+$0x80];
	[tilespmem:s13+$0x80C0] =	vst v11  }
0x89: {  	v17 =	vsub.f32 v17, v18;
	v18 =	vld [tilespmem:s13+$0x84C0];
	[tilespmem:s13+$0x80D0] =	vst v13  }
0x8a: {  	v19 =	vsub.f32 v19, v20;
	v20 =	vld [tilespmem:s13+$0x4C0];
	[tilespmem:s13+$0x80E0] =	vst v15  }
0x8b: {  	[tilespmem:s13+$0x80F0] =	vst v17;
	v4 =	vsub.f32 v4, v8;
	v8 =	vld [tilespmem:s13+$0x84D0]  }
0x8c: {  	[tilespmem:s13+$0x8480] =	vst v19;
	v10 =	vsub.f32 v10, v12;
	v12 =	vld [tilespmem:s13+$0x4D0]  }
0x8d: {  	v6 =	vsub.f32 v14, v6;
	v14 =	vld [tilespmem:s13+$0x84E0];
	[tilespmem:s13+$0x8490] =	vst v4  }
0x8e: {  	s15 =	simm.s32 $0x100;
	s16 =	simm.s32 $0x80;
	v5 =	vsub.f32 v5, v16;
	v16 =	vld [tilespmem:s13+$0x4E0];
	[tilespmem:s13+$0x84A0] =	vst v10  }
0x8f: {  	s0 =	sand.u32 $0x7800, s15;
	s4 =	sand.u32 $0x380, s16;
	v21 =	vld [tilespmem:s13+$0x84F0];
	[tilespmem:s13+$0x84B0] =	vst v6  }
0x90: {  	s0 =	sor.u32 s4, s0;
	v18 =	vsub.f32 v18, v20;
	v20 =	vld [tilespmem:s13+$0x4F0];
	[tilespmem:s13+$0x8080] =	vst v5  }
0x91: {  	v5 =	vmul.f32 v5, v5;
	v22 =	vld [tilespmem:s0+$0x90];
	v12 =	vsub.f32 v8, v12  }
0x92: {  	[tilespmem:s13+$0x84C0] =	vst v18;
	v23 =	vld [tilespmem:s0+$0x8090];
	v8 =	vimm.f32 $0.0e+00  }
0x93: {  	v3 =	vmul.f32 v3, v3;
	v25 =	vsub.f32 v14, v16;
	v16 =	vld [tilespmem:s0+$0x80C0];
	v5 =	vadd.f32 v5, v8;
	[tilespmem:s13+$0x84D0] =	vst v12  }
0x94: {  	v26 =	vld [tilespmem:s0+$0x4B0]  }
0x95: {  	v7 =	vmul.f32 v7, v7;
	v3 =	vadd.f32 v3, v5;
	v5 =	vld [tilespmem:s0+$0x80A0];
	[tilespmem:s13+$0x84E0] =	vst v25  }
0x96: {  	v20 =	vsub.f32 v21, v20;
	v8 =	vld [tilespmem:s0+$0xA0]  }
0x97: {  	v9 =	vmul.f32 v9, v9;
	v27 =	vld [tilespmem:s0+$0x84B0];
	v3 =	vadd.f32 v7, v3  }
0x98: {  	[tilespmem:s13+$0x84F0] =	vst v20;
	v7 =	vld [tilespmem:s0+$0x80B0]  }
0x99: {  	v11 =	vmul.f32 v11, v11;
	v14 =	vld [tilespmem:s0+$0xB0];
	v3 =	vadd.f32 v9, v3  }
0x9a: {  	v21 =	vld [tilespmem:s0+$0xC0]  }
0x9b: {  	v13 =	vmul.f32 v13, v13;
	v9 =	vsub.f32 v23, v22;
	v22 =	vld [tilespmem:s0+$0x84A0];
	v3 =	vadd.f32 v11, v3  }
0x9c: {  	v23 =	vld [tilespmem:s0+$0x4A0]  }
0x9d: {  	v15 =	vmul.f32 v15, v15;
	v5 =	vsub.f32 v5, v8;
	v8 =	vld [tilespmem:s0+$0x80D0];
	v3 =	vadd.f32 v13, v3  }
0x9e: {  	v11 =	vld [tilespmem:s0+$0xD0]  }
0x9f: {  	v17 =	vmul.f32 v17, v17;
	v7 =	vsub.f32 v7, v14;
	v14 =	vld [tilespmem:s0+$0xE0];
	v3 =	vadd.f32 v15, v3  }
0xa0: {  	v13 =	vld [tilespmem:s0+$0x80E0]  }
0xa1: {  	v19 =	vmul.f32 v19, v19;
	v15 =	vsub.f32 v16, v21;
	v16 =	vld [tilespmem:s0+$0x80F0];
	v3 =	vadd.f32 v17, v3  }
0xa2: {  	v21 =	vld [tilespmem:s0+$0xF0]  }
0xa3: {  	v4 =	vmul.f32 v4, v4;
	v11 =	vsub.f32 v8, v11;
	v8 =	vld [tilespmem:s0+$0x8480];
	v3 =	vadd.f32 v19, v3  }
0xa4: {  	v26 =	vsub.f32 v27, v26;
	v17 =	vld [tilespmem:s0+$0x480]  }
0xa5: {  	v10 =	vmul.f32 v10, v10;
	[tilespmem:s0+$0x8090] =	vst v9;
	v13 =	vsub.f32 v13, v14;
	v14 =	vld [tilespmem:s0+$0x8490];
	v4 =	vadd.f32 v4, v3  }
0xa6: {  	v12 =	vmul.f32 v12, v12;
	[tilespmem:s0+$0x80A0] =	vst v5;
	v23 =	vsub.f32 v22, v23;
	v19 =	vld [tilespmem:s0+$0x490]  }
0xa7: {  	[tilespmem:s0+$0x84B0] =	vst v26;
	v21 =	vsub.f32 v16, v21;
	v16 =	vmul.f32 v6, v6;
	v4 =	vadd.f32 v10, v4  }
0xa8: {  	v24 =	vld [tilespmem:s0+$0x8080];
	[tilespmem:s0+$0x80B0] =	vst v7;
	v6 =	vmul.f32 v5, v5;
	v5 =	vmul.f32 v7, v7  }
0xa9: {  	v28 =	vld [tilespmem:s0+$0x80];
	[tilespmem:s0+$0x84A0] =	vst v23;
	v3 =	vmul.f32 v9, v9;
	v9 =	vmul.f32 v18, v18;
	v4 =	vadd.f32 v16, v4  }
0xaa: {  	v22 =	vld [tilespmem:s0+$0x84E0];
	[tilespmem:s0+$0x80C0] =	vst v15;
	v7 =	vmul.f32 v11, v11;
	v17 =	vsub.f32 v8, v17;
	v8 =	vmul.f32 v15, v15  }
0xab: {  	[tilespmem:s0+$0x80D0] =	vst v11;
	v10 =	vmul.f32 v13, v13;
	v18 =	vsub.f32 v14, v19;
	v14 =	vld [tilespmem:s0+$0x84C0];
	v4 =	vadd.f32 v9, v4  }
0xac: {  	[tilespmem:s0+$0x80E0] =	vst v13;
	v13 =	vmul.f32 v23, v23;
	v11 =	vmul.f32 v17, v17;
	v16 =	vld [tilespmem:s0+$0x4C0]  }
0xad: {  	v15 =	vld [tilespmem:s0+$0x84D0];
	[tilespmem:s0+$0x8480] =	vst v17;
	v17 =	vmul.f32 v25, v25;
	v19 =	vmul.f32 v20, v20;
	v4 =	vadd.f32 v12, v4  }
0xae: {  	[tilespmem:s0+$0x80F0] =	vst v21;
	v9 =	vmul.f32 v21, v21;
	v21 =	vld [tilespmem:s0+$0x4D0];
	v12 =	vmul.f32 v18, v18  }
0xaf: {  	s14 =	simm.s32 $0x200;
	s13 =	simm.s32 $0x100;
	v23 =	vld [tilespmem:s0+$0x4E0];
	[tilespmem:s0+$0x8490] =	vst v18;
	v18 =	vsub.f32 v24, v28;
	v20 =	vadd.f32 v17, v4;
	v4 =	vmul.f32 v26, v26  }
.LBB2_2:
0xb0: {  	s4 =	smov.u32 s14  }
0xb1: {  	s15 =	sand.u32 $0x7800, s14;
	s16 =	sand.u32 $0x380, s13;
	v17 =	vmul.f32 v18, v18;
	v14 =	vsub.f32 v14, v16;
	v16 =	vld [tilespmem:s0+$0x84F0];
	v19 =	vadd.f32 v19, v20;
	s4 =	sadd.s32 $0x100, s14  }
0xb2: {  	p0 =	sne.s32 s14, $0x7F00;
	s15 =	sor.u32 s16, s15;
	[tilespmem:s0+$0x8080] =	vst v18;
	v18 =	vld [tilespmem:s0+$0x4F0]  }
0xb3: {  	v17 =	vadd.f32 v17, v19;
	v15 =	vsub.f32 v15, v21;
	v20 =	vld [tilespmem:s15+$0x90];
	[tilespmem:s0+$0x84C0] =	vst v14  }
0xb4: {  	v19 =	vld [tilespmem:s15+$0x8090]  }
0xb5: {  	v3 =	vadd.f32 v3, v17;
	v17 =	vsub.f32 v22, v23;
	v24 =	vld [tilespmem:s15+$0x8080];
	[tilespmem:s0+$0x84D0] =	vst v15  }
0xb6: {  	v21 =	vld [tilespmem:s15+$0x4B0]  }
0xb7: {  	v3 =	vadd.f32 v6, v3;
	v22 =	vld [tilespmem:s15+$0x80A0];
	[tilespmem:s0+$0x84E0] =	vst v17;
	v18 =	vsub.f32 v16, v18  }
0xb8: {  	v6 =	vld [tilespmem:s15+$0xA0]  }
0xb9: {  	v3 =	vadd.f32 v5, v3;
	v16 =	vld [tilespmem:s15+$0x80B0];
	[tilespmem:s0+$0x84F0] =	vst v18;
	s0 =	smov.u32 s15  }
0xba: {  	v5 =	vld [tilespmem:s0+$0xB0]  }
0xbb: {  	v19 =	vsub.f32 v19, v20;
	v8 =	vadd.f32 v8, v3;
	v20 =	vld [tilespmem:s0+$0x80C0]  }
0xbc: {  	v23 =	vld [tilespmem:s0+$0xC0]  }
0xbd: {  	v3 =	vmul.f32 v19, v19;
	v7 =	vadd.f32 v7, v8;
	[tilespmem:s0+$0x8090] =	vst v19;
	v19 =	vsub.f32 v22, v6;
	v22 =	vld [tilespmem:s0+$0x80D0]  }
0xbe: {  	v25 =	vld [tilespmem:s0+$0xD0]  }
0xbf: {  	v7 =	vadd.f32 v10, v7;
	v6 =	vmul.f32 v19, v19;
	[tilespmem:s0+$0x80A0] =	vst v19;
	v8 =	vsub.f32 v16, v5;
	v16 =	vld [tilespmem:s0+$0x80E0]  }
0xc0: {  	v10 =	vld [tilespmem:s0+$0xE0]  }
0xc1: {  	v7 =	vadd.f32 v9, v7;
	v5 =	vmul.f32 v8, v8;
	[tilespmem:s0+$0x80B0] =	vst v8;
	v19 =	vsub.f32 v20, v23;
	v20 =	vld [tilespmem:s0+$0x80F0]  }
0xc2: {  	v9 =	vld [tilespmem:s0+$0xF0]  }
0xc3: {  	v11 =	vadd.f32 v11, v7;
	v8 =	vmul.f32 v19, v19;
	[tilespmem:s0+$0x80C0] =	vst v19;
	v19 =	vsub.f32 v22, v25;
	v22 =	vld [tilespmem:s0+$0x8480]  }
0xc4: {  	v23 =	vld [tilespmem:s0+$0x480]  }
0xc5: {  	v11 =	vadd.f32 v12, v11;
	v7 =	vmul.f32 v19, v19;
	[tilespmem:s0+$0x80D0] =	vst v19;
	v16 =	vsub.f32 v16, v10;
	v19 =	vld [tilespmem:s0+$0x8490]  }
0xc6: {  	v12 =	vld [tilespmem:s0+$0x490]  }
0xc7: {  	v11 =	vadd.f32 v13, v11;
	v10 =	vmul.f32 v16, v16;
	[tilespmem:s0+$0x80E0] =	vst v16;
	v16 =	vsub.f32 v20, v9;
	v20 =	vld [tilespmem:s0+$0x84A0]  }
0xc8: {  	v25 =	vmul.f32 v14, v14;
	v13 =	vld [tilespmem:s0+$0x4A0]  }
0xc9: {  	v4 =	vadd.f32 v4, v11;
	v9 =	vmul.f32 v16, v16;
	[tilespmem:s0+$0x80F0] =	vst v16;
	v14 =	vsub.f32 v22, v23;
	v22 =	vld [tilespmem:s0+$0x84B0]  }
0xca: {  	v26 =	vmul.f32 v15, v15;
	v23 =	vld [tilespmem:s0+$0x80]  }
0xcb: {  	v4 =	vadd.f32 v25, v4;
	v11 =	vmul.f32 v14, v14;
	[tilespmem:s0+$0x8480] =	vst v14;
	v15 =	vsub.f32 v19, v12;
	v14 =	vld [tilespmem:s0+$0x84C0]  }
.Ltmp0:
0xcc: {  	v17 =	vmul.f32 v17, v17;
	v16 =	vld [tilespmem:s0+$0x4C0];
	(pc) =	sbr.rel @p0 .LBB2_2-.Ltmp0, $4  }
0xcd: {  	v4 =	vadd.f32 v26, v4;
	v12 =	vmul.f32 v15, v15;
	[tilespmem:s0+$0x8490] =	vst v15;
	v20 =	vsub.f32 v20, v13;
	v15 =	vld [tilespmem:s0+$0x84D0]  }
0xce: {  	v19 =	vmul.f32 v18, v18;
	v25 =	vsub.f32 v22, v21;
	v21 =	vld [tilespmem:s0+$0x4D0]  }
0xcf: {  	v18 =	vsub.f32 v24, v23;
	v13 =	vmul.f32 v20, v20;
	[tilespmem:s0+$0x84A0] =	vst v20;
	v22 =	vld [tilespmem:s0+$0x84E0];
	v20 =	vadd.f32 v17, v4  }
0xd0: {  	s13 =	sadd.s32 $0x80, s13;
	s14 =	smov.u32 s4;
	v4 =	vmul.f32 v25, v25;
	[tilespmem:s0+$0x84B0] =	vst v25;
	v23 =	vld [tilespmem:s0+$0x4E0]  }
0xd1: {  	v24 =	vld [tilespmem:s0+$0x84F0]  }
0xd2: {  	v25 =	vld [tilespmem:s0+$0x4F0];
	_ =	sdelay $0x1  }
0xd3: {  	v17 =	vsub.f32 v14, v16  }
0xd4: {  	[tilespmem:s0+$0x8080] =	vst v18;
	v16 =	vsub.f32 v15, v21  }
0xd5: {  	[tilespmem:s0+$0x84C0] =	vst v17;
	v15 =	vsub.f32 v22, v23  }
0xd6: {  	[tilespmem:s0+$0x84D0] =	vst v16;
	v14 =	vsub.f32 v24, v25  }
0xd7: {  	[tilespmem:s0+$0x84E0] =	vst v15  }
0xd8: {  	[tilespmem:s0+$0x84F0] =	vst v14;
	s0 =	simm.s32 $0x0  }
0xd9: {  	[hbm4b:s6+s0] =	stream.linear.scatter [tilespmem:s31], [sflag:$0x2], $0x8000, $0x38;
	[tilespmem:$0x10100] =	vst v63  }
0xda: {  	_ =	swait.ge [sflag:s12], $0x8000  }
0xdb: {  	[sflag:s12] =	ssyncset.done $0x0  }
0xdc: {  	[sflag:s12] =	ssyncadd.s32 $0xFFFF8000  }
0xdd: {  	[tilespmem:s0], [sflag:$0x2] =	stream.linear.gather [hbm4b:s7+s0], $0x80, $0x38;
	[tilespmem:$0x10100] =	vst v63  }
0xde: {  	_ =	swait.ge [sflag:s12], $0x80  }
0xdf: {  	[sflag:s12] =	ssyncset.done $0x0  }
0xe0: {  	[sflag:s12] =	ssyncadd.s32 $0xFFFFFF80  }
0xe1: {  	v21 =	vld [tilespmem:$0x0];
	_ =	sdelay $0x4  }
0xe2: {  	v22 =	vshll.u32 v21, $0x1  }
0xe3: {  	v21 =	vand.u32 $0x7, v21;
	v22 =	vand.u32 $0xFFFFFFF0, v22  }
0xe4: {  	v21 =	vor.u32 v21, v22  }
0xe5: {  	v22 =	vperm.xlane v21, v0;
	_ =	sdelay $0x1  }
0xe6: {  	v21 =	vperm.xlane v21, v2;
	v22 =	vadd.s32 v1, v22;
	_ =	sdelay $0x1  }
0xe7: {  	v21 =	vadd.s32 v1, v21;
	_ =	sdelay $0x1  }
0xe8: {  	s4 =	simm.s32 $0x80  }
0xe9: {  	[tilespmem:s4], [sflag:$0x1] =	stream.indirect_vreg.gather [hbm4b:s1+s0], $0x80, v22, vm0, $0xb8;
	[tilespmem:$0x10100] =	vst v63  }
0xea: {  	s15 =	simm.s32 $0x880  }
0xeb: {  	[tilespmem:s15], [sflag:$0x1] =	stream.indirect_vreg.gather [hbm4b:s1+s0], $0x80, v21, vm0, $0xb8;
	[tilespmem:$0x10100] =	vst v63  }
0xec: {  	v21 =	vld [tilespmem:$0x10];
	_ =	sdelay $0x4  }
0xed: {  	v22 =	vshll.u32 v21, $0x1  }
0xee: {  	v21 =	vand.u32 $0x7, v21;
	v22 =	vand.u32 $0xFFFFFFF0, v22  }
0xef: {  	v21 =	vor.u32 v21, v22  }
0xf0: {  	v22 =	vperm.xlane v21, v0;
	_ =	sdelay $0x1  }
0xf1: {  	v21 =	vperm.xlane v21, v2;
	v22 =	vadd.s32 v1, v22;
	_ =	sdelay $0x1  }
0xf2: {  	v21 =	vadd.s32 v1, v21;
	_ =	sdelay $0x1  }
0xf3: {  	s16 =	simm.s32 $0x1080  }
0xf4: {  	[tilespmem:s16], [sflag:$0x1] =	stream.indirect_vreg.gather [hbm4b:s1+s0], $0x80, v22, vm0, $0xb8;
	[tilespmem:$0x10100] =	vst v63  }
0xf5: {  	s13 =	simm.s32 $0x1880  }
0xf6: {  	[tilespmem:s13], [sflag:$0x1] =	stream.indirect_vreg.gather [hbm4b:s1+s0], $0x80, v21, vm0, $0xb8;
	[tilespmem:$0x10100] =	vst v63  }
0xf7: {  	v21 =	vld [tilespmem:$0x20];
	_ =	sdelay $0x4  }
0xf8: {  	v22 =	vshll.u32 v21, $0x1  }
0xf9: {  	v21 =	vand.u32 $0x7, v21;
	v22 =	vand.u32 $0xFFFFFFF0, v22  }
0xfa: {  	v21 =	vor.u32 v21, v22  }
0xfb: {  	v22 =	vperm.xlane v21, v0;
	_ =	sdelay $0x1  }
0xfc: {  	v21 =	vperm.xlane v21, v2;
	v22 =	vadd.s32 v1, v22;
	_ =	sdelay $0x1  }
0xfd: {  	v21 =	vadd.s32 v1, v21;
	_ =	sdelay $0x2  }
0xfe: {  	[tilespmem:s17], [sflag:$0x1] =	stream.indirect_vreg.gather [hbm4b:s1+s0], $0x80, v22, vm0, $0xb8;
	[tilespmem:$0x10100] =	vst v63  }
0xff: {  	_ = 	snop  }
0x100: {  	[tilespmem:s18], [sflag:$0x1] =	stream.indirect_vreg.gather [hbm4b:s1+s0], $0x80, v21, vm0, $0xb8;
	[tilespmem:$0x10100] =	vst v63  }
0x101: {  	v21 =	vld [tilespmem:$0x30];
	_ =	sdelay $0x4  }
0x102: {  	v22 =	vshll.u32 v21, $0x1  }
0x103: {  	v21 =	vand.u32 $0x7, v21;
	v22 =	vand.u32 $0xFFFFFFF0, v22  }
0x104: {  	v21 =	vor.u32 v21, v22  }
0x105: {  	v22 =	vperm.xlane v21, v0;
	_ =	sdelay $0x1  }
0x106: {  	v21 =	vperm.xlane v21, v2;
	v22 =	vadd.s32 v1, v22;
	_ =	sdelay $0x1  }
0x107: {  	v21 =	vadd.s32 v1, v21;
	_ =	sdelay $0x2  }
0x108: {  	[tilespmem:s19], [sflag:$0x1] =	stream.indirect_vreg.gather [hbm4b:s1+s0], $0x80, v22, vm0, $0xb8;
	[tilespmem:$0x10100] =	vst v63  }
0x109: {  	_ = 	snop  }
0x10a: {  	[tilespmem:s20], [sflag:$0x1] =	stream.indirect_vreg.gather [hbm4b:s1+s0], $0x80, v21, vm0, $0xb8;
	[tilespmem:$0x10100] =	vst v63  }
0x10b: {  	v21 =	vld [tilespmem:$0x40];
	_ =	sdelay $0x4  }
0x10c: {  	v22 =	vshll.u32 v21, $0x1  }
0x10d: {  	v21 =	vand.u32 $0x7, v21;
	v22 =	vand.u32 $0xFFFFFFF0, v22  }
0x10e: {  	v21 =	vor.u32 v21, v22  }
0x10f: {  	v22 =	vperm.xlane v21, v0;
	_ =	sdelay $0x1  }
0x110: {  	v21 =	vperm.xlane v21, v2;
	v22 =	vadd.s32 v1, v22;
	_ =	sdelay $0x1  }
0x111: {  	v21 =	vadd.s32 v1, v21;
	_ =	sdelay $0x2  }
0x112: {  	[tilespmem:s21], [sflag:$0x1] =	stream.indirect_vreg.gather [hbm4b:s1+s0], $0x80, v22, vm0, $0xb8;
	[tilespmem:$0x10100] =	vst v63  }
0x113: {  	_ = 	snop  }
0x114: {  	[tilespmem:s22], [sflag:$0x1] =	stream.indirect_vreg.gather [hbm4b:s1+s0], $0x80, v21, vm0, $0xb8;
	[tilespmem:$0x10100] =	vst v63  }
0x115: {  	v21 =	vld [tilespmem:$0x50];
	_ =	sdelay $0x4  }
0x116: {  	v22 =	vshll.u32 v21, $0x1  }
0x117: {  	v21 =	vand.u32 $0x7, v21;
	v22 =	vand.u32 $0xFFFFFFF0, v22  }
0x118: {  	v21 =	vor.u32 v21, v22  }
0x119: {  	v22 =	vperm.xlane v21, v0;
	_ =	sdelay $0x1  }
0x11a: {  	v21 =	vperm.xlane v21, v2;
	v22 =	vadd.s32 v1, v22;
	_ =	sdelay $0x1  }
0x11b: {  	v21 =	vadd.s32 v1, v21;
	_ =	sdelay $0x2  }
0x11c: {  	[tilespmem:s23], [sflag:$0x1] =	stream.indirect_vreg.gather [hbm4b:s1+s0], $0x80, v22, vm0, $0xb8;
	[tilespmem:$0x10100] =	vst v63  }
0x11d: {  	_ = 	snop  }
0x11e: {  	[tilespmem:s24], [sflag:$0x1] =	stream.indirect_vreg.gather [hbm4b:s1+s0], $0x80, v21, vm0, $0xb8;
	[tilespmem:$0x10100] =	vst v63  }
0x11f: {  	v21 =	vld [tilespmem:$0x60];
	_ =	sdelay $0x4  }
0x120: {  	v22 =	vshll.u32 v21, $0x1  }
0x121: {  	v21 =	vand.u32 $0x7, v21;
	v22 =	vand.u32 $0xFFFFFFF0, v22  }
0x122: {  	v21 =	vor.u32 v21, v22  }
0x123: {  	v22 =	vperm.xlane v21, v0;
	_ =	sdelay $0x1  }
0x124: {  	v21 =	vperm.xlane v21, v2;
	v22 =	vadd.s32 v1, v22;
	_ =	sdelay $0x1  }
0x125: {  	v21 =	vadd.s32 v1, v21;
	_ =	sdelay $0x2  }
0x126: {  	[tilespmem:s25], [sflag:$0x1] =	stream.indirect_vreg.gather [hbm4b:s1+s0], $0x80, v22, vm0, $0xb8;
	[tilespmem:$0x10100] =	vst v63  }
0x127: {  	_ = 	snop  }
0x128: {  	[tilespmem:s26], [sflag:$0x1] =	stream.indirect_vreg.gather [hbm4b:s1+s0], $0x80, v21, vm0, $0xb8;
	[tilespmem:$0x10100] =	vst v63  }
0x129: {  	v21 =	vld [tilespmem:$0x70];
	_ =	sdelay $0x4  }
0x12a: {  	v22 =	vshll.u32 v21, $0x1  }
0x12b: {  	v21 =	vand.u32 $0x7, v21;
	v22 =	vand.u32 $0xFFFFFFF0, v22  }
0x12c: {  	v21 =	vor.u32 v21, v22  }
0x12d: {  	v22 =	vperm.xlane v21, v0;
	_ =	sdelay $0x1  }
0x12e: {  	v21 =	vperm.xlane v21, v2;
	v22 =	vadd.s32 v1, v22;
	_ =	sdelay $0x1  }
0x12f: {  	v21 =	vadd.s32 v1, v21;
	_ =	sdelay $0x2  }
0x130: {  	[tilespmem:s28], [sflag:$0x1] =	stream.indirect_vreg.gather [hbm4b:s1+s0], $0x80, v22, vm0, $0xb8;
	[tilespmem:$0x10100] =	vst v63  }
0x131: {  	_ = 	snop  }
0x132: {  	[tilespmem:s29], [sflag:$0x1] =	stream.indirect_vreg.gather [hbm4b:s1+s0], $0x80, v21, vm0, $0xb8;
	[tilespmem:$0x10100] =	vst v63  }
0x133: {  	_ =	swait.ge [sflag:s30], $0x8000  }
0x134: {  	[sflag:s30] =	ssyncset.done $0x0  }
0x135: {  	v18 =	vmul.f32 v18, v18;
	v19 =	vadd.f32 v19, v20;
	[sflag:s30] =	ssyncadd.s32 $0xFFFF8000  }
0x136: {  	[tilespmem:s31], [sflag:$0x2] =	stream.linear.gather [hbm4b:s8+s0], $0x8000, $0x38;
	[tilespmem:$0x10100] =	vst v63  }
0x137: {  	v18 =	vadd.f32 v18, v19;
	_ =	swait.ge [sflag:s12], $0x8000  }
0x138: {  	s14 =	sand.u32 $0x7800, s0;
	s0 =	sand.u32 $0x380, s0;
	[sflag:s12] =	ssyncset.done $0x0  }
0x139: {  	v3 =	vadd.f32 v3, v18;
	s13 =	sor.u32 s0, s14;
	[sflag:s12] =	ssyncadd.s32 $0xFFFF8000  }
0x13a: {  	v20 =	vld [tilespmem:s13+$0x90]  }
0x13b: {  	v3 =	vadd.f32 v6, v3;
	v21 =	vld [tilespmem:s13+$0x8090]  }
0x13c: {  	v19 =	vld [tilespmem:s13+$0x8080]  }
0x13d: {  	v3 =	vadd.f32 v5, v3;
	v22 =	vld [tilespmem:s13+$0x4B0]  }
0x13e: {  	v18 =	vld [tilespmem:s13+$0x80A0]  }
0x13f: {  	v3 =	vadd.f32 v8, v3;
	v23 =	vld [tilespmem:s13+$0xA0]  }
0x140: {  	v6 =	vld [tilespmem:s13+$0x80B0]  }
0x141: {  	v3 =	vadd.f32 v7, v3;
	v55 =	vld [tilespmem:s13+$0xB0]  }
0x142: {  	v5 =	vld [tilespmem:s13+$0x80C0]  }
0x143: {  	v3 =	vadd.f32 v10, v3;
	v56 =	vld [tilespmem:s13+$0xC0]  }
0x144: {  	v8 =	vld [tilespmem:s13+$0x80D0]  }
0x145: {  	v3 =	vadd.f32 v9, v3;
	v26 =	vld [tilespmem:s13+$0xD0]  }
0x146: {  	v7 =	vld [tilespmem:s13+$0x80E0]  }
0x147: {  	v3 =	vadd.f32 v11, v3;
	v27 =	vld [tilespmem:s13+$0xE0]  }
0x148: {  	v10 =	vld [tilespmem:s13+$0x80F0]  }
0x149: {  	v3 =	vadd.f32 v12, v3;
	v28 =	vld [tilespmem:s13+$0xF0]  }
0x14a: {  	v9 =	vld [tilespmem:s13+$0x8480]  }
0x14b: {  	v3 =	vadd.f32 v13, v3;
	v29 =	vld [tilespmem:s13+$0x480]  }
0x14c: {  	v12 =	vld [tilespmem:s13+$0x84A0]  }
0x14d: {  	v3 =	vadd.f32 v4, v3;
	v4 =	vmul.f32 v17, v17;
	v13 =	vld [tilespmem:s13+$0x84B0]  }
0x14e: {  	v57 =	vld [tilespmem:s13+$0x80];
	v11 =	vsub.f32 v21, v20  }
0x14f: {  	v3 =	vadd.f32 v4, v3;
	v4 =	vmul.f32 v16, v16;
	v17 =	vld [tilespmem:s13+$0x84C0];
	v18 =	vsub.f32 v18, v23  }
0x150: {  	v20 =	vld [tilespmem:s13+$0x8490];
	v6 =	vsub.f32 v6, v55;
	[tilespmem:s13+$0x8090] =	vst v11  }
0x151: {  	v15 =	vmul.f32 v15, v15;
	v3 =	vadd.f32 v4, v3;
	v21 =	vld [tilespmem:s13+$0x490];
	v5 =	vsub.f32 v5, v56;
	[tilespmem:s13+$0x80A0] =	vst v18  }
0x152: {  	v58 =	vld [tilespmem:s13+$0x4C0];
	v8 =	vsub.f32 v8, v26;
	[tilespmem:s13+$0x80B0] =	vst v6  }
0x153: {  	v3 =	vadd.f32 v15, v3;
	v15 =	vld [tilespmem:s13+$0x84F0];
	v7 =	vsub.f32 v7, v27;
	[tilespmem:s13+$0x80C0] =	vst v5  }
0x154: {  	v23 =	vld [tilespmem:s13+$0x4A0];
	v10 =	vsub.f32 v10, v28;
	v9 =	vsub.f32 v9, v29;
	[tilespmem:s13+$0x80D0] =	vst v8  }
0x155: {  	v14 =	vmul.f32 v14, v14;
	v4 =	vsub.f32 v13, v22;
	v13 =	vld [tilespmem:s13+$0x84E0];
	v19 =	vsub.f32 v19, v57;
	[tilespmem:s13+$0x80E0] =	vst v7  }
0x156: {  	[tilespmem:s13+$0x80F0] =	vst v10;
	v16 =	vsub.f32 v20, v21;
	v20 =	vld [tilespmem:s13+$0x84D0]  }
0x157: {  	v3 =	vadd.f32 v14, v3;
	[tilespmem:s13+$0x8480] =	vst v9;
	v14 =	vmul.f32 v19, v19;
	v21 =	vld [tilespmem:s13+$0x4D0]  }
0x158: {  	s15 =	simm.s32 $0x100;
	s16 =	simm.s32 $0x80;
	v22 =	vld [tilespmem:s13+$0x4E0];
	[tilespmem:s13+$0x84B0] =	vst v4  }
0x159: {  	s4 =	sand.u32 $0x380, s16;
	s0 =	sand.u32 $0x7800, s15;
	[tilespmem:s13+$0x8080] =	vst v19;
	v11 =	vmul.f32 v11, v11;
	v3 =	vadd.f32 v14, v3;
	v12 =	vsub.f32 v12, v23;
	v23 =	vld [tilespmem:s13+$0x4F0]  }
0x15a: {  	s0 =	sor.u32 s4, s0;
	[tilespmem:s13+$0x8490] =	vst v16  }
0x15b: {  	v17 =	vsub.f32 v17, v58;
	v3 =	vadd.f32 v11, v3;
	v11 =	vld [tilespmem:s0+$0x80A0];
	[tilespmem:s13+$0x84A0] =	vst v12  }
0x15c: {  	v14 =	vmul.f32 v18, v18;
	v19 =	vld [tilespmem:s0+$0x90];
	v20 =	vsub.f32 v20, v21  }
0x15d: {  	v13 =	vsub.f32 v13, v22;
	[tilespmem:s13+$0x84C0] =	vst v17;
	v21 =	vld [tilespmem:s0+$0x8090]  }
0x15e: {  	v3 =	vadd.f32 v14, v3;
	v14 =	vld [tilespmem:s0+$0x80B0];
	v23 =	vsub.f32 v15, v23;
	[tilespmem:s13+$0x84D0] =	vst v20  }
0x15f: {  	v22 =	vld [tilespmem:s0+$0x4B0];
	[tilespmem:s13+$0x84E0] =	vst v13  }
0x160: {  	v6 =	vmul.f32 v6, v6;
	v15 =	vld [tilespmem:s0+$0xA0];
	[tilespmem:s13+$0x84F0] =	vst v23  }
0x161: {  	v18 =	vld [tilespmem:s0+$0xB0]  }
0x162: {  	v5 =	vmul.f32 v5, v5;
	v3 =	vadd.f32 v6, v3;
	v6 =	vsub.f32 v21, v19;
	v19 =	vld [tilespmem:s0+$0x80C0]  }
0x163: {  	v21 =	vld [tilespmem:s0+$0xC0]  }
0x164: {  	v8 =	vmul.f32 v8, v8;
	v3 =	vadd.f32 v5, v3;
	v61 =	vld [tilespmem:s0+$0x4A0]  }
0x165: {  	v5 =	vsub.f32 v11, v15;
	v11 =	vld [tilespmem:s0+$0x80D0]  }
0x166: {  	v7 =	vmul.f32 v7, v7;
	v3 =	vadd.f32 v8, v3;
	v15 =	vld [tilespmem:s0+$0xD0]  }
0x167: {  	v8 =	vsub.f32 v14, v18;
	v14 =	vld [tilespmem:s0+$0x80E0]  }
0x168: {  	v10 =	vmul.f32 v10, v10;
	v3 =	vadd.f32 v7, v3;
	v18 =	vld [tilespmem:s0+$0xE0]  }
0x169: {  	v7 =	vsub.f32 v19, v21;
	v19 =	vld [tilespmem:s0+$0x80F0]  }
0x16a: {  	v9 =	vmul.f32 v9, v9;
	v3 =	vadd.f32 v10, v3;
	v21 =	vld [tilespmem:s0+$0xF0]  }
0x16b: {  	v10 =	vsub.f32 v11, v15;
	v11 =	vld [tilespmem:s0+$0x8480]  }
0x16c: {  	v16 =	vmul.f32 v16, v16;
	v3 =	vadd.f32 v9, v3;
	v15 =	vld [tilespmem:s0+$0x480]  }
0x16d: {  	v9 =	vsub.f32 v14, v18;
	v14 =	vld [tilespmem:s0+$0x8490]  }
0x16e: {  	v12 =	vmul.f32 v12, v12;
	[tilespmem:s0+$0x8090] =	vst v6;
	v16 =	vadd.f32 v16, v3;
	v18 =	vld [tilespmem:s0+$0x490]  }
0x16f: {  	v60 =	vmul.f32 v4, v4;
	[tilespmem:s0+$0x80A0] =	vst v5;
	v19 =	vsub.f32 v19, v21;
	v21 =	vld [tilespmem:s0+$0x84A0]  }
0x170: {  	v4 =	vmul.f32 v5, v5;
	[tilespmem:s0+$0x80B0] =	vst v8;
	v3 =	vmul.f32 v6, v6;
	v6 =	vadd.f32 v12, v16;
	v12 =	vld [tilespmem:s0+$0x84B0]  }
0x171: {  	v59 =	vld [tilespmem:s0+$0x8080];
	[tilespmem:s0+$0x80C0] =	vst v7;
	v5 =	vmul.f32 v8, v8;
	v8 =	vmul.f32 v17, v17  }
0x172: {  	v62 =	vld [tilespmem:s0+$0x80];
	[tilespmem:s0+$0x80D0] =	vst v10;
	v11 =	vsub.f32 v11, v15;
	v15 =	vadd.f32 v60, v6;
	v6 =	vmul.f32 v7, v7  }
0x173: {  	v17 =	vld [tilespmem:s0+$0x4D0];
	[tilespmem:s0+$0x80E0] =	vst v9;
	v7 =	vmul.f32 v10, v10;
	v63 =	vsub.f32 v14, v18;
	v18 =	vmul.f32 v20, v20  }
0x174: {  	v16 =	vld [tilespmem:s0+$0x4C0];
	[tilespmem:s0+$0x80F0] =	vst v19;
	v26 =	vsub.f32 v21, v61;
	v21 =	vmul.f32 v23, v23;
	v20 =	vadd.f32 v8, v15  }
0x175: {  	v14 =	vld [tilespmem:s0+$0x84C0];
	[tilespmem:s0+$0x8480] =	vst v11;
	v8 =	vmul.f32 v9, v9;
	v9 =	vmul.f32 v19, v19;
	v19 =	vsub.f32 v12, v22  }
0x176: {  	v15 =	vld [tilespmem:s0+$0x84D0];
	v10 =	vmul.f32 v11, v11;
	v11 =	vmul.f32 v13, v13;
	[tilespmem:s0+$0x8490] =	vst v63;
	v22 =	vadd.f32 v18, v20  }
0x177: {  	[tilespmem:s0+$0x84A0] =	vst v26;
	v12 =	vmul.f32 v63, v63;
	v13 =	vmul.f32 v26, v26;
	v18 =	vld [tilespmem:s0+$0x84E0]  }
0x178: {  	s4 =	simm.s32 $0x200;
	s13 =	simm.s32 $0x100;
	v20 =	vsub.f32 v59, v62;
	[tilespmem:s0+$0x84B0] =	vst v19;
	v22 =	vadd.f32 v11, v22;
	v11 =	vmul.f32 v19, v19;
	v19 =	vld [tilespmem:s0+$0x4E0]  }
.LBB2_4:
0x179: {  	s14 =	smov.u32 s4  }
0x17a: {  	s15 =	sand.u32 $0x7800, s4;
	s16 =	sand.u32 $0x380, s13;
	v23 =	vmul.f32 v20, v20;
	v14 =	vsub.f32 v14, v16;
	v16 =	vld [tilespmem:s0+$0x84F0];
	v21 =	vadd.f32 v21, v22;
	s14 =	sadd.s32 $0x100, s4  }
0x17b: {  	p0 =	sne.s32 s4, $0x7F00;
	s15 =	sor.u32 s16, s15;
	[tilespmem:s0+$0x8080] =	vst v20;
	v20 =	vld [tilespmem:s0+$0x4F0]  }
0x17c: {  	v21 =	vadd.f32 v23, v21;
	v15 =	vsub.f32 v15, v17;
	v22 =	vld [tilespmem:s15+$0x90];
	[tilespmem:s0+$0x84C0] =	vst v14  }
0x17d: {  	v17 =	vld [tilespmem:s15+$0x8090]  }
0x17e: {  	v3 =	vadd.f32 v3, v21;
	v18 =	vsub.f32 v18, v19;
	v23 =	vld [tilespmem:s15+$0x8080];
	[tilespmem:s0+$0x84D0] =	vst v15  }
0x17f: {  	v19 =	vld [tilespmem:s15+$0x4B0]  }
0x180: {  	v3 =	vadd.f32 v4, v3;
	v21 =	vld [tilespmem:s15+$0x80A0];
	[tilespmem:s0+$0x84E0] =	vst v18;
	v20 =	vsub.f32 v16, v20  }
0x181: {  	v4 =	vld [tilespmem:s15+$0xA0]  }
0x182: {  	v3 =	vadd.f32 v5, v3;
	v16 =	vld [tilespmem:s15+$0x80B0];
	[tilespmem:s0+$0x84F0] =	vst v20;
	s0 =	smov.u32 s15  }
0x183: {  	v5 =	vld [tilespmem:s0+$0xB0]  }
0x184: {  	v17 =	vsub.f32 v17, v22;
	v6 =	vadd.f32 v6, v3;
	v22 =	vld [tilespmem:s0+$0x80C0]  }
0x185: {  	v24 =	vld [tilespmem:s0+$0xC0]  }
0x186: {  	v3 =	vmul.f32 v17, v17;
	v6 =	vadd.f32 v7, v6;
	[tilespmem:s0+$0x8090] =	vst v17;
	v17 =	vsub.f32 v21, v4;
	v21 =	vld [tilespmem:s0+$0x80D0]  }
0x187: {  	v7 =	vld [tilespmem:s0+$0xD0]  }
0x188: {  	v6 =	vadd.f32 v8, v6;
	v4 =	vmul.f32 v17, v17;
	[tilespmem:s0+$0x80A0] =	vst v17;
	v16 =	vsub.f32 v16, v5;
	v17 =	vld [tilespmem:s0+$0x80E0]  }
0x189: {  	v8 =	vld [tilespmem:s0+$0xE0]  }
0x18a: {  	v9 =	vadd.f32 v9, v6;
	v5 =	vmul.f32 v16, v16;
	[tilespmem:s0+$0x80B0] =	vst v16;
	v16 =	vsub.f32 v22, v24;
	v22 =	vld [tilespmem:s0+$0x80F0]  }
0x18b: {  	v24 =	vld [tilespmem:s0+$0xF0]  }
0x18c: {  	v9 =	vadd.f32 v10, v9;
	v6 =	vmul.f32 v16, v16;
	[tilespmem:s0+$0x80C0] =	vst v16;
	v16 =	vsub.f32 v21, v7;
	v21 =	vld [tilespmem:s0+$0x8480]  }
0x18d: {  	v10 =	vld [tilespmem:s0+$0x480]  }
0x18e: {  	v9 =	vadd.f32 v12, v9;
	v7 =	vmul.f32 v16, v16;
	[tilespmem:s0+$0x80D0] =	vst v16;
	v16 =	vsub.f32 v17, v8;
	v17 =	vld [tilespmem:s0+$0x8490]  }
0x18f: {  	v12 =	vld [tilespmem:s0+$0x490]  }
0x190: {  	v13 =	vadd.f32 v13, v9;
	v8 =	vmul.f32 v16, v16;
	[tilespmem:s0+$0x80E0] =	vst v16;
	v16 =	vsub.f32 v22, v24;
	v22 =	vld [tilespmem:s0+$0x84A0]  }
0x191: {  	v25 =	vmul.f32 v14, v14;
	v24 =	vld [tilespmem:s0+$0x4A0]  }
0x192: {  	v11 =	vadd.f32 v11, v13;
	v9 =	vmul.f32 v16, v16;
	[tilespmem:s0+$0x80F0] =	vst v16;
	v14 =	vsub.f32 v21, v10;
	v21 =	vld [tilespmem:s0+$0x84B0]  }
0x193: {  	v26 =	vmul.f32 v15, v15;
	v13 =	vld [tilespmem:s0+$0x80]  }
0x194: {  	v11 =	vadd.f32 v25, v11;
	v10 =	vmul.f32 v14, v14;
	[tilespmem:s0+$0x8480] =	vst v14;
	v15 =	vsub.f32 v17, v12;
	v14 =	vld [tilespmem:s0+$0x84C0]  }
.Ltmp1:
0x195: {  	v25 =	vmul.f32 v18, v18;
	v16 =	vld [tilespmem:s0+$0x4C0];
	(pc) =	sbr.rel @p0 .LBB2_4-.Ltmp1, $4  }
0x196: {  	v11 =	vadd.f32 v26, v11;
	v12 =	vmul.f32 v15, v15;
	[tilespmem:s0+$0x8490] =	vst v15;
	v18 =	vsub.f32 v22, v24;
	v15 =	vld [tilespmem:s0+$0x84D0]  }
0x197: {  	v19 =	vsub.f32 v21, v19;
	v17 =	vld [tilespmem:s0+$0x4D0];
	v21 =	vmul.f32 v20, v20  }
0x198: {  	v22 =	vadd.f32 v25, v11;
	v20 =	vsub.f32 v23, v13;
	v13 =	vmul.f32 v18, v18;
	[tilespmem:s0+$0x84A0] =	vst v18;
	v18 =	vld [tilespmem:s0+$0x84E0]  }
0x199: {  	s13 =	sadd.s32 $0x80, s13;
	s4 =	smov.u32 s14;
	v11 =	vmul.f32 v19, v19;
	[tilespmem:s0+$0x84B0] =	vst v19;
	v19 =	vld [tilespmem:s0+$0x4E0]  }
0x19a: {  	v23 =	vmul.f32 v20, v20;
	v21 =	vadd.f32 v21, v22;
	_ =	sdelay $0x1  }
0x19b: {  	v21 =	vadd.f32 v23, v21;
	_ =	sdelay $0x1  }
0x19c: {  	v3 =	vadd.f32 v3, v21;
	_ =	sdelay $0x1  }
0x19d: {  	v3 =	vadd.f32 v4, v3;
	_ =	sdelay $0x1  }
0x19e: {  	v3 =	vadd.f32 v5, v3;
	_ =	sdelay $0x1  }
0x19f: {  	v3 =	vadd.f32 v6, v3;
	_ =	sdelay $0x1  }
0x1a0: {  	v3 =	vadd.f32 v7, v3;
	_ =	sdelay $0x1  }
0x1a1: {  	v3 =	vadd.f32 v8, v3;
	_ =	sdelay $0x1  }
0x1a2: {  	v3 =	vadd.f32 v9, v3;
	_ =	sdelay $0x1  }
0x1a3: {  	v3 =	vadd.f32 v10, v3;
	_ =	sdelay $0x1  }
0x1a4: {  	v3 =	vadd.f32 v12, v3  }
0x1a5: {  	v57 =	vld [tilespmem:s0+$0x84F0]  }
0x1a6: {  	v58 =	vsub.f32 v14, v16;
	v59 =	vld [tilespmem:s0+$0x4F0];
	v3 =	vadd.f32 v13, v3;
	_ =	sdelay $0x1  }
0x1a7: {  	v60 =	vsub.f32 v15, v17;
	v61 =	vmul.f32 v58, v58;
	v3 =	vadd.f32 v11, v3  }
0x1a8: {  	[tilespmem:s0+$0x8080] =	vst v20  }
0x1a9: {  	[tilespmem:s0+$0x84C0] =	vst v58;
	v62 =	vsub.f32 v18, v19;
	v63 =	vmul.f32 v60, v60;
	v3 =	vadd.f32 v61, v3  }
0x1aa: {  	[tilespmem:s0+$0x84D0] =	vst v60;
	v4 =	vsub.f32 v57, v59  }
0x1ab: {  	[tilespmem:s0+$0x84E0] =	vst v62;
	v5 =	vmul.f32 v62, v62;
	v3 =	vadd.f32 v63, v3  }
0x1ac: {  	[tilespmem:s0+$0x84F0] =	vst v4  }
0x1ad: {  	v4 =	vmul.f32 v4, v4;
	[hbm4b:s9+s3] =	stream.linear.scatter [tilespmem:s31], [sflag:$0x2], $0x8000, $0x38;
	v3 =	vadd.f32 v5, v3;
	[tilespmem:$0x10100] =	vst v63  }
0x1ae: {  	_ =	swait.ge [sflag:s12], $0x8000  }
0x1af: {  	s2 =	sadd.s32 $0x1, s2;
	[sflag:s12] =	ssyncset.done $0x0;
	v3 =	vadd.f32 v4, v3  }
0x1b0: {  	p0 =	sne.s32 s2, s11;
	[sflag:s12] =	ssyncadd.s32 $0xFFFF8000  }
.Ltmp2:
0x1b1: {  	s16 =	simm.s32 $0x10080;
	[tilespmem:$0x10080] =	vst v3;
	(pc) =	sbr.rel @p0 .LBB2_1-.Ltmp2, $4  }
0x1b2: {  	[hbm4b:s10+s3] =	stream.linear.scatter [tilespmem:s16], [sflag:$0x2], $0x80, $0x38;
	[tilespmem:$0x10100] =	vst v63  }
0x1b3: {  	_ =	swait.ge [sflag:s12], $0x80  }
0x1b4: {  	[sflag:s12] =	ssyncset.done $0x0  }
0x1b5: {  	[sflag:s12] =	ssyncadd.s32 $0xFFFFFF80  }
0x1b6: {  	_ =	sfence.sel $0x180000  }
0x1b7: {  	[bflag:$0x0] =	sbarrier.arrive $0xFFFF  }
0x1b8: {  	_ =	strace $0x9000004A  }
0x1b9: {  	s0 =	stileid.u32;
	[bflag:$0x2] =	sbarrier.arrive $0xFFFF  }
0x1ba: {  	p0 =	sne.s32 s0, $0x0;
	s0 =	rddreg [dreg:$0x3]  }
0x1bb: {  	s0 =	sadd.s32 @!p0 $0x100000, s0  }
0x1bc: {  	[sflag:s0] =	ssyncadd.tile.s32 @!p0 $0x1;
	_ =	shalt  }
.Lfunc_end2:
_tile_overlayer_lowered:
.L_overlay_start_2:
0x1bd: {  	(tag) =	ssettag $0x2  }
0x1be: {  	s0 =	rddreg [dreg:$0x0];
	s2 =	stileid.u32  }
0x1bf: {  	s1 =	rddreg [dreg:$0x1];
	p0 =	sne.s32 s2, $0x0  }
0x1c0: {  	s3 =	rddreg [dreg:$0x2];
	[bflag:$0x3] =	sbarrier.arrive $0xFFFF;
	s2 =	simm.s32 @!p0 $0x1C02  }
0x1c1: {  	[timem:s3], [sflag:s2] =	dma.local @!p0 [hbm:s0], s1  }
0x1c2: {  	s0 =	simm.s32 @!p0 $0x2  }
0x1c3: {  	_ =	swait.ge @!p0 [sflag:s0], s1  }
0x1c4: {  	s1 =	ssub.s32 @!p0 $0x0, s1;
	[sflag:s0] =	ssyncset.done @!p0 $0x0  }
0x1c5: {  	[sflag:s0] =	ssyncadd.s32 @!p0 s1  }
0x1c6: {  	[bflag:$0x3] =	sbarrier.arrive $0xFFFF  }
0x1c7: {  	_ =	shalt  }

// kernel: kernel.20.cloned.1.call-start
scs
__scs_entry_jumppad:
0x0: {  	(pc) =	sbr.rel $0x88, $3  }
0x1: {  	(tag) =	ssettag $0x0;
	lr =	simm.s32 $0x1  }
0x2: {  	[smem:$0x3F9F] =	sst lr;
	_ =	strace $0xD0000000  }
0x3: {  	_ = 	snop  }
0x4: {  	_ = 	snop  }
0x5: {  	_ = 	snop  }
0x6: {  	_ = 	snop  }
0x7: {  	_ = 	snop  }
__scs_overlays_trampoline_lowered:
0x8: {  	[smem:$0x3FAE] =	sst s0  }
0x9: {  	[smem:$0x3FAF] =	sst s1  }
0xa: {  	[smem:$0x3FB0] =	sst s2  }
0xb: {  	[smem:$0x3FB1] =	sst s3  }
0xc: {  	[smem:$0x3FB2] =	sst s4  }
0xd: {  	[smem:$0x3FB3] =	sst s5  }
0xe: {  	[smem:$0x3FB4] =	sst s6  }
0xf: {  	[smem:$0x3FB5] =	sst s7  }
0x10: {  	[smem:$0x3FB6] =	sst s8  }
0x11: {  	[smem:$0x3FB7] =	sst s9;
	s0 =	simm.s32 @!p0 $0x0  }
0x12: {  	s1 =	sld [smem:$0x3F9D];
	s0 =	simm.s32 @p0 $0x1  }
0x13: {  	[smem:$0x3FB8] =	sst s0;
	s0 =	simm.s32 @!p1 $0x0  }
0x14: {  	s2 =	sld [smem:$0x3F9C];
	s0 =	simm.s32 @p1 $0x1  }
0x15: {  	[smem:$0x3FB9] =	sst s0;
	s0 =	simm.s32 @!p2 $0x0  }
0x16: {  	s3 =	sld [smem:$0x3FDB];
	s0 =	simm.s32 @p2 $0x1  }
0x17: {  	s4 =	simm.s32 $0x1BF5;
	[smem:$0x3FBB] =	sst s0  }
0x18: {  	s0 =	sld [smem:$0x3F9E];
	_ =	swait.ge [sflag:s4], $0x0  }
0x19: {  	s7 =	sld [smem:$0x3F9F]  }
0x1a: {  	s8 =	sadd.s32 $0xFFFFE003, lr  }
0x1b: {  	s9 =	sadd.s32 $0xFFFFFEF7, lr;
	s5 =	simm.s32 $0xFFFFFFFF;
	p2 =	slt.u32 s8, $0xFFFFF086  }
0x1c: {  	p1 =	slt.u32 s9, $0xF7A;
	s5 =	simm.s32 @!p2 $0x0  }
0x1d: {  	s5 =	simm.s32 @p1 $0x1;
	p0 =	seq.s32 s7, s2  }
0x1e: {  	s7 =	smul.u32 @!p0 $0xF7A, s2;
	p2 =	seq.s32 @!p0 s5, $0x0  }
0x1f: {  	s9 =	smul.u32 $0xF7A, s1;
	s8 =	simm.s32 @!p0 $0x1BF5;
	p2 =	por !p2, p0  }
0x20: {  	[sflag:s8] =	ssyncset.s32 @!p0 $0xFFFFF086;
	s6 =	sadd.s32 @!p0 s3, s7;
	s7 =	simm.s32 @!p0 $0x108  }
0x21: {  	s3 =	sadd.s32 s3, s9;
	s6 =	sadd.s32 @!p0 $0x88, s6;
	s7 =	simm.s32 @p2 $0x1082  }
0x22: {  	[simem:s7], [sflag:s8] =	dma.local @!p0 [hbm:s6], $0xF7A  }
0x23: {  	s9 =	sor.u32 $0xD0000000, s2;
	s6 =	simm.s32 $0x108;
	_ =	swait.ge @!p0 [sflag:s8], $0x0  }
0x24: {  	s3 =	sadd.s32 $0x88, s3;
	s6 =	simm.s32 @!p1 $0x1082;
	[sflag:s4] =	ssyncset.s32 $0xFFFFF086  }
0x25: {  	[simem:s6], [sflag:s4] =	dma.local [hbm:s3], $0xF7A  }
0x26: {  	[smem:$0x3F9F] =	sst s1;
	(tag) =	ssettag s2;
	_ =	strace s9  }
0x27: {  	s1 =	sld [smem:$0x3FAF]  }
0x28: {  	s2 =	sld [smem:$0x3FB0]  }
0x29: {  	s4 =	sld [smem:$0x3FB2]  }
0x2a: {  	p0 =	seq.s32 s5, $0x0;
	s5 =	sld [smem:$0x3FB3]  }
0x2b: {  	s6 =	sld [smem:$0x3FB4]  }
0x2c: {  	s7 =	sld [smem:$0x3FB5]  }
0x2d: {  	s3 =	simm.s32 $0x108;
	s8 =	sld [smem:$0x3FB6]  }
0x2e: {  	s3 =	simm.s32 @!p0 $0x1082;
	s9 =	sld [smem:$0x3FB7]  }
0x2f: {  	lr =	sadd.s32 s0, s3;
	s0 =	sld [smem:$0x3FAE]  }
0x30: {  	s3 =	sld [smem:$0x3FB1]  }
0x31: {  	[smem:$0x3FBA] =	sst s10  }
0x32: {  	s10 =	sld [smem:$0x3FB8];
	_ =	sdelay $0x3  }
0x33: {  	p0 =	seq.s32 s10, $0x1;
	s10 =	sld [smem:$0x3FBA];
	_ =	sdelay $0x3  }
0x34: {  	[smem:$0x3FBA] =	sst s10  }
0x35: {  	s10 =	sld [smem:$0x3FB9];
	_ =	sdelay $0x3  }
0x36: {  	p1 =	seq.s32 s10, $0x1;
	s10 =	sld [smem:$0x3FBA];
	_ =	sdelay $0x3  }
0x37: {  	[smem:$0x3FBA] =	sst s10  }
0x38: {  	s10 =	sld [smem:$0x3FBB]  }
0x39: {  	_ = 	snop;
	(pc) =	sbr.ind lr, $3  }
0x3a: {  	_ = 	snop  }
0x3b: {  	_ = 	snop  }
0x3c: {  	p2 =	seq.s32 s10, $0x1;
	s10 =	sld [smem:$0x3FBA]  }
0x3d: {  	_ =	shalt  }
0x3e: {  	_ =	shalt  }
0x3f: {  	_ =	shalt  }
0x40: {  	_ =	shalt  }
0x41: {  	_ =	shalt  }
0x42: {  	_ =	shalt  }
0x43: {  	_ =	shalt  }
0x44: {  	_ =	shalt  }
0x45: {  	_ =	shalt  }
0x46: {  	_ =	shalt  }
0x47: {  	_ =	shalt  }
0x48: {  	_ =	shalt  }
0x49: {  	_ =	shalt  }
0x4a: {  	_ =	shalt  }
0x4b: {  	_ =	shalt  }
0x4c: {  	_ =	shalt  }
0x4d: {  	_ =	shalt  }
0x4e: {  	_ =	shalt  }
0x4f: {  	_ =	shalt  }
0x50: {  	_ =	shalt  }
0x51: {  	_ =	shalt  }
0x52: {  	_ =	shalt  }
0x53: {  	_ =	shalt  }
0x54: {  	_ =	shalt  }
0x55: {  	_ =	shalt  }
0x56: {  	_ =	shalt  }
0x57: {  	_ =	shalt  }
0x58: {  	_ =	shalt  }
0x59: {  	_ =	shalt  }
0x5a: {  	_ =	shalt  }
0x5b: {  	_ =	shalt  }
0x5c: {  	_ =	shalt  }
0x5d: {  	_ =	shalt  }
0x5e: {  	_ =	shalt  }
0x5f: {  	_ =	shalt  }
0x60: {  	_ =	shalt  }
0x61: {  	_ =	shalt  }
0x62: {  	_ =	shalt  }
0x63: {  	_ =	shalt  }
0x64: {  	_ =	shalt  }
0x65: {  	_ =	shalt  }
0x66: {  	_ =	shalt  }
0x67: {  	_ =	shalt  }
0x68: {  	_ =	shalt  }
0x69: {  	_ =	shalt  }
0x6a: {  	_ =	shalt  }
0x6b: {  	_ =	shalt  }
0x6c: {  	_ =	shalt  }
0x6d: {  	_ =	shalt  }
0x6e: {  	_ =	shalt  }
0x6f: {  	_ =	shalt  }
0x70: {  	_ =	shalt  }
0x71: {  	_ =	shalt  }
0x72: {  	_ =	shalt  }
0x73: {  	_ =	shalt  }
0x74: {  	_ =	shalt  }
0x75: {  	_ =	shalt  }
0x76: {  	_ =	shalt  }
0x77: {  	_ =	shalt  }
0x78: {  	_ =	shalt  }
0x79: {  	_ =	shalt  }
0x7a: {  	_ =	shalt  }
0x7b: {  	_ =	shalt  }
0x7c: {  	_ =	shalt  }
0x7d: {  	_ =	shalt  }
0x7e: {  	_ =	shalt  }
0x7f: {  	_ =	shalt  }
0x80: {  	_ =	shalt  }
0x81: {  	_ =	shalt  }
0x82: {  	_ =	shalt  }
0x83: {  	_ =	shalt  }
0x84: {  	_ =	shalt  }
0x85: {  	_ =	shalt  }
0x86: {  	_ =	shalt  }
0x87: {  	_ =	shalt  }
.Lfunc_end0:
.L_simem_size_0:
called_computation.2_lowered:
.L_overlay_start_0:
0x88: {  	s2 =	sld [smem:$0x3FD9]  }
0x89: {  	s3 =	sld [smem:$0x3FFE];
	_ =	sdelay $0x1  }
0x8a: {  	s1 =	srdreg.scid  }
0x8b: {  	s0 =	sand.u32 $0x1, s1  }
0x8c: {  	s14 =	sshll.u32 s0, $0xA;
	s2 =	sadd.s32 s3, s2  }
0x8d: {  	s2 =	sadd.s32 s2, s14  }
0x8e: {  	[smem:$0x3FC6] =	sst s2  }
0x8f: {  	_ = 	snop  }
0x90: {  	s2 =	sld [smem:$0x3FD0];
	_ =	sdelay $0x2  }
0x91: {  	s15 =	simm.s32 $0xA;
	s4 =	simm.s32 $0x10  }
0x92: {  	[smem:s4], [sflag:s15] =	dma.local [hbm:s2], $0x1  }
0x93: {  	_ =	swait.eq [sflag:s15], $0x1  }
0x94: {  	[sflag:s15] =	ssyncset.done $0x0  }
0x95: {  	[sflag:s15] =	ssyncadd.s32 $0xFFFFFFFF  }
0x96: {  	s16 =	sld [smem:$0x12];
	(tm) =	ssettm $0x1  }
0x97: {  	s17 =	sld [smem:$0x3FFB];
	_ =	sdelay $0x3  }
0x98: {  	_ =	strace s17  }
0x99: {  	s3 =	sld [smem:$0x3FFC];
	_ =	sdelay $0x3  }
0x9a: {  	_ =	strace s3  }
0x9b: {  	s3 =	sld [smem:$0x3FFD];
	_ =	sdelay $0x3  }
0x9c: {  	_ =	strace s3  }
0x9d: {  	_ =	strace $0x8FFFFFFF  }
0x9e: {  	s18 =	sld [smem:$0x3FDB];
	_ =	sdelay $0x1  }
0x9f: {  	s19 =	simm.s32 $_scs_section_size  }
0xa0: {  	s5 =	simm.s32 $_size__tile_overlayer_lowered;
	s6 =	simm.s32 $_tile_overlayer_lowered  }
0xa1: {  	s22 =	simm.s32 $0x1BFF;
	s21 =	sshll.u32 s6, $0x1;
	s3 =	sadd.s32 s19, s18  }
0xa2: {  	s7 =	simm.s32 $0x0;
	s20 =	sshll.u32 s5, $0x1;
	s5 =	sadd.s32 s21, s3  }
0xa3: {  	[timem:s7], [sflag:s22] =	dma.local [hbm:s5], s20  }
0xa4: {  	_ =	swait.ge [sflag:s22], s20  }
0xa5: {  	s4 =	ssub.s32 $0x0, s20;
	[sflag:s22] =	ssyncset.done $0x0  }
0xa6: {  	[sflag:s22] =	ssyncadd.s32 s4;
	_ =	sdelay $0x1  }
0xa7: {  	s23 =	simm.s32 $0x1B8B  }
0xa8: {  	_ =	swait.ge [sflag:s23], $0x1  }
0xa9: {  	[sflag:s23] =	ssyncset.done $0x0  }
0xaa: {  	s25 =	simm.s32 $0x1B8E;
	s24 =	sld [smem:$0x3FFE];
	[sflag:s23] =	ssyncadd.s32 $0xFFFFFFFF  }
0xab: {  	s26 =	simm.s32 $execute0_lowered;
	[smem:$0x3FD2] =	sst s25  }
0xac: {  	s5 =	sshll.u32 s26, $0x1;
	_ =	strace $0x8000004C;
	[dreg:$0x1] =	wrdreg $0xFFFFFFFF  }
0xad: {  	s28 =	simm.s32 $_size_execute0_lowered;
	s3 =	sadd.s32 s3, s5;
	[dreg:$0x0] =	wrdreg $0x0  }
0xae: {  	s5 =	sshll.u32 s28, $0x1;
	[dreg:$0x2] =	wrdreg s3  }
0xaf: {  	[dreg:$0x3] =	wrdreg s5  }
0xb0: {  	[dreg:$0x4] =	wrdreg $0xC0  }
0xb1: {  	_ =	task [dreg:s7], $0x5FFFF  }
0xb2: {  	[dreg:$0x1] =	wrdreg $0xFFFFFFFF  }
0xb3: {  	[dreg:$0x0] =	wrdreg $0x60  }
0xb4: {  	[dreg:$0x2] =	wrdreg s24  }
0xb5: {  	[dreg:$0x3] =	wrdreg s16  }
0xb6: {  	[dreg:$0x4] =	wrdreg $0x9  }
0xb7: {  	_ =	task.clear_ibuf [dreg:s7], $0x5FFFF;
	_ =	strace $0x9000004C  }
0xb8: {  	s29 =	simm.s32 $0x9;
	_ =	strace $0x8000004E  }
0xb9: {  	_ =	swait.ge [sflag:s29], $0x1  }
0xba: {  	[sflag:s29] =	ssyncadd.s32 $0xFFFFFFFF  }
0xbb: {  	_ =	strace $0x9000004E  }
0xbc: {  	_ =	sfence  }
0xbd: {  	s30 =	sld [smem:$0x0];
	_ =	sdelay $0x2  }
0xbe: {  	s31 =	sshll.u32 s1, $0xD;
	s1 =	sshrl.u32 s1, $0x2  }
0xbf: {  	s3 =	sand.u32 $0x4000, s31;
	s1 =	sadd.s32 s1, s30  }
0xc0: {  	s0 =	sor.u32 s3, s0;
	s1 =	sshll.u32 s1, $0x11  }
0xc1: {  	s0 =	sor.u32 s1, s0  }
0xc2: {  	s0 =	sadd.s32 $0x8F2B, s0  }
0xc3: {  	[sflag:s0] =	ssyncadd.remote.s32 $0x1  }
0xc4: {  	_ =	sfence.sel $0xFFFF  }
0xc5: {  	[dreg:$0x0] =	wrdreg $0xFFFFFFFF;
	(pc) =	sbr.abs _section_cstart, $3  }
0xc6: {  	[dreg:$0x1] =	wrdreg $0xFFFFFFFF  }
0xc7: {  	_ =	task.clear_ibuf [dreg:s7], $0x2FFFF;
	_ =	strace $0x9FFFFFFF  }
0xc8: {  	(tm) =	ssettm $0x7FFFFFFF  }
0xc9: {  	_ =	shalt  }
tec
execute0_lowered:
.L_overlay_start_1:
0x0: {  	(tag) =	ssettag $0x1  }
0x1: {  	s0 =	rddreg [dreg:$0x0]  }
0x2: {  	s1 =	rddreg [dreg:$0x1];
	s2 =	simm.s32 $0x0;
	s3 =	srdreg.scid  }
0x3: {  	s5 =	stileid.u32;
	s12 =	simm.s32 $0x2;
	s17 =	simm.s32 $0x2080  }
0x4: {  	s18 =	simm.s32 $0x2880;
	s19 =	simm.s32 $0x3080;
	s20 =	simm.s32 $0x3880  }
0x5: {  	s21 =	simm.s32 $0x4080;
	s22 =	simm.s32 $0x4880;
	s23 =	simm.s32 $0x5080  }
0x6: {  	s28 =	simm.s32 $0x7080;
	s29 =	simm.s32 $0x7880;
	s30 =	simm.s32 $0x1  }
0x7: {  	s31 =	simm.s32 $0x8080;
	[smem:$0x7FF] =	sst s2;
	s4 =	sand.u32 $0x1, s3  }
0x8: {  	s5 =	sshll.u32 s5, $0x1;
	s3 =	sadd.s32 $0x2400, s0;
	s8 =	sadd.s32 $0x102600, s0  }
0x9: {  	s9 =	sadd.s32 $0x142600, s0;
	s5 =	sor.u32 s4, s5;
	s4 =	ssub.s32 $0x2, s4  }
0xa: {  	_ =	strace $0x8000004D;
	s6 =	sshll.u32 s5, $0x4;
	s24 =	sshrl.u32 s4, $0x1  }
0xb: {  	s25 =	sshll.u32 s5, $0x8;
	s7 =	sshll.u32 s5, $0x5;
	s26 =	sshll.u32 s5, $0xD  }
0xc: {  	s0 =	sadd.s32 s6, s0;
	s4 =	ssub.s32 s4, s24;
	s7 =	sadd.s32 s1, s7  }
0xd: {  	s6 =	sor.u32 $0x80, s25;
	s5 =	sadd.s32 s8, s26;
	s24 =	simm.s32 $0x5880  }
0xe: {  	s25 =	simm.s32 $0x6080;
	[dreg:$0x3] =	wrdreg s7;
	s10 =	sshrl.u32 s6, $0x3  }
0xf: {  	v2 =	vlaneseq.u32;
	s11 =	sshll.u32 s6, $0x5;
	s6 =	sadd.s32 s9, s26;
	s26 =	simm.s32 $0x6880  }
0x10: {  	vm0 =	vmmov $0xffff;
	v1 =	vshrl.u32 v2, $0x3;
	s7 =	sadd.s32 s1, s10;
	s8 =	sadd.s32 s8, s11;
	s9 =	sadd.s32 s9, s11  }
0x11: {  	v0 =	vand.u32 $0x7, v2;
	v2 =	vor.u32 $0x8, v2;
	v1 =	vmul.u32 $0x8, v1;
	s10 =	sadd.s32 $0xC2600, s0;
	s11 =	smax.u32 s4, $0x1;
	s1 =	simm.s32 $0x0  }
.LBB2_1:
0x12: {  	s0 =	rddreg [dreg:$0x3]  }
0x13: {  	[tilespmem:s2], [sflag:$0x2] =	stream.linear.gather [hbm4b:s0+s2], $0x80, $0x38;
	[tilespmem:$0x10100] =	vst v63  }
0x14: {  	_ =	swait.ge [sflag:s12], $0x80  }
0x15: {  	[sflag:s12] =	ssyncset.done $0x0  }
0x16: {  	[sflag:s12] =	ssyncadd.s32 $0xFFFFFF80  }
0x17: {  	v3 =	vld [tilespmem:$0x0];
	_ =	sdelay $0x4  }
0x18: {  	v4 =	vshll.u32 v3, $0x1  }
0x19: {  	v3 =	vand.u32 $0x7, v3;
	v4 =	vand.u32 $0xFFFFFFF0, v4  }
0x1a: {  	v3 =	vor.u32 v3, v4  }
0x1b: {  	v4 =	vperm.xlane v3, v0;
	_ =	sdelay $0x1  }
0x1c: {  	v3 =	vperm.xlane v3, v2;
	v4 =	vadd.s32 v1, v4;
	_ =	sdelay $0x1  }
0x1d: {  	v3 =	vadd.s32 v1, v3;
	_ =	sdelay $0x1  }
0x1e: {  	s15 =	simm.s32 $0x80  }
0x1f: {  	[tilespmem:s15], [sflag:$0x1] =	stream.indirect_vreg.gather [hbm4b:s3+s2], $0x80, v4, vm0, $0xb8;
	[tilespmem:$0x10100] =	vst v63  }
0x20: {  	s16 =	simm.s32 $0x880  }
0x21: {  	[tilespmem:s16], [sflag:$0x1] =	stream.indirect_vreg.gather [hbm4b:s3+s2], $0x80, v3, vm0, $0xb8;
	[tilespmem:$0x10100] =	vst v63  }
0x22: {  	v3 =	vld [tilespmem:$0x10];
	_ =	sdelay $0x4  }
0x23: {  	v4 =	vshll.u32 v3, $0x1  }
0x24: {  	v3 =	vand.u32 $0x7, v3;
	v4 =	vand.u32 $0xFFFFFFF0, v4  }
0x25: {  	v3 =	vor.u32 v3, v4  }
0x26: {  	v4 =	vperm.xlane v3, v0;
	_ =	sdelay $0x1  }
0x27: {  	v3 =	vperm.xlane v3, v2;
	v4 =	vadd.s32 v1, v4;
	_ =	sdelay $0x1  }
0x28: {  	v3 =	vadd.s32 v1, v3;
	_ =	sdelay $0x1  }
0x29: {  	s4 =	simm.s32 $0x1080  }
0x2a: {  	[tilespmem:s4], [sflag:$0x1] =	stream.indirect_vreg.gather [hbm4b:s3+s2], $0x80, v4, vm0, $0xb8;
	[tilespmem:$0x10100] =	vst v63  }
0x2b: {  	s13 =	simm.s32 $0x1880  }
0x2c: {  	[tilespmem:s13], [sflag:$0x1] =	stream.indirect_vreg.gather [hbm4b:s3+s2], $0x80, v3, vm0, $0xb8;
	[tilespmem:$0x10100] =	vst v63  }
0x2d: {  	v3 =	vld [tilespmem:$0x20];
	_ =	sdelay $0x4  }
0x2e: {  	v4 =	vshll.u32 v3, $0x1  }
0x2f: {  	v3 =	vand.u32 $0x7, v3;
	v4 =	vand.u32 $0xFFFFFFF0, v4  }
0x30: {  	v3 =	vor.u32 v3, v4  }
0x31: {  	v4 =	vperm.xlane v3, v0;
	_ =	sdelay $0x1  }
0x32: {  	v3 =	vperm.xlane v3, v2;
	v4 =	vadd.s32 v1, v4;
	_ =	sdelay $0x1  }
0x33: {  	v3 =	vadd.s32 v1, v3;
	_ =	sdelay $0x2  }
0x34: {  	[tilespmem:s17], [sflag:$0x1] =	stream.indirect_vreg.gather [hbm4b:s3+s2], $0x80, v4, vm0, $0xb8;
	[tilespmem:$0x10100] =	vst v63  }
0x35: {  	_ = 	snop  }
0x36: {  	[tilespmem:s18], [sflag:$0x1] =	stream.indirect_vreg.gather [hbm4b:s3+s2], $0x80, v3, vm0, $0xb8;
	[tilespmem:$0x10100] =	vst v63  }
0x37: {  	v3 =	vld [tilespmem:$0x30];
	_ =	sdelay $0x4  }
0x38: {  	v4 =	vshll.u32 v3, $0x1  }
0x39: {  	v3 =	vand.u32 $0x7, v3;
	v4 =	vand.u32 $0xFFFFFFF0, v4  }
0x3a: {  	v3 =	vor.u32 v3, v4  }
0x3b: {  	v4 =	vperm.xlane v3, v0;
	_ =	sdelay $0x1  }
0x3c: {  	v3 =	vperm.xlane v3, v2;
	v4 =	vadd.s32 v1, v4;
	_ =	sdelay $0x1  }
0x3d: {  	v3 =	vadd.s32 v1, v3;
	_ =	sdelay $0x2  }
0x3e: {  	[tilespmem:s19], [sflag:$0x1] =	stream.indirect_vreg.gather [hbm4b:s3+s2], $0x80, v4, vm0, $0xb8;
	[tilespmem:$0x10100] =	vst v63  }
0x3f: {  	_ = 	snop  }
0x40: {  	[tilespmem:s20], [sflag:$0x1] =	stream.indirect_vreg.gather [hbm4b:s3+s2], $0x80, v3, vm0, $0xb8;
	[tilespmem:$0x10100] =	vst v63  }
0x41: {  	v3 =	vld [tilespmem:$0x40];
	_ =	sdelay $0x4  }
0x42: {  	v4 =	vshll.u32 v3, $0x1  }
0x43: {  	v3 =	vand.u32 $0x7, v3;
	v4 =	vand.u32 $0xFFFFFFF0, v4  }
0x44: {  	v3 =	vor.u32 v3, v4  }
0x45: {  	v4 =	vperm.xlane v3, v0;
	_ =	sdelay $0x1  }
0x46: {  	v3 =	vperm.xlane v3, v2;
	v4 =	vadd.s32 v1, v4;
	_ =	sdelay $0x1  }
0x47: {  	v3 =	vadd.s32 v1, v3;
	_ =	sdelay $0x2  }
0x48: {  	[tilespmem:s21], [sflag:$0x1] =	stream.indirect_vreg.gather [hbm4b:s3+s2], $0x80, v4, vm0, $0xb8;
	[tilespmem:$0x10100] =	vst v63  }
0x49: {  	_ = 	snop  }
0x4a: {  	[tilespmem:s22], [sflag:$0x1] =	stream.indirect_vreg.gather [hbm4b:s3+s2], $0x80, v3, vm0, $0xb8;
	[tilespmem:$0x10100] =	vst v63  }
0x4b: {  	v3 =	vld [tilespmem:$0x50];
	_ =	sdelay $0x4  }
0x4c: {  	v4 =	vshll.u32 v3, $0x1  }
0x4d: {  	v3 =	vand.u32 $0x7, v3;
	v4 =	vand.u32 $0xFFFFFFF0, v4  }
0x4e: {  	v3 =	vor.u32 v3, v4  }
0x4f: {  	v4 =	vperm.xlane v3, v0;
	_ =	sdelay $0x1  }
0x50: {  	v3 =	vperm.xlane v3, v2;
	v4 =	vadd.s32 v1, v4;
	_ =	sdelay $0x1  }
0x51: {  	v3 =	vadd.s32 v1, v3;
	_ =	sdelay $0x2  }
0x52: {  	[tilespmem:s23], [sflag:$0x1] =	stream.indirect_vreg.gather [hbm4b:s3+s2], $0x80, v4, vm0, $0xb8;
	[tilespmem:$0x10100] =	vst v63  }
0x53: {  	_ = 	snop  }
0x54: {  	[tilespmem:s24], [sflag:$0x1] =	stream.indirect_vreg.gather [hbm4b:s3+s2], $0x80, v3, vm0, $0xb8;
	[tilespmem:$0x10100] =	vst v63  }
0x55: {  	v3 =	vld [tilespmem:$0x60];
	_ =	sdelay $0x4  }
0x56: {  	v4 =	vshll.u32 v3, $0x1  }
0x57: {  	v3 =	vand.u32 $0x7, v3;
	v4 =	vand.u32 $0xFFFFFFF0, v4  }
0x58: {  	v3 =	vor.u32 v3, v4  }
0x59: {  	v4 =	vperm.xlane v3, v0;
	_ =	sdelay $0x1  }
0x5a: {  	v3 =	vperm.xlane v3, v2;
	v4 =	vadd.s32 v1, v4;
	_ =	sdelay $0x1  }
0x5b: {  	v3 =	vadd.s32 v1, v3;
	_ =	sdelay $0x2  }
0x5c: {  	[tilespmem:s25], [sflag:$0x1] =	stream.indirect_vreg.gather [hbm4b:s3+s2], $0x80, v4, vm0, $0xb8;
	[tilespmem:$0x10100] =	vst v63  }
0x5d: {  	_ = 	snop  }
0x5e: {  	[tilespmem:s26], [sflag:$0x1] =	stream.indirect_vreg.gather [hbm4b:s3+s2], $0x80, v3, vm0, $0xb8;
	[tilespmem:$0x10100] =	vst v63  }
0x5f: {  	v3 =	vld [tilespmem:$0x70];
	_ =	sdelay $0x4  }
0x60: {  	v4 =	vshll.u32 v3, $0x1  }
0x61: {  	v3 =	vand.u32 $0x7, v3;
	v4 =	vand.u32 $0xFFFFFFF0, v4  }
0x62: {  	v3 =	vor.u32 v3, v4  }
0x63: {  	v4 =	vperm.xlane v3, v0;
	_ =	sdelay $0x1  }
0x64: {  	v3 =	vperm.xlane v3, v2;
	v4 =	vadd.s32 v1, v4;
	_ =	sdelay $0x1  }
0x65: {  	v3 =	vadd.s32 v1, v3;
	_ =	sdelay $0x2  }
0x66: {  	[tilespmem:s28], [sflag:$0x1] =	stream.indirect_vreg.gather [hbm4b:s3+s2], $0x80, v4, vm0, $0xb8;
	[tilespmem:$0x10100] =	vst v63  }
0x67: {  	_ = 	snop  }
0x68: {  	[tilespmem:s29], [sflag:$0x1] =	stream.indirect_vreg.gather [hbm4b:s3+s2], $0x80, v3, vm0, $0xb8;
	[tilespmem:$0x10100] =	vst v63  }
0x69: {  	_ =	swait.ge [sflag:s30], $0x8000  }
0x6a: {  	[sflag:s30] =	ssyncset.done $0x0  }
0x6b: {  	[sflag:s30] =	ssyncadd.s32 $0xFFFF8000  }
0x6c: {  	[tilespmem:s31], [sflag:$0x2] =	stream.linear.gather [hbm4b:s5+s2], $0x8000, $0x38;
	[tilespmem:$0x10100] =	vst v63  }
0x6d: {  	_ =	swait.ge [sflag:s12], $0x8000  }
0x6e: {  	s14 =	sand.u32 $0x7800, s2;
	s4 =	sand.u32 $0x380, s2;
	[sflag:s12] =	ssyncset.done $0x0  }
0x6f: {  	s13 =	sor.u32 s4, s14;
	[sflag:s12] =	ssyncadd.s32 $0xFFFF8000  }
0x70: {  	v3 =	vld [tilespmem:s13+$0x90]  }
0x71: {  	v4 =	vld [tilespmem:s13+$0x8090]  }
0x72: {  	v5 =	vld [tilespmem:s13+$0x8080]  }
0x73: {  	v6 =	vld [tilespmem:s13+$0x4B0]  }
0x74: {  	v7 =	vld [tilespmem:s13+$0x80A0]  }
0x75: {  	v8 =	vld [tilespmem:s13+$0xA0]  }
0x76: {  	v9 =	vld [tilespmem:s13+$0x80B0]  }
0x77: {  	v10 =	vld [tilespmem:s13+$0xB0]  }
0x78: {  	v11 =	vld [tilespmem:s13+$0x80C0]  }
0x79: {  	v12 =	vld [tilespmem:s13+$0xC0]  }
0x7a: {  	v13 =	vld [tilespmem:s13+$0x80D0]  }
0x7b: {  	v14 =	vld [tilespmem:s13+$0xD0]  }
0x7c: {  	v15 =	vld [tilespmem:s13+$0x80E0]  }
0x7d: {  	v16 =	vld [tilespmem:s13+$0xE0]  }
0x7e: {  	v17 =	vld [tilespmem:s13+$0x80F0]  }
0x7f: {  	v18 =	vld [tilespmem:s13+$0xF0]  }
0x80: {  	v19 =	vld [tilespmem:s13+$0x8480]  }
0x81: {  	v20 =	vld [tilespmem:s13+$0x480]  }
0x82: {  	v3 =	vsub.f32 v4, v3;
	v4 =	vld [tilespmem:s13+$0x8490]  }
0x83: {  	v7 =	vsub.f32 v7, v8;
	v8 =	vld [tilespmem:s13+$0x490]  }
0x84: {  	v9 =	vsub.f32 v9, v10;
	v10 =	vld [tilespmem:s13+$0x84A0];
	[tilespmem:s13+$0x8090] =	vst v3  }
0x85: {  	v11 =	vsub.f32 v11, v12;
	v12 =	vld [tilespmem:s13+$0x4A0];
	[tilespmem:s13+$0x80A0] =	vst v7  }
0x86: {  	v13 =	vsub.f32 v13, v14;
	v14 =	vld [tilespmem:s13+$0x84B0];
	[tilespmem:s13+$0x80B0] =	vst v9  }
0x87: {  	v15 =	vsub.f32 v15, v16;
	v16 =	vld [tilespmem:s13+$0x80];
	[tilespmem:s13+$0x80C0] =	vst v11  }
0x88: {  	v17 =	vsub.f32 v17, v18;
	v18 =	vld [tilespmem:s13+$0x84C0];
	[tilespmem:s13+$0x80D0] =	vst v13  }
0x89: {  	v19 =	vsub.f32 v19, v20;
	v20 =	vld [tilespmem:s13+$0x4C0];
	[tilespmem:s13+$0x80E0] =	vst v15  }
0x8a: {  	[tilespmem:s13+$0x80F0] =	vst v17;
	v4 =	vsub.f32 v4, v8;
	v8 =	vld [tilespmem:s13+$0x84D0]  }
0x8b: {  	[tilespmem:s13+$0x8480] =	vst v19;
	v10 =	vsub.f32 v10, v12;
	v12 =	vld [tilespmem:s13+$0x4D0]  }
0x8c: {  	v6 =	vsub.f32 v14, v6;
	v14 =	vld [tilespmem:s13+$0x84E0];
	[tilespmem:s13+$0x8490] =	vst v4  }
0x8d: {  	s15 =	simm.s32 $0x100;
	s16 =	simm.s32 $0x80;
	v5 =	vsub.f32 v5, v16;
	v16 =	vld [tilespmem:s13+$0x4E0];
	[tilespmem:s13+$0x84A0] =	vst v10  }
0x8e: {  	s0 =	sand.u32 $0x7800, s15;
	s4 =	sand.u32 $0x380, s16;
	v21 =	vld [tilespmem:s13+$0x84F0];
	[tilespmem:s13+$0x84B0] =	vst v6  }
0x8f: {  	s0 =	sor.u32 s4, s0;
	v18 =	vsub.f32 v18, v20;
	v20 =	vld [tilespmem:s13+$0x4F0];
	[tilespmem:s13+$0x8080] =	vst v5  }
0x90: {  	v5 =	vmul.f32 v5, v5;
	v22 =	vld [tilespmem:s0+$0x90];
	v12 =	vsub.f32 v8, v12  }
0x91: {  	[tilespmem:s13+$0x84C0] =	vst v18;
	v23 =	vld [tilespmem:s0+$0x8090];
	v8 =	vimm.f32 $0.0e+00  }
0x92: {  	v3 =	vmul.f32 v3, v3;
	v25 =	vsub.f32 v14, v16;
	v16 =	vld [tilespmem:s0+$0x80C0];
	v5 =	vadd.f32 v5, v8;
	[tilespmem:s13+$0x84D0] =	vst v12  }
0x93: {  	v26 =	vld [tilespmem:s0+$0x4B0]  }
0x94: {  	v7 =	vmul.f32 v7, v7;
	v3 =	vadd.f32 v3, v5;
	v5 =	vld [tilespmem:s0+$0x80A0];
	[tilespmem:s13+$0x84E0] =	vst v25  }
0x95: {  	v20 =	vsub.f32 v21, v20;
	v8 =	vld [tilespmem:s0+$0xA0]  }
0x96: {  	v9 =	vmul.f32 v9, v9;
	v27 =	vld [tilespmem:s0+$0x84B0];
	v3 =	vadd.f32 v7, v3  }
0x97: {  	[tilespmem:s13+$0x84F0] =	vst v20;
	v7 =	vld [tilespmem:s0+$0x80B0]  }
0x98: {  	v11 =	vmul.f32 v11, v11;
	v14 =	vld [tilespmem:s0+$0xB0];
	v3 =	vadd.f32 v9, v3  }
0x99: {  	v21 =	vld [tilespmem:s0+$0xC0]  }
0x9a: {  	v13 =	vmul.f32 v13, v13;
	v9 =	vsub.f32 v23, v22;
	v22 =	vld [tilespmem:s0+$0x84A0];
	v3 =	vadd.f32 v11, v3  }
0x9b: {  	v23 =	vld [tilespmem:s0+$0x4A0]  }
0x9c: {  	v15 =	vmul.f32 v15, v15;
	v5 =	vsub.f32 v5, v8;
	v8 =	vld [tilespmem:s0+$0x80D0];
	v3 =	vadd.f32 v13, v3  }
0x9d: {  	v11 =	vld [tilespmem:s0+$0xD0]  }
0x9e: {  	v17 =	vmul.f32 v17, v17;
	v7 =	vsub.f32 v7, v14;
	v14 =	vld [tilespmem:s0+$0xE0];
	v3 =	vadd.f32 v15, v3  }
0x9f: {  	v13 =	vld [tilespmem:s0+$0x80E0]  }
0xa0: {  	v19 =	vmul.f32 v19, v19;
	v15 =	vsub.f32 v16, v21;
	v16 =	vld [tilespmem:s0+$0x80F0];
	v3 =	vadd.f32 v17, v3  }
0xa1: {  	v21 =	vld [tilespmem:s0+$0xF0]  }
0xa2: {  	v4 =	vmul.f32 v4, v4;
	v11 =	vsub.f32 v8, v11;
	v8 =	vld [tilespmem:s0+$0x8480];
	v3 =	vadd.f32 v19, v3  }
0xa3: {  	v26 =	vsub.f32 v27, v26;
	v17 =	vld [tilespmem:s0+$0x480]  }
0xa4: {  	v10 =	vmul.f32 v10, v10;
	[tilespmem:s0+$0x8090] =	vst v9;
	v13 =	vsub.f32 v13, v14;
	v14 =	vld [tilespmem:s0+$0x8490];
	v4 =	vadd.f32 v4, v3  }
0xa5: {  	v12 =	vmul.f32 v12, v12;
	[tilespmem:s0+$0x80A0] =	vst v5;
	v23 =	vsub.f32 v22, v23;
	v19 =	vld [tilespmem:s0+$0x490]  }
0xa6: {  	[tilespmem:s0+$0x84B0] =	vst v26;
	v21 =	vsub.f32 v16, v21;
	v16 =	vmul.f32 v6, v6;
	v4 =	vadd.f32 v10, v4  }
0xa7: {  	v24 =	vld [tilespmem:s0+$0x8080];
	[tilespmem:s0+$0x80B0] =	vst v7;
	v6 =	vmul.f32 v5, v5;
	v5 =	vmul.f32 v7, v7  }
0xa8: {  	v28 =	vld [tilespmem:s0+$0x80];
	[tilespmem:s0+$0x84A0] =	vst v23;
	v3 =	vmul.f32 v9, v9;
	v9 =	vmul.f32 v18, v18;
	v4 =	vadd.f32 v16, v4  }
0xa9: {  	v22 =	vld [tilespmem:s0+$0x84E0];
	[tilespmem:s0+$0x80C0] =	vst v15;
	v7 =	vmul.f32 v11, v11;
	v17 =	vsub.f32 v8, v17;
	v8 =	vmul.f32 v15, v15  }
0xaa: {  	[tilespmem:s0+$0x80D0] =	vst v11;
	v10 =	vmul.f32 v13, v13;
	v18 =	vsub.f32 v14, v19;
	v14 =	vld [tilespmem:s0+$0x84C0];
	v4 =	vadd.f32 v9, v4  }
0xab: {  	[tilespmem:s0+$0x80E0] =	vst v13;
	v13 =	vmul.f32 v23, v23;
	v11 =	vmul.f32 v17, v17;
	v16 =	vld [tilespmem:s0+$0x4C0]  }
0xac: {  	v15 =	vld [tilespmem:s0+$0x84D0];
	[tilespmem:s0+$0x8480] =	vst v17;
	v17 =	vmul.f32 v25, v25;
	v19 =	vmul.f32 v20, v20;
	v4 =	vadd.f32 v12, v4  }
0xad: {  	[tilespmem:s0+$0x80F0] =	vst v21;
	v9 =	vmul.f32 v21, v21;
	v21 =	vld [tilespmem:s0+$0x4D0];
	v12 =	vmul.f32 v18, v18  }
0xae: {  	s14 =	simm.s32 $0x200;
	s13 =	simm.s32 $0x100;
	v23 =	vld [tilespmem:s0+$0x4E0];
	[tilespmem:s0+$0x8490] =	vst v18;
	v18 =	vsub.f32 v24, v28;
	v20 =	vadd.f32 v17, v4;
	v4 =	vmul.f32 v26, v26  }
.LBB2_2:
0xaf: {  	s4 =	smov.u32 s14  }
0xb0: {  	s15 =	sand.u32 $0x7800, s14;
	s16 =	sand.u32 $0x380, s13;
	v17 =	vmul.f32 v18, v18;
	v14 =	vsub.f32 v14, v16;
	v16 =	vld [tilespmem:s0+$0x84F0];
	v19 =	vadd.f32 v19, v20;
	s4 =	sadd.s32 $0x100, s14  }
0xb1: {  	p0 =	sne.s32 s14, $0x7F00;
	s15 =	sor.u32 s16, s15;
	[tilespmem:s0+$0x8080] =	vst v18;
	v18 =	vld [tilespmem:s0+$0x4F0]  }
0xb2: {  	v17 =	vadd.f32 v17, v19;
	v15 =	vsub.f32 v15, v21;
	v20 =	vld [tilespmem:s15+$0x90];
	[tilespmem:s0+$0x84C0] =	vst v14  }
0xb3: {  	v19 =	vld [tilespmem:s15+$0x8090]  }
0xb4: {  	v3 =	vadd.f32 v3, v17;
	v17 =	vsub.f32 v22, v23;
	v24 =	vld [tilespmem:s15+$0x8080];
	[tilespmem:s0+$0x84D0] =	vst v15  }
0xb5: {  	v21 =	vld [tilespmem:s15+$0x4B0]  }
0xb6: {  	v3 =	vadd.f32 v6, v3;
	v22 =	vld [tilespmem:s15+$0x80A0];
	[tilespmem:s0+$0x84E0] =	vst v17;
	v18 =	vsub.f32 v16, v18  }
0xb7: {  	v6 =	vld [tilespmem:s15+$0xA0]  }
0xb8: {  	v3 =	vadd.f32 v5, v3;
	v16 =	vld [tilespmem:s15+$0x80B0];
	[tilespmem:s0+$0x84F0] =	vst v18;
	s0 =	smov.u32 s15  }
0xb9: {  	v5 =	vld [tilespmem:s0+$0xB0]  }
0xba: {  	v19 =	vsub.f32 v19, v20;
	v8 =	vadd.f32 v8, v3;
	v20 =	vld [tilespmem:s0+$0x80C0]  }
0xbb: {  	v23 =	vld [tilespmem:s0+$0xC0]  }
0xbc: {  	v3 =	vmul.f32 v19, v19;
	v7 =	vadd.f32 v7, v8;
	[tilespmem:s0+$0x8090] =	vst v19;
	v19 =	vsub.f32 v22, v6;
	v22 =	vld [tilespmem:s0+$0x80D0]  }
0xbd: {  	v25 =	vld [tilespmem:s0+$0xD0]  }
0xbe: {  	v7 =	vadd.f32 v10, v7;
	v6 =	vmul.f32 v19, v19;
	[tilespmem:s0+$0x80A0] =	vst v19;
	v8 =	vsub.f32 v16, v5;
	v16 =	vld [tilespmem:s0+$0x80E0]  }
0xbf: {  	v10 =	vld [tilespmem:s0+$0xE0]  }
0xc0: {  	v7 =	vadd.f32 v9, v7;
	v5 =	vmul.f32 v8, v8;
	[tilespmem:s0+$0x80B0] =	vst v8;
	v19 =	vsub.f32 v20, v23;
	v20 =	vld [tilespmem:s0+$0x80F0]  }
0xc1: {  	v9 =	vld [tilespmem:s0+$0xF0]  }
0xc2: {  	v11 =	vadd.f32 v11, v7;
	v8 =	vmul.f32 v19, v19;
	[tilespmem:s0+$0x80C0] =	vst v19;
	v19 =	vsub.f32 v22, v25;
	v22 =	vld [tilespmem:s0+$0x8480]  }
0xc3: {  	v23 =	vld [tilespmem:s0+$0x480]  }
0xc4: {  	v11 =	vadd.f32 v12, v11;
	v7 =	vmul.f32 v19, v19;
	[tilespmem:s0+$0x80D0] =	vst v19;
	v16 =	vsub.f32 v16, v10;
	v19 =	vld [tilespmem:s0+$0x8490]  }
0xc5: {  	v12 =	vld [tilespmem:s0+$0x490]  }
0xc6: {  	v11 =	vadd.f32 v13, v11;
	v10 =	vmul.f32 v16, v16;
	[tilespmem:s0+$0x80E0] =	vst v16;
	v16 =	vsub.f32 v20, v9;
	v20 =	vld [tilespmem:s0+$0x84A0]  }
0xc7: {  	v25 =	vmul.f32 v14, v14;
	v13 =	vld [tilespmem:s0+$0x4A0]  }
0xc8: {  	v4 =	vadd.f32 v4, v11;
	v9 =	vmul.f32 v16, v16;
	[tilespmem:s0+$0x80F0] =	vst v16;
	v14 =	vsub.f32 v22, v23;
	v22 =	vld [tilespmem:s0+$0x84B0]  }
0xc9: {  	v26 =	vmul.f32 v15, v15;
	v23 =	vld [tilespmem:s0+$0x80]  }
0xca: {  	v4 =	vadd.f32 v25, v4;
	v11 =	vmul.f32 v14, v14;
	[tilespmem:s0+$0x8480] =	vst v14;
	v15 =	vsub.f32 v19, v12;
	v14 =	vld [tilespmem:s0+$0x84C0]  }
.Ltmp0:
0xcb: {  	v17 =	vmul.f32 v17, v17;
	v16 =	vld [tilespmem:s0+$0x4C0];
	(pc) =	sbr.rel @p0 .LBB2_2-.Ltmp0, $4  }
0xcc: {  	v4 =	vadd.f32 v26, v4;
	v12 =	vmul.f32 v15, v15;
	[tilespmem:s0+$0x8490] =	vst v15;
	v20 =	vsub.f32 v20, v13;
	v15 =	vld [tilespmem:s0+$0x84D0]  }
0xcd: {  	v19 =	vmul.f32 v18, v18;
	v25 =	vsub.f32 v22, v21;
	v21 =	vld [tilespmem:s0+$0x4D0]  }
0xce: {  	v18 =	vsub.f32 v24, v23;
	v13 =	vmul.f32 v20, v20;
	[tilespmem:s0+$0x84A0] =	vst v20;
	v22 =	vld [tilespmem:s0+$0x84E0];
	v20 =	vadd.f32 v17, v4  }
0xcf: {  	s13 =	sadd.s32 $0x80, s13;
	s14 =	smov.u32 s4;
	v4 =	vmul.f32 v25, v25;
	[tilespmem:s0+$0x84B0] =	vst v25;
	v23 =	vld [tilespmem:s0+$0x4E0]  }
0xd0: {  	v24 =	vld [tilespmem:s0+$0x84F0]  }
0xd1: {  	v25 =	vld [tilespmem:s0+$0x4F0];
	_ =	sdelay $0x1  }
0xd2: {  	v17 =	vsub.f32 v14, v16  }
0xd3: {  	[tilespmem:s0+$0x8080] =	vst v18;
	v16 =	vsub.f32 v15, v21  }
0xd4: {  	[tilespmem:s0+$0x84C0] =	vst v17;
	v15 =	vsub.f32 v22, v23  }
0xd5: {  	[tilespmem:s0+$0x84D0] =	vst v16;
	v14 =	vsub.f32 v24, v25  }
0xd6: {  	[tilespmem:s0+$0x84E0] =	vst v15  }
0xd7: {  	[tilespmem:s0+$0x84F0] =	vst v14;
	s0 =	simm.s32 $0x0  }
0xd8: {  	[hbm4b:s6+s0] =	stream.linear.scatter [tilespmem:s31], [sflag:$0x2], $0x8000, $0x38;
	[tilespmem:$0x10100] =	vst v63  }
0xd9: {  	_ =	swait.ge [sflag:s12], $0x8000  }
0xda: {  	[sflag:s12] =	ssyncset.done $0x0  }
0xdb: {  	[sflag:s12] =	ssyncadd.s32 $0xFFFF8000  }
0xdc: {  	[tilespmem:s0], [sflag:$0x2] =	stream.linear.gather [hbm4b:s7+s0], $0x80, $0x38;
	[tilespmem:$0x10100] =	vst v63  }
0xdd: {  	_ =	swait.ge [sflag:s12], $0x80  }
0xde: {  	[sflag:s12] =	ssyncset.done $0x0  }
0xdf: {  	[sflag:s12] =	ssyncadd.s32 $0xFFFFFF80  }
0xe0: {  	v21 =	vld [tilespmem:$0x0];
	_ =	sdelay $0x4  }
0xe1: {  	v22 =	vshll.u32 v21, $0x1  }
0xe2: {  	v21 =	vand.u32 $0x7, v21;
	v22 =	vand.u32 $0xFFFFFFF0, v22  }
0xe3: {  	v21 =	vor.u32 v21, v22  }
0xe4: {  	v22 =	vperm.xlane v21, v0;
	_ =	sdelay $0x1  }
0xe5: {  	v21 =	vperm.xlane v21, v2;
	v22 =	vadd.s32 v1, v22;
	_ =	sdelay $0x1  }
0xe6: {  	v21 =	vadd.s32 v1, v21;
	_ =	sdelay $0x1  }
0xe7: {  	s4 =	simm.s32 $0x80  }
0xe8: {  	[tilespmem:s4], [sflag:$0x1] =	stream.indirect_vreg.gather [hbm4b:s3+s0], $0x80, v22, vm0, $0xb8;
	[tilespmem:$0x10100] =	vst v63  }
0xe9: {  	s15 =	simm.s32 $0x880  }
0xea: {  	[tilespmem:s15], [sflag:$0x1] =	stream.indirect_vreg.gather [hbm4b:s3+s0], $0x80, v21, vm0, $0xb8;
	[tilespmem:$0x10100] =	vst v63  }
0xeb: {  	v21 =	vld [tilespmem:$0x10];
	_ =	sdelay $0x4  }
0xec: {  	v22 =	vshll.u32 v21, $0x1  }
0xed: {  	v21 =	vand.u32 $0x7, v21;
	v22 =	vand.u32 $0xFFFFFFF0, v22  }
0xee: {  	v21 =	vor.u32 v21, v22  }
0xef: {  	v22 =	vperm.xlane v21, v0;
	_ =	sdelay $0x1  }
0xf0: {  	v21 =	vperm.xlane v21, v2;
	v22 =	vadd.s32 v1, v22;
	_ =	sdelay $0x1  }
0xf1: {  	v21 =	vadd.s32 v1, v21;
	_ =	sdelay $0x1  }
0xf2: {  	s16 =	simm.s32 $0x1080  }
0xf3: {  	[tilespmem:s16], [sflag:$0x1] =	stream.indirect_vreg.gather [hbm4b:s3+s0], $0x80, v22, vm0, $0xb8;
	[tilespmem:$0x10100] =	vst v63  }
0xf4: {  	s13 =	simm.s32 $0x1880  }
0xf5: {  	[tilespmem:s13], [sflag:$0x1] =	stream.indirect_vreg.gather [hbm4b:s3+s0], $0x80, v21, vm0, $0xb8;
	[tilespmem:$0x10100] =	vst v63  }
0xf6: {  	v21 =	vld [tilespmem:$0x20];
	_ =	sdelay $0x4  }
0xf7: {  	v22 =	vshll.u32 v21, $0x1  }
0xf8: {  	v21 =	vand.u32 $0x7, v21;
	v22 =	vand.u32 $0xFFFFFFF0, v22  }
0xf9: {  	v21 =	vor.u32 v21, v22  }
0xfa: {  	v22 =	vperm.xlane v21, v0;
	_ =	sdelay $0x1  }
0xfb: {  	v21 =	vperm.xlane v21, v2;
	v22 =	vadd.s32 v1, v22;
	_ =	sdelay $0x1  }
0xfc: {  	v21 =	vadd.s32 v1, v21;
	_ =	sdelay $0x2  }
0xfd: {  	[tilespmem:s17], [sflag:$0x1] =	stream.indirect_vreg.gather [hbm4b:s3+s0], $0x80, v22, vm0, $0xb8;
	[tilespmem:$0x10100] =	vst v63  }
0xfe: {  	_ = 	snop  }
0xff: {  	[tilespmem:s18], [sflag:$0x1] =	stream.indirect_vreg.gather [hbm4b:s3+s0], $0x80, v21, vm0, $0xb8;
	[tilespmem:$0x10100] =	vst v63  }
0x100: {  	v21 =	vld [tilespmem:$0x30];
	_ =	sdelay $0x4  }
0x101: {  	v22 =	vshll.u32 v21, $0x1  }
0x102: {  	v21 =	vand.u32 $0x7, v21;
	v22 =	vand.u32 $0xFFFFFFF0, v22  }
0x103: {  	v21 =	vor.u32 v21, v22  }
0x104: {  	v22 =	vperm.xlane v21, v0;
	_ =	sdelay $0x1  }
0x105: {  	v21 =	vperm.xlane v21, v2;
	v22 =	vadd.s32 v1, v22;
	_ =	sdelay $0x1  }
0x106: {  	v21 =	vadd.s32 v1, v21;
	_ =	sdelay $0x2  }
0x107: {  	[tilespmem:s19], [sflag:$0x1] =	stream.indirect_vreg.gather [hbm4b:s3+s0], $0x80, v22, vm0, $0xb8;
	[tilespmem:$0x10100] =	vst v63  }
0x108: {  	_ = 	snop  }
0x109: {  	[tilespmem:s20], [sflag:$0x1] =	stream.indirect_vreg.gather [hbm4b:s3+s0], $0x80, v21, vm0, $0xb8;
	[tilespmem:$0x10100] =	vst v63  }
0x10a: {  	v21 =	vld [tilespmem:$0x40];
	_ =	sdelay $0x4  }
0x10b: {  	v22 =	vshll.u32 v21, $0x1  }
0x10c: {  	v21 =	vand.u32 $0x7, v21;
	v22 =	vand.u32 $0xFFFFFFF0, v22  }
0x10d: {  	v21 =	vor.u32 v21, v22  }
0x10e: {  	v22 =	vperm.xlane v21, v0;
	_ =	sdelay $0x1  }
0x10f: {  	v21 =	vperm.xlane v21, v2;
	v22 =	vadd.s32 v1, v22;
	_ =	sdelay $0x1  }
0x110: {  	v21 =	vadd.s32 v1, v21;
	_ =	sdelay $0x2  }
0x111: {  	[tilespmem:s21], [sflag:$0x1] =	stream.indirect_vreg.gather [hbm4b:s3+s0], $0x80, v22, vm0, $0xb8;
	[tilespmem:$0x10100] =	vst v63  }
0x112: {  	_ = 	snop  }
0x113: {  	[tilespmem:s22], [sflag:$0x1] =	stream.indirect_vreg.gather [hbm4b:s3+s0], $0x80, v21, vm0, $0xb8;
	[tilespmem:$0x10100] =	vst v63  }
0x114: {  	v21 =	vld [tilespmem:$0x50];
	_ =	sdelay $0x4  }
0x115: {  	v22 =	vshll.u32 v21, $0x1  }
0x116: {  	v21 =	vand.u32 $0x7, v21;
	v22 =	vand.u32 $0xFFFFFFF0, v22  }
0x117: {  	v21 =	vor.u32 v21, v22  }
0x118: {  	v22 =	vperm.xlane v21, v0;
	_ =	sdelay $0x1  }
0x119: {  	v21 =	vperm.xlane v21, v2;
	v22 =	vadd.s32 v1, v22;
	_ =	sdelay $0x1  }
0x11a: {  	v21 =	vadd.s32 v1, v21;
	_ =	sdelay $0x2  }
0x11b: {  	[tilespmem:s23], [sflag:$0x1] =	stream.indirect_vreg.gather [hbm4b:s3+s0], $0x80, v22, vm0, $0xb8;
	[tilespmem:$0x10100] =	vst v63  }
0x11c: {  	_ = 	snop  }
0x11d: {  	[tilespmem:s24], [sflag:$0x1] =	stream.indirect_vreg.gather [hbm4b:s3+s0], $0x80, v21, vm0, $0xb8;
	[tilespmem:$0x10100] =	vst v63  }
0x11e: {  	v21 =	vld [tilespmem:$0x60];
	_ =	sdelay $0x4  }
0x11f: {  	v22 =	vshll.u32 v21, $0x1  }
0x120: {  	v21 =	vand.u32 $0x7, v21;
	v22 =	vand.u32 $0xFFFFFFF0, v22  }
0x121: {  	v21 =	vor.u32 v21, v22  }
0x122: {  	v22 =	vperm.xlane v21, v0;
	_ =	sdelay $0x1  }
0x123: {  	v21 =	vperm.xlane v21, v2;
	v22 =	vadd.s32 v1, v22;
	_ =	sdelay $0x1  }
0x124: {  	v21 =	vadd.s32 v1, v21;
	_ =	sdelay $0x2  }
0x125: {  	[tilespmem:s25], [sflag:$0x1] =	stream.indirect_vreg.gather [hbm4b:s3+s0], $0x80, v22, vm0, $0xb8;
	[tilespmem:$0x10100] =	vst v63  }
0x126: {  	_ = 	snop  }
0x127: {  	[tilespmem:s26], [sflag:$0x1] =	stream.indirect_vreg.gather [hbm4b:s3+s0], $0x80, v21, vm0, $0xb8;
	[tilespmem:$0x10100] =	vst v63  }
0x128: {  	v21 =	vld [tilespmem:$0x70];
	_ =	sdelay $0x4  }
0x129: {  	v22 =	vshll.u32 v21, $0x1  }
0x12a: {  	v21 =	vand.u32 $0x7, v21;
	v22 =	vand.u32 $0xFFFFFFF0, v22  }
0x12b: {  	v21 =	vor.u32 v21, v22  }
0x12c: {  	v22 =	vperm.xlane v21, v0;
	_ =	sdelay $0x1  }
0x12d: {  	v21 =	vperm.xlane v21, v2;
	v22 =	vadd.s32 v1, v22;
	_ =	sdelay $0x1  }
0x12e: {  	v21 =	vadd.s32 v1, v21;
	_ =	sdelay $0x2  }
0x12f: {  	[tilespmem:s28], [sflag:$0x1] =	stream.indirect_vreg.gather [hbm4b:s3+s0], $0x80, v22, vm0, $0xb8;
	[tilespmem:$0x10100] =	vst v63  }
0x130: {  	_ = 	snop  }
0x131: {  	[tilespmem:s29], [sflag:$0x1] =	stream.indirect_vreg.gather [hbm4b:s3+s0], $0x80, v21, vm0, $0xb8;
	[tilespmem:$0x10100] =	vst v63  }
0x132: {  	_ =	swait.ge [sflag:s30], $0x8000  }
0x133: {  	[sflag:s30] =	ssyncset.done $0x0  }
0x134: {  	v18 =	vmul.f32 v18, v18;
	v19 =	vadd.f32 v19, v20;
	[sflag:s30] =	ssyncadd.s32 $0xFFFF8000  }
0x135: {  	[tilespmem:s31], [sflag:$0x2] =	stream.linear.gather [hbm4b:s8+s0], $0x8000, $0x38;
	[tilespmem:$0x10100] =	vst v63  }
0x136: {  	v18 =	vadd.f32 v18, v19;
	_ =	swait.ge [sflag:s12], $0x8000  }
0x137: {  	s14 =	sand.u32 $0x7800, s0;
	s0 =	sand.u32 $0x380, s0;
	[sflag:s12] =	ssyncset.done $0x0  }
0x138: {  	v3 =	vadd.f32 v3, v18;
	s13 =	sor.u32 s0, s14;
	[sflag:s12] =	ssyncadd.s32 $0xFFFF8000  }
0x139: {  	v20 =	vld [tilespmem:s13+$0x90]  }
0x13a: {  	v3 =	vadd.f32 v6, v3;
	v21 =	vld [tilespmem:s13+$0x8090]  }
0x13b: {  	v19 =	vld [tilespmem:s13+$0x8080]  }
0x13c: {  	v3 =	vadd.f32 v5, v3;
	v22 =	vld [tilespmem:s13+$0x4B0]  }
0x13d: {  	v18 =	vld [tilespmem:s13+$0x80A0]  }
0x13e: {  	v3 =	vadd.f32 v8, v3;
	v23 =	vld [tilespmem:s13+$0xA0]  }
0x13f: {  	v6 =	vld [tilespmem:s13+$0x80B0]  }
0x140: {  	v3 =	vadd.f32 v7, v3;
	v55 =	vld [tilespmem:s13+$0xB0]  }
0x141: {  	v5 =	vld [tilespmem:s13+$0x80C0]  }
0x142: {  	v3 =	vadd.f32 v10, v3;
	v56 =	vld [tilespmem:s13+$0xC0]  }
0x143: {  	v8 =	vld [tilespmem:s13+$0x80D0]  }
0x144: {  	v3 =	vadd.f32 v9, v3;
	v26 =	vld [tilespmem:s13+$0xD0]  }
0x145: {  	v7 =	vld [tilespmem:s13+$0x80E0]  }
0x146: {  	v3 =	vadd.f32 v11, v3;
	v27 =	vld [tilespmem:s13+$0xE0]  }
0x147: {  	v10 =	vld [tilespmem:s13+$0x80F0]  }
0x148: {  	v3 =	vadd.f32 v12, v3;
	v28 =	vld [tilespmem:s13+$0xF0]  }
0x149: {  	v9 =	vld [tilespmem:s13+$0x8480]  }
0x14a: {  	v3 =	vadd.f32 v13, v3;
	v29 =	vld [tilespmem:s13+$0x480]  }
0x14b: {  	v12 =	vld [tilespmem:s13+$0x84A0]  }
0x14c: {  	v3 =	vadd.f32 v4, v3;
	v4 =	vmul.f32 v17, v17;
	v13 =	vld [tilespmem:s13+$0x84B0]  }
0x14d: {  	v57 =	vld [tilespmem:s13+$0x80];
	v11 =	vsub.f32 v21, v20  }
0x14e: {  	v3 =	vadd.f32 v4, v3;
	v4 =	vmul.f32 v16, v16;
	v17 =	vld [tilespmem:s13+$0x84C0];
	v18 =	vsub.f32 v18, v23  }
0x14f: {  	v20 =	vld [tilespmem:s13+$0x8490];
	v6 =	vsub.f32 v6, v55;
	[tilespmem:s13+$0x8090] =	vst v11  }
0x150: {  	v15 =	vmul.f32 v15, v15;
	v3 =	vadd.f32 v4, v3;
	v21 =	vld [tilespmem:s13+$0x490];
	v5 =	vsub.f32 v5, v56;
	[tilespmem:s13+$0x80A0] =	vst v18  }
0x151: {  	v58 =	vld [tilespmem:s13+$0x4C0];
	v8 =	vsub.f32 v8, v26;
	[tilespmem:s13+$0x80B0] =	vst v6  }
0x152: {  	v3 =	vadd.f32 v15, v3;
	v15 =	vld [tilespmem:s13+$0x84F0];
	v7 =	vsub.f32 v7, v27;
	[tilespmem:s13+$0x80C0] =	vst v5  }
0x153: {  	v23 =	vld [tilespmem:s13+$0x4A0];
	v10 =	vsub.f32 v10, v28;
	v9 =	vsub.f32 v9, v29;
	[tilespmem:s13+$0x80D0] =	vst v8  }
0x154: {  	v14 =	vmul.f32 v14, v14;
	v4 =	vsub.f32 v13, v22;
	v13 =	vld [tilespmem:s13+$0x84E0];
	v19 =	vsub.f32 v19, v57;
	[tilespmem:s13+$0x80E0] =	vst v7  }
0x155: {  	[tilespmem:s13+$0x80F0] =	vst v10;
	v16 =	vsub.f32 v20, v21;
	v20 =	vld [tilespmem:s13+$0x84D0]  }
0x156: {  	v3 =	vadd.f32 v14, v3;
	[tilespmem:s13+$0x8480] =	vst v9;
	v14 =	vmul.f32 v19, v19;
	v21 =	vld [tilespmem:s13+$0x4D0]  }
0x157: {  	s15 =	simm.s32 $0x100;
	s16 =	simm.s32 $0x80;
	v22 =	vld [tilespmem:s13+$0x4E0];
	[tilespmem:s13+$0x84B0] =	vst v4  }
0x158: {  	s4 =	sand.u32 $0x380, s16;
	s0 =	sand.u32 $0x7800, s15;
	[tilespmem:s13+$0x8080] =	vst v19;
	v11 =	vmul.f32 v11, v11;
	v3 =	vadd.f32 v14, v3;
	v12 =	vsub.f32 v12, v23;
	v23 =	vld [tilespmem:s13+$0x4F0]  }
0x159: {  	s0 =	sor.u32 s4, s0;
	[tilespmem:s13+$0x8490] =	vst v16  }
0x15a: {  	v17 =	vsub.f32 v17, v58;
	v3 =	vadd.f32 v11, v3;
	v11 =	vld [tilespmem:s0+$0x80A0];
	[tilespmem:s13+$0x84A0] =	vst v12  }
0x15b: {  	v14 =	vmul.f32 v18, v18;
	v19 =	vld [tilespmem:s0+$0x90];
	v20 =	vsub.f32 v20, v21  }
0x15c: {  	v13 =	vsub.f32 v13, v22;
	[tilespmem:s13+$0x84C0] =	vst v17;
	v21 =	vld [tilespmem:s0+$0x8090]  }
0x15d: {  	v3 =	vadd.f32 v14, v3;
	v14 =	vld [tilespmem:s0+$0x80B0];
	v23 =	vsub.f32 v15, v23;
	[tilespmem:s13+$0x84D0] =	vst v20  }
0x15e: {  	v22 =	vld [tilespmem:s0+$0x4B0];
	[tilespmem:s13+$0x84E0] =	vst v13  }
0x15f: {  	v6 =	vmul.f32 v6, v6;
	v15 =	vld [tilespmem:s0+$0xA0];
	[tilespmem:s13+$0x84F0] =	vst v23  }
0x160: {  	v18 =	vld [tilespmem:s0+$0xB0]  }
0x161: {  	v5 =	vmul.f32 v5, v5;
	v3 =	vadd.f32 v6, v3;
	v6 =	vsub.f32 v21, v19;
	v19 =	vld [tilespmem:s0+$0x80C0]  }
0x162: {  	v21 =	vld [tilespmem:s0+$0xC0]  }
0x163: {  	v8 =	vmul.f32 v8, v8;
	v3 =	vadd.f32 v5, v3;
	v61 =	vld [tilespmem:s0+$0x4A0]  }
0x164: {  	v5 =	vsub.f32 v11, v15;
	v11 =	vld [tilespmem:s0+$0x80D0]  }
0x165: {  	v7 =	vmul.f32 v7, v7;
	v3 =	vadd.f32 v8, v3;
	v15 =	vld [tilespmem:s0+$0xD0]  }
0x166: {  	v8 =	vsub.f32 v14, v18;
	v14 =	vld [tilespmem:s0+$0x80E0]  }
0x167: {  	v10 =	vmul.f32 v10, v10;
	v3 =	vadd.f32 v7, v3;
	v18 =	vld [tilespmem:s0+$0xE0]  }
0x168: {  	v7 =	vsub.f32 v19, v21;
	v19 =	vld [tilespmem:s0+$0x80F0]  }
0x169: {  	v9 =	vmul.f32 v9, v9;
	v3 =	vadd.f32 v10, v3;
	v21 =	vld [tilespmem:s0+$0xF0]  }
0x16a: {  	v10 =	vsub.f32 v11, v15;
	v11 =	vld [tilespmem:s0+$0x8480]  }
0x16b: {  	v16 =	vmul.f32 v16, v16;
	v3 =	vadd.f32 v9, v3;
	v15 =	vld [tilespmem:s0+$0x480]  }
0x16c: {  	v9 =	vsub.f32 v14, v18;
	v14 =	vld [tilespmem:s0+$0x8490]  }
0x16d: {  	v12 =	vmul.f32 v12, v12;
	[tilespmem:s0+$0x8090] =	vst v6;
	v16 =	vadd.f32 v16, v3;
	v18 =	vld [tilespmem:s0+$0x490]  }
0x16e: {  	v60 =	vmul.f32 v4, v4;
	[tilespmem:s0+$0x80A0] =	vst v5;
	v19 =	vsub.f32 v19, v21;
	v21 =	vld [tilespmem:s0+$0x84A0]  }
0x16f: {  	v4 =	vmul.f32 v5, v5;
	[tilespmem:s0+$0x80B0] =	vst v8;
	v3 =	vmul.f32 v6, v6;
	v6 =	vadd.f32 v12, v16;
	v12 =	vld [tilespmem:s0+$0x84B0]  }
0x170: {  	v59 =	vld [tilespmem:s0+$0x8080];
	[tilespmem:s0+$0x80C0] =	vst v7;
	v5 =	vmul.f32 v8, v8;
	v8 =	vmul.f32 v17, v17  }
0x171: {  	v62 =	vld [tilespmem:s0+$0x80];
	[tilespmem:s0+$0x80D0] =	vst v10;
	v11 =	vsub.f32 v11, v15;
	v15 =	vadd.f32 v60, v6;
	v6 =	vmul.f32 v7, v7  }
0x172: {  	v17 =	vld [tilespmem:s0+$0x4D0];
	[tilespmem:s0+$0x80E0] =	vst v9;
	v7 =	vmul.f32 v10, v10;
	v63 =	vsub.f32 v14, v18;
	v18 =	vmul.f32 v20, v20  }
0x173: {  	v16 =	vld [tilespmem:s0+$0x4C0];
	[tilespmem:s0+$0x80F0] =	vst v19;
	v26 =	vsub.f32 v21, v61;
	v21 =	vmul.f32 v23, v23;
	v20 =	vadd.f32 v8, v15  }
0x174: {  	v14 =	vld [tilespmem:s0+$0x84C0];
	[tilespmem:s0+$0x8480] =	vst v11;
	v8 =	vmul.f32 v9, v9;
	v9 =	vmul.f32 v19, v19;
	v19 =	vsub.f32 v12, v22  }
0x175: {  	v15 =	vld [tilespmem:s0+$0x84D0];
	v10 =	vmul.f32 v11, v11;
	v11 =	vmul.f32 v13, v13;
	[tilespmem:s0+$0x8490] =	vst v63;
	v22 =	vadd.f32 v18, v20  }
0x176: {  	[tilespmem:s0+$0x84A0] =	vst v26;
	v12 =	vmul.f32 v63, v63;
	v13 =	vmul.f32 v26, v26;
	v18 =	vld [tilespmem:s0+$0x84E0]  }
0x177: {  	s4 =	simm.s32 $0x200;
	s13 =	simm.s32 $0x100;
	v20 =	vsub.f32 v59, v62;
	[tilespmem:s0+$0x84B0] =	vst v19;
	v22 =	vadd.f32 v11, v22;
	v11 =	vmul.f32 v19, v19;
	v19 =	vld [tilespmem:s0+$0x4E0]  }
.LBB2_4:
0x178: {  	s14 =	smov.u32 s4  }
0x179: {  	s15 =	sand.u32 $0x7800, s4;
	s16 =	sand.u32 $0x380, s13;
	v23 =	vmul.f32 v20, v20;
	v14 =	vsub.f32 v14, v16;
	v16 =	vld [tilespmem:s0+$0x84F0];
	v21 =	vadd.f32 v21, v22;
	s14 =	sadd.s32 $0x100, s4  }
0x17a: {  	p0 =	sne.s32 s4, $0x7F00;
	s15 =	sor.u32 s16, s15;
	[tilespmem:s0+$0x8080] =	vst v20;
	v20 =	vld [tilespmem:s0+$0x4F0]  }
0x17b: {  	v21 =	vadd.f32 v23, v21;
	v15 =	vsub.f32 v15, v17;
	v22 =	vld [tilespmem:s15+$0x90];
	[tilespmem:s0+$0x84C0] =	vst v14  }
0x17c: {  	v17 =	vld [tilespmem:s15+$0x8090]  }
0x17d: {  	v3 =	vadd.f32 v3, v21;
	v18 =	vsub.f32 v18, v19;
	v23 =	vld [tilespmem:s15+$0x8080];
	[tilespmem:s0+$0x84D0] =	vst v15  }
0x17e: {  	v19 =	vld [tilespmem:s15+$0x4B0]  }
0x17f: {  	v3 =	vadd.f32 v4, v3;
	v21 =	vld [tilespmem:s15+$0x80A0];
	[tilespmem:s0+$0x84E0] =	vst v18;
	v20 =	vsub.f32 v16, v20  }
0x180: {  	v4 =	vld [tilespmem:s15+$0xA0]  }
0x181: {  	v3 =	vadd.f32 v5, v3;
	v16 =	vld [tilespmem:s15+$0x80B0];
	[tilespmem:s0+$0x84F0] =	vst v20;
	s0 =	smov.u32 s15  }
0x182: {  	v5 =	vld [tilespmem:s0+$0xB0]  }
0x183: {  	v17 =	vsub.f32 v17, v22;
	v6 =	vadd.f32 v6, v3;
	v22 =	vld [tilespmem:s0+$0x80C0]  }
0x184: {  	v24 =	vld [tilespmem:s0+$0xC0]  }
0x185: {  	v3 =	vmul.f32 v17, v17;
	v6 =	vadd.f32 v7, v6;
	[tilespmem:s0+$0x8090] =	vst v17;
	v17 =	vsub.f32 v21, v4;
	v21 =	vld [tilespmem:s0+$0x80D0]  }
0x186: {  	v7 =	vld [tilespmem:s0+$0xD0]  }
0x187: {  	v6 =	vadd.f32 v8, v6;
	v4 =	vmul.f32 v17, v17;
	[tilespmem:s0+$0x80A0] =	vst v17;
	v16 =	vsub.f32 v16, v5;
	v17 =	vld [tilespmem:s0+$0x80E0]  }
0x188: {  	v8 =	vld [tilespmem:s0+$0xE0]  }
0x189: {  	v9 =	vadd.f32 v9, v6;
	v5 =	vmul.f32 v16, v16;
	[tilespmem:s0+$0x80B0] =	vst v16;
	v16 =	vsub.f32 v22, v24;
	v22 =	vld [tilespmem:s0+$0x80F0]  }
0x18a: {  	v24 =	vld [tilespmem:s0+$0xF0]  }
0x18b: {  	v9 =	vadd.f32 v10, v9;
	v6 =	vmul.f32 v16, v16;
	[tilespmem:s0+$0x80C0] =	vst v16;
	v16 =	vsub.f32 v21, v7;
	v21 =	vld [tilespmem:s0+$0x8480]  }
0x18c: {  	v10 =	vld [tilespmem:s0+$0x480]  }
0x18d: {  	v9 =	vadd.f32 v12, v9;
	v7 =	vmul.f32 v16, v16;
	[tilespmem:s0+$0x80D0] =	vst v16;
	v16 =	vsub.f32 v17, v8;
	v17 =	vld [tilespmem:s0+$0x8490]  }
0x18e: {  	v12 =	vld [tilespmem:s0+$0x490]  }
0x18f: {  	v13 =	vadd.f32 v13, v9;
	v8 =	vmul.f32 v16, v16;
	[tilespmem:s0+$0x80E0] =	vst v16;
	v16 =	vsub.f32 v22, v24;
	v22 =	vld [tilespmem:s0+$0x84A0]  }
0x190: {  	v25 =	vmul.f32 v14, v14;
	v24 =	vld [tilespmem:s0+$0x4A0]  }
0x191: {  	v11 =	vadd.f32 v11, v13;
	v9 =	vmul.f32 v16, v16;
	[tilespmem:s0+$0x80F0] =	vst v16;
	v14 =	vsub.f32 v21, v10;
	v21 =	vld [tilespmem:s0+$0x84B0]  }
0x192: {  	v26 =	vmul.f32 v15, v15;
	v13 =	vld [tilespmem:s0+$0x80]  }
0x193: {  	v11 =	vadd.f32 v25, v11;
	v10 =	vmul.f32 v14, v14;
	[tilespmem:s0+$0x8480] =	vst v14;
	v15 =	vsub.f32 v17, v12;
	v14 =	vld [tilespmem:s0+$0x84C0]  }
.Ltmp1:
0x194: {  	v25 =	vmul.f32 v18, v18;
	v16 =	vld [tilespmem:s0+$0x4C0];
	(pc) =	sbr.rel @p0 .LBB2_4-.Ltmp1, $4  }
0x195: {  	v11 =	vadd.f32 v26, v11;
	v12 =	vmul.f32 v15, v15;
	[tilespmem:s0+$0x8490] =	vst v15;
	v18 =	vsub.f32 v22, v24;
	v15 =	vld [tilespmem:s0+$0x84D0]  }
0x196: {  	v19 =	vsub.f32 v21, v19;
	v17 =	vld [tilespmem:s0+$0x4D0];
	v21 =	vmul.f32 v20, v20  }
0x197: {  	v22 =	vadd.f32 v25, v11;
	v20 =	vsub.f32 v23, v13;
	v13 =	vmul.f32 v18, v18;
	[tilespmem:s0+$0x84A0] =	vst v18;
	v18 =	vld [tilespmem:s0+$0x84E0]  }
0x198: {  	s13 =	sadd.s32 $0x80, s13;
	s4 =	smov.u32 s14;
	v11 =	vmul.f32 v19, v19;
	[tilespmem:s0+$0x84B0] =	vst v19;
	v19 =	vld [tilespmem:s0+$0x4E0]  }
0x199: {  	v23 =	vmul.f32 v20, v20;
	v21 =	vadd.f32 v21, v22;
	_ =	sdelay $0x1  }
0x19a: {  	v21 =	vadd.f32 v23, v21;
	_ =	sdelay $0x1  }
0x19b: {  	v3 =	vadd.f32 v3, v21;
	_ =	sdelay $0x1  }
0x19c: {  	v3 =	vadd.f32 v4, v3;
	_ =	sdelay $0x1  }
0x19d: {  	v3 =	vadd.f32 v5, v3;
	_ =	sdelay $0x1  }
0x19e: {  	v3 =	vadd.f32 v6, v3;
	_ =	sdelay $0x1  }
0x19f: {  	v3 =	vadd.f32 v7, v3;
	_ =	sdelay $0x1  }
0x1a0: {  	v3 =	vadd.f32 v8, v3;
	_ =	sdelay $0x1  }
0x1a1: {  	v3 =	vadd.f32 v9, v3;
	_ =	sdelay $0x1  }
0x1a2: {  	v3 =	vadd.f32 v10, v3;
	_ =	sdelay $0x1  }
0x1a3: {  	v3 =	vadd.f32 v12, v3  }
0x1a4: {  	v57 =	vld [tilespmem:s0+$0x84F0]  }
0x1a5: {  	v58 =	vsub.f32 v14, v16;
	v59 =	vld [tilespmem:s0+$0x4F0];
	v3 =	vadd.f32 v13, v3;
	_ =	sdelay $0x1  }
0x1a6: {  	v60 =	vsub.f32 v15, v17;
	v61 =	vmul.f32 v58, v58;
	v3 =	vadd.f32 v11, v3  }
0x1a7: {  	[tilespmem:s0+$0x8080] =	vst v20  }
0x1a8: {  	[tilespmem:s0+$0x84C0] =	vst v58;
	v62 =	vsub.f32 v18, v19;
	v63 =	vmul.f32 v60, v60;
	v3 =	vadd.f32 v61, v3  }
0x1a9: {  	[tilespmem:s0+$0x84D0] =	vst v60;
	v4 =	vsub.f32 v57, v59  }
0x1aa: {  	[tilespmem:s0+$0x84E0] =	vst v62;
	v5 =	vmul.f32 v62, v62;
	v3 =	vadd.f32 v63, v3  }
0x1ab: {  	[tilespmem:s0+$0x84F0] =	vst v4  }
0x1ac: {  	v4 =	vmul.f32 v4, v4;
	[hbm4b:s9+s2] =	stream.linear.scatter [tilespmem:s31], [sflag:$0x2], $0x8000, $0x38;
	v3 =	vadd.f32 v5, v3;
	[tilespmem:$0x10100] =	vst v63  }
0x1ad: {  	_ =	swait.ge [sflag:s12], $0x8000  }
0x1ae: {  	s1 =	sadd.s32 $0x1, s1;
	[sflag:s12] =	ssyncset.done $0x0;
	v3 =	vadd.f32 v4, v3  }
0x1af: {  	p0 =	sne.s32 s1, s11;
	[sflag:s12] =	ssyncadd.s32 $0xFFFF8000  }
.Ltmp2:
0x1b0: {  	s16 =	simm.s32 $0x10080;
	[tilespmem:$0x10080] =	vst v3;
	(pc) =	sbr.rel @p0 .LBB2_1-.Ltmp2, $4  }
0x1b1: {  	[hbm4b:s10+s2] =	stream.linear.scatter [tilespmem:s16], [sflag:$0x2], $0x80, $0x38;
	[tilespmem:$0x10100] =	vst v63  }
0x1b2: {  	_ =	swait.ge [sflag:s12], $0x80  }
0x1b3: {  	[sflag:s12] =	ssyncset.done $0x0  }
0x1b4: {  	[sflag:s12] =	ssyncadd.s32 $0xFFFFFF80  }
0x1b5: {  	_ =	sfence.sel $0x180000  }
0x1b6: {  	[bflag:$0x0] =	sbarrier.arrive $0xFFFF  }
0x1b7: {  	_ =	strace $0x9000004D  }
0x1b8: {  	s0 =	stileid.u32;
	[bflag:$0x2] =	sbarrier.arrive $0xFFFF  }
0x1b9: {  	p0 =	sne.s32 s0, $0x0;
	s0 =	rddreg [dreg:$0x2]  }
0x1ba: {  	s0 =	sadd.s32 @!p0 $0x100000, s0  }
0x1bb: {  	[sflag:s0] =	ssyncadd.tile.s32 @!p0 $0x1;
	_ =	shalt  }
.Lfunc_end2:
_tile_overlayer_lowered:
.L_overlay_start_2:
0x1bc: {  	(tag) =	ssettag $0x2  }
0x1bd: {  	s0 =	rddreg [dreg:$0x0];
	s2 =	stileid.u32  }
0x1be: {  	s1 =	rddreg [dreg:$0x1];
	p0 =	sne.s32 s2, $0x0  }
0x1bf: {  	s3 =	rddreg [dreg:$0x2];
	[bflag:$0x3] =	sbarrier.arrive $0xFFFF;
	s2 =	simm.s32 @!p0 $0x1C02  }
0x1c0: {  	[timem:s3], [sflag:s2] =	dma.local @!p0 [hbm:s0], s1  }
0x1c1: {  	s0 =	simm.s32 @!p0 $0x2  }
0x1c2: {  	_ =	swait.ge @!p0 [sflag:s0], s1  }
0x1c3: {  	s1 =	ssub.s32 @!p0 $0x0, s1;
	[sflag:s0] =	ssyncset.done @!p0 $0x0  }
0x1c4: {  	[sflag:s0] =	ssyncadd.s32 @!p0 s1  }
0x1c5: {  	[bflag:$0x3] =	sbarrier.arrive $0xFFFF  }
0x1c6: {  	_ =	shalt  }

// kernel: kernel.23.cloned.1.call-start
scs
__scs_entry_jumppad:
0x0: {  	(pc) =	sbr.rel $0x88, $3  }
0x1: {  	(tag) =	ssettag $0x0;
	lr =	simm.s32 $0x1  }
0x2: {  	[smem:$0x3F9F] =	sst lr;
	_ =	strace $0xD0000000  }
0x3: {  	_ = 	snop  }
0x4: {  	_ = 	snop  }
0x5: {  	_ = 	snop  }
0x6: {  	_ = 	snop  }
0x7: {  	_ = 	snop  }
__scs_overlays_trampoline_lowered:
0x8: {  	[smem:$0x3FAE] =	sst s0  }
0x9: {  	[smem:$0x3FAF] =	sst s1  }
0xa: {  	[smem:$0x3FB0] =	sst s2  }
0xb: {  	[smem:$0x3FB1] =	sst s3  }
0xc: {  	[smem:$0x3FB2] =	sst s4  }
0xd: {  	[smem:$0x3FB3] =	sst s5  }
0xe: {  	[smem:$0x3FB4] =	sst s6  }
0xf: {  	[smem:$0x3FB5] =	sst s7  }
0x10: {  	[smem:$0x3FB6] =	sst s8  }
0x11: {  	[smem:$0x3FB7] =	sst s9;
	s0 =	simm.s32 @!p0 $0x0  }
0x12: {  	s1 =	sld [smem:$0x3F9D];
	s0 =	simm.s32 @p0 $0x1  }
0x13: {  	[smem:$0x3FB8] =	sst s0;
	s0 =	simm.s32 @!p1 $0x0  }
0x14: {  	s2 =	sld [smem:$0x3F9C];
	s0 =	simm.s32 @p1 $0x1  }
0x15: {  	[smem:$0x3FB9] =	sst s0;
	s0 =	simm.s32 @!p2 $0x0  }
0x16: {  	s3 =	sld [smem:$0x3FDB];
	s0 =	simm.s32 @p2 $0x1  }
0x17: {  	s4 =	simm.s32 $0x1BF5;
	[smem:$0x3FBB] =	sst s0  }
0x18: {  	s0 =	sld [smem:$0x3F9E];
	_ =	swait.ge [sflag:s4], $0x0  }
0x19: {  	s7 =	sld [smem:$0x3F9F]  }
0x1a: {  	s8 =	sadd.s32 $0xFFFFE003, lr  }
0x1b: {  	s9 =	sadd.s32 $0xFFFFFEF7, lr;
	s5 =	simm.s32 $0xFFFFFFFF;
	p2 =	slt.u32 s8, $0xFFFFF086  }
0x1c: {  	p1 =	slt.u32 s9, $0xF7A;
	s5 =	simm.s32 @!p2 $0x0  }
0x1d: {  	s5 =	simm.s32 @p1 $0x1;
	p0 =	seq.s32 s7, s2  }
0x1e: {  	s7 =	smul.u32 @!p0 $0xF7A, s2;
	p2 =	seq.s32 @!p0 s5, $0x0  }
0x1f: {  	s9 =	smul.u32 $0xF7A, s1;
	s8 =	simm.s32 @!p0 $0x1BF5;
	p2 =	por !p2, p0  }
0x20: {  	[sflag:s8] =	ssyncset.s32 @!p0 $0xFFFFF086;
	s6 =	sadd.s32 @!p0 s3, s7;
	s7 =	simm.s32 @!p0 $0x108  }
0x21: {  	s3 =	sadd.s32 s3, s9;
	s6 =	sadd.s32 @!p0 $0x88, s6;
	s7 =	simm.s32 @p2 $0x1082  }
0x22: {  	[simem:s7], [sflag:s8] =	dma.local @!p0 [hbm:s6], $0xF7A  }
0x23: {  	s9 =	sor.u32 $0xD0000000, s2;
	s6 =	simm.s32 $0x108;
	_ =	swait.ge @!p0 [sflag:s8], $0x0  }
0x24: {  	s3 =	sadd.s32 $0x88, s3;
	s6 =	simm.s32 @!p1 $0x1082;
	[sflag:s4] =	ssyncset.s32 $0xFFFFF086  }
0x25: {  	[simem:s6], [sflag:s4] =	dma.local [hbm:s3], $0xF7A  }
0x26: {  	[smem:$0x3F9F] =	sst s1;
	(tag) =	ssettag s2;
	_ =	strace s9  }
0x27: {  	s1 =	sld [smem:$0x3FAF]  }
0x28: {  	s2 =	sld [smem:$0x3FB0]  }
0x29: {  	s4 =	sld [smem:$0x3FB2]  }
0x2a: {  	p0 =	seq.s32 s5, $0x0;
	s5 =	sld [smem:$0x3FB3]  }
0x2b: {  	s6 =	sld [smem:$0x3FB4]  }
0x2c: {  	s7 =	sld [smem:$0x3FB5]  }
0x2d: {  	s3 =	simm.s32 $0x108;
	s8 =	sld [smem:$0x3FB6]  }
0x2e: {  	s3 =	simm.s32 @!p0 $0x1082;
	s9 =	sld [smem:$0x3FB7]  }
0x2f: {  	lr =	sadd.s32 s0, s3;
	s0 =	sld [smem:$0x3FAE]  }
0x30: {  	s3 =	sld [smem:$0x3FB1]  }
0x31: {  	[smem:$0x3FBA] =	sst s10  }
0x32: {  	s10 =	sld [smem:$0x3FB8];
	_ =	sdelay $0x3  }
0x33: {  	p0 =	seq.s32 s10, $0x1;
	s10 =	sld [smem:$0x3FBA];
	_ =	sdelay $0x3  }
0x34: {  	[smem:$0x3FBA] =	sst s10  }
0x35: {  	s10 =	sld [smem:$0x3FB9];
	_ =	sdelay $0x3  }
0x36: {  	p1 =	seq.s32 s10, $0x1;
	s10 =	sld [smem:$0x3FBA];
	_ =	sdelay $0x3  }
0x37: {  	[smem:$0x3FBA] =	sst s10  }
0x38: {  	s10 =	sld [smem:$0x3FBB]  }
0x39: {  	_ = 	snop;
	(pc) =	sbr.ind lr, $3  }
0x3a: {  	_ = 	snop  }
0x3b: {  	_ = 	snop  }
0x3c: {  	p2 =	seq.s32 s10, $0x1;
	s10 =	sld [smem:$0x3FBA]  }
0x3d: {  	_ =	shalt  }
0x3e: {  	_ =	shalt  }
0x3f: {  	_ =	shalt  }
0x40: {  	_ =	shalt  }
0x41: {  	_ =	shalt  }
0x42: {  	_ =	shalt  }
0x43: {  	_ =	shalt  }
0x44: {  	_ =	shalt  }
0x45: {  	_ =	shalt  }
0x46: {  	_ =	shalt  }
0x47: {  	_ =	shalt  }
0x48: {  	_ =	shalt  }
0x49: {  	_ =	shalt  }
0x4a: {  	_ =	shalt  }
0x4b: {  	_ =	shalt  }
0x4c: {  	_ =	shalt  }
0x4d: {  	_ =	shalt  }
0x4e: {  	_ =	shalt  }
0x4f: {  	_ =	shalt  }
0x50: {  	_ =	shalt  }
0x51: {  	_ =	shalt  }
0x52: {  	_ =	shalt  }
0x53: {  	_ =	shalt  }
0x54: {  	_ =	shalt  }
0x55: {  	_ =	shalt  }
0x56: {  	_ =	shalt  }
0x57: {  	_ =	shalt  }
0x58: {  	_ =	shalt  }
0x59: {  	_ =	shalt  }
0x5a: {  	_ =	shalt  }
0x5b: {  	_ =	shalt  }
0x5c: {  	_ =	shalt  }
0x5d: {  	_ =	shalt  }
0x5e: {  	_ =	shalt  }
0x5f: {  	_ =	shalt  }
0x60: {  	_ =	shalt  }
0x61: {  	_ =	shalt  }
0x62: {  	_ =	shalt  }
0x63: {  	_ =	shalt  }
0x64: {  	_ =	shalt  }
0x65: {  	_ =	shalt  }
0x66: {  	_ =	shalt  }
0x67: {  	_ =	shalt  }
0x68: {  	_ =	shalt  }
0x69: {  	_ =	shalt  }
0x6a: {  	_ =	shalt  }
0x6b: {  	_ =	shalt  }
0x6c: {  	_ =	shalt  }
0x6d: {  	_ =	shalt  }
0x6e: {  	_ =	shalt  }
0x6f: {  	_ =	shalt  }
0x70: {  	_ =	shalt  }
0x71: {  	_ =	shalt  }
0x72: {  	_ =	shalt  }
0x73: {  	_ =	shalt  }
0x74: {  	_ =	shalt  }
0x75: {  	_ =	shalt  }
0x76: {  	_ =	shalt  }
0x77: {  	_ =	shalt  }
0x78: {  	_ =	shalt  }
0x79: {  	_ =	shalt  }
0x7a: {  	_ =	shalt  }
0x7b: {  	_ =	shalt  }
0x7c: {  	_ =	shalt  }
0x7d: {  	_ =	shalt  }
0x7e: {  	_ =	shalt  }
0x7f: {  	_ =	shalt  }
0x80: {  	_ =	shalt  }
0x81: {  	_ =	shalt  }
0x82: {  	_ =	shalt  }
0x83: {  	_ =	shalt  }
0x84: {  	_ =	shalt  }
0x85: {  	_ =	shalt  }
0x86: {  	_ =	shalt  }
0x87: {  	_ =	shalt  }
.Lfunc_end0:
.L_simem_size_0:
called_computation.3_lowered:
.L_overlay_start_0:
0x88: {  	s2 =	sld [smem:$0x3FD9]  }
0x89: {  	s3 =	sld [smem:$0x3FFE];
	_ =	sdelay $0x1  }
0x8a: {  	s1 =	srdreg.scid  }
0x8b: {  	s0 =	sand.u32 $0x1, s1  }
0x8c: {  	s14 =	sshll.u32 s0, $0xA;
	s2 =	sadd.s32 s3, s2  }
0x8d: {  	s2 =	sadd.s32 s2, s14  }
0x8e: {  	[smem:$0x3FC6] =	sst s2  }
0x8f: {  	_ = 	snop  }
0x90: {  	s2 =	sld [smem:$0x3FD0];
	_ =	sdelay $0x2  }
0x91: {  	s4 =	simm.s32 $0xA;
	s5 =	simm.s32 $0x10;
	s15 =	sld [smem:$0x3FC9]  }
0x92: {  	[smem:s5], [sflag:s4] =	dma.local [hbm:s2], $0x1  }
0x93: {  	_ =	swait.eq [sflag:s4], $0x1  }
0x94: {  	[sflag:s4] =	ssyncset.done $0x0  }
0x95: {  	[sflag:s4] =	ssyncadd.s32 $0xFFFFFFFF  }
0x96: {  	s16 =	sld [smem:$0x10];
	(tm) =	ssettm $0x1  }
0x97: {  	s17 =	sld [smem:$0x3FFB];
	_ =	sdelay $0x3  }
0x98: {  	_ =	strace s17  }
0x99: {  	s4 =	sld [smem:$0x3FFC];
	_ =	sdelay $0x3  }
0x9a: {  	_ =	strace s4  }
0x9b: {  	s4 =	sld [smem:$0x3FFD];
	_ =	sdelay $0x3  }
0x9c: {  	_ =	strace s4  }
0x9d: {  	_ =	strace $0x8FFFFFFF  }
0x9e: {  	s18 =	sld [smem:$0x3FDB];
	_ =	sdelay $0x1  }
0x9f: {  	s19 =	simm.s32 $_scs_section_size  }
0xa0: {  	s6 =	simm.s32 $_size__tile_overlayer_lowered;
	s7 =	simm.s32 $_tile_overlayer_lowered  }
0xa1: {  	s22 =	simm.s32 $0x1BFF;
	s21 =	sshll.u32 s7, $0x1;
	s4 =	sadd.s32 s19, s18  }
0xa2: {  	s8 =	simm.s32 $0x0;
	s20 =	sshll.u32 s6, $0x1;
	s6 =	sadd.s32 s21, s4  }
0xa3: {  	[timem:s8], [sflag:s22] =	dma.local [hbm:s6], s20  }
0xa4: {  	_ =	swait.ge [sflag:s22], s20  }
0xa5: {  	s5 =	ssub.s32 $0x0, s20;
	[sflag:s22] =	ssyncset.done $0x0  }
0xa6: {  	[sflag:s22] =	ssyncadd.s32 s5;
	_ =	sdelay $0x1  }
0xa7: {  	s23 =	simm.s32 $0x1B8B  }
0xa8: {  	_ =	swait.ge [sflag:s23], $0x1  }
0xa9: {  	[sflag:s23] =	ssyncset.done $0x0  }
0xaa: {  	s25 =	simm.s32 $0x1B8E;
	s24 =	sld [smem:$0x3FFE];
	[sflag:s23] =	ssyncadd.s32 $0xFFFFFFFF  }
0xab: {  	s26 =	simm.s32 $execute0_lowered;
	[smem:$0x3FD2] =	sst s25  }
0xac: {  	s6 =	sshll.u32 s26, $0x1;
	_ =	strace $0x8000004F;
	[dreg:$0x1] =	wrdreg $0xFFFFFFFF  }
0xad: {  	s28 =	simm.s32 $_size_execute0_lowered;
	s4 =	sadd.s32 s4, s6;
	[dreg:$0x0] =	wrdreg $0x0  }
0xae: {  	s6 =	sshll.u32 s28, $0x1;
	[dreg:$0x2] =	wrdreg s4  }
0xaf: {  	[dreg:$0x3] =	wrdreg s6  }
0xb0: {  	[dreg:$0x4] =	wrdreg $0xC0  }
0xb1: {  	_ =	task [dreg:s8], $0x5FFFF  }
0xb2: {  	[dreg:$0x1] =	wrdreg $0xFFFFFFFF  }
0xb3: {  	[dreg:$0x0] =	wrdreg $0x60  }
0xb4: {  	[dreg:$0x2] =	wrdreg s24  }
0xb5: {  	[dreg:$0x3] =	wrdreg s15  }
0xb6: {  	[dreg:$0x4] =	wrdreg s16  }
0xb7: {  	[dreg:$0x5] =	wrdreg $0x9  }
0xb8: {  	_ =	task.clear_ibuf [dreg:s8], $0x6FFFF;
	_ =	strace $0x9000004F  }
0xb9: {  	s29 =	simm.s32 $0x9;
	_ =	strace $0x80000051  }
0xba: {  	_ =	swait.ge [sflag:s29], $0x1  }
0xbb: {  	[sflag:s29] =	ssyncadd.s32 $0xFFFFFFFF  }
0xbc: {  	_ =	strace $0x90000051  }
0xbd: {  	_ =	sfence  }
0xbe: {  	s30 =	sld [smem:$0x0];
	_ =	sdelay $0x2  }
0xbf: {  	s31 =	sshll.u32 s1, $0xD;
	s1 =	sshrl.u32 s1, $0x2  }
0xc0: {  	s3 =	sand.u32 $0x4000, s31;
	s1 =	sadd.s32 s1, s30  }
0xc1: {  	s0 =	sor.u32 s3, s0;
	s1 =	sshll.u32 s1, $0x11  }
0xc2: {  	s0 =	sor.u32 s1, s0  }
0xc3: {  	s0 =	sadd.s32 $0x8F2B, s0  }
0xc4: {  	[sflag:s0] =	ssyncadd.remote.s32 $0x1  }
0xc5: {  	_ =	sfence.sel $0xFFFF  }
0xc6: {  	[dreg:$0x0] =	wrdreg $0xFFFFFFFF;
	(pc) =	sbr.abs _section_cstart, $3  }
0xc7: {  	[dreg:$0x1] =	wrdreg $0xFFFFFFFF  }
0xc8: {  	_ =	task.clear_ibuf [dreg:s8], $0x2FFFF;
	_ =	strace $0x9FFFFFFF  }
0xc9: {  	(tm) =	ssettm $0x7FFFFFFF  }
tec
execute0_lowered:
.L_overlay_start_1:
0x0: {  	(tag) =	ssettag $0x1  }
0x1: {  	s0 =	rddreg [dreg:$0x0]  }
0x2: {  	s1 =	rddreg [dreg:$0x1]  }
0x3: {  	s4 =	rddreg [dreg:$0x2]  }
0x4: {  	s2 =	simm.s32 $0x0;
	s3 =	srdreg.scid;
	s6 =	stileid.u32  }
0x5: {  	s14 =	simm.s32 $0x2;
	s20 =	simm.s32 $0x2880;
	s21 =	simm.s32 $0x3080  }
0x6: {  	s22 =	simm.s32 $0x3880;
	s28 =	simm.s32 $0x6080;
	s29 =	simm.s32 $0x6880  }
0x7: {  	s30 =	simm.s32 $0x7080;
	s31 =	simm.s32 $0x7880;
	s15 =	simm.s32 $0x0  }
0x8: {  	[smem:$0x7FF] =	sst s2;
	s5 =	sand.u32 $0x1, s3;
	s6 =	sshll.u32 s6, $0x1  }
0x9: {  	s3 =	sadd.s32 $0x42400, s0;
	s8 =	sadd.s32 $0xC2800, s0;
	s9 =	sadd.s32 $0x142600, s0  }
0xa: {  	_ =	strace $0x80000050;
	s6 =	sor.u32 s5, s6;
	s5 =	ssub.s32 $0x2, s5  }
0xb: {  	s7 =	sshll.u32 s6, $0x4;
	s23 =	sshrl.u32 s5, $0x1;
	s24 =	sshll.u32 s6, $0x8  }
0xc: {  	s10 =	sshll.u32 s6, $0x5;
	s25 =	sshll.u32 s6, $0xD;
	s0 =	sadd.s32 s7, s0  }
0xd: {  	s5 =	ssub.s32 s5, s23;
	s10 =	sadd.s32 s8, s10;
	s11 =	sor.u32 $0x80, s24  }
0xe: {  	s6 =	sadd.s32 s9, s25;
	s26 =	sadd.s32 s1, s25;
	[dreg:$0x4] =	wrdreg s10  }
0xf: {  	s7 =	sadd.s32 s4, s25;
	s23 =	simm.s32 $0x4080;
	[dreg:$0x5] =	wrdreg s6  }
0x10: {  	s24 =	simm.s32 $0x4880;
	s25 =	simm.s32 $0x5080;
	[dreg:$0x6] =	wrdreg s26  }
0x11: {  	s12 =	sshrl.u32 s11, $0x3;
	s11 =	sshll.u32 s11, $0x5;
	s13 =	smax.u32 s5, $0x1  }
0x12: {  	v2 =	vlaneseq.u32;
	s26 =	simm.s32 $0x5880;
	s8 =	sadd.s32 s8, s12;
	s9 =	sadd.s32 s9, s11  }
0x13: {  	vm0 =	vmmov $0xffff;
	v1 =	vshrl.u32 v2, $0x3;
	s10 =	sadd.s32 s1, s11;
	s11 =	sadd.s32 s4, s11;
	s12 =	sadd.s32 $0xC2C00, s0  }
0x14: {  	v0 =	vand.u32 $0x7, v2;
	v2 =	vor.u32 $0x8, v2;
	v1 =	vmul.u32 $0x8, v1;
	s0 =	simm.s32 $0x1;
	s1 =	simm.s32 $0x8080;
	s4 =	simm.s32 $0x10080  }
.LBB2_1:
0x15: {  	s5 =	rddreg [dreg:$0x4]  }
0x16: {  	[tilespmem:s2], [sflag:$0x2] =	stream.linear.gather [hbm4b:s5+s2], $0x80, $0x38;
	[tilespmem:$0x18100] =	vst v63  }
0x17: {  	_ =	swait.ge [sflag:s14], $0x80  }
0x18: {  	[sflag:s14] =	ssyncset.done $0x0  }
0x19: {  	[sflag:s14] =	ssyncadd.s32 $0xFFFFFF80  }
0x1a: {  	v3 =	vld [tilespmem:$0x0];
	_ =	sdelay $0x4  }
0x1b: {  	v4 =	vshll.u32 v3, $0x1  }
0x1c: {  	v3 =	vand.u32 $0x7, v3;
	v4 =	vand.u32 $0xFFFFFFF0, v4  }
0x1d: {  	v3 =	vor.u32 v3, v4  }
0x1e: {  	v4 =	vperm.xlane v3, v0;
	_ =	sdelay $0x1  }
0x1f: {  	v3 =	vperm.xlane v3, v2;
	v4 =	vadd.s32 v1, v4;
	_ =	sdelay $0x1  }
0x20: {  	v3 =	vadd.s32 v1, v3;
	_ =	sdelay $0x1  }
0x21: {  	s17 =	simm.s32 $0x80  }
0x22: {  	[tilespmem:s17], [sflag:$0x1] =	stream.indirect_vreg.gather [hbm4b:s3+s2], $0x80, v4, vm0, $0xb8;
	[tilespmem:$0x18100] =	vst v63  }
0x23: {  	s18 =	simm.s32 $0x880  }
0x24: {  	[tilespmem:s18], [sflag:$0x1] =	stream.indirect_vreg.gather [hbm4b:s3+s2], $0x80, v3, vm0, $0xb8;
	[tilespmem:$0x18100] =	vst v63  }
0x25: {  	v3 =	vld [tilespmem:$0x10];
	_ =	sdelay $0x4  }
0x26: {  	v4 =	vshll.u32 v3, $0x1  }
0x27: {  	v3 =	vand.u32 $0x7, v3;
	v4 =	vand.u32 $0xFFFFFFF0, v4  }
0x28: {  	v3 =	vor.u32 v3, v4  }
0x29: {  	v4 =	vperm.xlane v3, v0;
	_ =	sdelay $0x1  }
0x2a: {  	v3 =	vperm.xlane v3, v2;
	v4 =	vadd.s32 v1, v4;
	_ =	sdelay $0x1  }
0x2b: {  	v3 =	vadd.s32 v1, v3;
	_ =	sdelay $0x1  }
0x2c: {  	s19 =	simm.s32 $0x1080  }
0x2d: {  	[tilespmem:s19], [sflag:$0x1] =	stream.indirect_vreg.gather [hbm4b:s3+s2], $0x80, v4, vm0, $0xb8;
	[tilespmem:$0x18100] =	vst v63  }
0x2e: {  	s6 =	simm.s32 $0x1880  }
0x2f: {  	[tilespmem:s6], [sflag:$0x1] =	stream.indirect_vreg.gather [hbm4b:s3+s2], $0x80, v3, vm0, $0xb8;
	[tilespmem:$0x18100] =	vst v63  }
0x30: {  	v3 =	vld [tilespmem:$0x20];
	_ =	sdelay $0x4  }
0x31: {  	v4 =	vshll.u32 v3, $0x1  }
0x32: {  	v3 =	vand.u32 $0x7, v3;
	v4 =	vand.u32 $0xFFFFFFF0, v4  }
0x33: {  	v3 =	vor.u32 v3, v4  }
0x34: {  	v4 =	vperm.xlane v3, v0;
	_ =	sdelay $0x1  }
0x35: {  	v3 =	vperm.xlane v3, v2;
	v4 =	vadd.s32 v1, v4;
	_ =	sdelay $0x1  }
0x36: {  	v3 =	vadd.s32 v1, v3;
	_ =	sdelay $0x1  }
0x37: {  	s16 =	simm.s32 $0x2080  }
0x38: {  	[tilespmem:s16], [sflag:$0x1] =	stream.indirect_vreg.gather [hbm4b:s3+s2], $0x80, v4, vm0, $0xb8;
	[tilespmem:$0x18100] =	vst v63  }
0x39: {  	_ = 	snop  }
0x3a: {  	[tilespmem:s20], [sflag:$0x1] =	stream.indirect_vreg.gather [hbm4b:s3+s2], $0x80, v3, vm0, $0xb8;
	[tilespmem:$0x18100] =	vst v63  }
0x3b: {  	v3 =	vld [tilespmem:$0x30];
	_ =	sdelay $0x4  }
0x3c: {  	v4 =	vshll.u32 v3, $0x1  }
0x3d: {  	v3 =	vand.u32 $0x7, v3;
	v4 =	vand.u32 $0xFFFFFFF0, v4  }
0x3e: {  	v3 =	vor.u32 v3, v4  }
0x3f: {  	v4 =	vperm.xlane v3, v0;
	_ =	sdelay $0x1  }
0x40: {  	v3 =	vperm.xlane v3, v2;
	v4 =	vadd.s32 v1, v4;
	_ =	sdelay $0x1  }
0x41: {  	v3 =	vadd.s32 v1, v3;
	_ =	sdelay $0x2  }
0x42: {  	[tilespmem:s21], [sflag:$0x1] =	stream.indirect_vreg.gather [hbm4b:s3+s2], $0x80, v4, vm0, $0xb8;
	[tilespmem:$0x18100] =	vst v63  }
0x43: {  	_ = 	snop  }
0x44: {  	[tilespmem:s22], [sflag:$0x1] =	stream.indirect_vreg.gather [hbm4b:s3+s2], $0x80, v3, vm0, $0xb8;
	[tilespmem:$0x18100] =	vst v63  }
0x45: {  	v3 =	vld [tilespmem:$0x40];
	_ =	sdelay $0x4  }
0x46: {  	v4 =	vshll.u32 v3, $0x1  }
0x47: {  	v3 =	vand.u32 $0x7, v3;
	v4 =	vand.u32 $0xFFFFFFF0, v4  }
0x48: {  	v3 =	vor.u32 v3, v4  }
0x49: {  	v4 =	vperm.xlane v3, v0;
	_ =	sdelay $0x1  }
0x4a: {  	v3 =	vperm.xlane v3, v2;
	v4 =	vadd.s32 v1, v4;
	_ =	sdelay $0x1  }
0x4b: {  	v3 =	vadd.s32 v1, v3;
	_ =	sdelay $0x2  }
0x4c: {  	[tilespmem:s23], [sflag:$0x1] =	stream.indirect_vreg.gather [hbm4b:s3+s2], $0x80, v4, vm0, $0xb8;
	[tilespmem:$0x18100] =	vst v63  }
0x4d: {  	_ = 	snop  }
0x4e: {  	[tilespmem:s24], [sflag:$0x1] =	stream.indirect_vreg.gather [hbm4b:s3+s2], $0x80, v3, vm0, $0xb8;
	[tilespmem:$0x18100] =	vst v63  }
0x4f: {  	v3 =	vld [tilespmem:$0x50];
	_ =	sdelay $0x4  }
0x50: {  	v4 =	vshll.u32 v3, $0x1  }
0x51: {  	v3 =	vand.u32 $0x7, v3;
	v4 =	vand.u32 $0xFFFFFFF0, v4  }
0x52: {  	v3 =	vor.u32 v3, v4  }
0x53: {  	v4 =	vperm.xlane v3, v0;
	_ =	sdelay $0x1  }
0x54: {  	v3 =	vperm.xlane v3, v2;
	v4 =	vadd.s32 v1, v4;
	_ =	sdelay $0x1  }
0x55: {  	v3 =	vadd.s32 v1, v3;
	_ =	sdelay $0x2  }
0x56: {  	[tilespmem:s25], [sflag:$0x1] =	stream.indirect_vreg.gather [hbm4b:s3+s2], $0x80, v4, vm0, $0xb8;
	[tilespmem:$0x18100] =	vst v63  }
0x57: {  	_ = 	snop  }
0x58: {  	[tilespmem:s26], [sflag:$0x1] =	stream.indirect_vreg.gather [hbm4b:s3+s2], $0x80, v3, vm0, $0xb8;
	[tilespmem:$0x18100] =	vst v63  }
0x59: {  	v3 =	vld [tilespmem:$0x60];
	_ =	sdelay $0x4  }
0x5a: {  	v4 =	vshll.u32 v3, $0x1  }
0x5b: {  	v3 =	vand.u32 $0x7, v3;
	v4 =	vand.u32 $0xFFFFFFF0, v4  }
0x5c: {  	v3 =	vor.u32 v3, v4  }
0x5d: {  	v4 =	vperm.xlane v3, v0;
	_ =	sdelay $0x1  }
0x5e: {  	v3 =	vperm.xlane v3, v2;
	v4 =	vadd.s32 v1, v4;
	_ =	sdelay $0x1  }
0x5f: {  	v3 =	vadd.s32 v1, v3;
	_ =	sdelay $0x2  }
0x60: {  	[tilespmem:s28], [sflag:$0x1] =	stream.indirect_vreg.gather [hbm4b:s3+s2], $0x80, v4, vm0, $0xb8;
	[tilespmem:$0x18100] =	vst v63  }
0x61: {  	_ = 	snop  }
0x62: {  	[tilespmem:s29], [sflag:$0x1] =	stream.indirect_vreg.gather [hbm4b:s3+s2], $0x80, v3, vm0, $0xb8;
	[tilespmem:$0x18100] =	vst v63  }
0x63: {  	v3 =	vld [tilespmem:$0x70];
	_ =	sdelay $0x4  }
0x64: {  	v4 =	vshll.u32 v3, $0x1  }
0x65: {  	v3 =	vand.u32 $0x7, v3;
	v4 =	vand.u32 $0xFFFFFFF0, v4  }
0x66: {  	v3 =	vor.u32 v3, v4  }
0x67: {  	v4 =	vperm.xlane v3, v0;
	_ =	sdelay $0x1  }
0x68: {  	v3 =	vperm.xlane v3, v2;
	v4 =	vadd.s32 v1, v4;
	_ =	sdelay $0x1  }
0x69: {  	v3 =	vadd.s32 v1, v3;
	_ =	sdelay $0x2  }
0x6a: {  	[tilespmem:s30], [sflag:$0x1] =	stream.indirect_vreg.gather [hbm4b:s3+s2], $0x80, v4, vm0, $0xb8;
	[tilespmem:$0x18100] =	vst v63  }
0x6b: {  	_ = 	snop  }
0x6c: {  	[tilespmem:s31], [sflag:$0x1] =	stream.indirect_vreg.gather [hbm4b:s3+s2], $0x80, v3, vm0, $0xb8;
	[tilespmem:$0x18100] =	vst v63  }
0x6d: {  	_ =	swait.ge [sflag:s0], $0x8000  }
0x6e: {  	[sflag:s0] =	ssyncset.done $0x0  }
0x6f: {  	s17 =	rddreg [dreg:$0x5];
	[sflag:s0] =	ssyncadd.s32 $0xFFFF8000  }
0x70: {  	[tilespmem:s1], [sflag:$0x2] =	stream.linear.gather [hbm4b:s17+s2], $0x8000, $0x38;
	[tilespmem:$0x18100] =	vst v63  }
0x71: {  	_ =	swait.ge [sflag:s14], $0x8000  }
0x72: {  	[sflag:s14] =	ssyncset.done $0x0  }
0x73: {  	s18 =	rddreg [dreg:$0x6];
	[sflag:s14] =	ssyncadd.s32 $0xFFFF8000  }
0x74: {  	[tilespmem:s4], [sflag:$0x2] =	stream.linear.gather [hbm4b:s18+s2], $0x8000, $0x38;
	[tilespmem:$0x18100] =	vst v63  }
0x75: {  	_ =	swait.ge [sflag:s14], $0x8000  }
0x76: {  	s19 =	sand.u32 $0x7800, s2;
	s16 =	sand.u32 $0x380, s2;
	[sflag:s14] =	ssyncset.done $0x0  }
0x77: {  	s16 =	sor.u32 s16, s19;
	[sflag:s14] =	ssyncadd.s32 $0xFFFF8000  }
0x78: {  	v6 =	vld [tilespmem:s16+$0x84F0]  }
0x79: {  	v3 =	vld [tilespmem:s16+$0x4E0]  }
0x7a: {  	v4 =	vld [tilespmem:s16+$0x84E0]  }
0x7b: {  	v5 =	vld [tilespmem:s16+$0x4D0]  }
0x7c: {  	v7 =	vld [tilespmem:s16+$0x84D0]  }
0x7d: {  	v8 =	vld [tilespmem:s16+$0x104F0]  }
0x7e: {  	v9 =	vld [tilespmem:s16+$0x4C0]  }
0x7f: {  	v12 =	vld [tilespmem:s16+$0x84C0]  }
0x80: {  	v13 =	vld [tilespmem:s16+$0x104E0]  }
0x81: {  	v14 =	vld [tilespmem:s16+$0x104D0]  }
0x82: {  	v15 =	vld [tilespmem:s16+$0x4B0]  }
0x83: {  	v16 =	vld [tilespmem:s16+$0x104C0]  }
0x84: {  	v17 =	vld [tilespmem:s16+$0x84B0]  }
0x85: {  	v18 =	vld [tilespmem:s16+$0x4A0]  }
0x86: {  	v19 =	vld [tilespmem:s16+$0x84A0]  }
0x87: {  	v20 =	vld [tilespmem:s16+$0x104B0]  }
0x88: {  	v11 =	vld [tilespmem:s16+$0xF0]  }
0x89: {  	v21 =	vld [tilespmem:s16+$0x104A0]  }
0x8a: {  	v10 =	vld [tilespmem:s16+$0x480]  }
0x8b: {  	v22 =	vld [tilespmem:s16+$0x490]  }
0x8c: {  	v23 =	vld [tilespmem:s16+$0x8490]  }
0x8d: {  	v24 =	vld [tilespmem:s16+$0xC0]  }
0x8e: {  	v25 =	vld [tilespmem:s16+$0x80C0]  }
0x8f: {  	v26 =	vld [tilespmem:s16+$0xB0]  }
0x90: {  	v27 =	vld [tilespmem:s16+$0x80B0]  }
0x91: {  	v28 =	vld [tilespmem:s16+$0x90]  }
0x92: {  	v29 =	vld [tilespmem:s16+$0x8090]  }
0x93: {  	v31 =	vld [tilespmem:s16+$0x8080]  }
0x94: {  	v32 =	vld [tilespmem:s16+$0x100B0]  }
0x95: {  	v18 =	vsub.f32 v19, v18;
	v19 =	vld [tilespmem:s16+$0xA0]  }
0x96: {  	v15 =	vsub.f32 v17, v15;
	v17 =	vld [tilespmem:s16+$0x80]  }
0x97: {  	v12 =	vsub.f32 v12, v9;
	v9 =	vld [tilespmem:s16+$0x10090];
	v7 =	vsub.f32 v7, v5  }
0x98: {  	v33 =	vsub.f32 v4, v3;
	v3 =	vld [tilespmem:s16+$0x80A0];
	v21 =	vsub.f32 v21, v18  }
0x99: {  	v20 =	vsub.f32 v20, v15;
	v4 =	vsub.f32 v14, v7;
	v14 =	vld [tilespmem:s16+$0x100C0]  }
0x9a: {  	v28 =	vsub.f32 v29, v28;
	v5 =	vsub.f32 v13, v33;
	v13 =	vld [tilespmem:s16+$0xD0];
	[tilespmem:s16+$0x84A0] =	vst v21  }
0x9b: {  	v26 =	vsub.f32 v27, v26;
	v21 =	vld [tilespmem:s16+$0x4F0];
	[tilespmem:s16+$0x84B0] =	vst v20;
	v58 =	vsub.f32 v31, v17  }
0x9c: {  	v16 =	vsub.f32 v16, v12;
	v20 =	vld [tilespmem:s16+$0x100A0];
	[tilespmem:s16+$0x84D0] =	vst v4;
	v4 =	vsub.f32 v9, v28  }
0x9d: {  	v60 =	vsub.f32 v32, v26;
	[tilespmem:s16+$0x84E0] =	vst v5;
	v5 =	vsub.f32 v23, v22;
	v23 =	vld [tilespmem:s16+$0x80D0];
	v9 =	vmul.f32 v58, v58  }
0x9e: {  	v30 =	vld [tilespmem:s16+$0x10080];
	v61 =	vmul.f32 v28, v28;
	v22 =	vsub.f32 v25, v24;
	[tilespmem:s16+$0x8090] =	vst v4;
	v4 =	vimm.f32 $0.0e+00  }
0x9f: {  	v59 =	vld [tilespmem:s16+$0x100D0];
	v7 =	vmul.f32 v7, v7;
	v19 =	vsub.f32 v3, v19;
	v62 =	vadd.f32 v9, v4  }
0xa0: {  	v63 =	vmul.f32 v26, v26;
	[tilespmem:s16+$0x84C0] =	vst v16;
	v16 =	vld [tilespmem:s16+$0xE0];
	v14 =	vsub.f32 v14, v22;
	v9 =	vsub.f32 v6, v21  }
0xa1: {  	v17 =	vld [tilespmem:s16+$0x80E0];
	v6 =	vmul.f32 v12, v12;
	v12 =	vmul.f32 v19, v19;
	v21 =	vadd.f32 v61, v62  }
0xa2: {  	[tilespmem:s16+$0x80B0] =	vst v60;
	v3 =	vmul.f32 v15, v15;
	v15 =	vld [tilespmem:s16+$0x80F0];
	v20 =	vsub.f32 v20, v19;
	v23 =	vsub.f32 v23, v13  }
0xa3: {  	v4 =	vmul.f32 v18, v18;
	[tilespmem:s16+$0x80C0] =	vst v14;
	v18 =	vld [tilespmem:s16+$0x100F0];
	v14 =	vsub.f32 v8, v9;
	v25 =	vadd.f32 v12, v21  }
0xa4: {  	v19 =	vld [tilespmem:s16+$0x100E0];
	v8 =	vmul.f32 v33, v33;
	[tilespmem:s16+$0x80A0] =	vst v20;
	v13 =	vmul.f32 v23, v23;
	v21 =	vsub.f32 v30, v58  }
0xa5: {  	s5 =	simm.s32 $0x100;
	s17 =	simm.s32 $0x80;
	v20 =	vld [tilespmem:s16+$0x8480];
	v12 =	vmul.f32 v22, v22;
	[tilespmem:s16+$0x84F0] =	vst v14;
	v22 =	vsub.f32 v59, v23;
	v14 =	vadd.f32 v63, v25  }
.LBB2_2:
0xa6: {  	s18 =	smov.u32 s5  }
0xa7: {  	s6 =	sand.u32 $0x7800, s5;
	s19 =	sand.u32 $0x380, s17;
	[tilespmem:s16+$0x8080] =	vst v21;
	v16 =	vsub.f32 v17, v16;
	v17 =	vld [tilespmem:s16+$0x10490];
	s18 =	sadd.s32 $0x100, s5  }
0xa8: {  	p0 =	sne.s32 s5, $0x7F00;
	s6 =	sor.u32 s19, s6;
	v12 =	vadd.f32 v12, v14;
	v11 =	vsub.f32 v15, v11;
	[tilespmem:s16+$0x80D0] =	vst v22;
	v14 =	vld [tilespmem:s16+$0x10480]  }
0xa9: {  	v9 =	vmul.f32 v9, v9;
	v21 =	vmul.f32 v16, v16;
	v15 =	vld [tilespmem:s6+$0x84F0]  }
0xaa: {  	v12 =	vadd.f32 v13, v12;
	v13 =	vmul.f32 v11, v11;
	v11 =	vsub.f32 v18, v11;
	v22 =	vld [tilespmem:s6+$0x4E0]  }
0xab: {  	v16 =	vsub.f32 v19, v16;
	v10 =	vsub.f32 v20, v10;
	v18 =	vld [tilespmem:s6+$0x84E0]  }
0xac: {  	v12 =	vadd.f32 v21, v12;
	v19 =	vld [tilespmem:s6+$0x4D0];
	[tilespmem:s16+$0x80F0] =	vst v11;
	v11 =	vsub.f32 v17, v5  }
0xad: {  	v17 =	vld [tilespmem:s6+$0x84D0];
	[tilespmem:s16+$0x80E0] =	vst v16;
	v16 =	vmul.f32 v10, v10;
	v10 =	vsub.f32 v14, v10  }
0xae: {  	v12 =	vadd.f32 v13, v12;
	v14 =	vld [tilespmem:s6+$0x104F0];
	[tilespmem:s16+$0x8490] =	vst v11  }
0xaf: {  	v5 =	vmul.f32 v5, v5;
	v13 =	vld [tilespmem:s6+$0x4C0];
	[tilespmem:s16+$0x8480] =	vst v10;
	s16 =	smov.u32 s6  }
0xb0: {  	v10 =	vadd.f32 v16, v12;
	v20 =	vld [tilespmem:s16+$0x84C0]  }
0xb1: {  	v12 =	vld [tilespmem:s16+$0x104E0]  }
0xb2: {  	v5 =	vadd.f32 v5, v10;
	v16 =	vld [tilespmem:s16+$0x104D0]  }
0xb3: {  	v21 =	vld [tilespmem:s16+$0x4B0]  }
0xb4: {  	v4 =	vadd.f32 v4, v5;
	v23 =	vld [tilespmem:s16+$0x104C0]  }
0xb5: {  	v24 =	vld [tilespmem:s16+$0x84B0]  }
0xb6: {  	v3 =	vadd.f32 v3, v4;
	v25 =	vld [tilespmem:s16+$0x4A0]  }
0xb7: {  	v4 =	vld [tilespmem:s16+$0x84A0]  }
0xb8: {  	v3 =	vadd.f32 v6, v3;
	v26 =	vld [tilespmem:s16+$0x104B0]  }
0xb9: {  	v11 =	vld [tilespmem:s16+$0xF0]  }
0xba: {  	v3 =	vadd.f32 v7, v3;
	v6 =	vld [tilespmem:s16+$0x104A0]  }
0xbb: {  	v10 =	vld [tilespmem:s16+$0x480]  }
0xbc: {  	v3 =	vadd.f32 v8, v3;
	v5 =	vld [tilespmem:s16+$0x490]  }
0xbd: {  	v7 =	vld [tilespmem:s16+$0x8490]  }
0xbe: {  	v27 =	vadd.f32 v9, v3;
	v8 =	vld [tilespmem:s16+$0xC0]  }
0xbf: {  	v9 =	vld [tilespmem:s16+$0x80C0]  }
0xc0: {  	v3 =	vld [tilespmem:s16+$0xB0]  }
0xc1: {  	v28 =	vld [tilespmem:s16+$0x80B0]  }
0xc2: {  	v29 =	vld [tilespmem:s16+$0xA0];
	v5 =	vsub.f32 v7, v5  }
0xc3: {  	v25 =	vsub.f32 v4, v25;
	v7 =	vld [tilespmem:s16+$0x80A0]  }
0xc4: {  	v30 =	vld [tilespmem:s16+$0x90]  }
0xc5: {  	v21 =	vsub.f32 v24, v21;
	v4 =	vmul.f32 v25, v25;
	v31 =	vld [tilespmem:s16+$0x8090]  }
0xc6: {  	v6 =	vsub.f32 v6, v25;
	v24 =	vld [tilespmem:s16+$0x80];
	v28 =	vsub.f32 v28, v3  }
0xc7: {  	v3 =	vmul.f32 v21, v21;
	v21 =	vsub.f32 v26, v21;
	v25 =	vld [tilespmem:s16+$0x8080]  }
0xc8: {  	v26 =	vsub.f32 v7, v29;
	[tilespmem:s16+$0x84A0] =	vst v6;
	v7 =	vsub.f32 v20, v13;
	v13 =	vld [tilespmem:s16+$0x4F0]  }
0xc9: {  	v17 =	vsub.f32 v17, v19;
	v20 =	vld [tilespmem:s16+$0x10080];
	[tilespmem:s16+$0x84B0] =	vst v21  }
0xca: {  	v19 =	vsub.f32 v31, v30;
	v21 =	vld [tilespmem:s16+$0x10090];
	v6 =	vmul.f32 v7, v7;
	v7 =	vsub.f32 v23, v7  }
0xcb: {  	v18 =	vsub.f32 v18, v22;
	v23 =	vld [tilespmem:s16+$0x100A0]  }
0xcc: {  	v16 =	vsub.f32 v16, v17;
	v22 =	vsub.f32 v25, v24;
	v24 =	vld [tilespmem:s16+$0x100B0];
	[tilespmem:s16+$0x84C0] =	vst v7;
	v7 =	vmul.f32 v17, v17  }
0xcd: {  	v29 =	vsub.f32 v12, v18;
	v17 =	vsub.f32 v9, v8;
	v25 =	vld [tilespmem:s16+$0x100C0]  }
0xce: {  	v8 =	vmul.f32 v18, v18;
	v9 =	vsub.f32 v15, v13;
	v30 =	vmul.f32 v22, v22;
	v31 =	vld [tilespmem:s16+$0xD0];
	[tilespmem:s16+$0x84D0] =	vst v16  }
0xcf: {  	v13 =	vmul.f32 v19, v19;
	v12 =	vmul.f32 v17, v17;
	v15 =	vsub.f32 v21, v19;
	v18 =	vld [tilespmem:s16+$0x80D0];
	[tilespmem:s16+$0x84E0] =	vst v29  }
0xd0: {  	v14 =	vsub.f32 v14, v9;
	v19 =	vadd.f32 v30, v27;
	v27 =	vld [tilespmem:s16+$0x100D0]  }
0xd1: {  	v29 =	vmul.f32 v26, v26;
	v23 =	vsub.f32 v23, v26;
	[tilespmem:s16+$0x8090] =	vst v15;
	v15 =	vsub.f32 v24, v28;
	v16 =	vld [tilespmem:s16+$0xE0]  }
.Ltmp0:
0xd2: {  	v13 =	vadd.f32 v13, v19;
	v19 =	vsub.f32 v25, v17;
	v17 =	vld [tilespmem:s16+$0x80E0];
	(pc) =	sbr.rel @p0 .LBB2_2-.Ltmp0, $4  }
0xd3: {  	v21 =	vsub.f32 v20, v22;
	v20 =	vmul.f32 v28, v28;
	[tilespmem:s16+$0x80B0] =	vst v15;
	v15 =	vld [tilespmem:s16+$0x80F0]  }
0xd4: {  	v13 =	vadd.f32 v29, v13;
	[tilespmem:s16+$0x80C0] =	vst v19;
	v22 =	vsub.f32 v18, v31;
	v18 =	vld [tilespmem:s16+$0x100F0]  }
0xd5: {  	v19 =	vld [tilespmem:s16+$0x100E0];
	[tilespmem:s16+$0x84F0] =	vst v14  }
0xd6: {  	s17 =	sadd.s32 $0x80, s17;
	s5 =	smov.u32 s18;
	[tilespmem:s16+$0x80A0] =	vst v23;
	v14 =	vadd.f32 v20, v13;
	v13 =	vmul.f32 v22, v22;
	v22 =	vsub.f32 v27, v22;
	v20 =	vld [tilespmem:s16+$0x8480]  }
0xd7: {  	[tilespmem:s16+$0x8080] =	vst v21;
	v21 =	vld [tilespmem:s16+$0x10490]  }
0xd8: {  	v15 =	vsub.f32 v15, v11;
	v11 =	vld [tilespmem:s16+$0x10480]  }
0xd9: {  	v17 =	vsub.f32 v17, v16  }
0xda: {  	v18 =	vsub.f32 v18, v15  }
0xdb: {  	[tilespmem:s16+$0x80D0] =	vst v22;
	v19 =	vsub.f32 v19, v17;
	v16 =	vsub.f32 v20, v10  }
0xdc: {  	[tilespmem:s16+$0x80F0] =	vst v18;
	v10 =	vsub.f32 v21, v5  }
0xdd: {  	[tilespmem:s16+$0x80E0] =	vst v19;
	v11 =	vsub.f32 v11, v16  }
0xde: {  	[tilespmem:s16+$0x8490] =	vst v10  }
0xdf: {  	s5 =	simm.s32 $0x0;
	[tilespmem:s16+$0x8480] =	vst v11  }
0xe0: {  	[hbm4b:s7+s5] =	stream.linear.scatter [tilespmem:s1], [sflag:$0x2], $0x8000, $0x38;
	[tilespmem:$0x18100] =	vst v63  }
0xe1: {  	_ =	swait.ge [sflag:s14], $0x8000  }
0xe2: {  	[sflag:s14] =	ssyncset.done $0x0  }
0xe3: {  	[sflag:s14] =	ssyncadd.s32 $0xFFFF8000  }
0xe4: {  	[tilespmem:s5], [sflag:$0x2] =	stream.linear.gather [hbm4b:s8+s5], $0x80, $0x38;
	[tilespmem:$0x18100] =	vst v63  }
0xe5: {  	_ =	swait.ge [sflag:s14], $0x80  }
0xe6: {  	[sflag:s14] =	ssyncset.done $0x0  }
0xe7: {  	[sflag:s14] =	ssyncadd.s32 $0xFFFFFF80  }
0xe8: {  	v10 =	vld [tilespmem:$0x0];
	_ =	sdelay $0x4  }
0xe9: {  	v11 =	vshll.u32 v10, $0x1  }
0xea: {  	v10 =	vand.u32 $0x7, v10;
	v11 =	vand.u32 $0xFFFFFFF0, v11  }
0xeb: {  	v10 =	vor.u32 v10, v11  }
0xec: {  	v11 =	vperm.xlane v10, v0;
	_ =	sdelay $0x1  }
0xed: {  	v10 =	vperm.xlane v10, v2;
	v11 =	vadd.s32 v1, v11;
	_ =	sdelay $0x1  }
0xee: {  	v10 =	vadd.s32 v1, v10;
	_ =	sdelay $0x1  }
0xef: {  	s6 =	simm.s32 $0x80  }
0xf0: {  	[tilespmem:s6], [sflag:$0x1] =	stream.indirect_vreg.gather [hbm4b:s3+s5], $0x80, v11, vm0, $0xb8;
	[tilespmem:$0x18100] =	vst v63  }
0xf1: {  	s19 =	simm.s32 $0x880  }
0xf2: {  	[tilespmem:s19], [sflag:$0x1] =	stream.indirect_vreg.gather [hbm4b:s3+s5], $0x80, v10, vm0, $0xb8;
	[tilespmem:$0x18100] =	vst v63  }
0xf3: {  	v10 =	vld [tilespmem:$0x10];
	_ =	sdelay $0x4  }
0xf4: {  	v11 =	vshll.u32 v10, $0x1  }
0xf5: {  	v10 =	vand.u32 $0x7, v10;
	v11 =	vand.u32 $0xFFFFFFF0, v11  }
0xf6: {  	v10 =	vor.u32 v10, v11  }
0xf7: {  	v11 =	vperm.xlane v10, v0;
	_ =	sdelay $0x1  }
0xf8: {  	v10 =	vperm.xlane v10, v2;
	v11 =	vadd.s32 v1, v11;
	_ =	sdelay $0x1  }
0xf9: {  	v10 =	vadd.s32 v1, v10;
	_ =	sdelay $0x1  }
0xfa: {  	s16 =	simm.s32 $0x1080  }
0xfb: {  	[tilespmem:s16], [sflag:$0x1] =	stream.indirect_vreg.gather [hbm4b:s3+s5], $0x80, v11, vm0, $0xb8;
	[tilespmem:$0x18100] =	vst v63  }
0xfc: {  	s17 =	simm.s32 $0x1880  }
0xfd: {  	[tilespmem:s17], [sflag:$0x1] =	stream.indirect_vreg.gather [hbm4b:s3+s5], $0x80, v10, vm0, $0xb8;
	[tilespmem:$0x18100] =	vst v63  }
0xfe: {  	v10 =	vld [tilespmem:$0x20];
	_ =	sdelay $0x4  }
0xff: {  	v11 =	vshll.u32 v10, $0x1  }
0x100: {  	v10 =	vand.u32 $0x7, v10;
	v11 =	vand.u32 $0xFFFFFFF0, v11  }
0x101: {  	v10 =	vor.u32 v10, v11  }
0x102: {  	v11 =	vperm.xlane v10, v0;
	_ =	sdelay $0x1  }
0x103: {  	v10 =	vperm.xlane v10, v2;
	v11 =	vadd.s32 v1, v11;
	_ =	sdelay $0x1  }
0x104: {  	v10 =	vadd.s32 v1, v10;
	_ =	sdelay $0x1  }
0x105: {  	s18 =	simm.s32 $0x2080  }
0x106: {  	[tilespmem:s18], [sflag:$0x1] =	stream.indirect_vreg.gather [hbm4b:s3+s5], $0x80, v11, vm0, $0xb8;
	[tilespmem:$0x18100] =	vst v63  }
0x107: {  	_ = 	snop  }
0x108: {  	[tilespmem:s20], [sflag:$0x1] =	stream.indirect_vreg.gather [hbm4b:s3+s5], $0x80, v10, vm0, $0xb8;
	[tilespmem:$0x18100] =	vst v63  }
0x109: {  	v10 =	vld [tilespmem:$0x30];
	_ =	sdelay $0x4  }
0x10a: {  	v11 =	vshll.u32 v10, $0x1  }
0x10b: {  	v10 =	vand.u32 $0x7, v10;
	v11 =	vand.u32 $0xFFFFFFF0, v11  }
0x10c: {  	v10 =	vor.u32 v10, v11  }
0x10d: {  	v11 =	vperm.xlane v10, v0;
	_ =	sdelay $0x1  }
0x10e: {  	v10 =	vperm.xlane v10, v2;
	v11 =	vadd.s32 v1, v11;
	_ =	sdelay $0x1  }
0x10f: {  	v10 =	vadd.s32 v1, v10;
	_ =	sdelay $0x2  }
0x110: {  	[tilespmem:s21], [sflag:$0x1] =	stream.indirect_vreg.gather [hbm4b:s3+s5], $0x80, v11, vm0, $0xb8;
	[tilespmem:$0x18100] =	vst v63  }
0x111: {  	_ = 	snop  }
0x112: {  	[tilespmem:s22], [sflag:$0x1] =	stream.indirect_vreg.gather [hbm4b:s3+s5], $0x80, v10, vm0, $0xb8;
	[tilespmem:$0x18100] =	vst v63  }
0x113: {  	v10 =	vld [tilespmem:$0x40];
	_ =	sdelay $0x4  }
0x114: {  	v11 =	vshll.u32 v10, $0x1  }
0x115: {  	v10 =	vand.u32 $0x7, v10;
	v11 =	vand.u32 $0xFFFFFFF0, v11  }
0x116: {  	v10 =	vor.u32 v10, v11  }
0x117: {  	v11 =	vperm.xlane v10, v0;
	_ =	sdelay $0x1  }
0x118: {  	v10 =	vperm.xlane v10, v2;
	v11 =	vadd.s32 v1, v11;
	_ =	sdelay $0x1  }
0x119: {  	v10 =	vadd.s32 v1, v10;
	_ =	sdelay $0x2  }
0x11a: {  	[tilespmem:s23], [sflag:$0x1] =	stream.indirect_vreg.gather [hbm4b:s3+s5], $0x80, v11, vm0, $0xb8;
	[tilespmem:$0x18100] =	vst v63  }
0x11b: {  	_ = 	snop  }
0x11c: {  	[tilespmem:s24], [sflag:$0x1] =	stream.indirect_vreg.gather [hbm4b:s3+s5], $0x80, v10, vm0, $0xb8;
	[tilespmem:$0x18100] =	vst v63  }
0x11d: {  	v10 =	vld [tilespmem:$0x50];
	_ =	sdelay $0x4  }
0x11e: {  	v11 =	vshll.u32 v10, $0x1  }
0x11f: {  	v10 =	vand.u32 $0x7, v10;
	v11 =	vand.u32 $0xFFFFFFF0, v11  }
0x120: {  	v10 =	vor.u32 v10, v11  }
0x121: {  	v11 =	vperm.xlane v10, v0;
	_ =	sdelay $0x1  }
0x122: {  	v10 =	vperm.xlane v10, v2;
	v11 =	vadd.s32 v1, v11;
	_ =	sdelay $0x1  }
0x123: {  	v10 =	vadd.s32 v1, v10;
	_ =	sdelay $0x2  }
0x124: {  	[tilespmem:s25], [sflag:$0x1] =	stream.indirect_vreg.gather [hbm4b:s3+s5], $0x80, v11, vm0, $0xb8;
	[tilespmem:$0x18100] =	vst v63  }
0x125: {  	_ = 	snop  }
0x126: {  	[tilespmem:s26], [sflag:$0x1] =	stream.indirect_vreg.gather [hbm4b:s3+s5], $0x80, v10, vm0, $0xb8;
	[tilespmem:$0x18100] =	vst v63  }
0x127: {  	v10 =	vld [tilespmem:$0x60];
	_ =	sdelay $0x4  }
0x128: {  	v11 =	vshll.u32 v10, $0x1  }
0x129: {  	v10 =	vand.u32 $0x7, v10;
	v11 =	vand.u32 $0xFFFFFFF0, v11  }
0x12a: {  	v10 =	vor.u32 v10, v11  }
0x12b: {  	v11 =	vperm.xlane v10, v0;
	_ =	sdelay $0x1  }
0x12c: {  	v10 =	vperm.xlane v10, v2;
	v11 =	vadd.s32 v1, v11;
	_ =	sdelay $0x1  }
0x12d: {  	v10 =	vadd.s32 v1, v10;
	_ =	sdelay $0x2  }
0x12e: {  	[tilespmem:s28], [sflag:$0x1] =	stream.indirect_vreg.gather [hbm4b:s3+s5], $0x80, v11, vm0, $0xb8;
	[tilespmem:$0x18100] =	vst v63  }
0x12f: {  	_ = 	snop  }
0x130: {  	[tilespmem:s29], [sflag:$0x1] =	stream.indirect_vreg.gather [hbm4b:s3+s5], $0x80, v10, vm0, $0xb8;
	[tilespmem:$0x18100] =	vst v63  }
0x131: {  	v10 =	vld [tilespmem:$0x70];
	_ =	sdelay $0x4  }
0x132: {  	v11 =	vshll.u32 v10, $0x1  }
0x133: {  	v10 =	vand.u32 $0x7, v10;
	v11 =	vand.u32 $0xFFFFFFF0, v11  }
0x134: {  	v10 =	vor.u32 v10, v11  }
0x135: {  	v11 =	vperm.xlane v10, v0;
	_ =	sdelay $0x1  }
0x136: {  	v10 =	vperm.xlane v10, v2;
	v11 =	vadd.s32 v1, v11;
	_ =	sdelay $0x1  }
0x137: {  	v10 =	vadd.s32 v1, v10;
	_ =	sdelay $0x2  }
0x138: {  	[tilespmem:s30], [sflag:$0x1] =	stream.indirect_vreg.gather [hbm4b:s3+s5], $0x80, v11, vm0, $0xb8;
	[tilespmem:$0x18100] =	vst v63  }
0x139: {  	_ = 	snop  }
0x13a: {  	[tilespmem:s31], [sflag:$0x1] =	stream.indirect_vreg.gather [hbm4b:s3+s5], $0x80, v10, vm0, $0xb8;
	[tilespmem:$0x18100] =	vst v63  }
0x13b: {  	_ =	swait.ge [sflag:s0], $0x8000  }
0x13c: {  	[sflag:s0] =	ssyncset.done $0x0  }
0x13d: {  	[sflag:s0] =	ssyncadd.s32 $0xFFFF8000  }
0x13e: {  	[tilespmem:s1], [sflag:$0x2] =	stream.linear.gather [hbm4b:s9+s5], $0x8000, $0x38;
	[tilespmem:$0x18100] =	vst v63  }
0x13f: {  	_ =	swait.ge [sflag:s14], $0x8000  }
0x140: {  	[sflag:s14] =	ssyncset.done $0x0  }
0x141: {  	[sflag:s14] =	ssyncadd.s32 $0xFFFF8000  }
0x142: {  	[tilespmem:s4], [sflag:$0x2] =	stream.linear.gather [hbm4b:s10+s5], $0x8000, $0x38;
	[tilespmem:$0x18100] =	vst v63  }
0x143: {  	_ =	swait.ge [sflag:s14], $0x8000  }
0x144: {  	s19 =	sand.u32 $0x7800, s5;
	s5 =	sand.u32 $0x380, s5;
	[sflag:s14] =	ssyncset.done $0x0  }
0x145: {  	s16 =	sor.u32 s5, s19;
	[sflag:s14] =	ssyncadd.s32 $0xFFFF8000  }
0x146: {  	v18 =	vld [tilespmem:s16+$0x84F0]  }
0x147: {  	v19 =	vld [tilespmem:s16+$0x4E0]  }
0x148: {  	v20 =	vld [tilespmem:s16+$0x84E0]  }
0x149: {  	v21 =	vld [tilespmem:s16+$0x4D0]  }
0x14a: {  	v22 =	vld [tilespmem:s16+$0x84D0]  }
0x14b: {  	v23 =	vld [tilespmem:s16+$0x104F0]  }
0x14c: {  	v24 =	vld [tilespmem:s16+$0x4C0]  }
0x14d: {  	v25 =	vld [tilespmem:s16+$0x84C0]  }
0x14e: {  	v26 =	vld [tilespmem:s16+$0x104E0]  }
0x14f: {  	v12 =	vadd.f32 v12, v14;
	v27 =	vld [tilespmem:s16+$0x104D0]  }
0x150: {  	v28 =	vld [tilespmem:s16+$0x4B0]  }
0x151: {  	v17 =	vmul.f32 v17, v17;
	v12 =	vadd.f32 v13, v12;
	v29 =	vld [tilespmem:s16+$0x104C0]  }
0x152: {  	v30 =	vld [tilespmem:s16+$0x84B0]  }
0x153: {  	v15 =	vmul.f32 v15, v15;
	v12 =	vadd.f32 v17, v12;
	v31 =	vld [tilespmem:s16+$0x4A0]  }
0x154: {  	v32 =	vld [tilespmem:s16+$0x84A0]  }
0x155: {  	v16 =	vmul.f32 v16, v16;
	v12 =	vadd.f32 v15, v12;
	v33 =	vld [tilespmem:s16+$0x104B0]  }
0x156: {  	v11 =	vld [tilespmem:s16+$0xF0]  }
0x157: {  	v5 =	vmul.f32 v5, v5;
	v12 =	vadd.f32 v16, v12;
	v34 =	vld [tilespmem:s16+$0x104A0]  }
0x158: {  	v10 =	vld [tilespmem:s16+$0x480]  }
0x159: {  	v5 =	vadd.f32 v5, v12;
	v14 =	vld [tilespmem:s16+$0x490]  }
0x15a: {  	v13 =	vld [tilespmem:s16+$0x8490]  }
0x15b: {  	v4 =	vadd.f32 v4, v5;
	v35 =	vld [tilespmem:s16+$0xC0]  }
0x15c: {  	v17 =	vld [tilespmem:s16+$0x80C0]  }
0x15d: {  	v3 =	vadd.f32 v3, v4;
	v36 =	vld [tilespmem:s16+$0xB0]  }
0x15e: {  	v15 =	vld [tilespmem:s16+$0x80B0]  }
0x15f: {  	v3 =	vadd.f32 v6, v3;
	v16 =	vld [tilespmem:s16+$0x90]  }
0x160: {  	v56 =	vld [tilespmem:s16+$0x80]  }
0x161: {  	v3 =	vadd.f32 v7, v3;
	v12 =	vld [tilespmem:s16+$0x8090]  }
0x162: {  	v5 =	vld [tilespmem:s16+$0x8080]  }
0x163: {  	v3 =	vadd.f32 v8, v3;
	v55 =	vld [tilespmem:s16+$0xA0]  }
0x164: {  	v57 =	vld [tilespmem:s16+$0x4F0];
	v31 =	vsub.f32 v32, v31;
	v28 =	vsub.f32 v30, v28  }
0x165: {  	v37 =	vld [tilespmem:s16+$0x10080];
	v24 =	vsub.f32 v25, v24;
	v21 =	vsub.f32 v22, v21  }
0x166: {  	v4 =	vld [tilespmem:s16+$0x10090];
	v19 =	vsub.f32 v20, v19;
	v12 =	vsub.f32 v12, v16  }
0x167: {  	v6 =	vld [tilespmem:s16+$0x100B0];
	v60 =	vsub.f32 v5, v56;
	v7 =	vsub.f32 v27, v21  }
0x168: {  	v20 =	vld [tilespmem:s16+$0x80A0];
	v8 =	vsub.f32 v15, v36;
	v15 =	vsub.f32 v17, v35  }
0x169: {  	v22 =	vld [tilespmem:s16+$0x100C0];
	v34 =	vsub.f32 v34, v31;
	v33 =	vsub.f32 v33, v28;
	[tilespmem:s16+$0x84D0] =	vst v7;
	v7 =	vmul.f32 v9, v9  }
0x16a: {  	v58 =	vld [tilespmem:s16+$0x100A0];
	v25 =	vsub.f32 v29, v24;
	v16 =	vsub.f32 v26, v19  }
0x16b: {  	v59 =	vld [tilespmem:s16+$0xD0];
	v4 =	vsub.f32 v4, v12;
	[tilespmem:s16+$0x84A0] =	vst v34;
	v5 =	vadd.f32 v7, v3;
	v7 =	vmul.f32 v60, v60  }
0x16c: {  	v6 =	vsub.f32 v6, v8;
	v12 =	vmul.f32 v12, v12;
	[tilespmem:s16+$0x84B0] =	vst v33;
	v3 =	vsub.f32 v13, v14;
	v13 =	vld [tilespmem:s16+$0x80D0]  }
0x16d: {  	v61 =	vld [tilespmem:s16+$0x100D0];
	[tilespmem:s16+$0x8090] =	vst v4;
	v4 =	vmul.f32 v31, v31;
	v20 =	vsub.f32 v20, v55;
	v7 =	vadd.f32 v7, v5  }
0x16e: {  	v17 =	vld [tilespmem:s16+$0x80E0];
	v9 =	vsub.f32 v18, v57;
	[tilespmem:s16+$0x80B0] =	vst v6;
	v6 =	vmul.f32 v24, v24;
	v22 =	vsub.f32 v22, v15  }
0x16f: {  	[tilespmem:s16+$0x84E0] =	vst v16;
	v16 =	vld [tilespmem:s16+$0x80F0];
	v18 =	vmul.f32 v20, v20;
	v20 =	vsub.f32 v58, v20;
	v62 =	vadd.f32 v12, v7  }
0x170: {  	v14 =	vld [tilespmem:s16+$0xE0];
	[tilespmem:s16+$0x80C0] =	vst v22;
	v22 =	vmul.f32 v8, v8;
	v7 =	vmul.f32 v21, v21;
	v21 =	vsub.f32 v23, v9  }
0x171: {  	[tilespmem:s16+$0x84C0] =	vst v25;
	v8 =	vmul.f32 v19, v19;
	v19 =	vld [tilespmem:s16+$0x8480];
	v63 =	vsub.f32 v13, v59;
	v23 =	vadd.f32 v18, v62  }
0x172: {  	v15 =	vmul.f32 v15, v15;
	v5 =	vmul.f32 v28, v28;
	[tilespmem:s16+$0x80A0] =	vst v20;
	v12 =	vld [tilespmem:s16+$0x100F0];
	v18 =	vsub.f32 v37, v60  }
0x173: {  	s17 =	simm.s32 $0x80;
	s18 =	simm.s32 $0x100;
	v13 =	vld [tilespmem:s16+$0x100E0];
	[tilespmem:s16+$0x84F0] =	vst v21;
	v21 =	vmul.f32 v63, v63;
	v20 =	vsub.f32 v61, v63;
	v22 =	vadd.f32 v22, v23  }
.LBB2_4:
0x174: {  	s5 =	smov.u32 s18  }
0x175: {  	s6 =	sand.u32 $0x7800, s18;
	s19 =	sand.u32 $0x380, s17;
	[tilespmem:s16+$0x8080] =	vst v18;
	v14 =	vsub.f32 v17, v14;
	v17 =	vld [tilespmem:s16+$0x10490];
	s5 =	sadd.s32 $0x100, s18  }
0x176: {  	p0 =	sne.s32 s18, $0x7F00;
	s6 =	sor.u32 s19, s6;
	v15 =	vadd.f32 v15, v22;
	v11 =	vsub.f32 v16, v11;
	[tilespmem:s16+$0x80D0] =	vst v20;
	v16 =	vld [tilespmem:s16+$0x10480]  }
0x177: {  	v9 =	vmul.f32 v9, v9;
	v20 =	vmul.f32 v14, v14;
	v18 =	vld [tilespmem:s6+$0x84F0]  }
0x178: {  	v15 =	vadd.f32 v21, v15;
	v21 =	vmul.f32 v11, v11;
	v11 =	vsub.f32 v12, v11;
	v22 =	vld [tilespmem:s6+$0x4E0]  }
0x179: {  	v13 =	vsub.f32 v13, v14;
	v10 =	vsub.f32 v19, v10;
	v12 =	vld [tilespmem:s6+$0x84E0]  }
0x17a: {  	v15 =	vadd.f32 v20, v15;
	v14 =	vld [tilespmem:s6+$0x4D0];
	[tilespmem:s16+$0x80F0] =	vst v11;
	v11 =	vsub.f32 v17, v3  }
0x17b: {  	v17 =	vld [tilespmem:s6+$0x84D0];
	[tilespmem:s16+$0x80E0] =	vst v13;
	v13 =	vmul.f32 v10, v10;
	v10 =	vsub.f32 v16, v10  }
0x17c: {  	v15 =	vadd.f32 v21, v15;
	v16 =	vld [tilespmem:s6+$0x104F0];
	[tilespmem:s16+$0x8490] =	vst v11  }
0x17d: {  	v3 =	vmul.f32 v3, v3;
	v19 =	vld [tilespmem:s6+$0x4C0];
	[tilespmem:s16+$0x8480] =	vst v10;
	s16 =	smov.u32 s6  }
0x17e: {  	v10 =	vadd.f32 v13, v15;
	v20 =	vld [tilespmem:s16+$0x84C0]  }
0x17f: {  	v13 =	vld [tilespmem:s16+$0x104E0]  }
0x180: {  	v3 =	vadd.f32 v3, v10;
	v15 =	vld [tilespmem:s16+$0x104D0]  }
0x181: {  	v21 =	vld [tilespmem:s16+$0x4B0]  }
0x182: {  	v3 =	vadd.f32 v4, v3;
	v23 =	vld [tilespmem:s16+$0x104C0]  }
0x183: {  	v24 =	vld [tilespmem:s16+$0x84B0]  }
0x184: {  	v3 =	vadd.f32 v5, v3;
	v4 =	vld [tilespmem:s16+$0x4A0]  }
0x185: {  	v5 =	vld [tilespmem:s16+$0x84A0]  }
0x186: {  	v3 =	vadd.f32 v6, v3;
	v25 =	vld [tilespmem:s16+$0x104B0]  }
0x187: {  	v11 =	vld [tilespmem:s16+$0xF0]  }
0x188: {  	v3 =	vadd.f32 v7, v3;
	v6 =	vld [tilespmem:s16+$0x104A0]  }
0x189: {  	v10 =	vld [tilespmem:s16+$0x480]  }
0x18a: {  	v3 =	vadd.f32 v8, v3;
	v7 =	vld [tilespmem:s16+$0x490]  }
0x18b: {  	v8 =	vld [tilespmem:s16+$0x8490]  }
0x18c: {  	v27 =	vadd.f32 v9, v3;
	v26 =	vld [tilespmem:s16+$0xC0]  }
0x18d: {  	v9 =	vld [tilespmem:s16+$0x80C0]  }
0x18e: {  	v28 =	vld [tilespmem:s16+$0xB0]  }
0x18f: {  	v29 =	vld [tilespmem:s16+$0x80B0]  }
0x190: {  	v30 =	vld [tilespmem:s16+$0xA0];
	v3 =	vsub.f32 v8, v7  }
0x191: {  	v5 =	vsub.f32 v5, v4;
	v7 =	vld [tilespmem:s16+$0x80A0]  }
0x192: {  	v8 =	vld [tilespmem:s16+$0x90]  }
0x193: {  	v21 =	vsub.f32 v24, v21;
	v4 =	vmul.f32 v5, v5;
	v31 =	vld [tilespmem:s16+$0x8090]  }
0x194: {  	v6 =	vsub.f32 v6, v5;
	v24 =	vld [tilespmem:s16+$0x80];
	v28 =	vsub.f32 v29, v28  }
0x195: {  	v5 =	vmul.f32 v21, v21;
	v21 =	vsub.f32 v25, v21;
	v29 =	vld [tilespmem:s16+$0x8080]  }
0x196: {  	v25 =	vsub.f32 v7, v30;
	[tilespmem:s16+$0x84A0] =	vst v6;
	v7 =	vsub.f32 v20, v19;
	v19 =	vld [tilespmem:s16+$0x4F0]  }
0x197: {  	v14 =	vsub.f32 v17, v14;
	v20 =	vld [tilespmem:s16+$0x10080];
	[tilespmem:s16+$0x84B0] =	vst v21  }
0x198: {  	v17 =	vsub.f32 v31, v8;
	v21 =	vld [tilespmem:s16+$0x10090];
	v6 =	vmul.f32 v7, v7;
	v7 =	vsub.f32 v23, v7  }
0x199: {  	v8 =	vsub.f32 v12, v22;
	v23 =	vld [tilespmem:s16+$0x100A0]  }
0x19a: {  	v12 =	vsub.f32 v29, v24;
	v22 =	vld [tilespmem:s16+$0x100B0];
	[tilespmem:s16+$0x84C0] =	vst v7;
	v7 =	vmul.f32 v14, v14;
	v14 =	vsub.f32 v15, v14  }
0x19b: {  	v24 =	vsub.f32 v9, v26;
	v13 =	vsub.f32 v13, v8;
	v26 =	vld [tilespmem:s16+$0x100C0]  }
0x19c: {  	v8 =	vmul.f32 v8, v8;
	v9 =	vsub.f32 v18, v19;
	v29 =	vmul.f32 v12, v12;
	v30 =	vld [tilespmem:s16+$0xD0];
	[tilespmem:s16+$0x84D0] =	vst v14  }
0x19d: {  	v18 =	vmul.f32 v17, v17;
	v15 =	vmul.f32 v24, v24;
	v14 =	vsub.f32 v21, v17;
	v19 =	vld [tilespmem:s16+$0x80D0];
	[tilespmem:s16+$0x84E0] =	vst v13  }
0x19e: {  	v21 =	vsub.f32 v16, v9;
	v13 =	vadd.f32 v29, v27;
	v27 =	vld [tilespmem:s16+$0x100D0]  }
0x19f: {  	v29 =	vmul.f32 v25, v25;
	v23 =	vsub.f32 v23, v25;
	[tilespmem:s16+$0x8090] =	vst v14;
	v16 =	vsub.f32 v22, v28;
	v14 =	vld [tilespmem:s16+$0xE0]  }
.Ltmp1:
0x1a0: {  	v13 =	vadd.f32 v18, v13;
	v22 =	vsub.f32 v26, v24;
	v17 =	vld [tilespmem:s16+$0x80E0];
	(pc) =	sbr.rel @p0 .LBB2_4-.Ltmp1, $4  }
0x1a1: {  	v18 =	vsub.f32 v20, v12;
	v20 =	vmul.f32 v28, v28;
	[tilespmem:s16+$0x80B0] =	vst v16;
	v16 =	vld [tilespmem:s16+$0x80F0]  }
0x1a2: {  	v24 =	vadd.f32 v29, v13;
	[tilespmem:s16+$0x80C0] =	vst v22;
	v19 =	vsub.f32 v19, v30;
	v12 =	vld [tilespmem:s16+$0x100F0]  }
0x1a3: {  	v13 =	vld [tilespmem:s16+$0x100E0];
	[tilespmem:s16+$0x84F0] =	vst v21  }
0x1a4: {  	s17 =	sadd.s32 $0x80, s17;
	s18 =	smov.u32 s5;
	[tilespmem:s16+$0x80A0] =	vst v23;
	v22 =	vadd.f32 v20, v24;
	v21 =	vmul.f32 v19, v19;
	v20 =	vsub.f32 v27, v19;
	v19 =	vld [tilespmem:s16+$0x8480]  }
0x1a5: {  	_ = 	snop  }
0x1a6: {  	v14 =	vsub.f32 v17, v14;
	v15 =	vadd.f32 v15, v22;
	_ =	sdelay $0x1  }
0x1a7: {  	v11 =	vsub.f32 v16, v11;
	v55 =	vmul.f32 v14, v14;
	v15 =	vadd.f32 v21, v15;
	_ =	sdelay $0x1  }
0x1a8: {  	v56 =	vmul.f32 v11, v11;
	v10 =	vsub.f32 v19, v10;
	v15 =	vadd.f32 v55, v15;
	_ =	sdelay $0x1  }
0x1a9: {  	v57 =	vmul.f32 v10, v10;
	v15 =	vadd.f32 v56, v15;
	_ =	sdelay $0x1  }
0x1aa: {  	v58 =	vmul.f32 v3, v3;
	v15 =	vadd.f32 v57, v15;
	_ =	sdelay $0x1  }
0x1ab: {  	v15 =	vadd.f32 v58, v15  }
0x1ac: {  	v59 =	vld [tilespmem:s16+$0x10490]  }
0x1ad: {  	v60 =	vld [tilespmem:s16+$0x10480];
	v4 =	vadd.f32 v4, v15;
	_ =	sdelay $0x1  }
0x1ae: {  	[tilespmem:s16+$0x8080] =	vst v18;
	v11 =	vsub.f32 v12, v11;
	v4 =	vadd.f32 v5, v4  }
0x1af: {  	[tilespmem:s16+$0x80D0] =	vst v20;
	v61 =	vsub.f32 v13, v14  }
0x1b0: {  	[tilespmem:s16+$0x80F0] =	vst v11;
	v3 =	vsub.f32 v59, v3;
	v4 =	vadd.f32 v6, v4  }
0x1b1: {  	[tilespmem:s16+$0x80E0] =	vst v61;
	v62 =	vsub.f32 v60, v10  }
0x1b2: {  	[tilespmem:s16+$0x8490] =	vst v3;
	v3 =	vadd.f32 v7, v4  }
0x1b3: {  	[tilespmem:s16+$0x8480] =	vst v62  }
0x1b4: {  	v63 =	vmul.f32 v9, v9;
	[hbm4b:s11+s2] =	stream.linear.scatter [tilespmem:s1], [sflag:$0x2], $0x8000, $0x38;
	v3 =	vadd.f32 v8, v3;
	[tilespmem:$0x18100] =	vst v63  }
0x1b5: {  	_ =	swait.ge [sflag:s14], $0x8000  }
0x1b6: {  	s15 =	sadd.s32 $0x1, s15;
	[sflag:s14] =	ssyncset.done $0x0;
	v3 =	vadd.f32 v63, v3  }
0x1b7: {  	p0 =	sne.s32 s15, s13;
	[sflag:s14] =	ssyncadd.s32 $0xFFFF8000  }
.Ltmp2:
0x1b8: {  	s5 =	simm.s32 $0x18080;
	[tilespmem:$0x18080] =	vst v3;
	(pc) =	sbr.rel @p0 .LBB2_1-.Ltmp2, $4  }
0x1b9: {  	[hbm4b:s12+s2] =	stream.linear.scatter [tilespmem:s5], [sflag:$0x2], $0x80, $0x38;
	[tilespmem:$0x18100] =	vst v63  }
0x1ba: {  	_ =	swait.ge [sflag:s14], $0x80  }
0x1bb: {  	[sflag:s14] =	ssyncset.done $0x0  }
0x1bc: {  	[sflag:s14] =	ssyncadd.s32 $0xFFFFFF80  }
0x1bd: {  	_ =	sfence.sel $0x180000  }
0x1be: {  	[bflag:$0x0] =	sbarrier.arrive $0xFFFF  }
0x1bf: {  	_ =	strace $0x90000050  }
0x1c0: {  	s0 =	stileid.u32;
	[bflag:$0x2] =	sbarrier.arrive $0xFFFF  }
0x1c1: {  	p0 =	sne.s32 s0, $0x0;
	s0 =	rddreg [dreg:$0x3]  }
0x1c2: {  	s0 =	sadd.s32 @!p0 $0x100000, s0  }
0x1c3: {  	[sflag:s0] =	ssyncadd.tile.s32 @!p0 $0x1;
	_ =	shalt  }
.Lfunc_end2:
_tile_overlayer_lowered:
.L_overlay_start_2:
0x1c4: {  	(tag) =	ssettag $0x2  }
0x1c5: {  	s0 =	rddreg [dreg:$0x0];
	s2 =	stileid.u32  }
0x1c6: {  	s1 =	rddreg [dreg:$0x1];
	p0 =	sne.s32 s2, $0x0  }
0x1c7: {  	s3 =	rddreg [dreg:$0x2];
	[bflag:$0x3] =	sbarrier.arrive $0xFFFF;
	s2 =	simm.s32 @!p0 $0x1C02  }
0x1c8: {  	[timem:s3], [sflag:s2] =	dma.local @!p0 [hbm:s0], s1  }
0x1c9: {  	s0 =	simm.s32 @!p0 $0x2  }
0x1ca: {  	_ =	swait.ge @!p0 [sflag:s0], s1  }
0x1cb: {  	s1 =	ssub.s32 @!p0 $0x0, s1;
	[sflag:s0] =	ssyncset.done @!p0 $0x0  }
0x1cc: {  	[sflag:s0] =	ssyncadd.s32 @!p0 s1  }
0x1cd: {  	[bflag:$0x3] =	sbarrier.arrive $0xFFFF  }
0x1ce: {  	_ =	shalt  }

</sc_bundles>
